<compile_context>
chip_gen: v7x
topology: tpu7x:2x2x1
jax: 0.10.2.dev20260603
libtpu: 0.0.44.dev20260713+nightly
codegen_flags: <defaults>
</compile_context>

<pallas_src>
import jax
import jax.numpy as jnp
import numpy as np
from jax import lax
from jax.experimental import pallas as pl
from jax.experimental.pallas import tpu as pltpu
from jax.experimental.pallas import tpu_sc as plsc

N = 10000
E = 320000
HID = 128
HH = HID // 2

NC = 2
NS = 16
NW = NC * NS
CHUNK = 128
CPT = 160
GRP = 20
NBUF = 5
NGRP = CPT // GRP
EP = NS * CPT * CHUNK
CPWC = 80
NPAD = 10240
RPT = NPAD // NS
CNTW = 16
BN = 1024



def _sc_agg_body(h_hbm, ei_hbm, out_hbm,
                 src_g, dst_g, bufs, hsp, acc_sh, gsems, ssems):
    cid = lax.axis_index("c")
    sid = lax.axis_index("s")
    slab = sid * RPT
    buf0 = bufs[0]

    @pl.when(cid == 0)
    def _():
        pltpu.sync_copy(h_hbm.at[pl.ds(slab, RPT), pl.ds(0, HH)],
                        hsp.at[pl.ds(slab, RPT)])

    @pl.when(cid == 1)
    def _():
        pltpu.sync_copy(h_hbm.at[pl.ds(slab, RPT), pl.ds(HH, HH)],
                        hsp.at[pl.ds(slab, RPT)])

    zvec = jnp.zeros((16,), jnp.float32)

    def _zero_row(i, _):
        for j in range(HH // 16):
            buf0[i, pl.ds(j * 16, 16)] = zvec
        return 0

    lax.fori_loop(0, CHUNK, _zero_row, 0)
    for r in range(RPT // CHUNK):
        pltpu.sync_copy(buf0, acc_sh.at[pl.ds(slab + r * CHUNK, CHUNK)])

    plsc.subcore_barrier()

    def _drain(i):
        pltpu.make_async_copy(
            h_hbm.at[pl.ds(0, CHUNK), pl.ds(0, HH)], bufs[i], ssems[i]).wait()

    def _group(g, _):
        @pl.when(g > 0)
        def _():
            for i in range(NBUF):
                _drain(i)

        pltpu.sync_copy(ei_hbm.at[0, sid, pl.ds(g * GRP, GRP)], src_g)
        pltpu.sync_copy(ei_hbm.at[1, sid, pl.ds(g * GRP, GRP)], dst_g)

        def _quad(k, _):
            base = NBUF * k
            cps = []
            for i in range(NBUF):
                @pl.when(k > 0)
                def _(i=i):
                    _drain(i)
                cps.append(pltpu.async_copy(
                    hsp.at[src_g.at[base + i]], bufs[i], gsems[i]))
            for i in range(NBUF):
                cps[i].wait()
                pltpu.async_copy(bufs[i], acc_sh.at[dst_g.at[base + i]],
                                 ssems[i], add=True)
            return 0

        lax.fori_loop(0, GRP // NBUF, _quad, 0)
        return 0

    lax.fori_loop(0, NGRP, _group, 0)

    for i in range(NBUF):
        _drain(i)

    plsc.subcore_barrier()

    @pl.when(cid == 0)
    def _():
        pltpu.sync_copy(acc_sh.at[pl.ds(slab, RPT)],
                        out_hbm.at[pl.ds(slab, RPT), pl.ds(0, HH)])

    @pl.when(cid == 1)
    def _():
        pltpu.sync_copy(acc_sh.at[pl.ds(slab, RPT)],
                        out_hbm.at[pl.ds(slab, RPT), pl.ds(HH, HH)])


_sc_agg = pl.kernel(
    _sc_agg_body,
    out_type=[jax.ShapeDtypeStruct((NPAD, HID), jnp.float32)],
    mesh=plsc.VectorSubcoreMesh(core_axis_name="c", subcore_axis_name="s"),
    scratch_types=[
        pltpu.VMEM((GRP, CHUNK), jnp.int32),
        pltpu.VMEM((GRP, CHUNK), jnp.int32),
        [pltpu.VMEM((CHUNK, HH), jnp.float32) for _ in range(NBUF)],
        pltpu.VMEM_SHARED((NPAD, HH), jnp.float32),
        pltpu.VMEM_SHARED((NPAD, HH), jnp.float32),
        [pltpu.SemaphoreType.DMA for _ in range(NBUF)],
        [pltpu.SemaphoreType.DMA for _ in range(NBUF)],
    ],
    compiler_params=pltpu.CompilerParams(use_tc_tiling_on_sc=False),
)


def _sc_cnt_body(ei_hbm, cnt_hbm, dst_v, ones_v, zc_v, cnt_sh):
    cid = lax.axis_index("c")
    sid = lax.axis_index("s")
    wid = sid * NC + cid

    pltpu.sync_copy(ei_hbm.at[1, wid], dst_v)

    ovec = jnp.full((16,), 1.0, jnp.float32)
    zvec = jnp.zeros((16,), jnp.float32)

    def _fill(i, _):
        ones_v[i, :] = ovec
        zc_v[i, :] = zvec
        return 0

    lax.fori_loop(0, CHUNK, _fill, 0)
    for r in range(RPT // CHUNK):
        pltpu.sync_copy(zc_v, cnt_sh.at[pl.ds(sid * RPT + r * CHUNK, CHUNK)])

    plsc.subcore_barrier()

    def _chunk(c, _):
        pltpu.sync_copy(ones_v, cnt_sh.at[dst_v.at[c]], add=True)
        return 0

    lax.fori_loop(0, CPWC, _chunk, 0)

    plsc.subcore_barrier()

    pltpu.sync_copy(cnt_sh.at[pl.ds(sid * RPT, RPT)],
                    cnt_hbm.at[cid, pl.ds(sid * RPT, RPT)])


_sc_cnt = pl.kernel(
    _sc_cnt_body,
    out_type=[jax.ShapeDtypeStruct((NC, NPAD, CNTW), jnp.float32)],
    mesh=plsc.VectorSubcoreMesh(core_axis_name="c", subcore_axis_name="s"),
    scratch_types=[
        pltpu.VMEM((CPWC, CHUNK), jnp.int32),
        pltpu.VMEM((CHUNK, CNTW), jnp.float32),
        pltpu.VMEM((CHUNK, CNTW), jnp.float32),
        pltpu.VMEM_SHARED((NPAD, CNTW), jnp.float32),
    ],
    compiler_params=pltpu.CompilerParams(use_tc_tiling_on_sc=False),
)



def _pre_body(x_ref, w_ref, b_ref, o_ref):
    o_ref[...] = jnp.maximum(
        jnp.dot(x_ref[...], w_ref[...], preferred_element_type=jnp.float32)
        + b_ref[...], 0.0)


def _tc_pre(x, w8, b):
    return pl.pallas_call(
        _pre_body,
        grid=(NPAD // BN,),
        in_specs=[
            pl.BlockSpec((BN, 8), lambda i: (i, 0)),
            pl.BlockSpec((8, HID), lambda i: (0, 0)),
            pl.BlockSpec((1, HID), lambda i: (0, 0)),
        ],
        out_specs=pl.BlockSpec((BN, HID), lambda i: (i, 0)),
        out_shape=jax.ShapeDtypeStruct((NPAD, HID), jnp.float32),
    )(x, w8, b)


def _mid_body(p_ref, c_ref, h_ref, wl_ref, wr_ref, b_ref, o_ref):
    cnt = c_ref[0, :, 0:1] + c_ref[1, :, 0:1]
    mean = p_ref[...] / jnp.maximum(cnt, 1.0)
    o_ref[...] = jnp.maximum(
        jnp.dot(mean, wl_ref[...], preferred_element_type=jnp.float32)
        + jnp.dot(h_ref[...], wr_ref[...], preferred_element_type=jnp.float32)
        + b_ref[...], 0.0)


def _tc_mid(p, c, h, wlT, wrT, b):
    return pl.pallas_call(
        _mid_body,
        grid=(NPAD // BN,),
        in_specs=[
            pl.BlockSpec((BN, HID), lambda i: (i, 0)),
            pl.BlockSpec((NC, BN, CNTW), lambda i: (0, i, 0)),
            pl.BlockSpec((BN, HID), lambda i: (i, 0)),
            pl.BlockSpec((HID, HID), lambda i: (0, 0)),
            pl.BlockSpec((HID, HID), lambda i: (0, 0)),
            pl.BlockSpec((1, HID), lambda i: (0, 0)),
        ],
        out_specs=pl.BlockSpec((BN, HID), lambda i: (i, 0)),
        out_shape=jax.ShapeDtypeStruct((NPAD, HID), jnp.float32),
    )(p, c, h, wlT, wrT, b)


BNF = 1000


def _fin_body(p_ref, c_ref, h_ref, wl_ref, wr_ref, b_ref,
              wo_ref, bo_ref, o_ref, m_ref):
    i = pl.program_id(0)
    cnt = c_ref[0, :, 0:1] + c_ref[1, :, 0:1]
    mean = p_ref[...] / jnp.maximum(cnt, 1.0)
    h2 = jnp.maximum(
        jnp.dot(mean, wl_ref[...], preferred_element_type=jnp.float32)
        + jnp.dot(h_ref[...], wr_ref[...], preferred_element_type=jnp.float32)
        + b_ref[...], 0.0)
    ns = (jnp.dot(h2, wo_ref[...], preferred_element_type=jnp.float32)
          + bo_ref[...])
    o_ref[...] = ns
    part = jnp.sum(ns, axis=0, keepdims=True)

    @pl.when(i == 0)
    def _():
        m_ref[...] = jnp.zeros_like(m_ref)

    acc = m_ref[...] + part
    m_ref[...] = jnp.where(i == N // BNF - 1,
                           acc * np.float32(1.0 / N), acc)


def _tc_final(p, c, h, wlT, wrT, b, woT, bo):
    return pl.pallas_call(
        _fin_body,
        grid=(N // BNF,),
        in_specs=[
            pl.BlockSpec((BNF, HID), lambda i: (i, 0)),
            pl.BlockSpec((NC, BNF, CNTW), lambda i: (0, i, 0)),
            pl.BlockSpec((BNF, HID), lambda i: (i, 0)),
            pl.BlockSpec((HID, HID), lambda i: (0, 0)),
            pl.BlockSpec((HID, HID), lambda i: (0, 0)),
            pl.BlockSpec((1, HID), lambda i: (0, 0)),
            pl.BlockSpec((HID, HID), lambda i: (0, 0)),
            pl.BlockSpec((1, HID), lambda i: (0, 0)),
        ],
        out_specs=[
            pl.BlockSpec((BNF, HID), lambda i: (i, 0)),
            pl.BlockSpec((1, HID), lambda i: (0, 0)),
        ],
        out_shape=[
            jax.ShapeDtypeStruct((N, HID), jnp.float32),
            jax.ShapeDtypeStruct((1, HID), jnp.float32),
        ],
    )(p, c, h, wlT, wrT, b, woT, bo)



def kernel(pos, atomic_number, edge_index,
           W_in, b_in, W1_l, b1, W1_r, W2_l, b2, W2_r, W_out, b_out):
    f32 = jnp.float32
    z = atomic_number.astype(f32)[:, None] / 10.0
    x = jnp.concatenate([z, pos, jnp.zeros((N, 4), f32)], axis=1)
    x = jnp.concatenate([x, jnp.zeros((NPAD - N, 8), f32)], axis=0)
    w8 = jnp.concatenate([W_in.T, jnp.zeros((4, HID), f32)], axis=0)

    ei_p = jnp.pad(edge_index, ((0, 0), (0, EP - E)), constant_values=N)
    ei_w = ei_p.reshape(2, NS, CPT, CHUNK)
    ei_c = ei_p.reshape(2, NW, CPWC, CHUNK)

    b_in2 = b_in.reshape(1, HID)
    b1_2 = b1.reshape(1, HID)
    b2_2 = b2.reshape(1, HID)
    bo_2 = b_out.reshape(1, HID)

    (cnt,) = _sc_cnt(ei_c)
    h0 = _tc_pre(x, w8, b_in2)
    (p1,) = _sc_agg(h0, ei_w)
    h1 = _tc_mid(p1, cnt, h0, W1_l.T, W1_r.T, b1_2)
    (p2,) = _sc_agg(h1, ei_w)
    ns, mvec = _tc_final(p2, cnt, h1, W2_l.T, W2_r.T, b2_2, W_out.T, bo_2)
    return mvec.reshape(HID), ns

# --- scband reference (transcript-rebuilt; emitter-appended) ---
"""Pipeline reference for scband-gnnnode-encoder-16965120819430 (READ-ONLY COPY).

The authoritative reference and input builder live on the scoring server;
editing this copy changes nothing except your own understanding.
"""

import jax, jax.numpy as jnp
import numpy as np

N = 10000
E = 320000
HID = 128
NODE_DIM = 128


def _init_linear(key, out_f, in_f):
    kw, kb = jax.random.split(key)
    bound = 1.0 / np.sqrt(in_f)
    W = jax.random.uniform(kw, (out_f, in_f), minval=-bound, maxval=bound, dtype=jnp.float32)
    b = jax.random.uniform(kb, (out_f,), minval=-bound, maxval=bound, dtype=jnp.float32)
    return W, b


def setup_inputs(seed: int = 0) -> dict:
    key = jax.random.key(seed)
    ks = jax.random.split(key, 10)
    pos = jax.random.normal(ks[0], (N, 3), dtype=jnp.float32)
    atomic_number = jax.random.randint(ks[1], (N,), 0, 100, dtype=jnp.int32)
    edge_index = jax.random.randint(ks[2], (2, E), 0, N, dtype=jnp.int32)
    W_in, b_in = _init_linear(ks[3], HID, 4)
    W1_l, b1 = _init_linear(ks[4], HID, HID)
    W1_r, _ = _init_linear(ks[5], HID, HID)
    W2_l, b2 = _init_linear(ks[6], HID, HID)
    W2_r, _ = _init_linear(ks[7], HID, HID)
    W_out, b_out = _init_linear(ks[8], NODE_DIM, HID)
    return {
        'pos': pos,
        'atomic_number': atomic_number,
        'edge_index': edge_index,
        'W_in': W_in, 'b_in': b_in,
        'W1_l': W1_l, 'b1': b1, 'W1_r': W1_r,
        'W2_l': W2_l, 'b2': b2, 'W2_r': W2_r,
        'W_out': W_out, 'b_out': b_out,
    }


def _sage_conv(h, edge_index, W_l, b, W_r):
    # PyG SAGEConv (aggr='mean', root_weight=True):
    #   out_i = lin_l(mean_{j->i} h_j) + lin_r(h_i)
    src = edge_index[0]
    dst = edge_index[1]
    msg = jnp.take(h, src, axis=0)                      # gather  [E, HID]
    agg = jax.ops.segment_sum(msg, dst, num_segments=h.shape[0])   # scatter-add
    cnt = jax.ops.segment_sum(jnp.ones((edge_index.shape[1],), dtype=h.dtype), dst,
                              num_segments=h.shape[0])
    mean = agg / jnp.clip(cnt, 1.0, None)[:, None]
    return mean @ W_l.T + b + h @ W_r.T


def reference(pos, atomic_number, edge_index,
              W_in, b_in, W1_l, b1, W1_r, W2_l, b2, W2_r, W_out, b_out):
    z_atom = atomic_number.astype(pos.dtype)[:, None] / 10.0
    x = jnp.concatenate([z_atom, pos], axis=-1)          # [N, 4]
    h = jax.nn.relu(x @ W_in.T + b_in)
    h = jax.nn.relu(_sage_conv(h, edge_index, W1_l, b1, W1_r))
    h = jax.nn.relu(_sage_conv(h, edge_index, W2_l, b2, W2_r))
    node_states = h @ W_out.T + b_out
    return node_states.mean(axis=0), node_states

if __name__ == "__main__":
    import jax
    _d = setup_inputs()
    print(jax.jit(kernel)(*tuple(_d.values())))

</pallas_src>

<mosaic_0001>
#map = affine_map<(d0, d1) -> (0, 0)>
#map1 = affine_map<(d0, d1) -> (0, 0, 0, 0)>
module attributes {stable_mosaic.version = 14 : i64} {
  func.func @_sc_agg_body(%arg0: i32, %arg1: i32, %arg2: memref<10240x128xf32, #tpu.memory_space<hbm>>, %arg3: memref<2x16x160x128xi32, #tpu.memory_space<hbm>>, %arg4: memref<10240x128xf32, #tpu.memory_space<hbm>>, %arg5: memref<20x128xi32, #tpu.memory_space<vmem>>, %arg6: memref<20x128xi32, #tpu.memory_space<vmem>>, %arg7: memref<128x64xf32, #tpu.memory_space<vmem>>, %arg8: memref<128x64xf32, #tpu.memory_space<vmem>>, %arg9: memref<128x64xf32, #tpu.memory_space<vmem>>, %arg10: memref<128x64xf32, #tpu.memory_space<vmem>>, %arg11: memref<128x64xf32, #tpu.memory_space<vmem>>, %arg12: memref<10240x64xf32, #tpu.memory_space<vmem_shared>>, %arg13: memref<10240x64xf32, #tpu.memory_space<vmem_shared>>, %arg14: memref<!tpu.dma_semaphore, #tpu.memory_space<semaphore_mem>>, %arg15: memref<!tpu.dma_semaphore, #tpu.memory_space<semaphore_mem>>, %arg16: memref<!tpu.dma_semaphore, #tpu.memory_space<semaphore_mem>>, %arg17: memref<!tpu.dma_semaphore, #tpu.memory_space<semaphore_mem>>, %arg18: memref<!tpu.dma_semaphore, #tpu.memory_space<semaphore_mem>>, %arg19: memref<!tpu.dma_semaphore, #tpu.memory_space<semaphore_mem>>, %arg20: memref<!tpu.dma_semaphore, #tpu.memory_space<semaphore_mem>>, %arg21: memref<!tpu.dma_semaphore, #tpu.memory_space<semaphore_mem>>, %arg22: memref<!tpu.dma_semaphore, #tpu.memory_space<semaphore_mem>>, %arg23: memref<!tpu.dma_semaphore, #tpu.memory_space<semaphore_mem>>) attributes {dimension_semantics = [#tpu.dimension_semantics<core_parallel>, #tpu.dimension_semantics<subcore_parallel>], iteration_bounds = array<i64: 2, 16>, scalar_prefetch = 0 : i64, scratch_operands = 19 : i64, tpu.core_type = #tpu.core_type<sc_vector_subcore>, window_params = [{transform_indices = #map}, {transform_indices = #map1}, {transform_indices = #map}]} {
    %mul3A = arith.constant 640 : i32
    %mul3A_0 = arith.muli %arg1, %mul3A : i32
    %eq3A = arith.constant 0 : i32
    %eq3A_1 = arith.cmpi eq, %arg0, %eq3A : i32
    %convert_element_type3A = arith.extui %eq3A_1 : i1 to i32
    %cond3A = arith.constant 0 : i32
    %cond3A_2 = arith.cmpi ne, %convert_element_type3A, %cond3A : i32
    scf.if %cond3A_2 {
      "tpu.region"() ({
        %run_scoped3A = tpu.sem_alloc : memref<!tpu.dma_semaphore, #tpu.memory_space<semaphore_mem>>
        %dma_start3A = arith.constant 0 : i32
        %dma_start3A_71 = tpu.memref_slice %arg12[%mul3A_0, %dma_start3A] : memref<10240x64xf32, #tpu.memory_space<vmem_shared>> -> memref<640x64xf32, #tpu.memory_space<vmem_shared>>
        %dma_start3A_72 = arith.constant 0 : i32
        %dma_start3A_73 = tpu.memref_slice %arg2[%mul3A_0, %dma_start3A_72] : memref<10240x128xf32, #tpu.memory_space<hbm>> -> memref<640x64xf32, #tpu.memory_space<hbm>>
        tpu.enqueue_dma source(%dma_start3A_73 : memref<640x64xf32, #tpu.memory_space<hbm>>) target(%dma_start3A_71 : memref<640x64xf32, #tpu.memory_space<vmem_shared>>) target_semaphore(%run_scoped3A : memref<!tpu.dma_semaphore, #tpu.memory_space<semaphore_mem>>)
        %dma_wait3A_74 = arith.constant 0 : i32
        %dma_wait3A_75 = tpu.memref_slice %arg12[%mul3A_0, %dma_wait3A_74] : memref<10240x64xf32, #tpu.memory_space<vmem_shared>> -> memref<640x64xf32, #tpu.memory_space<vmem_shared>>
        %dma_wait3A_76 = arith.constant 0 : i32
        %dma_wait3A_77 = tpu.memref_slice %arg2[%mul3A_0, %dma_wait3A_76] : memref<10240x128xf32, #tpu.memory_space<hbm>> -> memref<640x64xf32, #tpu.memory_space<hbm>>
        tpu.wait_dma2 semaphore(%run_scoped3A : memref<!tpu.dma_semaphore, #tpu.memory_space<semaphore_mem>>) src(%dma_wait3A_77 : memref<640x64xf32, #tpu.memory_space<hbm>>) dst(%dma_wait3A_75 : memref<640x64xf32, #tpu.memory_space<vmem_shared>>)
        tpu.yield
      }) : () -> ()
    } else {
    }
    %eq3A_3 = arith.constant 1 : i32
    %eq3A_4 = arith.cmpi eq, %arg0, %eq3A_3 : i32
    %convert_element_type3A_5 = arith.extui %eq3A_4 : i1 to i32
    %cond3A_6 = arith.constant 0 : i32
    %cond3A_7 = arith.cmpi ne, %convert_element_type3A_5, %cond3A_6 : i32
    scf.if %cond3A_7 {
      "tpu.region"() ({
        %run_scoped3A = tpu.sem_alloc : memref<!tpu.dma_semaphore, #tpu.memory_space<semaphore_mem>>
        %dma_start3A = arith.constant 0 : i32
        %dma_start3A_71 = tpu.memref_slice %arg12[%mul3A_0, %dma_start3A] : memref<10240x64xf32, #tpu.memory_space<vmem_shared>> -> memref<640x64xf32, #tpu.memory_space<vmem_shared>>
        %dma_start3A_72 = arith.constant 64 : i32
        %dma_start3A_73 = tpu.memref_slice %arg2[%mul3A_0, %dma_start3A_72] : memref<10240x128xf32, #tpu.memory_space<hbm>> -> memref<640x64xf32, #tpu.memory_space<hbm>>
        tpu.enqueue_dma source(%dma_start3A_73 : memref<640x64xf32, #tpu.memory_space<hbm>>) target(%dma_start3A_71 : memref<640x64xf32, #tpu.memory_space<vmem_shared>>) target_semaphore(%run_scoped3A : memref<!tpu.dma_semaphore, #tpu.memory_space<semaphore_mem>>)
        %dma_wait3A_74 = arith.constant 0 : i32
        %dma_wait3A_75 = tpu.memref_slice %arg12[%mul3A_0, %dma_wait3A_74] : memref<10240x64xf32, #tpu.memory_space<vmem_shared>> -> memref<640x64xf32, #tpu.memory_space<vmem_shared>>
        %dma_wait3A_76 = arith.constant 64 : i32
        %dma_wait3A_77 = tpu.memref_slice %arg2[%mul3A_0, %dma_wait3A_76] : memref<10240x128xf32, #tpu.memory_space<hbm>> -> memref<640x64xf32, #tpu.memory_space<hbm>>
        tpu.wait_dma2 semaphore(%run_scoped3A : memref<!tpu.dma_semaphore, #tpu.memory_space<semaphore_mem>>) src(%dma_wait3A_77 : memref<640x64xf32, #tpu.memory_space<hbm>>) dst(%dma_wait3A_75 : memref<640x64xf32, #tpu.memory_space<vmem_shared>>)
        tpu.yield
      }) : () -> ()
    } else {
    }
    %broadcast_in_dim3A = arith.constant 0.000000e+00 : f32
    %broadcast_in_dim3A_8 = vector.broadcast %broadcast_in_dim3A : f32 to vector<16xf32>
    %scan3A = arith.constant 0 : i32
    %scan3A_9 = arith.constant 0 : i32
    %scan3A_10 = arith.constant 128 : i32
    %scan3A_11 = arith.addi %scan3A_9, %scan3A_10 : i32
    %scan3A_12 = arith.constant 1 : i32
    %scan3A_13 = scf.for %scan3A_71 = %scan3A_9 to %scan3A_11 step %scan3A_12 iter_args(%scan3A_72 = %scan3A) -> (i32)  : i32 {
      %swap3A = arith.index_cast %scan3A_71 : i32 to index
      %swap3A_73 = arith.constant 0 : index
      %swap3A_74 = tpu.vector_load %arg7[%swap3A, %swap3A_73] {strides = array<i32>} : memref<128x64xf32, #tpu.memory_space<vmem>>, vector<1x16xf32>,
      %swap3A_75 = vector.shape_cast %swap3A_74 : vector<1x16xf32> to vector<16xf32>
      %swap3A_76 = vector.shape_cast %broadcast_in_dim3A_8 : vector<16xf32> to vector<1x16xf32>
      tpu.vector_store %arg7[%swap3A, %swap3A_73], %swap3A_76 {strides = array<i32>} : memref<128x64xf32, #tpu.memory_space<vmem>>, vector<1x16xf32>,
      %swap3A_77 = arith.index_cast %scan3A_71 : i32 to index
      %swap3A_78 = arith.constant 16 : index
      %swap3A_79 = tpu.vector_load %arg7[%swap3A_77, %swap3A_78] {strides = array<i32>} : memref<128x64xf32, #tpu.memory_space<vmem>>, vector<1x16xf32>,
      %swap3A_80 = vector.shape_cast %swap3A_79 : vector<1x16xf32> to vector<16xf32>
      %swap3A_81 = vector.shape_cast %broadcast_in_dim3A_8 : vector<16xf32> to vector<1x16xf32>
      tpu.vector_store %arg7[%swap3A_77, %swap3A_78], %swap3A_81 {strides = array<i32>} : memref<128x64xf32, #tpu.memory_space<vmem>>, vector<1x16xf32>,
      %swap3A_82 = arith.index_cast %scan3A_71 : i32 to index
      %swap3A_83 = arith.constant 32 : index
      %swap3A_84 = tpu.vector_load %arg7[%swap3A_82, %swap3A_83] {strides = array<i32>} : memref<128x64xf32, #tpu.memory_space<vmem>>, vector<1x16xf32>,
      %swap3A_85 = vector.shape_cast %swap3A_84 : vector<1x16xf32> to vector<16xf32>
      %swap3A_86 = vector.shape_cast %broadcast_in_dim3A_8 : vector<16xf32> to vector<1x16xf32>
      tpu.vector_store %arg7[%swap3A_82, %swap3A_83], %swap3A_86 {strides = array<i32>} : memref<128x64xf32, #tpu.memory_space<vmem>>, vector<1x16xf32>,
      %swap3A_87 = arith.index_cast %scan3A_71 : i32 to index
      %swap3A_88 = arith.constant 48 : index
      %swap3A_89 = tpu.vector_load %arg7[%swap3A_87, %swap3A_88] {strides = array<i32>} : memref<128x64xf32, #tpu.memory_space<vmem>>, vector<1x16xf32>,
      %swap3A_90 = vector.shape_cast %swap3A_89 : vector<1x16xf32> to vector<16xf32>
      %swap3A_91 = vector.shape_cast %broadcast_in_dim3A_8 : vector<16xf32> to vector<1x16xf32>
      tpu.vector_store %arg7[%swap3A_87, %swap3A_88], %swap3A_91 {strides = array<i32>} : memref<128x64xf32, #tpu.memory_space<vmem>>, vector<1x16xf32>,
      %scan3A_92 = arith.constant 0 : i32
      scf.yield %scan3A_92 : i32
    }
    %scan3A_14 = arith.constant 128 : i32
    %add3A = arith.constant 0 : i32
    %add3A_15 = arith.addi %mul3A_0, %add3A : i32
    "tpu.region"() ({
      %run_scoped3A = tpu.sem_alloc : memref<!tpu.dma_semaphore, #tpu.memory_space<semaphore_mem>>
      %dma_start3A = arith.constant 0 : i32
      %dma_start3A_71 = tpu.memref_slice %arg13[%add3A_15, %dma_start3A] : memref<10240x64xf32, #tpu.memory_space<vmem_shared>> -> memref<128x64xf32, #tpu.memory_space<vmem_shared>>
      %dma_start3A_72 = arith.constant 0 : i32
      %dma_start3A_73 = tpu.memref_slice %arg13[%add3A_15, %dma_start3A_72] : memref<10240x64xf32, #tpu.memory_space<vmem_shared>> -> memref<128x64xf32, #tpu.memory_space<vmem_shared>>
      tpu.enqueue_dma source(%arg7 : memref<128x64xf32, #tpu.memory_space<vmem>>) target(%dma_start3A_73 : memref<128x64xf32, #tpu.memory_space<vmem_shared>>) target_semaphore(%run_scoped3A : memref<!tpu.dma_semaphore, #tpu.memory_space<semaphore_mem>>)
      %dma_wait3A_74 = arith.constant 0 : i32
      %dma_wait3A_75 = tpu.memref_slice %arg13[%add3A_15, %dma_wait3A_74] : memref<10240x64xf32, #tpu.memory_space<vmem_shared>> -> memref<128x64xf32, #tpu.memory_space<vmem_shared>>
      %dma_wait3A_76 = arith.constant 0 : i32
      %dma_wait3A_77 = tpu.memref_slice %arg13[%add3A_15, %dma_wait3A_76] : memref<10240x64xf32, #tpu.memory_space<vmem_shared>> -> memref<128x64xf32, #tpu.memory_space<vmem_shared>>
      tpu.wait_dma2 semaphore(%run_scoped3A : memref<!tpu.dma_semaphore, #tpu.memory_space<semaphore_mem>>) src(%arg7 : memref<128x64xf32, #tpu.memory_space<vmem>>) dst(%dma_wait3A_77 : memref<128x64xf32, #tpu.memory_space<vmem_shared>>)
      tpu.yield
    }) : () -> ()
    %add3A_16 = arith.constant 128 : i32
    %add3A_17 = arith.addi %mul3A_0, %add3A_16 : i32
    "tpu.region"() ({
      %run_scoped3A = tpu.sem_alloc : memref<!tpu.dma_semaphore, #tpu.memory_space<semaphore_mem>>
      %dma_start3A = arith.constant 0 : i32
      %dma_start3A_71 = tpu.memref_slice %arg13[%add3A_17, %dma_start3A] : memref<10240x64xf32, #tpu.memory_space<vmem_shared>> -> memref<128x64xf32, #tpu.memory_space<vmem_shared>>
      %dma_start3A_72 = arith.constant 0 : i32
      %dma_start3A_73 = tpu.memref_slice %arg13[%add3A_17, %dma_start3A_72] : memref<10240x64xf32, #tpu.memory_space<vmem_shared>> -> memref<128x64xf32, #tpu.memory_space<vmem_shared>>
      tpu.enqueue_dma source(%arg7 : memref<128x64xf32, #tpu.memory_space<vmem>>) target(%dma_start3A_73 : memref<128x64xf32, #tpu.memory_space<vmem_shared>>) target_semaphore(%run_scoped3A : memref<!tpu.dma_semaphore, #tpu.memory_space<semaphore_mem>>)
      %dma_wait3A_74 = arith.constant 0 : i32
      %dma_wait3A_75 = tpu.memref_slice %arg13[%add3A_17, %dma_wait3A_74] : memref<10240x64xf32, #tpu.memory_space<vmem_shared>> -> memref<128x64xf32, #tpu.memory_space<vmem_shared>>
      %dma_wait3A_76 = arith.constant 0 : i32
      %dma_wait3A_77 = tpu.memref_slice %arg13[%add3A_17, %dma_wait3A_76] : memref<10240x64xf32, #tpu.memory_space<vmem_shared>> -> memref<128x64xf32, #tpu.memory_space<vmem_shared>>
      tpu.wait_dma2 semaphore(%run_scoped3A : memref<!tpu.dma_semaphore, #tpu.memory_space<semaphore_mem>>) src(%arg7 : memref<128x64xf32, #tpu.memory_space<vmem>>) dst(%dma_wait3A_77 : memref<128x64xf32, #tpu.memory_space<vmem_shared>>)
      tpu.yield
    }) : () -> ()
    %add3A_18 = arith.constant 256 : i32
    %add3A_19 = arith.addi %mul3A_0, %add3A_18 : i32
    "tpu.region"() ({
      %run_scoped3A = tpu.sem_alloc : memref<!tpu.dma_semaphore, #tpu.memory_space<semaphore_mem>>
      %dma_start3A = arith.constant 0 : i32
      %dma_start3A_71 = tpu.memref_slice %arg13[%add3A_19, %dma_start3A] : memref<10240x64xf32, #tpu.memory_space<vmem_shared>> -> memref<128x64xf32, #tpu.memory_space<vmem_shared>>
      %dma_start3A_72 = arith.constant 0 : i32
      %dma_start3A_73 = tpu.memref_slice %arg13[%add3A_19, %dma_start3A_72] : memref<10240x64xf32, #tpu.memory_space<vmem_shared>> -> memref<128x64xf32, #tpu.memory_space<vmem_shared>>
      tpu.enqueue_dma source(%arg7 : memref<128x64xf32, #tpu.memory_space<vmem>>) target(%dma_start3A_73 : memref<128x64xf32, #tpu.memory_space<vmem_shared>>) target_semaphore(%run_scoped3A : memref<!tpu.dma_semaphore, #tpu.memory_space<semaphore_mem>>)
      %dma_wait3A_74 = arith.constant 0 : i32
      %dma_wait3A_75 = tpu.memref_slice %arg13[%add3A_19, %dma_wait3A_74] : memref<10240x64xf32, #tpu.memory_space<vmem_shared>> -> memref<128x64xf32, #tpu.memory_space<vmem_shared>>
      %dma_wait3A_76 = arith.constant 0 : i32
      %dma_wait3A_77 = tpu.memref_slice %arg13[%add3A_19, %dma_wait3A_76] : memref<10240x64xf32, #tpu.memory_space<vmem_shared>> -> memref<128x64xf32, #tpu.memory_space<vmem_shared>>
      tpu.wait_dma2 semaphore(%run_scoped3A : memref<!tpu.dma_semaphore, #tpu.memory_space<semaphore_mem>>) src(%arg7 : memref<128x64xf32, #tpu.memory_space<vmem>>) dst(%dma_wait3A_77 : memref<128x64xf32, #tpu.memory_space<vmem_shared>>)
      tpu.yield
    }) : () -> ()
    %add3A_20 = arith.constant 384 : i32
    %add3A_21 = arith.addi %mul3A_0, %add3A_20 : i32
    "tpu.region"() ({
      %run_scoped3A = tpu.sem_alloc : memref<!tpu.dma_semaphore, #tpu.memory_space<semaphore_mem>>
      %dma_start3A = arith.constant 0 : i32
      %dma_start3A_71 = tpu.memref_slice %arg13[%add3A_21, %dma_start3A] : memref<10240x64xf32, #tpu.memory_space<vmem_shared>> -> memref<128x64xf32, #tpu.memory_space<vmem_shared>>
      %dma_start3A_72 = arith.constant 0 : i32
      %dma_start3A_73 = tpu.memref_slice %arg13[%add3A_21, %dma_start3A_72] : memref<10240x64xf32, #tpu.memory_space<vmem_shared>> -> memref<128x64xf32, #tpu.memory_space<vmem_shared>>
      tpu.enqueue_dma source(%arg7 : memref<128x64xf32, #tpu.memory_space<vmem>>) target(%dma_start3A_73 : memref<128x64xf32, #tpu.memory_space<vmem_shared>>) target_semaphore(%run_scoped3A : memref<!tpu.dma_semaphore, #tpu.memory_space<semaphore_mem>>)
      %dma_wait3A_74 = arith.constant 0 : i32
      %dma_wait3A_75 = tpu.memref_slice %arg13[%add3A_21, %dma_wait3A_74] : memref<10240x64xf32, #tpu.memory_space<vmem_shared>> -> memref<128x64xf32, #tpu.memory_space<vmem_shared>>
      %dma_wait3A_76 = arith.constant 0 : i32
      %dma_wait3A_77 = tpu.memref_slice %arg13[%add3A_21, %dma_wait3A_76] : memref<10240x64xf32, #tpu.memory_space<vmem_shared>> -> memref<128x64xf32, #tpu.memory_space<vmem_shared>>
      tpu.wait_dma2 semaphore(%run_scoped3A : memref<!tpu.dma_semaphore, #tpu.memory_space<semaphore_mem>>) src(%arg7 : memref<128x64xf32, #tpu.memory_space<vmem>>) dst(%dma_wait3A_77 : memref<128x64xf32, #tpu.memory_space<vmem_shared>>)
      tpu.yield
    }) : () -> ()
    %add3A_22 = arith.constant 512 : i32
    %add3A_23 = arith.addi %mul3A_0, %add3A_22 : i32
    "tpu.region"() ({
      %run_scoped3A = tpu.sem_alloc : memref<!tpu.dma_semaphore, #tpu.memory_space<semaphore_mem>>
      %dma_start3A = arith.constant 0 : i32
      %dma_start3A_71 = tpu.memref_slice %arg13[%add3A_23, %dma_start3A] : memref<10240x64xf32, #tpu.memory_space<vmem_shared>> -> memref<128x64xf32, #tpu.memory_space<vmem_shared>>
      %dma_start3A_72 = arith.constant 0 : i32
      %dma_start3A_73 = tpu.memref_slice %arg13[%add3A_23, %dma_start3A_72] : memref<10240x64xf32, #tpu.memory_space<vmem_shared>> -> memref<128x64xf32, #tpu.memory_space<vmem_shared>>
      tpu.enqueue_dma source(%arg7 : memref<128x64xf32, #tpu.memory_space<vmem>>) target(%dma_start3A_73 : memref<128x64xf32, #tpu.memory_space<vmem_shared>>) target_semaphore(%run_scoped3A : memref<!tpu.dma_semaphore, #tpu.memory_space<semaphore_mem>>)
      %dma_wait3A_74 = arith.constant 0 : i32
      %dma_wait3A_75 = tpu.memref_slice %arg13[%add3A_23, %dma_wait3A_74] : memref<10240x64xf32, #tpu.memory_space<vmem_shared>> -> memref<128x64xf32, #tpu.memory_space<vmem_shared>>
      %dma_wait3A_76 = arith.constant 0 : i32
      %dma_wait3A_77 = tpu.memref_slice %arg13[%add3A_23, %dma_wait3A_76] : memref<10240x64xf32, #tpu.memory_space<vmem_shared>> -> memref<128x64xf32, #tpu.memory_space<vmem_shared>>
      tpu.wait_dma2 semaphore(%run_scoped3A : memref<!tpu.dma_semaphore, #tpu.memory_space<semaphore_mem>>) src(%arg7 : memref<128x64xf32, #tpu.memory_space<vmem>>) dst(%dma_wait3A_77 : memref<128x64xf32, #tpu.memory_space<vmem_shared>>)
      tpu.yield
    }) : () -> ()
    %barrier3A = arith.constant 0 : index
    tpu.barrier barrier_id(%barrier3A)
    %scan3A_24 = arith.constant 0 : i32
    %scan3A_25 = arith.constant 0 : i32
    %scan3A_26 = arith.constant 8 : i32
    %scan3A_27 = arith.addi %scan3A_25, %scan3A_26 : i32
    %scan3A_28 = arith.constant 1 : i32
    %scan3A_29 = scf.for %scan3A_71 = %scan3A_25 to %scan3A_27 step %scan3A_28 iter_args(%scan3A_72 = %scan3A_24) -> (i32)  : i32 {
      %gt3A = arith.constant 0 : i32
      %gt3A_73 = arith.cmpi sgt, %scan3A_71, %gt3A : i32
      %convert_element_type3A_74 = arith.extui %gt3A_73 : i1 to i32
      %cond3A_75 = arith.constant 0 : i32
      %cond3A_76 = arith.cmpi ne, %convert_element_type3A_74, %cond3A_75 : i32
      scf.if %cond3A_76 {
        %dma_wait3A_90 = arith.constant 0 : i32
        %dma_wait3A_91 = arith.constant 0 : i32
        %dma_wait3A_92 = tpu.memref_slice %arg2[%dma_wait3A_90, %dma_wait3A_91] : memref<10240x128xf32, #tpu.memory_space<hbm>> -> memref<128x64xf32, #tpu.memory_space<hbm>>
        %dma_wait3A_93 = arith.constant 0 : i32
        %dma_wait3A_94 = arith.constant 0 : i32
        %dma_wait3A_95 = tpu.memref_slice %arg2[%dma_wait3A_93, %dma_wait3A_94] : memref<10240x128xf32, #tpu.memory_space<hbm>> -> memref<128x64xf32, #tpu.memory_space<hbm>>
        tpu.wait_dma2 semaphore(%arg19 : memref<!tpu.dma_semaphore, #tpu.memory_space<semaphore_mem>>) src(%dma_wait3A_95 : memref<128x64xf32, #tpu.memory_space<hbm>>) dst(%arg7 : memref<128x64xf32, #tpu.memory_space<vmem>>)
        %dma_wait3A_96 = arith.constant 0 : i32
        %dma_wait3A_97 = arith.constant 0 : i32
        %dma_wait3A_98 = tpu.memref_slice %arg2[%dma_wait3A_96, %dma_wait3A_97] : memref<10240x128xf32, #tpu.memory_space<hbm>> -> memref<128x64xf32, #tpu.memory_space<hbm>>
        %dma_wait3A_99 = arith.constant 0 : i32
        %dma_wait3A_100 = arith.constant 0 : i32
        %dma_wait3A_101 = tpu.memref_slice %arg2[%dma_wait3A_99, %dma_wait3A_100] : memref<10240x128xf32, #tpu.memory_space<hbm>> -> memref<128x64xf32, #tpu.memory_space<hbm>>
        tpu.wait_dma2 semaphore(%arg20 : memref<!tpu.dma_semaphore, #tpu.memory_space<semaphore_mem>>) src(%dma_wait3A_101 : memref<128x64xf32, #tpu.memory_space<hbm>>) dst(%arg8 : memref<128x64xf32, #tpu.memory_space<vmem>>)
        %dma_wait3A_102 = arith.constant 0 : i32
        %dma_wait3A_103 = arith.constant 0 : i32
        %dma_wait3A_104 = tpu.memref_slice %arg2[%dma_wait3A_102, %dma_wait3A_103] : memref<10240x128xf32, #tpu.memory_space<hbm>> -> memref<128x64xf32, #tpu.memory_space<hbm>>
        %dma_wait3A_105 = arith.constant 0 : i32
        %dma_wait3A_106 = arith.constant 0 : i32
        %dma_wait3A_107 = tpu.memref_slice %arg2[%dma_wait3A_105, %dma_wait3A_106] : memref<10240x128xf32, #tpu.memory_space<hbm>> -> memref<128x64xf32, #tpu.memory_space<hbm>>
        tpu.wait_dma2 semaphore(%arg21 : memref<!tpu.dma_semaphore, #tpu.memory_space<semaphore_mem>>) src(%dma_wait3A_107 : memref<128x64xf32, #tpu.memory_space<hbm>>) dst(%arg9 : memref<128x64xf32, #tpu.memory_space<vmem>>)
        %dma_wait3A_108 = arith.constant 0 : i32
        %dma_wait3A_109 = arith.constant 0 : i32
        %dma_wait3A_110 = tpu.memref_slice %arg2[%dma_wait3A_108, %dma_wait3A_109] : memref<10240x128xf32, #tpu.memory_space<hbm>> -> memref<128x64xf32, #tpu.memory_space<hbm>>
        %dma_wait3A_111 = arith.constant 0 : i32
        %dma_wait3A_112 = arith.constant 0 : i32
        %dma_wait3A_113 = tpu.memref_slice %arg2[%dma_wait3A_111, %dma_wait3A_112] : memref<10240x128xf32, #tpu.memory_space<hbm>> -> memref<128x64xf32, #tpu.memory_space<hbm>>
        tpu.wait_dma2 semaphore(%arg22 : memref<!tpu.dma_semaphore, #tpu.memory_space<semaphore_mem>>) src(%dma_wait3A_113 : memref<128x64xf32, #tpu.memory_space<hbm>>) dst(%arg10 : memref<128x64xf32, #tpu.memory_space<vmem>>)
        %dma_wait3A_114 = arith.constant 0 : i32
        %dma_wait3A_115 = arith.constant 0 : i32
        %dma_wait3A_116 = tpu.memref_slice %arg2[%dma_wait3A_114, %dma_wait3A_115] : memref<10240x128xf32, #tpu.memory_space<hbm>> -> memref<128x64xf32, #tpu.memory_space<hbm>>
        %dma_wait3A_117 = arith.constant 0 : i32
        %dma_wait3A_118 = arith.constant 0 : i32
        %dma_wait3A_119 = tpu.memref_slice %arg2[%dma_wait3A_117, %dma_wait3A_118] : memref<10240x128xf32, #tpu.memory_space<hbm>> -> memref<128x64xf32, #tpu.memory_space<hbm>>
        tpu.wait_dma2 semaphore(%arg23 : memref<!tpu.dma_semaphore, #tpu.memory_space<semaphore_mem>>) src(%dma_wait3A_119 : memref<128x64xf32, #tpu.memory_space<hbm>>) dst(%arg11 : memref<128x64xf32, #tpu.memory_space<vmem>>)
      } else {
      }
      %mul3A_77 = arith.constant 20 : i32
      %mul3A_78 = arith.muli %scan3A_71, %mul3A_77 : i32
      %run_scoped3A = arith.constant 0 : i32
      "tpu.region"() ({
        %run_scoped3A_90 = tpu.sem_alloc : memref<!tpu.dma_semaphore, #tpu.memory_space<semaphore_mem>>
        %dma_start3A = arith.constant 0 : i32
        %dma_start3A_91 = tpu.memref_slice %arg3[%run_scoped3A, %arg1, %mul3A_78, %dma_start3A] : memref<2x16x160x128xi32, #tpu.memory_space<hbm>> -> memref<1x1x20x128xi32, #tpu.memory_space<hbm>>
        %dma_start3A_92 = tpu.memref_squeeze %dma_start3A_91 : memref<1x1x20x128xi32, #tpu.memory_space<hbm>> -> memref<20x128xi32, #tpu.memory_space<hbm>>
        %dma_start3A_93 = arith.constant 0 : i32
        %dma_start3A_94 = tpu.memref_slice %arg3[%run_scoped3A, %arg1, %mul3A_78, %dma_start3A_93] : memref<2x16x160x128xi32, #tpu.memory_space<hbm>> -> memref<1x1x20x128xi32, #tpu.memory_space<hbm>>
        %dma_start3A_95 = tpu.memref_squeeze %dma_start3A_94 : memref<1x1x20x128xi32, #tpu.memory_space<hbm>> -> memref<20x128xi32, #tpu.memory_space<hbm>>
        tpu.enqueue_dma source(%dma_start3A_95 : memref<20x128xi32, #tpu.memory_space<hbm>>) target(%arg5 : memref<20x128xi32, #tpu.memory_space<vmem>>) target_semaphore(%run_scoped3A_90 : memref<!tpu.dma_semaphore, #tpu.memory_space<semaphore_mem>>)
        %dma_wait3A_96 = arith.constant 0 : i32
        %dma_wait3A_97 = tpu.memref_slice %arg3[%run_scoped3A, %arg1, %mul3A_78, %dma_wait3A_96] : memref<2x16x160x128xi32, #tpu.memory_space<hbm>> -> memref<1x1x20x128xi32, #tpu.memory_space<hbm>>
        %dma_wait3A_98 = tpu.memref_squeeze %dma_wait3A_97 : memref<1x1x20x128xi32, #tpu.memory_space<hbm>> -> memref<20x128xi32, #tpu.memory_space<hbm>>
        %dma_wait3A_99 = arith.constant 0 : i32
        %dma_wait3A_100 = tpu.memref_slice %arg3[%run_scoped3A, %arg1, %mul3A_78, %dma_wait3A_99] : memref<2x16x160x128xi32, #tpu.memory_space<hbm>> -> memref<1x1x20x128xi32, #tpu.memory_space<hbm>>
        %dma_wait3A_101 = tpu.memref_squeeze %dma_wait3A_100 : memref<1x1x20x128xi32, #tpu.memory_space<hbm>> -> memref<20x128xi32, #tpu.memory_space<hbm>>
        tpu.wait_dma2 semaphore(%run_scoped3A_90 : memref<!tpu.dma_semaphore, #tpu.memory_space<semaphore_mem>>) src(%dma_wait3A_101 : memref<20x128xi32, #tpu.memory_space<hbm>>) dst(%arg5 : memref<20x128xi32, #tpu.memory_space<vmem>>)
        tpu.yield
      }) : () -> ()
      %mul3A_79 = arith.constant 20 : i32
      %mul3A_80 = arith.muli %scan3A_71, %mul3A_79 : i32
      %run_scoped3A_81 = arith.constant 1 : i32
      "tpu.region"() ({
        %run_scoped3A_90 = tpu.sem_alloc : memref<!tpu.dma_semaphore, #tpu.memory_space<semaphore_mem>>
        %dma_start3A = arith.constant 0 : i32
        %dma_start3A_91 = tpu.memref_slice %arg3[%run_scoped3A_81, %arg1, %mul3A_80, %dma_start3A] : memref<2x16x160x128xi32, #tpu.memory_space<hbm>> -> memref<1x1x20x128xi32, #tpu.memory_space<hbm>>
        %dma_start3A_92 = tpu.memref_squeeze %dma_start3A_91 : memref<1x1x20x128xi32, #tpu.memory_space<hbm>> -> memref<20x128xi32, #tpu.memory_space<hbm>>
        %dma_start3A_93 = arith.constant 0 : i32
        %dma_start3A_94 = tpu.memref_slice %arg3[%run_scoped3A_81, %arg1, %mul3A_80, %dma_start3A_93] : memref<2x16x160x128xi32, #tpu.memory_space<hbm>> -> memref<1x1x20x128xi32, #tpu.memory_space<hbm>>
        %dma_start3A_95 = tpu.memref_squeeze %dma_start3A_94 : memref<1x1x20x128xi32, #tpu.memory_space<hbm>> -> memref<20x128xi32, #tpu.memory_space<hbm>>
        tpu.enqueue_dma source(%dma_start3A_95 : memref<20x128xi32, #tpu.memory_space<hbm>>) target(%arg6 : memref<20x128xi32, #tpu.memory_space<vmem>>) target_semaphore(%run_scoped3A_90 : memref<!tpu.dma_semaphore, #tpu.memory_space<semaphore_mem>>)
        %dma_wait3A_96 = arith.constant 0 : i32
        %dma_wait3A_97 = tpu.memref_slice %arg3[%run_scoped3A_81, %arg1, %mul3A_80, %dma_wait3A_96] : memref<2x16x160x128xi32, #tpu.memory_space<hbm>> -> memref<1x1x20x128xi32, #tpu.memory_space<hbm>>
        %dma_wait3A_98 = tpu.memref_squeeze %dma_wait3A_97 : memref<1x1x20x128xi32, #tpu.memory_space<hbm>> -> memref<20x128xi32, #tpu.memory_space<hbm>>
        %dma_wait3A_99 = arith.constant 0 : i32
        %dma_wait3A_100 = tpu.memref_slice %arg3[%run_scoped3A_81, %arg1, %mul3A_80, %dma_wait3A_99] : memref<2x16x160x128xi32, #tpu.memory_space<hbm>> -> memref<1x1x20x128xi32, #tpu.memory_space<hbm>>
        %dma_wait3A_101 = tpu.memref_squeeze %dma_wait3A_100 : memref<1x1x20x128xi32, #tpu.memory_space<hbm>> -> memref<20x128xi32, #tpu.memory_space<hbm>>
        tpu.wait_dma2 semaphore(%run_scoped3A_90 : memref<!tpu.dma_semaphore, #tpu.memory_space<semaphore_mem>>) src(%dma_wait3A_101 : memref<20x128xi32, #tpu.memory_space<hbm>>) dst(%arg6 : memref<20x128xi32, #tpu.memory_space<vmem>>)
        tpu.yield
      }) : () -> ()
      %scan3A_82 = arith.constant 0 : i32
      %scan3A_83 = arith.constant 0 : i32
      %scan3A_84 = arith.constant 4 : i32
      %scan3A_85 = arith.addi %scan3A_83, %scan3A_84 : i32
      %scan3A_86 = arith.constant 1 : i32
      %scan3A_87 = scf.for %scan3A_90 = %scan3A_83 to %scan3A_85 step %scan3A_86 iter_args(%scan3A_91 = %scan3A_82) -> (i32)  : i32 {
        %mul3A_92 = arith.constant 5 : i32
        %mul3A_93 = arith.muli %mul3A_92, %scan3A_90 : i32
        %gt3A_94 = arith.constant 0 : i32
        %gt3A_95 = arith.cmpi sgt, %scan3A_90, %gt3A_94 : i32
        %convert_element_type3A_96 = arith.extui %gt3A_95 : i1 to i32
        %cond3A_97 = arith.constant 0 : i32
        %cond3A_98 = arith.cmpi ne, %convert_element_type3A_96, %cond3A_97 : i32
        scf.if %cond3A_98 {
          %dma_wait3A_229 = arith.constant 0 : i32
          %dma_wait3A_230 = arith.constant 0 : i32
          %dma_wait3A_231 = tpu.memref_slice %arg2[%dma_wait3A_229, %dma_wait3A_230] : memref<10240x128xf32, #tpu.memory_space<hbm>> -> memref<128x64xf32, #tpu.memory_space<hbm>>
          %dma_wait3A_232 = arith.constant 0 : i32
          %dma_wait3A_233 = arith.constant 0 : i32
          %dma_wait3A_234 = tpu.memref_slice %arg2[%dma_wait3A_232, %dma_wait3A_233] : memref<10240x128xf32, #tpu.memory_space<hbm>> -> memref<128x64xf32, #tpu.memory_space<hbm>>
          tpu.wait_dma2 semaphore(%arg19 : memref<!tpu.dma_semaphore, #tpu.memory_space<semaphore_mem>>) src(%dma_wait3A_234 : memref<128x64xf32, #tpu.memory_space<hbm>>) dst(%arg7 : memref<128x64xf32, #tpu.memory_space<vmem>>)
        } else {
        }
        %add3A_99 = arith.constant 0 : i32
        %add3A_100 = arith.addi %mul3A_93, %add3A_99 : i32
        %dma_start3A = arith.constant 0 : i32
        %dma_start3A_101 = tpu.memref_slice %arg5[%add3A_100, %dma_start3A] : memref<20x128xi32, #tpu.memory_space<vmem>> -> memref<1x128xi32, #tpu.memory_space<vmem>>
        %dma_start3A_102 = tpu.memref_squeeze %dma_start3A_101 : memref<1x128xi32, #tpu.memory_space<vmem>> -> memref<128xi32, #tpu.memory_space<vmem>>
        %dma_start3A_103 = arith.constant 0 : i32
        %dma_start3A_104 = arith.constant 0 : i32
        %dma_start3A_105 = tpu.memref_slice %arg12[%dma_start3A_103, %dma_start3A_104] : memref<10240x64xf32, #tpu.memory_space<vmem_shared>> -> memref<10240x64xf32, #tpu.memory_space<vmem_shared>>
        tpu.enqueue_indirect_dma source(%dma_start3A_105 : memref<10240x64xf32, #tpu.memory_space<vmem_shared>>) target(%arg7 : memref<128x64xf32, #tpu.memory_space<vmem>>) offsets(%dma_start3A_102 : memref<128xi32, #tpu.memory_space<vmem>>) semaphore(%arg14 : memref<!tpu.dma_semaphore, #tpu.memory_space<semaphore_mem>>)
        %gt3A_106 = arith.constant 0 : i32
        %gt3A_107 = arith.cmpi sgt, %scan3A_90, %gt3A_106 : i32
        %convert_element_type3A_108 = arith.extui %gt3A_107 : i1 to i32
        %cond3A_109 = arith.constant 0 : i32
        %cond3A_110 = arith.cmpi ne, %convert_element_type3A_108, %cond3A_109 : i32
        scf.if %cond3A_110 {
          %dma_wait3A_229 = arith.constant 0 : i32
          %dma_wait3A_230 = arith.constant 0 : i32
          %dma_wait3A_231 = tpu.memref_slice %arg2[%dma_wait3A_229, %dma_wait3A_230] : memref<10240x128xf32, #tpu.memory_space<hbm>> -> memref<128x64xf32, #tpu.memory_space<hbm>>
          %dma_wait3A_232 = arith.constant 0 : i32
          %dma_wait3A_233 = arith.constant 0 : i32
          %dma_wait3A_234 = tpu.memref_slice %arg2[%dma_wait3A_232, %dma_wait3A_233] : memref<10240x128xf32, #tpu.memory_space<hbm>> -> memref<128x64xf32, #tpu.memory_space<hbm>>
          tpu.wait_dma2 semaphore(%arg20 : memref<!tpu.dma_semaphore, #tpu.memory_space<semaphore_mem>>) src(%dma_wait3A_234 : memref<128x64xf32, #tpu.memory_space<hbm>>) dst(%arg8 : memref<128x64xf32, #tpu.memory_space<vmem>>)
        } else {
        }
        %add3A_111 = arith.constant 1 : i32
        %add3A_112 = arith.addi %mul3A_93, %add3A_111 : i32
        %dma_start3A_113 = arith.constant 0 : i32
        %dma_start3A_114 = tpu.memref_slice %arg5[%add3A_112, %dma_start3A_113] : memref<20x128xi32, #tpu.memory_space<vmem>> -> memref<1x128xi32, #tpu.memory_space<vmem>>
        %dma_start3A_115 = tpu.memref_squeeze %dma_start3A_114 : memref<1x128xi32, #tpu.memory_space<vmem>> -> memref<128xi32, #tpu.memory_space<vmem>>
        %dma_start3A_116 = arith.constant 0 : i32
        %dma_start3A_117 = arith.constant 0 : i32
        %dma_start3A_118 = tpu.memref_slice %arg12[%dma_start3A_116, %dma_start3A_117] : memref<10240x64xf32, #tpu.memory_space<vmem_shared>> -> memref<10240x64xf32, #tpu.memory_space<vmem_shared>>
        tpu.enqueue_indirect_dma source(%dma_start3A_118 : memref<10240x64xf32, #tpu.memory_space<vmem_shared>>) target(%arg8 : memref<128x64xf32, #tpu.memory_space<vmem>>) offsets(%dma_start3A_115 : memref<128xi32, #tpu.memory_space<vmem>>) semaphore(%arg15 : memref<!tpu.dma_semaphore, #tpu.memory_space<semaphore_mem>>)
        %gt3A_119 = arith.constant 0 : i32
        %gt3A_120 = arith.cmpi sgt, %scan3A_90, %gt3A_119 : i32
        %convert_element_type3A_121 = arith.extui %gt3A_120 : i1 to i32
        %cond3A_122 = arith.constant 0 : i32
        %cond3A_123 = arith.cmpi ne, %convert_element_type3A_121, %cond3A_122 : i32
        scf.if %cond3A_123 {
          %dma_wait3A_229 = arith.constant 0 : i32
          %dma_wait3A_230 = arith.constant 0 : i32
          %dma_wait3A_231 = tpu.memref_slice %arg2[%dma_wait3A_229, %dma_wait3A_230] : memref<10240x128xf32, #tpu.memory_space<hbm>> -> memref<128x64xf32, #tpu.memory_space<hbm>>
          %dma_wait3A_232 = arith.constant 0 : i32
          %dma_wait3A_233 = arith.constant 0 : i32
          %dma_wait3A_234 = tpu.memref_slice %arg2[%dma_wait3A_232, %dma_wait3A_233] : memref<10240x128xf32, #tpu.memory_space<hbm>> -> memref<128x64xf32, #tpu.memory_space<hbm>>
          tpu.wait_dma2 semaphore(%arg21 : memref<!tpu.dma_semaphore, #tpu.memory_space<semaphore_mem>>) src(%dma_wait3A_234 : memref<128x64xf32, #tpu.memory_space<hbm>>) dst(%arg9 : memref<128x64xf32, #tpu.memory_space<vmem>>)
        } else {
        }
        %add3A_124 = arith.constant 2 : i32
        %add3A_125 = arith.addi %mul3A_93, %add3A_124 : i32
        %dma_start3A_126 = arith.constant 0 : i32
        %dma_start3A_127 = tpu.memref_slice %arg5[%add3A_125, %dma_start3A_126] : memref<20x128xi32, #tpu.memory_space<vmem>> -> memref<1x128xi32, #tpu.memory_space<vmem>>
        %dma_start3A_128 = tpu.memref_squeeze %dma_start3A_127 : memref<1x128xi32, #tpu.memory_space<vmem>> -> memref<128xi32, #tpu.memory_space<vmem>>
        %dma_start3A_129 = arith.constant 0 : i32
        %dma_start3A_130 = arith.constant 0 : i32
        %dma_start3A_131 = tpu.memref_slice %arg12[%dma_start3A_129, %dma_start3A_130] : memref<10240x64xf32, #tpu.memory_space<vmem_shared>> -> memref<10240x64xf32, #tpu.memory_space<vmem_shared>>
        tpu.enqueue_indirect_dma source(%dma_start3A_131 : memref<10240x64xf32, #tpu.memory_space<vmem_shared>>) target(%arg9 : memref<128x64xf32, #tpu.memory_space<vmem>>) offsets(%dma_start3A_128 : memref<128xi32, #tpu.memory_space<vmem>>) semaphore(%arg16 : memref<!tpu.dma_semaphore, #tpu.memory_space<semaphore_mem>>)
        %gt3A_132 = arith.constant 0 : i32
        %gt3A_133 = arith.cmpi sgt, %scan3A_90, %gt3A_132 : i32
        %convert_element_type3A_134 = arith.extui %gt3A_133 : i1 to i32
        %cond3A_135 = arith.constant 0 : i32
        %cond3A_136 = arith.cmpi ne, %convert_element_type3A_134, %cond3A_135 : i32
        scf.if %cond3A_136 {
          %dma_wait3A_229 = arith.constant 0 : i32
          %dma_wait3A_230 = arith.constant 0 : i32
          %dma_wait3A_231 = tpu.memref_slice %arg2[%dma_wait3A_229, %dma_wait3A_230] : memref<10240x128xf32, #tpu.memory_space<hbm>> -> memref<128x64xf32, #tpu.memory_space<hbm>>
          %dma_wait3A_232 = arith.constant 0 : i32
          %dma_wait3A_233 = arith.constant 0 : i32
          %dma_wait3A_234 = tpu.memref_slice %arg2[%dma_wait3A_232, %dma_wait3A_233] : memref<10240x128xf32, #tpu.memory_space<hbm>> -> memref<128x64xf32, #tpu.memory_space<hbm>>
          tpu.wait_dma2 semaphore(%arg22 : memref<!tpu.dma_semaphore, #tpu.memory_space<semaphore_mem>>) src(%dma_wait3A_234 : memref<128x64xf32, #tpu.memory_space<hbm>>) dst(%arg10 : memref<128x64xf32, #tpu.memory_space<vmem>>)
        } else {
        }
        %add3A_137 = arith.constant 3 : i32
        %add3A_138 = arith.addi %mul3A_93, %add3A_137 : i32
        %dma_start3A_139 = arith.constant 0 : i32
        %dma_start3A_140 = tpu.memref_slice %arg5[%add3A_138, %dma_start3A_139] : memref<20x128xi32, #tpu.memory_space<vmem>> -> memref<1x128xi32, #tpu.memory_space<vmem>>
        %dma_start3A_141 = tpu.memref_squeeze %dma_start3A_140 : memref<1x128xi32, #tpu.memory_space<vmem>> -> memref<128xi32, #tpu.memory_space<vmem>>
        %dma_start3A_142 = arith.constant 0 : i32
        %dma_start3A_143 = arith.constant 0 : i32
        %dma_start3A_144 = tpu.memref_slice %arg12[%dma_start3A_142, %dma_start3A_143] : memref<10240x64xf32, #tpu.memory_space<vmem_shared>> -> memref<10240x64xf32, #tpu.memory_space<vmem_shared>>
        tpu.enqueue_indirect_dma source(%dma_start3A_144 : memref<10240x64xf32, #tpu.memory_space<vmem_shared>>) target(%arg10 : memref<128x64xf32, #tpu.memory_space<vmem>>) offsets(%dma_start3A_141 : memref<128xi32, #tpu.memory_space<vmem>>) semaphore(%arg17 : memref<!tpu.dma_semaphore, #tpu.memory_space<semaphore_mem>>)
        %gt3A_145 = arith.constant 0 : i32
        %gt3A_146 = arith.cmpi sgt, %scan3A_90, %gt3A_145 : i32
        %convert_element_type3A_147 = arith.extui %gt3A_146 : i1 to i32
        %cond3A_148 = arith.constant 0 : i32
        %cond3A_149 = arith.cmpi ne, %convert_element_type3A_147, %cond3A_148 : i32
        scf.if %cond3A_149 {
          %dma_wait3A_229 = arith.constant 0 : i32
          %dma_wait3A_230 = arith.constant 0 : i32
          %dma_wait3A_231 = tpu.memref_slice %arg2[%dma_wait3A_229, %dma_wait3A_230] : memref<10240x128xf32, #tpu.memory_space<hbm>> -> memref<128x64xf32, #tpu.memory_space<hbm>>
          %dma_wait3A_232 = arith.constant 0 : i32
          %dma_wait3A_233 = arith.constant 0 : i32
          %dma_wait3A_234 = tpu.memref_slice %arg2[%dma_wait3A_232, %dma_wait3A_233] : memref<10240x128xf32, #tpu.memory_space<hbm>> -> memref<128x64xf32, #tpu.memory_space<hbm>>
          tpu.wait_dma2 semaphore(%arg23 : memref<!tpu.dma_semaphore, #tpu.memory_space<semaphore_mem>>) src(%dma_wait3A_234 : memref<128x64xf32, #tpu.memory_space<hbm>>) dst(%arg11 : memref<128x64xf32, #tpu.memory_space<vmem>>)
        } else {
        }
        %add3A_150 = arith.constant 4 : i32
        %add3A_151 = arith.addi %mul3A_93, %add3A_150 : i32
        %dma_start3A_152 = arith.constant 0 : i32
        %dma_start3A_153 = tpu.memref_slice %arg5[%add3A_151, %dma_start3A_152] : memref<20x128xi32, #tpu.memory_space<vmem>> -> memref<1x128xi32, #tpu.memory_space<vmem>>
        %dma_start3A_154 = tpu.memref_squeeze %dma_start3A_153 : memref<1x128xi32, #tpu.memory_space<vmem>> -> memref<128xi32, #tpu.memory_space<vmem>>
        %dma_start3A_155 = arith.constant 0 : i32
        %dma_start3A_156 = arith.constant 0 : i32
        %dma_start3A_157 = tpu.memref_slice %arg12[%dma_start3A_155, %dma_start3A_156] : memref<10240x64xf32, #tpu.memory_space<vmem_shared>> -> memref<10240x64xf32, #tpu.memory_space<vmem_shared>>
        tpu.enqueue_indirect_dma source(%dma_start3A_157 : memref<10240x64xf32, #tpu.memory_space<vmem_shared>>) target(%arg11 : memref<128x64xf32, #tpu.memory_space<vmem>>) offsets(%dma_start3A_154 : memref<128xi32, #tpu.memory_space<vmem>>) semaphore(%arg18 : memref<!tpu.dma_semaphore, #tpu.memory_space<semaphore_mem>>)
        %dma_wait3A_158 = arith.constant 0 : i32
        %dma_wait3A_159 = tpu.memref_slice %arg5[%add3A_100, %dma_wait3A_158] : memref<20x128xi32, #tpu.memory_space<vmem>> -> memref<1x128xi32, #tpu.memory_space<vmem>>
        %dma_wait3A_160 = tpu.memref_squeeze %dma_wait3A_159 : memref<1x128xi32, #tpu.memory_space<vmem>> -> memref<128xi32, #tpu.memory_space<vmem>>
        %dma_wait3A_161 = arith.constant 0 : i32
        %dma_wait3A_162 = arith.constant 0 : i32
        %dma_wait3A_163 = tpu.memref_slice %arg12[%dma_wait3A_161, %dma_wait3A_162] : memref<10240x64xf32, #tpu.memory_space<vmem_shared>> -> memref<10240x64xf32, #tpu.memory_space<vmem_shared>>
        tpu.wait_indirect_dma semaphore(%arg14 : memref<!tpu.dma_semaphore, #tpu.memory_space<semaphore_mem>>) src(%dma_wait3A_163 : memref<10240x64xf32, #tpu.memory_space<vmem_shared>>) dst(%arg7 : memref<128x64xf32, #tpu.memory_space<vmem>>)
        %add3A_164 = arith.constant 0 : i32
        %add3A_165 = arith.addi %mul3A_93, %add3A_164 : i32
        %dma_start3A_166 = arith.constant 0 : i32
        %dma_start3A_167 = tpu.memref_slice %arg6[%add3A_165, %dma_start3A_166] : memref<20x128xi32, #tpu.memory_space<vmem>> -> memref<1x128xi32, #tpu.memory_space<vmem>>
        %dma_start3A_168 = tpu.memref_squeeze %dma_start3A_167 : memref<1x128xi32, #tpu.memory_space<vmem>> -> memref<128xi32, #tpu.memory_space<vmem>>
        %dma_start3A_169 = arith.constant 0 : i32
        %dma_start3A_170 = arith.constant 0 : i32
        %dma_start3A_171 = tpu.memref_slice %arg13[%dma_start3A_169, %dma_start3A_170] : memref<10240x64xf32, #tpu.memory_space<vmem_shared>> -> memref<10240x64xf32, #tpu.memory_space<vmem_shared>>
        tpu.enqueue_indirect_dma source(%arg7 : memref<128x64xf32, #tpu.memory_space<vmem>>) target(%dma_start3A_171 : memref<10240x64xf32, #tpu.memory_space<vmem_shared>>) offsets(%dma_start3A_168 : memref<128xi32, #tpu.memory_space<vmem>>) semaphore(%arg19 : memref<!tpu.dma_semaphore, #tpu.memory_space<semaphore_mem>>) {add = true}
        %dma_wait3A_172 = arith.constant 0 : i32
        %dma_wait3A_173 = tpu.memref_slice %arg5[%add3A_112, %dma_wait3A_172] : memref<20x128xi32, #tpu.memory_space<vmem>> -> memref<1x128xi32, #tpu.memory_space<vmem>>
        %dma_wait3A_174 = tpu.memref_squeeze %dma_wait3A_173 : memref<1x128xi32, #tpu.memory_space<vmem>> -> memref<128xi32, #tpu.memory_space<vmem>>
        %dma_wait3A_175 = arith.constant 0 : i32
        %dma_wait3A_176 = arith.constant 0 : i32
        %dma_wait3A_177 = tpu.memref_slice %arg12[%dma_wait3A_175, %dma_wait3A_176] : memref<10240x64xf32, #tpu.memory_space<vmem_shared>> -> memref<10240x64xf32, #tpu.memory_space<vmem_shared>>
        tpu.wait_indirect_dma semaphore(%arg15 : memref<!tpu.dma_semaphore, #tpu.memory_space<semaphore_mem>>) src(%dma_wait3A_177 : memref<10240x64xf32, #tpu.memory_space<vmem_shared>>) dst(%arg8 : memref<128x64xf32, #tpu.memory_space<vmem>>)
        %add3A_178 = arith.constant 1 : i32
        %add3A_179 = arith.addi %mul3A_93, %add3A_178 : i32
        %dma_start3A_180 = arith.constant 0 : i32
        %dma_start3A_181 = tpu.memref_slice %arg6[%add3A_179, %dma_start3A_180] : memref<20x128xi32, #tpu.memory_space<vmem>> -> memref<1x128xi32, #tpu.memory_space<vmem>>
        %dma_start3A_182 = tpu.memref_squeeze %dma_start3A_181 : memref<1x128xi32, #tpu.memory_space<vmem>> -> memref<128xi32, #tpu.memory_space<vmem>>
        %dma_start3A_183 = arith.constant 0 : i32
        %dma_start3A_184 = arith.constant 0 : i32
        %dma_start3A_185 = tpu.memref_slice %arg13[%dma_start3A_183, %dma_start3A_184] : memref<10240x64xf32, #tpu.memory_space<vmem_shared>> -> memref<10240x64xf32, #tpu.memory_space<vmem_shared>>
        tpu.enqueue_indirect_dma source(%arg8 : memref<128x64xf32, #tpu.memory_space<vmem>>) target(%dma_start3A_185 : memref<10240x64xf32, #tpu.memory_space<vmem_shared>>) offsets(%dma_start3A_182 : memref<128xi32, #tpu.memory_space<vmem>>) semaphore(%arg20 : memref<!tpu.dma_semaphore, #tpu.memory_space<semaphore_mem>>) {add = true}
        %dma_wait3A_186 = arith.constant 0 : i32
        %dma_wait3A_187 = tpu.memref_slice %arg5[%add3A_125, %dma_wait3A_186] : memref<20x128xi32, #tpu.memory_space<vmem>> -> memref<1x128xi32, #tpu.memory_space<vmem>>
        %dma_wait3A_188 = tpu.memref_squeeze %dma_wait3A_187 : memref<1x128xi32, #tpu.memory_space<vmem>> -> memref<128xi32, #tpu.memory_space<vmem>>
        %dma_wait3A_189 = arith.constant 0 : i32
        %dma_wait3A_190 = arith.constant 0 : i32
        %dma_wait3A_191 = tpu.memref_slice %arg12[%dma_wait3A_189, %dma_wait3A_190] : memref<10240x64xf32, #tpu.memory_space<vmem_shared>> -> memref<10240x64xf32, #tpu.memory_space<vmem_shared>>
        tpu.wait_indirect_dma semaphore(%arg16 : memref<!tpu.dma_semaphore, #tpu.memory_space<semaphore_mem>>) src(%dma_wait3A_191 : memref<10240x64xf32, #tpu.memory_space<vmem_shared>>) dst(%arg9 : memref<128x64xf32, #tpu.memory_space<vmem>>)
        %add3A_192 = arith.constant 2 : i32
        %add3A_193 = arith.addi %mul3A_93, %add3A_192 : i32
        %dma_start3A_194 = arith.constant 0 : i32
        %dma_start3A_195 = tpu.memref_slice %arg6[%add3A_193, %dma_start3A_194] : memref<20x128xi32, #tpu.memory_space<vmem>> -> memref<1x128xi32, #tpu.memory_space<vmem>>
        %dma_start3A_196 = tpu.memref_squeeze %dma_start3A_195 : memref<1x128xi32, #tpu.memory_space<vmem>> -> memref<128xi32, #tpu.memory_space<vmem>>
        %dma_start3A_197 = arith.constant 0 : i32
        %dma_start3A_198 = arith.constant 0 : i32
        %dma_start3A_199 = tpu.memref_slice %arg13[%dma_start3A_197, %dma_start3A_198] : memref<10240x64xf32, #tpu.memory_space<vmem_shared>> -> memref<10240x64xf32, #tpu.memory_space<vmem_shared>>
        tpu.enqueue_indirect_dma source(%arg9 : memref<128x64xf32, #tpu.memory_space<vmem>>) target(%dma_start3A_199 : memref<10240x64xf32, #tpu.memory_space<vmem_shared>>) offsets(%dma_start3A_196 : memref<128xi32, #tpu.memory_space<vmem>>) semaphore(%arg21 : memref<!tpu.dma_semaphore, #tpu.memory_space<semaphore_mem>>) {add = true}
        %dma_wait3A_200 = arith.constant 0 : i32
        %dma_wait3A_201 = tpu.memref_slice %arg5[%add3A_138, %dma_wait3A_200] : memref<20x128xi32, #tpu.memory_space<vmem>> -> memref<1x128xi32, #tpu.memory_space<vmem>>
        %dma_wait3A_202 = tpu.memref_squeeze %dma_wait3A_201 : memref<1x128xi32, #tpu.memory_space<vmem>> -> memref<128xi32, #tpu.memory_space<vmem>>
        %dma_wait3A_203 = arith.constant 0 : i32
        %dma_wait3A_204 = arith.constant 0 : i32
        %dma_wait3A_205 = tpu.memref_slice %arg12[%dma_wait3A_203, %dma_wait3A_204] : memref<10240x64xf32, #tpu.memory_space<vmem_shared>> -> memref<10240x64xf32, #tpu.memory_space<vmem_shared>>
        tpu.wait_indirect_dma semaphore(%arg17 : memref<!tpu.dma_semaphore, #tpu.memory_space<semaphore_mem>>) src(%dma_wait3A_205 : memref<10240x64xf32, #tpu.memory_space<vmem_shared>>) dst(%arg10 : memref<128x64xf32, #tpu.memory_space<vmem>>)
        %add3A_206 = arith.constant 3 : i32
        %add3A_207 = arith.addi %mul3A_93, %add3A_206 : i32
        %dma_start3A_208 = arith.constant 0 : i32
        %dma_start3A_209 = tpu.memref_slice %arg6[%add3A_207, %dma_start3A_208] : memref<20x128xi32, #tpu.memory_space<vmem>> -> memref<1x128xi32, #tpu.memory_space<vmem>>
        %dma_start3A_210 = tpu.memref_squeeze %dma_start3A_209 : memref<1x128xi32, #tpu.memory_space<vmem>> -> memref<128xi32, #tpu.memory_space<vmem>>
        %dma_start3A_211 = arith.constant 0 : i32
        %dma_start3A_212 = arith.constant 0 : i32
        %dma_start3A_213 = tpu.memref_slice %arg13[%dma_start3A_211, %dma_start3A_212] : memref<10240x64xf32, #tpu.memory_space<vmem_shared>> -> memref<10240x64xf32, #tpu.memory_space<vmem_shared>>
        tpu.enqueue_indirect_dma source(%arg10 : memref<128x64xf32, #tpu.memory_space<vmem>>) target(%dma_start3A_213 : memref<10240x64xf32, #tpu.memory_space<vmem_shared>>) offsets(%dma_start3A_210 : memref<128xi32, #tpu.memory_space<vmem>>) semaphore(%arg22 : memref<!tpu.dma_semaphore, #tpu.memory_space<semaphore_mem>>) {add = true}
        %dma_wait3A_214 = arith.constant 0 : i32
        %dma_wait3A_215 = tpu.memref_slice %arg5[%add3A_151, %dma_wait3A_214] : memref<20x128xi32, #tpu.memory_space<vmem>> -> memref<1x128xi32, #tpu.memory_space<vmem>>
        %dma_wait3A_216 = tpu.memref_squeeze %dma_wait3A_215 : memref<1x128xi32, #tpu.memory_space<vmem>> -> memref<128xi32, #tpu.memory_space<vmem>>
        %dma_wait3A_217 = arith.constant 0 : i32
        %dma_wait3A_218 = arith.constant 0 : i32
        %dma_wait3A_219 = tpu.memref_slice %arg12[%dma_wait3A_217, %dma_wait3A_218] : memref<10240x64xf32, #tpu.memory_space<vmem_shared>> -> memref<10240x64xf32, #tpu.memory_space<vmem_shared>>
        tpu.wait_indirect_dma semaphore(%arg18 : memref<!tpu.dma_semaphore, #tpu.memory_space<semaphore_mem>>) src(%dma_wait3A_219 : memref<10240x64xf32, #tpu.memory_space<vmem_shared>>) dst(%arg11 : memref<128x64xf32, #tpu.memory_space<vmem>>)
        %add3A_220 = arith.constant 4 : i32
        %add3A_221 = arith.addi %mul3A_93, %add3A_220 : i32
        %dma_start3A_222 = arith.constant 0 : i32
        %dma_start3A_223 = tpu.memref_slice %arg6[%add3A_221, %dma_start3A_222] : memref<20x128xi32, #tpu.memory_space<vmem>> -> memref<1x128xi32, #tpu.memory_space<vmem>>
        %dma_start3A_224 = tpu.memref_squeeze %dma_start3A_223 : memref<1x128xi32, #tpu.memory_space<vmem>> -> memref<128xi32, #tpu.memory_space<vmem>>
        %dma_start3A_225 = arith.constant 0 : i32
        %dma_start3A_226 = arith.constant 0 : i32
        %dma_start3A_227 = tpu.memref_slice %arg13[%dma_start3A_225, %dma_start3A_226] : memref<10240x64xf32, #tpu.memory_space<vmem_shared>> -> memref<10240x64xf32, #tpu.memory_space<vmem_shared>>
        tpu.enqueue_indirect_dma source(%arg11 : memref<128x64xf32, #tpu.memory_space<vmem>>) target(%dma_start3A_227 : memref<10240x64xf32, #tpu.memory_space<vmem_shared>>) offsets(%dma_start3A_224 : memref<128xi32, #tpu.memory_space<vmem>>) semaphore(%arg23 : memref<!tpu.dma_semaphore, #tpu.memory_space<semaphore_mem>>) {add = true}
        %scan3A_228 = arith.constant 0 : i32
        scf.yield %scan3A_228 : i32
      }
      %scan3A_88 = arith.constant 4 : i32
      %scan3A_89 = arith.constant 0 : i32
      scf.yield %scan3A_89 : i32
    }
    %scan3A_30 = arith.constant 8 : i32
    %dma_wait3A = arith.constant 0 : i32
    %dma_wait3A_31 = arith.constant 0 : i32
    %dma_wait3A_32 = tpu.memref_slice %arg2[%dma_wait3A, %dma_wait3A_31] : memref<10240x128xf32, #tpu.memory_space<hbm>> -> memref<128x64xf32, #tpu.memory_space<hbm>>
    %dma_wait3A_33 = arith.constant 0 : i32
    %dma_wait3A_34 = arith.constant 0 : i32
    %dma_wait3A_35 = tpu.memref_slice %arg2[%dma_wait3A_33, %dma_wait3A_34] : memref<10240x128xf32, #tpu.memory_space<hbm>> -> memref<128x64xf32, #tpu.memory_space<hbm>>
    tpu.wait_dma2 semaphore(%arg19 : memref<!tpu.dma_semaphore, #tpu.memory_space<semaphore_mem>>) src(%dma_wait3A_35 : memref<128x64xf32, #tpu.memory_space<hbm>>) dst(%arg7 : memref<128x64xf32, #tpu.memory_space<vmem>>)
    %dma_wait3A_36 = arith.constant 0 : i32
    %dma_wait3A_37 = arith.constant 0 : i32
    %dma_wait3A_38 = tpu.memref_slice %arg2[%dma_wait3A_36, %dma_wait3A_37] : memref<10240x128xf32, #tpu.memory_space<hbm>> -> memref<128x64xf32, #tpu.memory_space<hbm>>
    %dma_wait3A_39 = arith.constant 0 : i32
    %dma_wait3A_40 = arith.constant 0 : i32
    %dma_wait3A_41 = tpu.memref_slice %arg2[%dma_wait3A_39, %dma_wait3A_40] : memref<10240x128xf32, #tpu.memory_space<hbm>> -> memref<128x64xf32, #tpu.memory_space<hbm>>
    tpu.wait_dma2 semaphore(%arg20 : memref<!tpu.dma_semaphore, #tpu.memory_space<semaphore_mem>>) src(%dma_wait3A_41 : memref<128x64xf32, #tpu.memory_space<hbm>>) dst(%arg8 : memref<128x64xf32, #tpu.memory_space<vmem>>)
    %dma_wait3A_42 = arith.constant 0 : i32
    %dma_wait3A_43 = arith.constant 0 : i32
    %dma_wait3A_44 = tpu.memref_slice %arg2[%dma_wait3A_42, %dma_wait3A_43] : memref<10240x128xf32, #tpu.memory_space<hbm>> -> memref<128x64xf32, #tpu.memory_space<hbm>>
    %dma_wait3A_45 = arith.constant 0 : i32
    %dma_wait3A_46 = arith.constant 0 : i32
    %dma_wait3A_47 = tpu.memref_slice %arg2[%dma_wait3A_45, %dma_wait3A_46] : memref<10240x128xf32, #tpu.memory_space<hbm>> -> memref<128x64xf32, #tpu.memory_space<hbm>>
    tpu.wait_dma2 semaphore(%arg21 : memref<!tpu.dma_semaphore, #tpu.memory_space<semaphore_mem>>) src(%dma_wait3A_47 : memref<128x64xf32, #tpu.memory_space<hbm>>) dst(%arg9 : memref<128x64xf32, #tpu.memory_space<vmem>>)
    %dma_wait3A_48 = arith.constant 0 : i32
    %dma_wait3A_49 = arith.constant 0 : i32
    %dma_wait3A_50 = tpu.memref_slice %arg2[%dma_wait3A_48, %dma_wait3A_49] : memref<10240x128xf32, #tpu.memory_space<hbm>> -> memref<128x64xf32, #tpu.memory_space<hbm>>
    %dma_wait3A_51 = arith.constant 0 : i32
    %dma_wait3A_52 = arith.constant 0 : i32
    %dma_wait3A_53 = tpu.memref_slice %arg2[%dma_wait3A_51, %dma_wait3A_52] : memref<10240x128xf32, #tpu.memory_space<hbm>> -> memref<128x64xf32, #tpu.memory_space<hbm>>
    tpu.wait_dma2 semaphore(%arg22 : memref<!tpu.dma_semaphore, #tpu.memory_space<semaphore_mem>>) src(%dma_wait3A_53 : memref<128x64xf32, #tpu.memory_space<hbm>>) dst(%arg10 : memref<128x64xf32, #tpu.memory_space<vmem>>)
    %dma_wait3A_54 = arith.constant 0 : i32
    %dma_wait3A_55 = arith.constant 0 : i32
    %dma_wait3A_56 = tpu.memref_slice %arg2[%dma_wait3A_54, %dma_wait3A_55] : memref<10240x128xf32, #tpu.memory_space<hbm>> -> memref<128x64xf32, #tpu.memory_space<hbm>>
    %dma_wait3A_57 = arith.constant 0 : i32
    %dma_wait3A_58 = arith.constant 0 : i32
    %dma_wait3A_59 = tpu.memref_slice %arg2[%dma_wait3A_57, %dma_wait3A_58] : memref<10240x128xf32, #tpu.memory_space<hbm>> -> memref<128x64xf32, #tpu.memory_space<hbm>>
    tpu.wait_dma2 semaphore(%arg23 : memref<!tpu.dma_semaphore, #tpu.memory_space<semaphore_mem>>) src(%dma_wait3A_59 : memref<128x64xf32, #tpu.memory_space<hbm>>) dst(%arg11 : memref<128x64xf32, #tpu.memory_space<vmem>>)
    %barrier3A_60 = arith.constant 0 : index
    tpu.barrier barrier_id(%barrier3A_60)
    %eq3A_61 = arith.constant 0 : i32
    %eq3A_62 = arith.cmpi eq, %arg0, %eq3A_61 : i32
    %convert_element_type3A_63 = arith.extui %eq3A_62 : i1 to i32
    %cond3A_64 = arith.constant 0 : i32
    %cond3A_65 = arith.cmpi ne, %convert_element_type3A_63, %cond3A_64 : i32
    scf.if %cond3A_65 {
      "tpu.region"() ({
        %run_scoped3A = tpu.sem_alloc : memref<!tpu.dma_semaphore, #tpu.memory_space<semaphore_mem>>
        %dma_start3A = arith.constant 0 : i32
        %dma_start3A_71 = tpu.memref_slice %arg4[%mul3A_0, %dma_start3A] : memref<10240x128xf32, #tpu.memory_space<hbm>> -> memref<640x64xf32, #tpu.memory_space<hbm>>
        %dma_start3A_72 = arith.constant 0 : i32
        %dma_start3A_73 = tpu.memref_slice %arg13[%mul3A_0, %dma_start3A_72] : memref<10240x64xf32, #tpu.memory_space<vmem_shared>> -> memref<640x64xf32, #tpu.memory_space<vmem_shared>>
        tpu.enqueue_dma source(%dma_start3A_73 : memref<640x64xf32, #tpu.memory_space<vmem_shared>>) target(%dma_start3A_71 : memref<640x64xf32, #tpu.memory_space<hbm>>) target_semaphore(%run_scoped3A : memref<!tpu.dma_semaphore, #tpu.memory_space<semaphore_mem>>)
        %dma_wait3A_74 = arith.constant 0 : i32
        %dma_wait3A_75 = tpu.memref_slice %arg4[%mul3A_0, %dma_wait3A_74] : memref<10240x128xf32, #tpu.memory_space<hbm>> -> memref<640x64xf32, #tpu.memory_space<hbm>>
        %dma_wait3A_76 = arith.constant 0 : i32
        %dma_wait3A_77 = tpu.memref_slice %arg13[%mul3A_0, %dma_wait3A_76] : memref<10240x64xf32, #tpu.memory_space<vmem_shared>> -> memref<640x64xf32, #tpu.memory_space<vmem_shared>>
        tpu.wait_dma2 semaphore(%run_scoped3A : memref<!tpu.dma_semaphore, #tpu.memory_space<semaphore_mem>>) src(%dma_wait3A_77 : memref<640x64xf32, #tpu.memory_space<vmem_shared>>) dst(%dma_wait3A_75 : memref<640x64xf32, #tpu.memory_space<hbm>>)
        tpu.yield
      }) : () -> ()
    } else {
    }
    %eq3A_66 = arith.constant 1 : i32
    %eq3A_67 = arith.cmpi eq, %arg0, %eq3A_66 : i32
    %convert_element_type3A_68 = arith.extui %eq3A_67 : i1 to i32
    %cond3A_69 = arith.constant 0 : i32
    %cond3A_70 = arith.cmpi ne, %convert_element_type3A_68, %cond3A_69 : i32
    scf.if %cond3A_70 {
      "tpu.region"() ({
        %run_scoped3A = tpu.sem_alloc : memref<!tpu.dma_semaphore, #tpu.memory_space<semaphore_mem>>
        %dma_start3A = arith.constant 64 : i32
        %dma_start3A_71 = tpu.memref_slice %arg4[%mul3A_0, %dma_start3A] : memref<10240x128xf32, #tpu.memory_space<hbm>> -> memref<640x64xf32, #tpu.memory_space<hbm>>
        %dma_start3A_72 = arith.constant 0 : i32
        %dma_start3A_73 = tpu.memref_slice %arg13[%mul3A_0, %dma_start3A_72] : memref<10240x64xf32, #tpu.memory_space<vmem_shared>> -> memref<640x64xf32, #tpu.memory_space<vmem_shared>>
        tpu.enqueue_dma source(%dma_start3A_73 : memref<640x64xf32, #tpu.memory_space<vmem_shared>>) target(%dma_start3A_71 : memref<640x64xf32, #tpu.memory_space<hbm>>) target_semaphore(%run_scoped3A : memref<!tpu.dma_semaphore, #tpu.memory_space<semaphore_mem>>)
        %dma_wait3A_74 = arith.constant 64 : i32
        %dma_wait3A_75 = tpu.memref_slice %arg4[%mul3A_0, %dma_wait3A_74] : memref<10240x128xf32, #tpu.memory_space<hbm>> -> memref<640x64xf32, #tpu.memory_space<hbm>>
        %dma_wait3A_76 = arith.constant 0 : i32
        %dma_wait3A_77 = tpu.memref_slice %arg13[%mul3A_0, %dma_wait3A_76] : memref<10240x64xf32, #tpu.memory_space<vmem_shared>> -> memref<640x64xf32, #tpu.memory_space<vmem_shared>>
        tpu.wait_dma2 semaphore(%run_scoped3A : memref<!tpu.dma_semaphore, #tpu.memory_space<semaphore_mem>>) src(%dma_wait3A_77 : memref<640x64xf32, #tpu.memory_space<vmem_shared>>) dst(%dma_wait3A_75 : memref<640x64xf32, #tpu.memory_space<hbm>>)
        tpu.yield
      }) : () -> ()
    } else {
    }
    return
  }
}

#map = affine_map<(d0, d1) -> (0, 0)>
#map1 = affine_map<(d0, d1) -> (0, 0, 0, 0)>
module attributes {stable_mosaic.version = 14 : i64} {
  func.func @_sc_agg_body(%arg0: i32, %arg1: i32, %arg2: memref<10240x128xf32, #tpu.memory_space<hbm>>, %arg3: memref<2x16x160x128xi32, #tpu.memory_space<hbm>>, %arg4: memref<10240x128xf32, #tpu.memory_space<hbm>>, %arg5: memref<20x128xi32, #tpu.memory_space<vmem>>, %arg6: memref<20x128xi32, #tpu.memory_space<vmem>>, %arg7: memref<128x64xf32, #tpu.memory_space<vmem>>, %arg8: memref<128x64xf32, #tpu.memory_space<vmem>>, %arg9: memref<128x64xf32, #tpu.memory_space<vmem>>, %arg10: memref<128x64xf32, #tpu.memory_space<vmem>>, %arg11: memref<128x64xf32, #tpu.memory_space<vmem>>, %arg12: memref<10240x64xf32, #tpu.memory_space<vmem_shared>>, %arg13: memref<10240x64xf32, #tpu.memory_space<vmem_shared>>, %arg14: memref<!tpu.dma_semaphore, #tpu.memory_space<semaphore_mem>>, %arg15: memref<!tpu.dma_semaphore, #tpu.memory_space<semaphore_mem>>, %arg16: memref<!tpu.dma_semaphore, #tpu.memory_space<semaphore_mem>>, %arg17: memref<!tpu.dma_semaphore, #tpu.memory_space<semaphore_mem>>, %arg18: memref<!tpu.dma_semaphore, #tpu.memory_space<semaphore_mem>>, %arg19: memref<!tpu.dma_semaphore, #tpu.memory_space<semaphore_mem>>, %arg20: memref<!tpu.dma_semaphore, #tpu.memory_space<semaphore_mem>>, %arg21: memref<!tpu.dma_semaphore, #tpu.memory_space<semaphore_mem>>, %arg22: memref<!tpu.dma_semaphore, #tpu.memory_space<semaphore_mem>>, %arg23: memref<!tpu.dma_semaphore, #tpu.memory_space<semaphore_mem>>) attributes {dimension_semantics = [#tpu.dimension_semantics<core_parallel>, #tpu.dimension_semantics<subcore_parallel>], iteration_bounds = array<i64: 2, 16>, scalar_prefetch = 0 : i64, scratch_operands = 19 : i64, tpu.core_type = #tpu.core_type<sc_vector_subcore>, window_params = [{transform_indices = #map}, {transform_indices = #map1}, {transform_indices = #map}]} {
    %mul3A = arith.constant 640 : i32
    %mul3A_0 = arith.muli %arg1, %mul3A : i32
    %eq3A = arith.constant 0 : i32
    %eq3A_1 = arith.cmpi eq, %arg0, %eq3A : i32
    %convert_element_type3A = arith.extui %eq3A_1 : i1 to i32
    %cond3A = arith.constant 0 : i32
    %cond3A_2 = arith.cmpi ne, %convert_element_type3A, %cond3A : i32
    scf.if %cond3A_2 {
      "tpu.region"() ({
        %run_scoped3A = tpu.sem_alloc : memref<!tpu.dma_semaphore, #tpu.memory_space<semaphore_mem>>
        %dma_start3A = arith.constant 0 : i32
        %dma_start3A_71 = tpu.memref_slice %arg12[%mul3A_0, %dma_start3A] : memref<10240x64xf32, #tpu.memory_space<vmem_shared>> -> memref<640x64xf32, #tpu.memory_space<vmem_shared>>
        %dma_start3A_72 = arith.constant 0 : i32
        %dma_start3A_73 = tpu.memref_slice %arg2[%mul3A_0, %dma_start3A_72] : memref<10240x128xf32, #tpu.memory_space<hbm>> -> memref<640x64xf32, #tpu.memory_space<hbm>>
        tpu.enqueue_dma source(%dma_start3A_73 : memref<640x64xf32, #tpu.memory_space<hbm>>) target(%dma_start3A_71 : memref<640x64xf32, #tpu.memory_space<vmem_shared>>) target_semaphore(%run_scoped3A : memref<!tpu.dma_semaphore, #tpu.memory_space<semaphore_mem>>)
        %dma_wait3A_74 = arith.constant 0 : i32
        %dma_wait3A_75 = tpu.memref_slice %arg12[%mul3A_0, %dma_wait3A_74] : memref<10240x64xf32, #tpu.memory_space<vmem_shared>> -> memref<640x64xf32, #tpu.memory_space<vmem_shared>>
        %dma_wait3A_76 = arith.constant 0 : i32
        %dma_wait3A_77 = tpu.memref_slice %arg2[%mul3A_0, %dma_wait3A_76] : memref<10240x128xf32, #tpu.memory_space<hbm>> -> memref<640x64xf32, #tpu.memory_space<hbm>>
        tpu.wait_dma2 semaphore(%run_scoped3A : memref<!tpu.dma_semaphore, #tpu.memory_space<semaphore_mem>>) src(%dma_wait3A_77 : memref<640x64xf32, #tpu.memory_space<hbm>>) dst(%dma_wait3A_75 : memref<640x64xf32, #tpu.memory_space<vmem_shared>>)
        tpu.yield
      }) : () -> ()
    } else {
    }
    %eq3A_3 = arith.constant 1 : i32
    %eq3A_4 = arith.cmpi eq, %arg0, %eq3A_3 : i32
    %convert_element_type3A_5 = arith.extui %eq3A_4 : i1 to i32
    %cond3A_6 = arith.constant 0 : i32
    %cond3A_7 = arith.cmpi ne, %convert_element_type3A_5, %cond3A_6 : i32
    scf.if %cond3A_7 {
      "tpu.region"() ({
        %run_scoped3A = tpu.sem_alloc : memref<!tpu.dma_semaphore, #tpu.memory_space<semaphore_mem>>
        %dma_start3A = arith.constant 0 : i32
        %dma_start3A_71 = tpu.memref_slice %arg12[%mul3A_0, %dma_start3A] : memref<10240x64xf32, #tpu.memory_space<vmem_shared>> -> memref<640x64xf32, #tpu.memory_space<vmem_shared>>
        %dma_start3A_72 = arith.constant 64 : i32
        %dma_start3A_73 = tpu.memref_slice %arg2[%mul3A_0, %dma_start3A_72] : memref<10240x128xf32, #tpu.memory_space<hbm>> -> memref<640x64xf32, #tpu.memory_space<hbm>>
        tpu.enqueue_dma source(%dma_start3A_73 : memref<640x64xf32, #tpu.memory_space<hbm>>) target(%dma_start3A_71 : memref<640x64xf32, #tpu.memory_space<vmem_shared>>) target_semaphore(%run_scoped3A : memref<!tpu.dma_semaphore, #tpu.memory_space<semaphore_mem>>)
        %dma_wait3A_74 = arith.constant 0 : i32
        %dma_wait3A_75 = tpu.memref_slice %arg12[%mul3A_0, %dma_wait3A_74] : memref<10240x64xf32, #tpu.memory_space<vmem_shared>> -> memref<640x64xf32, #tpu.memory_space<vmem_shared>>
        %dma_wait3A_76 = arith.constant 64 : i32
        %dma_wait3A_77 = tpu.memref_slice %arg2[%mul3A_0, %dma_wait3A_76] : memref<10240x128xf32, #tpu.memory_space<hbm>> -> memref<640x64xf32, #tpu.memory_space<hbm>>
        tpu.wait_dma2 semaphore(%run_scoped3A : memref<!tpu.dma_semaphore, #tpu.memory_space<semaphore_mem>>) src(%dma_wait3A_77 : memref<640x64xf32, #tpu.memory_space<hbm>>) dst(%dma_wait3A_75 : memref<640x64xf32, #tpu.memory_space<vmem_shared>>)
        tpu.yield
      }) : () -> ()
    } else {
    }
    %broadcast_in_dim3A = arith.constant 0.000000e+00 : f32
    %broadcast_in_dim3A_8 = vector.broadcast %broadcast_in_dim3A : f32 to vector<16xf32>
    %scan3A = arith.constant 0 : i32
    %scan3A_9 = arith.constant 0 : i32
    %scan3A_10 = arith.constant 128 : i32
    %scan3A_11 = arith.addi %scan3A_9, %scan3A_10 : i32
    %scan3A_12 = arith.constant 1 : i32
    %scan3A_13 = scf.for %scan3A_71 = %scan3A_9 to %scan3A_11 step %scan3A_12 iter_args(%scan3A_72 = %scan3A) -> (i32)  : i32 {
      %swap3A = arith.index_cast %scan3A_71 : i32 to index
      %swap3A_73 = arith.constant 0 : index
      %swap3A_74 = tpu.vector_load %arg7[%swap3A, %swap3A_73] {strides = array<i32>} : memref<128x64xf32, #tpu.memory_space<vmem>>, vector<1x16xf32>,
      %swap3A_75 = vector.shape_cast %swap3A_74 : vector<1x16xf32> to vector<16xf32>
      %swap3A_76 = vector.shape_cast %broadcast_in_dim3A_8 : vector<16xf32> to vector<1x16xf32>
      tpu.vector_store %arg7[%swap3A, %swap3A_73], %swap3A_76 {strides = array<i32>} : memref<128x64xf32, #tpu.memory_space<vmem>>, vector<1x16xf32>,
      %swap3A_77 = arith.index_cast %scan3A_71 : i32 to index
      %swap3A_78 = arith.constant 16 : index
      %swap3A_79 = tpu.vector_load %arg7[%swap3A_77, %swap3A_78] {strides = array<i32>} : memref<128x64xf32, #tpu.memory_space<vmem>>, vector<1x16xf32>,
      %swap3A_80 = vector.shape_cast %swap3A_79 : vector<1x16xf32> to vector<16xf32>
      %swap3A_81 = vector.shape_cast %broadcast_in_dim3A_8 : vector<16xf32> to vector<1x16xf32>
      tpu.vector_store %arg7[%swap3A_77, %swap3A_78], %swap3A_81 {strides = array<i32>} : memref<128x64xf32, #tpu.memory_space<vmem>>, vector<1x16xf32>,
      %swap3A_82 = arith.index_cast %scan3A_71 : i32 to index
      %swap3A_83 = arith.constant 32 : index
      %swap3A_84 = tpu.vector_load %arg7[%swap3A_82, %swap3A_83] {strides = array<i32>} : memref<128x64xf32, #tpu.memory_space<vmem>>, vector<1x16xf32>,
      %swap3A_85 = vector.shape_cast %swap3A_84 : vector<1x16xf32> to vector<16xf32>
      %swap3A_86 = vector.shape_cast %broadcast_in_dim3A_8 : vector<16xf32> to vector<1x16xf32>
      tpu.vector_store %arg7[%swap3A_82, %swap3A_83], %swap3A_86 {strides = array<i32>} : memref<128x64xf32, #tpu.memory_space<vmem>>, vector<1x16xf32>,
      %swap3A_87 = arith.index_cast %scan3A_71 : i32 to index
      %swap3A_88 = arith.constant 48 : index
      %swap3A_89 = tpu.vector_load %arg7[%swap3A_87, %swap3A_88] {strides = array<i32>} : memref<128x64xf32, #tpu.memory_space<vmem>>, vector<1x16xf32>,
      %swap3A_90 = vector.shape_cast %swap3A_89 : vector<1x16xf32> to vector<16xf32>
      %swap3A_91 = vector.shape_cast %broadcast_in_dim3A_8 : vector<16xf32> to vector<1x16xf32>
      tpu.vector_store %arg7[%swap3A_87, %swap3A_88], %swap3A_91 {strides = array<i32>} : memref<128x64xf32, #tpu.memory_space<vmem>>, vector<1x16xf32>,
      %scan3A_92 = arith.constant 0 : i32
      scf.yield %scan3A_92 : i32
    }
    %scan3A_14 = arith.constant 128 : i32
    %add3A = arith.constant 0 : i32
    %add3A_15 = arith.addi %mul3A_0, %add3A : i32
    "tpu.region"() ({
      %run_scoped3A = tpu.sem_alloc : memref<!tpu.dma_semaphore, #tpu.memory_space<semaphore_mem>>
      %dma_start3A = arith.constant 0 : i32
      %dma_start3A_71 = tpu.memref_slice %arg13[%add3A_15, %dma_start3A] : memref<10240x64xf32, #tpu.memory_space<vmem_shared>> -> memref<128x64xf32, #tpu.memory_space<vmem_shared>>
      %dma_start3A_72 = arith.constant 0 : i32
      %dma_start3A_73 = tpu.memref_slice %arg13[%add3A_15, %dma_start3A_72] : memref<10240x64xf32, #tpu.memory_space<vmem_shared>> -> memref<128x64xf32, #tpu.memory_space<vmem_shared>>
      tpu.enqueue_dma source(%arg7 : memref<128x64xf32, #tpu.memory_space<vmem>>) target(%dma_start3A_73 : memref<128x64xf32, #tpu.memory_space<vmem_shared>>) target_semaphore(%run_scoped3A : memref<!tpu.dma_semaphore, #tpu.memory_space<semaphore_mem>>)
      %dma_wait3A_74 = arith.constant 0 : i32
      %dma_wait3A_75 = tpu.memref_slice %arg13[%add3A_15, %dma_wait3A_74] : memref<10240x64xf32, #tpu.memory_space<vmem_shared>> -> memref<128x64xf32, #tpu.memory_space<vmem_shared>>
      %dma_wait3A_76 = arith.constant 0 : i32
      %dma_wait3A_77 = tpu.memref_slice %arg13[%add3A_15, %dma_wait3A_76] : memref<10240x64xf32, #tpu.memory_space<vmem_shared>> -> memref<128x64xf32, #tpu.memory_space<vmem_shared>>
      tpu.wait_dma2 semaphore(%run_scoped3A : memref<!tpu.dma_semaphore, #tpu.memory_space<semaphore_mem>>) src(%arg7 : memref<128x64xf32, #tpu.memory_space<vmem>>) dst(%dma_wait3A_77 : memref<128x64xf32, #tpu.memory_space<vmem_shared>>)
      tpu.yield
    }) : () -> ()
    %add3A_16 = arith.constant 128 : i32
    %add3A_17 = arith.addi %mul3A_0, %add3A_16 : i32
    "tpu.region"() ({
      %run_scoped3A = tpu.sem_alloc : memref<!tpu.dma_semaphore, #tpu.memory_space<semaphore_mem>>
      %dma_start3A = arith.constant 0 : i32
      %dma_start3A_71 = tpu.memref_slice %arg13[%add3A_17, %dma_start3A] : memref<10240x64xf32, #tpu.memory_space<vmem_shared>> -> memref<128x64xf32, #tpu.memory_space<vmem_shared>>
      %dma_start3A_72 = arith.constant 0 : i32
      %dma_start3A_73 = tpu.memref_slice %arg13[%add3A_17, %dma_start3A_72] : memref<10240x64xf32, #tpu.memory_space<vmem_shared>> -> memref<128x64xf32, #tpu.memory_space<vmem_shared>>
      tpu.enqueue_dma source(%arg7 : memref<128x64xf32, #tpu.memory_space<vmem>>) target(%dma_start3A_73 : memref<128x64xf32, #tpu.memory_space<vmem_shared>>) target_semaphore(%run_scoped3A : memref<!tpu.dma_semaphore, #tpu.memory_space<semaphore_mem>>)
      %dma_wait3A_74 = arith.constant 0 : i32
      %dma_wait3A_75 = tpu.memref_slice %arg13[%add3A_17, %dma_wait3A_74] : memref<10240x64xf32, #tpu.memory_space<vmem_shared>> -> memref<128x64xf32, #tpu.memory_space<vmem_shared>>
      %dma_wait3A_76 = arith.constant 0 : i32
      %dma_wait3A_77 = tpu.memref_slice %arg13[%add3A_17, %dma_wait3A_76] : memref<10240x64xf32, #tpu.memory_space<vmem_shared>> -> memref<128x64xf32, #tpu.memory_space<vmem_shared>>
      tpu.wait_dma2 semaphore(%run_scoped3A : memref<!tpu.dma_semaphore, #tpu.memory_space<semaphore_mem>>) src(%arg7 : memref<128x64xf32, #tpu.memory_space<vmem>>) dst(%dma_wait3A_77 : memref<128x64xf32, #tpu.memory_space<vmem_shared>>)
      tpu.yield
    }) : () -> ()
    %add3A_18 = arith.constant 256 : i32
    %add3A_19 = arith.addi %mul3A_0, %add3A_18 : i32
    "tpu.region"() ({
      %run_scoped3A = tpu.sem_alloc : memref<!tpu.dma_semaphore, #tpu.memory_space<semaphore_mem>>
      %dma_start3A = arith.constant 0 : i32
      %dma_start3A_71 = tpu.memref_slice %arg13[%add3A_19, %dma_start3A] : memref<10240x64xf32, #tpu.memory_space<vmem_shared>> -> memref<128x64xf32, #tpu.memory_space<vmem_shared>>
      %dma_start3A_72 = arith.constant 0 : i32
      %dma_start3A_73 = tpu.memref_slice %arg13[%add3A_19, %dma_start3A_72] : memref<10240x64xf32, #tpu.memory_space<vmem_shared>> -> memref<128x64xf32, #tpu.memory_space<vmem_shared>>
      tpu.enqueue_dma source(%arg7 : memref<128x64xf32, #tpu.memory_space<vmem>>) target(%dma_start3A_73 : memref<128x64xf32, #tpu.memory_space<vmem_shared>>) target_semaphore(%run_scoped3A : memref<!tpu.dma_semaphore, #tpu.memory_space<semaphore_mem>>)
      %dma_wait3A_74 = arith.constant 0 : i32
      %dma_wait3A_75 = tpu.memref_slice %arg13[%add3A_19, %dma_wait3A_74] : memref<10240x64xf32, #tpu.memory_space<vmem_shared>> -> memref<128x64xf32, #tpu.memory_space<vmem_shared>>
      %dma_wait3A_76 = arith.constant 0 : i32
      %dma_wait3A_77 = tpu.memref_slice %arg13[%add3A_19, %dma_wait3A_76] : memref<10240x64xf32, #tpu.memory_space<vmem_shared>> -> memref<128x64xf32, #tpu.memory_space<vmem_shared>>
      tpu.wait_dma2 semaphore(%run_scoped3A : memref<!tpu.dma_semaphore, #tpu.memory_space<semaphore_mem>>) src(%arg7 : memref<128x64xf32, #tpu.memory_space<vmem>>) dst(%dma_wait3A_77 : memref<128x64xf32, #tpu.memory_space<vmem_shared>>)
      tpu.yield
    }) : () -> ()
    %add3A_20 = arith.constant 384 : i32
    %add3A_21 = arith.addi %mul3A_0, %add3A_20 : i32
    "tpu.region"() ({
      %run_scoped3A = tpu.sem_alloc : memref<!tpu.dma_semaphore, #tpu.memory_space<semaphore_mem>>
      %dma_start3A = arith.constant 0 : i32
      %dma_start3A_71 = tpu.memref_slice %arg13[%add3A_21, %dma_start3A] : memref<10240x64xf32, #tpu.memory_space<vmem_shared>> -> memref<128x64xf32, #tpu.memory_space<vmem_shared>>
      %dma_start3A_72 = arith.constant 0 : i32
      %dma_start3A_73 = tpu.memref_slice %arg13[%add3A_21, %dma_start3A_72] : memref<10240x64xf32, #tpu.memory_space<vmem_shared>> -> memref<128x64xf32, #tpu.memory_space<vmem_shared>>
      tpu.enqueue_dma source(%arg7 : memref<128x64xf32, #tpu.memory_space<vmem>>) target(%dma_start3A_73 : memref<128x64xf32, #tpu.memory_space<vmem_shared>>) target_semaphore(%run_scoped3A : memref<!tpu.dma_semaphore, #tpu.memory_space<semaphore_mem>>)
      %dma_wait3A_74 = arith.constant 0 : i32
      %dma_wait3A_75 = tpu.memref_slice %arg13[%add3A_21, %dma_wait3A_74] : memref<10240x64xf32, #tpu.memory_space<vmem_shared>> -> memref<128x64xf32, #tpu.memory_space<vmem_shared>>
      %dma_wait3A_76 = arith.constant 0 : i32
      %dma_wait3A_77 = tpu.memref_slice %arg13[%add3A_21, %dma_wait3A_76] : memref<10240x64xf32, #tpu.memory_space<vmem_shared>> -> memref<128x64xf32, #tpu.memory_space<vmem_shared>>
      tpu.wait_dma2 semaphore(%run_scoped3A : memref<!tpu.dma_semaphore, #tpu.memory_space<semaphore_mem>>) src(%arg7 : memref<128x64xf32, #tpu.memory_space<vmem>>) dst(%dma_wait3A_77 : memref<128x64xf32, #tpu.memory_space<vmem_shared>>)
      tpu.yield
    }) : () -> ()
    %add3A_22 = arith.constant 512 : i32
    %add3A_23 = arith.addi %mul3A_0, %add3A_22 : i32
    "tpu.region"() ({
      %run_scoped3A = tpu.sem_alloc : memref<!tpu.dma_semaphore, #tpu.memory_space<semaphore_mem>>
      %dma_start3A = arith.constant 0 : i32
      %dma_start3A_71 = tpu.memref_slice %arg13[%add3A_23, %dma_start3A] : memref<10240x64xf32, #tpu.memory_space<vmem_shared>> -> memref<128x64xf32, #tpu.memory_space<vmem_shared>>
      %dma_start3A_72 = arith.constant 0 : i32
      %dma_start3A_73 = tpu.memref_slice %arg13[%add3A_23, %dma_start3A_72] : memref<10240x64xf32, #tpu.memory_space<vmem_shared>> -> memref<128x64xf32, #tpu.memory_space<vmem_shared>>
      tpu.enqueue_dma source(%arg7 : memref<128x64xf32, #tpu.memory_space<vmem>>) target(%dma_start3A_73 : memref<128x64xf32, #tpu.memory_space<vmem_shared>>) target_semaphore(%run_scoped3A : memref<!tpu.dma_semaphore, #tpu.memory_space<semaphore_mem>>)
      %dma_wait3A_74 = arith.constant 0 : i32
      %dma_wait3A_75 = tpu.memref_slice %arg13[%add3A_23, %dma_wait3A_74] : memref<10240x64xf32, #tpu.memory_space<vmem_shared>> -> memref<128x64xf32, #tpu.memory_space<vmem_shared>>
      %dma_wait3A_76 = arith.constant 0 : i32
      %dma_wait3A_77 = tpu.memref_slice %arg13[%add3A_23, %dma_wait3A_76] : memref<10240x64xf32, #tpu.memory_space<vmem_shared>> -> memref<128x64xf32, #tpu.memory_space<vmem_shared>>
      tpu.wait_dma2 semaphore(%run_scoped3A : memref<!tpu.dma_semaphore, #tpu.memory_space<semaphore_mem>>) src(%arg7 : memref<128x64xf32, #tpu.memory_space<vmem>>) dst(%dma_wait3A_77 : memref<128x64xf32, #tpu.memory_space<vmem_shared>>)
      tpu.yield
    }) : () -> ()
    %barrier3A = arith.constant 0 : index
    tpu.barrier barrier_id(%barrier3A)
    %scan3A_24 = arith.constant 0 : i32
    %scan3A_25 = arith.constant 0 : i32
    %scan3A_26 = arith.constant 8 : i32
    %scan3A_27 = arith.addi %scan3A_25, %scan3A_26 : i32
    %scan3A_28 = arith.constant 1 : i32
    %scan3A_29 = scf.for %scan3A_71 = %scan3A_25 to %scan3A_27 step %scan3A_28 iter_args(%scan3A_72 = %scan3A_24) -> (i32)  : i32 {
      %gt3A = arith.constant 0 : i32
      %gt3A_73 = arith.cmpi sgt, %scan3A_71, %gt3A : i32
      %convert_element_type3A_74 = arith.extui %gt3A_73 : i1 to i32
      %cond3A_75 = arith.constant 0 : i32
      %cond3A_76 = arith.cmpi ne, %convert_element_type3A_74, %cond3A_75 : i32
      scf.if %cond3A_76 {
        %dma_wait3A_90 = arith.constant 0 : i32
        %dma_wait3A_91 = arith.constant 0 : i32
        %dma_wait3A_92 = tpu.memref_slice %arg2[%dma_wait3A_90, %dma_wait3A_91] : memref<10240x128xf32, #tpu.memory_space<hbm>> -> memref<128x64xf32, #tpu.memory_space<hbm>>
        %dma_wait3A_93 = arith.constant 0 : i32
        %dma_wait3A_94 = arith.constant 0 : i32
        %dma_wait3A_95 = tpu.memref_slice %arg2[%dma_wait3A_93, %dma_wait3A_94] : memref<10240x128xf32, #tpu.memory_space<hbm>> -> memref<128x64xf32, #tpu.memory_space<hbm>>
        tpu.wait_dma2 semaphore(%arg19 : memref<!tpu.dma_semaphore, #tpu.memory_space<semaphore_mem>>) src(%dma_wait3A_95 : memref<128x64xf32, #tpu.memory_space<hbm>>) dst(%arg7 : memref<128x64xf32, #tpu.memory_space<vmem>>)
        %dma_wait3A_96 = arith.constant 0 : i32
        %dma_wait3A_97 = arith.constant 0 : i32
        %dma_wait3A_98 = tpu.memref_slice %arg2[%dma_wait3A_96, %dma_wait3A_97] : memref<10240x128xf32, #tpu.memory_space<hbm>> -> memref<128x64xf32, #tpu.memory_space<hbm>>
        %dma_wait3A_99 = arith.constant 0 : i32
        %dma_wait3A_100 = arith.constant 0 : i32
        %dma_wait3A_101 = tpu.memref_slice %arg2[%dma_wait3A_99, %dma_wait3A_100] : memref<10240x128xf32, #tpu.memory_space<hbm>> -> memref<128x64xf32, #tpu.memory_space<hbm>>
        tpu.wait_dma2 semaphore(%arg20 : memref<!tpu.dma_semaphore, #tpu.memory_space<semaphore_mem>>) src(%dma_wait3A_101 : memref<128x64xf32, #tpu.memory_space<hbm>>) dst(%arg8 : memref<128x64xf32, #tpu.memory_space<vmem>>)
        %dma_wait3A_102 = arith.constant 0 : i32
        %dma_wait3A_103 = arith.constant 0 : i32
        %dma_wait3A_104 = tpu.memref_slice %arg2[%dma_wait3A_102, %dma_wait3A_103] : memref<10240x128xf32, #tpu.memory_space<hbm>> -> memref<128x64xf32, #tpu.memory_space<hbm>>
        %dma_wait3A_105 = arith.constant 0 : i32
        %dma_wait3A_106 = arith.constant 0 : i32
        %dma_wait3A_107 = tpu.memref_slice %arg2[%dma_wait3A_105, %dma_wait3A_106] : memref<10240x128xf32, #tpu.memory_space<hbm>> -> memref<128x64xf32, #tpu.memory_space<hbm>>
        tpu.wait_dma2 semaphore(%arg21 : memref<!tpu.dma_semaphore, #tpu.memory_space<semaphore_mem>>) src(%dma_wait3A_107 : memref<128x64xf32, #tpu.memory_space<hbm>>) dst(%arg9 : memref<128x64xf32, #tpu.memory_space<vmem>>)
        %dma_wait3A_108 = arith.constant 0 : i32
        %dma_wait3A_109 = arith.constant 0 : i32
        %dma_wait3A_110 = tpu.memref_slice %arg2[%dma_wait3A_108, %dma_wait3A_109] : memref<10240x128xf32, #tpu.memory_space<hbm>> -> memref<128x64xf32, #tpu.memory_space<hbm>>
        %dma_wait3A_111 = arith.constant 0 : i32
        %dma_wait3A_112 = arith.constant 0 : i32
        %dma_wait3A_113 = tpu.memref_slice %arg2[%dma_wait3A_111, %dma_wait3A_112] : memref<10240x128xf32, #tpu.memory_space<hbm>> -> memref<128x64xf32, #tpu.memory_space<hbm>>
        tpu.wait_dma2 semaphore(%arg22 : memref<!tpu.dma_semaphore, #tpu.memory_space<semaphore_mem>>) src(%dma_wait3A_113 : memref<128x64xf32, #tpu.memory_space<hbm>>) dst(%arg10 : memref<128x64xf32, #tpu.memory_space<vmem>>)
        %dma_wait3A_114 = arith.constant 0 : i32
        %dma_wait3A_115 = arith.constant 0 : i32
        %dma_wait3A_116 = tpu.memref_slice %arg2[%dma_wait3A_114, %dma_wait3A_115] : memref<10240x128xf32, #tpu.memory_space<hbm>> -> memref<128x64xf32, #tpu.memory_space<hbm>>
        %dma_wait3A_117 = arith.constant 0 : i32
        %dma_wait3A_118 = arith.constant 0 : i32
        %dma_wait3A_119 = tpu.memref_slice %arg2[%dma_wait3A_117, %dma_wait3A_118] : memref<10240x128xf32, #tpu.memory_space<hbm>> -> memref<128x64xf32, #tpu.memory_space<hbm>>
        tpu.wait_dma2 semaphore(%arg23 : memref<!tpu.dma_semaphore, #tpu.memory_space<semaphore_mem>>) src(%dma_wait3A_119 : memref<128x64xf32, #tpu.memory_space<hbm>>) dst(%arg11 : memref<128x64xf32, #tpu.memory_space<vmem>>)
      } else {
      }
      %mul3A_77 = arith.constant 20 : i32
      %mul3A_78 = arith.muli %scan3A_71, %mul3A_77 : i32
      %run_scoped3A = arith.constant 0 : i32
      "tpu.region"() ({
        %run_scoped3A_90 = tpu.sem_alloc : memref<!tpu.dma_semaphore, #tpu.memory_space<semaphore_mem>>
        %dma_start3A = arith.constant 0 : i32
        %dma_start3A_91 = tpu.memref_slice %arg3[%run_scoped3A, %arg1, %mul3A_78, %dma_start3A] : memref<2x16x160x128xi32, #tpu.memory_space<hbm>> -> memref<1x1x20x128xi32, #tpu.memory_space<hbm>>
        %dma_start3A_92 = tpu.memref_squeeze %dma_start3A_91 : memref<1x1x20x128xi32, #tpu.memory_space<hbm>> -> memref<20x128xi32, #tpu.memory_space<hbm>>
        %dma_start3A_93 = arith.constant 0 : i32
        %dma_start3A_94 = tpu.memref_slice %arg3[%run_scoped3A, %arg1, %mul3A_78, %dma_start3A_93] : memref<2x16x160x128xi32, #tpu.memory_space<hbm>> -> memref<1x1x20x128xi32, #tpu.memory_space<hbm>>
        %dma_start3A_95 = tpu.memref_squeeze %dma_start3A_94 : memref<1x1x20x128xi32, #tpu.memory_space<hbm>> -> memref<20x128xi32, #tpu.memory_space<hbm>>
        tpu.enqueue_dma source(%dma_start3A_95 : memref<20x128xi32, #tpu.memory_space<hbm>>) target(%arg5 : memref<20x128xi32, #tpu.memory_space<vmem>>) target_semaphore(%run_scoped3A_90 : memref<!tpu.dma_semaphore, #tpu.memory_space<semaphore_mem>>)
        %dma_wait3A_96 = arith.constant 0 : i32
        %dma_wait3A_97 = tpu.memref_slice %arg3[%run_scoped3A, %arg1, %mul3A_78, %dma_wait3A_96] : memref<2x16x160x128xi32, #tpu.memory_space<hbm>> -> memref<1x1x20x128xi32, #tpu.memory_space<hbm>>
        %dma_wait3A_98 = tpu.memref_squeeze %dma_wait3A_97 : memref<1x1x20x128xi32, #tpu.memory_space<hbm>> -> memref<20x128xi32, #tpu.memory_space<hbm>>
        %dma_wait3A_99 = arith.constant 0 : i32
        %dma_wait3A_100 = tpu.memref_slice %arg3[%run_scoped3A, %arg1, %mul3A_78, %dma_wait3A_99] : memref<2x16x160x128xi32, #tpu.memory_space<hbm>> -> memref<1x1x20x128xi32, #tpu.memory_space<hbm>>
        %dma_wait3A_101 = tpu.memref_squeeze %dma_wait3A_100 : memref<1x1x20x128xi32, #tpu.memory_space<hbm>> -> memref<20x128xi32, #tpu.memory_space<hbm>>
        tpu.wait_dma2 semaphore(%run_scoped3A_90 : memref<!tpu.dma_semaphore, #tpu.memory_space<semaphore_mem>>) src(%dma_wait3A_101 : memref<20x128xi32, #tpu.memory_space<hbm>>) dst(%arg5 : memref<20x128xi32, #tpu.memory_space<vmem>>)
        tpu.yield
      }) : () -> ()
      %mul3A_79 = arith.constant 20 : i32
      %mul3A_80 = arith.muli %scan3A_71, %mul3A_79 : i32
      %run_scoped3A_81 = arith.constant 1 : i32
      "tpu.region"() ({
        %run_scoped3A_90 = tpu.sem_alloc : memref<!tpu.dma_semaphore, #tpu.memory_space<semaphore_mem>>
        %dma_start3A = arith.constant 0 : i32
        %dma_start3A_91 = tpu.memref_slice %arg3[%run_scoped3A_81, %arg1, %mul3A_80, %dma_start3A] : memref<2x16x160x128xi32, #tpu.memory_space<hbm>> -> memref<1x1x20x128xi32, #tpu.memory_space<hbm>>
        %dma_start3A_92 = tpu.memref_squeeze %dma_start3A_91 : memref<1x1x20x128xi32, #tpu.memory_space<hbm>> -> memref<20x128xi32, #tpu.memory_space<hbm>>
        %dma_start3A_93 = arith.constant 0 : i32
        %dma_start3A_94 = tpu.memref_slice %arg3[%run_scoped3A_81, %arg1, %mul3A_80, %dma_start3A_93] : memref<2x16x160x128xi32, #tpu.memory_space<hbm>> -> memref<1x1x20x128xi32, #tpu.memory_space<hbm>>
        %dma_start3A_95 = tpu.memref_squeeze %dma_start3A_94 : memref<1x1x20x128xi32, #tpu.memory_space<hbm>> -> memref<20x128xi32, #tpu.memory_space<hbm>>
        tpu.enqueue_dma source(%dma_start3A_95 : memref<20x128xi32, #tpu.memory_space<hbm>>) target(%arg6 : memref<20x128xi32, #tpu.memory_space<vmem>>) target_semaphore(%run_scoped3A_90 : memref<!tpu.dma_semaphore, #tpu.memory_space<semaphore_mem>>)
        %dma_wait3A_96 = arith.constant 0 : i32
        %dma_wait3A_97 = tpu.memref_slice %arg3[%run_scoped3A_81, %arg1, %mul3A_80, %dma_wait3A_96] : memref<2x16x160x128xi32, #tpu.memory_space<hbm>> -> memref<1x1x20x128xi32, #tpu.memory_space<hbm>>
        %dma_wait3A_98 = tpu.memref_squeeze %dma_wait3A_97 : memref<1x1x20x128xi32, #tpu.memory_space<hbm>> -> memref<20x128xi32, #tpu.memory_space<hbm>>
        %dma_wait3A_99 = arith.constant 0 : i32
        %dma_wait3A_100 = tpu.memref_slice %arg3[%run_scoped3A_81, %arg1, %mul3A_80, %dma_wait3A_99] : memref<2x16x160x128xi32, #tpu.memory_space<hbm>> -> memref<1x1x20x128xi32, #tpu.memory_space<hbm>>
        %dma_wait3A_101 = tpu.memref_squeeze %dma_wait3A_100 : memref<1x1x20x128xi32, #tpu.memory_space<hbm>> -> memref<20x128xi32, #tpu.memory_space<hbm>>
        tpu.wait_dma2 semaphore(%run_scoped3A_90 : memref<!tpu.dma_semaphore, #tpu.memory_space<semaphore_mem>>) src(%dma_wait3A_101 : memref<20x128xi32, #tpu.memory_space<hbm>>) dst(%arg6 : memref<20x128xi32, #tpu.memory_space<vmem>>)
        tpu.yield
      }) : () -> ()
      %scan3A_82 = arith.constant 0 : i32
      %scan3A_83 = arith.constant 0 : i32
      %scan3A_84 = arith.constant 4 : i32
      %scan3A_85 = arith.addi %scan3A_83, %scan3A_84 : i32
      %scan3A_86 = arith.constant 1 : i32
      %scan3A_87 = scf.for %scan3A_90 = %scan3A_83 to %scan3A_85 step %scan3A_86 iter_args(%scan3A_91 = %scan3A_82) -> (i32)  : i32 {
        %mul3A_92 = arith.constant 5 : i32
        %mul3A_93 = arith.muli %mul3A_92, %scan3A_90 : i32
        %gt3A_94 = arith.constant 0 : i32
        %gt3A_95 = arith.cmpi sgt, %scan3A_90, %gt3A_94 : i32
        %convert_element_type3A_96 = arith.extui %gt3A_95 : i1 to i32
        %cond3A_97 = arith.constant 0 : i32
        %cond3A_98 = arith.cmpi ne, %convert_element_type3A_96, %cond3A_97 : i32
        scf.if %cond3A_98 {
          %dma_wait3A_229 = arith.constant 0 : i32
          %dma_wait3A_230 = arith.constant 0 : i32
          %dma_wait3A_231 = tpu.memref_slice %arg2[%dma_wait3A_229, %dma_wait3A_230] : memref<10240x128xf32, #tpu.memory_space<hbm>> -> memref<128x64xf32, #tpu.memory_space<hbm>>
          %dma_wait3A_232 = arith.constant 0 : i32
          %dma_wait3A_233 = arith.constant 0 : i32
          %dma_wait3A_234 = tpu.memref_slice %arg2[%dma_wait3A_232, %dma_wait3A_233] : memref<10240x128xf32, #tpu.memory_space<hbm>> -> memref<128x64xf32, #tpu.memory_space<hbm>>
          tpu.wait_dma2 semaphore(%arg19 : memref<!tpu.dma_semaphore, #tpu.memory_space<semaphore_mem>>) src(%dma_wait3A_234 : memref<128x64xf32, #tpu.memory_space<hbm>>) dst(%arg7 : memref<128x64xf32, #tpu.memory_space<vmem>>)
        } else {
        }
        %add3A_99 = arith.constant 0 : i32
        %add3A_100 = arith.addi %mul3A_93, %add3A_99 : i32
        %dma_start3A = arith.constant 0 : i32
        %dma_start3A_101 = tpu.memref_slice %arg5[%add3A_100, %dma_start3A] : memref<20x128xi32, #tpu.memory_space<vmem>> -> memref<1x128xi32, #tpu.memory_space<vmem>>
        %dma_start3A_102 = tpu.memref_squeeze %dma_start3A_101 : memref<1x128xi32, #tpu.memory_space<vmem>> -> memref<128xi32, #tpu.memory_space<vmem>>
        %dma_start3A_103 = arith.constant 0 : i32
        %dma_start3A_104 = arith.constant 0 : i32
        %dma_start3A_105 = tpu.memref_slice %arg12[%dma_start3A_103, %dma_start3A_104] : memref<10240x64xf32, #tpu.memory_space<vmem_shared>> -> memref<10240x64xf32, #tpu.memory_space<vmem_shared>>
        tpu.enqueue_indirect_dma source(%dma_start3A_105 : memref<10240x64xf32, #tpu.memory_space<vmem_shared>>) target(%arg7 : memref<128x64xf32, #tpu.memory_space<vmem>>) offsets(%dma_start3A_102 : memref<128xi32, #tpu.memory_space<vmem>>) semaphore(%arg14 : memref<!tpu.dma_semaphore, #tpu.memory_space<semaphore_mem>>)
        %gt3A_106 = arith.constant 0 : i32
        %gt3A_107 = arith.cmpi sgt, %scan3A_90, %gt3A_106 : i32
        %convert_element_type3A_108 = arith.extui %gt3A_107 : i1 to i32
        %cond3A_109 = arith.constant 0 : i32
        %cond3A_110 = arith.cmpi ne, %convert_element_type3A_108, %cond3A_109 : i32
        scf.if %cond3A_110 {
          %dma_wait3A_229 = arith.constant 0 : i32
          %dma_wait3A_230 = arith.constant 0 : i32
          %dma_wait3A_231 = tpu.memref_slice %arg2[%dma_wait3A_229, %dma_wait3A_230] : memref<10240x128xf32, #tpu.memory_space<hbm>> -> memref<128x64xf32, #tpu.memory_space<hbm>>
          %dma_wait3A_232 = arith.constant 0 : i32
          %dma_wait3A_233 = arith.constant 0 : i32
          %dma_wait3A_234 = tpu.memref_slice %arg2[%dma_wait3A_232, %dma_wait3A_233] : memref<10240x128xf32, #tpu.memory_space<hbm>> -> memref<128x64xf32, #tpu.memory_space<hbm>>
          tpu.wait_dma2 semaphore(%arg20 : memref<!tpu.dma_semaphore, #tpu.memory_space<semaphore_mem>>) src(%dma_wait3A_234 : memref<128x64xf32, #tpu.memory_space<hbm>>) dst(%arg8 : memref<128x64xf32, #tpu.memory_space<vmem>>)
        } else {
        }
        %add3A_111 = arith.constant 1 : i32
        %add3A_112 = arith.addi %mul3A_93, %add3A_111 : i32
        %dma_start3A_113 = arith.constant 0 : i32
        %dma_start3A_114 = tpu.memref_slice %arg5[%add3A_112, %dma_start3A_113] : memref<20x128xi32, #tpu.memory_space<vmem>> -> memref<1x128xi32, #tpu.memory_space<vmem>>
        %dma_start3A_115 = tpu.memref_squeeze %dma_start3A_114 : memref<1x128xi32, #tpu.memory_space<vmem>> -> memref<128xi32, #tpu.memory_space<vmem>>
        %dma_start3A_116 = arith.constant 0 : i32
        %dma_start3A_117 = arith.constant 0 : i32
        %dma_start3A_118 = tpu.memref_slice %arg12[%dma_start3A_116, %dma_start3A_117] : memref<10240x64xf32, #tpu.memory_space<vmem_shared>> -> memref<10240x64xf32, #tpu.memory_space<vmem_shared>>
        tpu.enqueue_indirect_dma source(%dma_start3A_118 : memref<10240x64xf32, #tpu.memory_space<vmem_shared>>) target(%arg8 : memref<128x64xf32, #tpu.memory_space<vmem>>) offsets(%dma_start3A_115 : memref<128xi32, #tpu.memory_space<vmem>>) semaphore(%arg15 : memref<!tpu.dma_semaphore, #tpu.memory_space<semaphore_mem>>)
        %gt3A_119 = arith.constant 0 : i32
        %gt3A_120 = arith.cmpi sgt, %scan3A_90, %gt3A_119 : i32
        %convert_element_type3A_121 = arith.extui %gt3A_120 : i1 to i32
        %cond3A_122 = arith.constant 0 : i32
        %cond3A_123 = arith.cmpi ne, %convert_element_type3A_121, %cond3A_122 : i32
        scf.if %cond3A_123 {
          %dma_wait3A_229 = arith.constant 0 : i32
          %dma_wait3A_230 = arith.constant 0 : i32
          %dma_wait3A_231 = tpu.memref_slice %arg2[%dma_wait3A_229, %dma_wait3A_230] : memref<10240x128xf32, #tpu.memory_space<hbm>> -> memref<128x64xf32, #tpu.memory_space<hbm>>
          %dma_wait3A_232 = arith.constant 0 : i32
          %dma_wait3A_233 = arith.constant 0 : i32
          %dma_wait3A_234 = tpu.memref_slice %arg2[%dma_wait3A_232, %dma_wait3A_233] : memref<10240x128xf32, #tpu.memory_space<hbm>> -> memref<128x64xf32, #tpu.memory_space<hbm>>
          tpu.wait_dma2 semaphore(%arg21 : memref<!tpu.dma_semaphore, #tpu.memory_space<semaphore_mem>>) src(%dma_wait3A_234 : memref<128x64xf32, #tpu.memory_space<hbm>>) dst(%arg9 : memref<128x64xf32, #tpu.memory_space<vmem>>)
        } else {
        }
        %add3A_124 = arith.constant 2 : i32
        %add3A_125 = arith.addi %mul3A_93, %add3A_124 : i32
        %dma_start3A_126 = arith.constant 0 : i32
        %dma_start3A_127 = tpu.memref_slice %arg5[%add3A_125, %dma_start3A_126] : memref<20x128xi32, #tpu.memory_space<vmem>> -> memref<1x128xi32, #tpu.memory_space<vmem>>
        %dma_start3A_128 = tpu.memref_squeeze %dma_start3A_127 : memref<1x128xi32, #tpu.memory_space<vmem>> -> memref<128xi32, #tpu.memory_space<vmem>>
        %dma_start3A_129 = arith.constant 0 : i32
        %dma_start3A_130 = arith.constant 0 : i32
        %dma_start3A_131 = tpu.memref_slice %arg12[%dma_start3A_129, %dma_start3A_130] : memref<10240x64xf32, #tpu.memory_space<vmem_shared>> -> memref<10240x64xf32, #tpu.memory_space<vmem_shared>>
        tpu.enqueue_indirect_dma source(%dma_start3A_131 : memref<10240x64xf32, #tpu.memory_space<vmem_shared>>) target(%arg9 : memref<128x64xf32, #tpu.memory_space<vmem>>) offsets(%dma_start3A_128 : memref<128xi32, #tpu.memory_space<vmem>>) semaphore(%arg16 : memref<!tpu.dma_semaphore, #tpu.memory_space<semaphore_mem>>)
        %gt3A_132 = arith.constant 0 : i32
        %gt3A_133 = arith.cmpi sgt, %scan3A_90, %gt3A_132 : i32
        %convert_element_type3A_134 = arith.extui %gt3A_133 : i1 to i32
        %cond3A_135 = arith.constant 0 : i32
        %cond3A_136 = arith.cmpi ne, %convert_element_type3A_134, %cond3A_135 : i32
        scf.if %cond3A_136 {
          %dma_wait3A_229 = arith.constant 0 : i32
          %dma_wait3A_230 = arith.constant 0 : i32
          %dma_wait3A_231 = tpu.memref_slice %arg2[%dma_wait3A_229, %dma_wait3A_230] : memref<10240x128xf32, #tpu.memory_space<hbm>> -> memref<128x64xf32, #tpu.memory_space<hbm>>
          %dma_wait3A_232 = arith.constant 0 : i32
          %dma_wait3A_233 = arith.constant 0 : i32
          %dma_wait3A_234 = tpu.memref_slice %arg2[%dma_wait3A_232, %dma_wait3A_233] : memref<10240x128xf32, #tpu.memory_space<hbm>> -> memref<128x64xf32, #tpu.memory_space<hbm>>
          tpu.wait_dma2 semaphore(%arg22 : memref<!tpu.dma_semaphore, #tpu.memory_space<semaphore_mem>>) src(%dma_wait3A_234 : memref<128x64xf32, #tpu.memory_space<hbm>>) dst(%arg10 : memref<128x64xf32, #tpu.memory_space<vmem>>)
        } else {
        }
        %add3A_137 = arith.constant 3 : i32
        %add3A_138 = arith.addi %mul3A_93, %add3A_137 : i32
        %dma_start3A_139 = arith.constant 0 : i32
        %dma_start3A_140 = tpu.memref_slice %arg5[%add3A_138, %dma_start3A_139] : memref<20x128xi32, #tpu.memory_space<vmem>> -> memref<1x128xi32, #tpu.memory_space<vmem>>
        %dma_start3A_141 = tpu.memref_squeeze %dma_start3A_140 : memref<1x128xi32, #tpu.memory_space<vmem>> -> memref<128xi32, #tpu.memory_space<vmem>>
        %dma_start3A_142 = arith.constant 0 : i32
        %dma_start3A_143 = arith.constant 0 : i32
        %dma_start3A_144 = tpu.memref_slice %arg12[%dma_start3A_142, %dma_start3A_143] : memref<10240x64xf32, #tpu.memory_space<vmem_shared>> -> memref<10240x64xf32, #tpu.memory_space<vmem_shared>>
        tpu.enqueue_indirect_dma source(%dma_start3A_144 : memref<10240x64xf32, #tpu.memory_space<vmem_shared>>) target(%arg10 : memref<128x64xf32, #tpu.memory_space<vmem>>) offsets(%dma_start3A_141 : memref<128xi32, #tpu.memory_space<vmem>>) semaphore(%arg17 : memref<!tpu.dma_semaphore, #tpu.memory_space<semaphore_mem>>)
        %gt3A_145 = arith.constant 0 : i32
        %gt3A_146 = arith.cmpi sgt, %scan3A_90, %gt3A_145 : i32
        %convert_element_type3A_147 = arith.extui %gt3A_146 : i1 to i32
        %cond3A_148 = arith.constant 0 : i32
        %cond3A_149 = arith.cmpi ne, %convert_element_type3A_147, %cond3A_148 : i32
        scf.if %cond3A_149 {
          %dma_wait3A_229 = arith.constant 0 : i32
          %dma_wait3A_230 = arith.constant 0 : i32
          %dma_wait3A_231 = tpu.memref_slice %arg2[%dma_wait3A_229, %dma_wait3A_230] : memref<10240x128xf32, #tpu.memory_space<hbm>> -> memref<128x64xf32, #tpu.memory_space<hbm>>
          %dma_wait3A_232 = arith.constant 0 : i32
          %dma_wait3A_233 = arith.constant 0 : i32
          %dma_wait3A_234 = tpu.memref_slice %arg2[%dma_wait3A_232, %dma_wait3A_233] : memref<10240x128xf32, #tpu.memory_space<hbm>> -> memref<128x64xf32, #tpu.memory_space<hbm>>
          tpu.wait_dma2 semaphore(%arg23 : memref<!tpu.dma_semaphore, #tpu.memory_space<semaphore_mem>>) src(%dma_wait3A_234 : memref<128x64xf32, #tpu.memory_space<hbm>>) dst(%arg11 : memref<128x64xf32, #tpu.memory_space<vmem>>)
        } else {
        }
        %add3A_150 = arith.constant 4 : i32
        %add3A_151 = arith.addi %mul3A_93, %add3A_150 : i32
        %dma_start3A_152 = arith.constant 0 : i32
        %dma_start3A_153 = tpu.memref_slice %arg5[%add3A_151, %dma_start3A_152] : memref<20x128xi32, #tpu.memory_space<vmem>> -> memref<1x128xi32, #tpu.memory_space<vmem>>
        %dma_start3A_154 = tpu.memref_squeeze %dma_start3A_153 : memref<1x128xi32, #tpu.memory_space<vmem>> -> memref<128xi32, #tpu.memory_space<vmem>>
        %dma_start3A_155 = arith.constant 0 : i32
        %dma_start3A_156 = arith.constant 0 : i32
        %dma_start3A_157 = tpu.memref_slice %arg12[%dma_start3A_155, %dma_start3A_156] : memref<10240x64xf32, #tpu.memory_space<vmem_shared>> -> memref<10240x64xf32, #tpu.memory_space<vmem_shared>>
        tpu.enqueue_indirect_dma source(%dma_start3A_157 : memref<10240x64xf32, #tpu.memory_space<vmem_shared>>) target(%arg11 : memref<128x64xf32, #tpu.memory_space<vmem>>) offsets(%dma_start3A_154 : memref<128xi32, #tpu.memory_space<vmem>>) semaphore(%arg18 : memref<!tpu.dma_semaphore, #tpu.memory_space<semaphore_mem>>)
        %dma_wait3A_158 = arith.constant 0 : i32
        %dma_wait3A_159 = tpu.memref_slice %arg5[%add3A_100, %dma_wait3A_158] : memref<20x128xi32, #tpu.memory_space<vmem>> -> memref<1x128xi32, #tpu.memory_space<vmem>>
        %dma_wait3A_160 = tpu.memref_squeeze %dma_wait3A_159 : memref<1x128xi32, #tpu.memory_space<vmem>> -> memref<128xi32, #tpu.memory_space<vmem>>
        %dma_wait3A_161 = arith.constant 0 : i32
        %dma_wait3A_162 = arith.constant 0 : i32
        %dma_wait3A_163 = tpu.memref_slice %arg12[%dma_wait3A_161, %dma_wait3A_162] : memref<10240x64xf32, #tpu.memory_space<vmem_shared>> -> memref<10240x64xf32, #tpu.memory_space<vmem_shared>>
        tpu.wait_indirect_dma semaphore(%arg14 : memref<!tpu.dma_semaphore, #tpu.memory_space<semaphore_mem>>) src(%dma_wait3A_163 : memref<10240x64xf32, #tpu.memory_space<vmem_shared>>) dst(%arg7 : memref<128x64xf32, #tpu.memory_space<vmem>>)
        %add3A_164 = arith.constant 0 : i32
        %add3A_165 = arith.addi %mul3A_93, %add3A_164 : i32
        %dma_start3A_166 = arith.constant 0 : i32
        %dma_start3A_167 = tpu.memref_slice %arg6[%add3A_165, %dma_start3A_166] : memref<20x128xi32, #tpu.memory_space<vmem>> -> memref<1x128xi32, #tpu.memory_space<vmem>>
        %dma_start3A_168 = tpu.memref_squeeze %dma_start3A_167 : memref<1x128xi32, #tpu.memory_space<vmem>> -> memref<128xi32, #tpu.memory_space<vmem>>
        %dma_start3A_169 = arith.constant 0 : i32
        %dma_start3A_170 = arith.constant 0 : i32
        %dma_start3A_171 = tpu.memref_slice %arg13[%dma_start3A_169, %dma_start3A_170] : memref<10240x64xf32, #tpu.memory_space<vmem_shared>> -> memref<10240x64xf32, #tpu.memory_space<vmem_shared>>
        tpu.enqueue_indirect_dma source(%arg7 : memref<128x64xf32, #tpu.memory_space<vmem>>) target(%dma_start3A_171 : memref<10240x64xf32, #tpu.memory_space<vmem_shared>>) offsets(%dma_start3A_168 : memref<128xi32, #tpu.memory_space<vmem>>) semaphore(%arg19 : memref<!tpu.dma_semaphore, #tpu.memory_space<semaphore_mem>>) {add = true}
        %dma_wait3A_172 = arith.constant 0 : i32
        %dma_wait3A_173 = tpu.memref_slice %arg5[%add3A_112, %dma_wait3A_172] : memref<20x128xi32, #tpu.memory_space<vmem>> -> memref<1x128xi32, #tpu.memory_space<vmem>>
        %dma_wait3A_174 = tpu.memref_squeeze %dma_wait3A_173 : memref<1x128xi32, #tpu.memory_space<vmem>> -> memref<128xi32, #tpu.memory_space<vmem>>
        %dma_wait3A_175 = arith.constant 0 : i32
        %dma_wait3A_176 = arith.constant 0 : i32
        %dma_wait3A_177 = tpu.memref_slice %arg12[%dma_wait3A_175, %dma_wait3A_176] : memref<10240x64xf32, #tpu.memory_space<vmem_shared>> -> memref<10240x64xf32, #tpu.memory_space<vmem_shared>>
        tpu.wait_indirect_dma semaphore(%arg15 : memref<!tpu.dma_semaphore, #tpu.memory_space<semaphore_mem>>) src(%dma_wait3A_177 : memref<10240x64xf32, #tpu.memory_space<vmem_shared>>) dst(%arg8 : memref<128x64xf32, #tpu.memory_space<vmem>>)
        %add3A_178 = arith.constant 1 : i32
        %add3A_179 = arith.addi %mul3A_93, %add3A_178 : i32
        %dma_start3A_180 = arith.constant 0 : i32
        %dma_start3A_181 = tpu.memref_slice %arg6[%add3A_179, %dma_start3A_180] : memref<20x128xi32, #tpu.memory_space<vmem>> -> memref<1x128xi32, #tpu.memory_space<vmem>>
        %dma_start3A_182 = tpu.memref_squeeze %dma_start3A_181 : memref<1x128xi32, #tpu.memory_space<vmem>> -> memref<128xi32, #tpu.memory_space<vmem>>
        %dma_start3A_183 = arith.constant 0 : i32
        %dma_start3A_184 = arith.constant 0 : i32
        %dma_start3A_185 = tpu.memref_slice %arg13[%dma_start3A_183, %dma_start3A_184] : memref<10240x64xf32, #tpu.memory_space<vmem_shared>> -> memref<10240x64xf32, #tpu.memory_space<vmem_shared>>
        tpu.enqueue_indirect_dma source(%arg8 : memref<128x64xf32, #tpu.memory_space<vmem>>) target(%dma_start3A_185 : memref<10240x64xf32, #tpu.memory_space<vmem_shared>>) offsets(%dma_start3A_182 : memref<128xi32, #tpu.memory_space<vmem>>) semaphore(%arg20 : memref<!tpu.dma_semaphore, #tpu.memory_space<semaphore_mem>>) {add = true}
        %dma_wait3A_186 = arith.constant 0 : i32
        %dma_wait3A_187 = tpu.memref_slice %arg5[%add3A_125, %dma_wait3A_186] : memref<20x128xi32, #tpu.memory_space<vmem>> -> memref<1x128xi32, #tpu.memory_space<vmem>>
        %dma_wait3A_188 = tpu.memref_squeeze %dma_wait3A_187 : memref<1x128xi32, #tpu.memory_space<vmem>> -> memref<128xi32, #tpu.memory_space<vmem>>
        %dma_wait3A_189 = arith.constant 0 : i32
        %dma_wait3A_190 = arith.constant 0 : i32
        %dma_wait3A_191 = tpu.memref_slice %arg12[%dma_wait3A_189, %dma_wait3A_190] : memref<10240x64xf32, #tpu.memory_space<vmem_shared>> -> memref<10240x64xf32, #tpu.memory_space<vmem_shared>>
        tpu.wait_indirect_dma semaphore(%arg16 : memref<!tpu.dma_semaphore, #tpu.memory_space<semaphore_mem>>) src(%dma_wait3A_191 : memref<10240x64xf32, #tpu.memory_space<vmem_shared>>) dst(%arg9 : memref<128x64xf32, #tpu.memory_space<vmem>>)
        %add3A_192 = arith.constant 2 : i32
        %add3A_193 = arith.addi %mul3A_93, %add3A_192 : i32
        %dma_start3A_194 = arith.constant 0 : i32
        %dma_start3A_195 = tpu.memref_slice %arg6[%add3A_193, %dma_start3A_194] : memref<20x128xi32, #tpu.memory_space<vmem>> -> memref<1x128xi32, #tpu.memory_space<vmem>>
        %dma_start3A_196 = tpu.memref_squeeze %dma_start3A_195 : memref<1x128xi32, #tpu.memory_space<vmem>> -> memref<128xi32, #tpu.memory_space<vmem>>
        %dma_start3A_197 = arith.constant 0 : i32
        %dma_start3A_198 = arith.constant 0 : i32
        %dma_start3A_199 = tpu.memref_slice %arg13[%dma_start3A_197, %dma_start3A_198] : memref<10240x64xf32, #tpu.memory_space<vmem_shared>> -> memref<10240x64xf32, #tpu.memory_space<vmem_shared>>
        tpu.enqueue_indirect_dma source(%arg9 : memref<128x64xf32, #tpu.memory_space<vmem>>) target(%dma_start3A_199 : memref<10240x64xf32, #tpu.memory_space<vmem_shared>>) offsets(%dma_start3A_196 : memref<128xi32, #tpu.memory_space<vmem>>) semaphore(%arg21 : memref<!tpu.dma_semaphore, #tpu.memory_space<semaphore_mem>>) {add = true}
        %dma_wait3A_200 = arith.constant 0 : i32
        %dma_wait3A_201 = tpu.memref_slice %arg5[%add3A_138, %dma_wait3A_200] : memref<20x128xi32, #tpu.memory_space<vmem>> -> memref<1x128xi32, #tpu.memory_space<vmem>>
        %dma_wait3A_202 = tpu.memref_squeeze %dma_wait3A_201 : memref<1x128xi32, #tpu.memory_space<vmem>> -> memref<128xi32, #tpu.memory_space<vmem>>
        %dma_wait3A_203 = arith.constant 0 : i32
        %dma_wait3A_204 = arith.constant 0 : i32
        %dma_wait3A_205 = tpu.memref_slice %arg12[%dma_wait3A_203, %dma_wait3A_204] : memref<10240x64xf32, #tpu.memory_space<vmem_shared>> -> memref<10240x64xf32, #tpu.memory_space<vmem_shared>>
        tpu.wait_indirect_dma semaphore(%arg17 : memref<!tpu.dma_semaphore, #tpu.memory_space<semaphore_mem>>) src(%dma_wait3A_205 : memref<10240x64xf32, #tpu.memory_space<vmem_shared>>) dst(%arg10 : memref<128x64xf32, #tpu.memory_space<vmem>>)
        %add3A_206 = arith.constant 3 : i32
        %add3A_207 = arith.addi %mul3A_93, %add3A_206 : i32
        %dma_start3A_208 = arith.constant 0 : i32
        %dma_start3A_209 = tpu.memref_slice %arg6[%add3A_207, %dma_start3A_208] : memref<20x128xi32, #tpu.memory_space<vmem>> -> memref<1x128xi32, #tpu.memory_space<vmem>>
        %dma_start3A_210 = tpu.memref_squeeze %dma_start3A_209 : memref<1x128xi32, #tpu.memory_space<vmem>> -> memref<128xi32, #tpu.memory_space<vmem>>
        %dma_start3A_211 = arith.constant 0 : i32
        %dma_start3A_212 = arith.constant 0 : i32
        %dma_start3A_213 = tpu.memref_slice %arg13[%dma_start3A_211, %dma_start3A_212] : memref<10240x64xf32, #tpu.memory_space<vmem_shared>> -> memref<10240x64xf32, #tpu.memory_space<vmem_shared>>
        tpu.enqueue_indirect_dma source(%arg10 : memref<128x64xf32, #tpu.memory_space<vmem>>) target(%dma_start3A_213 : memref<10240x64xf32, #tpu.memory_space<vmem_shared>>) offsets(%dma_start3A_210 : memref<128xi32, #tpu.memory_space<vmem>>) semaphore(%arg22 : memref<!tpu.dma_semaphore, #tpu.memory_space<semaphore_mem>>) {add = true}
        %dma_wait3A_214 = arith.constant 0 : i32
        %dma_wait3A_215 = tpu.memref_slice %arg5[%add3A_151, %dma_wait3A_214] : memref<20x128xi32, #tpu.memory_space<vmem>> -> memref<1x128xi32, #tpu.memory_space<vmem>>
        %dma_wait3A_216 = tpu.memref_squeeze %dma_wait3A_215 : memref<1x128xi32, #tpu.memory_space<vmem>> -> memref<128xi32, #tpu.memory_space<vmem>>
        %dma_wait3A_217 = arith.constant 0 : i32
        %dma_wait3A_218 = arith.constant 0 : i32
        %dma_wait3A_219 = tpu.memref_slice %arg12[%dma_wait3A_217, %dma_wait3A_218] : memref<10240x64xf32, #tpu.memory_space<vmem_shared>> -> memref<10240x64xf32, #tpu.memory_space<vmem_shared>>
        tpu.wait_indirect_dma semaphore(%arg18 : memref<!tpu.dma_semaphore, #tpu.memory_space<semaphore_mem>>) src(%dma_wait3A_219 : memref<10240x64xf32, #tpu.memory_space<vmem_shared>>) dst(%arg11 : memref<128x64xf32, #tpu.memory_space<vmem>>)
        %add3A_220 = arith.constant 4 : i32
        %add3A_221 = arith.addi %mul3A_93, %add3A_220 : i32
        %dma_start3A_222 = arith.constant 0 : i32
        %dma_start3A_223 = tpu.memref_slice %arg6[%add3A_221, %dma_start3A_222] : memref<20x128xi32, #tpu.memory_space<vmem>> -> memref<1x128xi32, #tpu.memory_space<vmem>>
        %dma_start3A_224 = tpu.memref_squeeze %dma_start3A_223 : memref<1x128xi32, #tpu.memory_space<vmem>> -> memref<128xi32, #tpu.memory_space<vmem>>
        %dma_start3A_225 = arith.constant 0 : i32
        %dma_start3A_226 = arith.constant 0 : i32
        %dma_start3A_227 = tpu.memref_slice %arg13[%dma_start3A_225, %dma_start3A_226] : memref<10240x64xf32, #tpu.memory_space<vmem_shared>> -> memref<10240x64xf32, #tpu.memory_space<vmem_shared>>
        tpu.enqueue_indirect_dma source(%arg11 : memref<128x64xf32, #tpu.memory_space<vmem>>) target(%dma_start3A_227 : memref<10240x64xf32, #tpu.memory_space<vmem_shared>>) offsets(%dma_start3A_224 : memref<128xi32, #tpu.memory_space<vmem>>) semaphore(%arg23 : memref<!tpu.dma_semaphore, #tpu.memory_space<semaphore_mem>>) {add = true}
        %scan3A_228 = arith.constant 0 : i32
        scf.yield %scan3A_228 : i32
      }
      %scan3A_88 = arith.constant 4 : i32
      %scan3A_89 = arith.constant 0 : i32
      scf.yield %scan3A_89 : i32
    }
    %scan3A_30 = arith.constant 8 : i32
    %dma_wait3A = arith.constant 0 : i32
    %dma_wait3A_31 = arith.constant 0 : i32
    %dma_wait3A_32 = tpu.memref_slice %arg2[%dma_wait3A, %dma_wait3A_31] : memref<10240x128xf32, #tpu.memory_space<hbm>> -> memref<128x64xf32, #tpu.memory_space<hbm>>
    %dma_wait3A_33 = arith.constant 0 : i32
    %dma_wait3A_34 = arith.constant 0 : i32
    %dma_wait3A_35 = tpu.memref_slice %arg2[%dma_wait3A_33, %dma_wait3A_34] : memref<10240x128xf32, #tpu.memory_space<hbm>> -> memref<128x64xf32, #tpu.memory_space<hbm>>
    tpu.wait_dma2 semaphore(%arg19 : memref<!tpu.dma_semaphore, #tpu.memory_space<semaphore_mem>>) src(%dma_wait3A_35 : memref<128x64xf32, #tpu.memory_space<hbm>>) dst(%arg7 : memref<128x64xf32, #tpu.memory_space<vmem>>)
    %dma_wait3A_36 = arith.constant 0 : i32
    %dma_wait3A_37 = arith.constant 0 : i32
    %dma_wait3A_38 = tpu.memref_slice %arg2[%dma_wait3A_36, %dma_wait3A_37] : memref<10240x128xf32, #tpu.memory_space<hbm>> -> memref<128x64xf32, #tpu.memory_space<hbm>>
    %dma_wait3A_39 = arith.constant 0 : i32
    %dma_wait3A_40 = arith.constant 0 : i32
    %dma_wait3A_41 = tpu.memref_slice %arg2[%dma_wait3A_39, %dma_wait3A_40] : memref<10240x128xf32, #tpu.memory_space<hbm>> -> memref<128x64xf32, #tpu.memory_space<hbm>>
    tpu.wait_dma2 semaphore(%arg20 : memref<!tpu.dma_semaphore, #tpu.memory_space<semaphore_mem>>) src(%dma_wait3A_41 : memref<128x64xf32, #tpu.memory_space<hbm>>) dst(%arg8 : memref<128x64xf32, #tpu.memory_space<vmem>>)
    %dma_wait3A_42 = arith.constant 0 : i32
    %dma_wait3A_43 = arith.constant 0 : i32
    %dma_wait3A_44 = tpu.memref_slice %arg2[%dma_wait3A_42, %dma_wait3A_43] : memref<10240x128xf32, #tpu.memory_space<hbm>> -> memref<128x64xf32, #tpu.memory_space<hbm>>
    %dma_wait3A_45 = arith.constant 0 : i32
    %dma_wait3A_46 = arith.constant 0 : i32
    %dma_wait3A_47 = tpu.memref_slice %arg2[%dma_wait3A_45, %dma_wait3A_46] : memref<10240x128xf32, #tpu.memory_space<hbm>> -> memref<128x64xf32, #tpu.memory_space<hbm>>
    tpu.wait_dma2 semaphore(%arg21 : memref<!tpu.dma_semaphore, #tpu.memory_space<semaphore_mem>>) src(%dma_wait3A_47 : memref<128x64xf32, #tpu.memory_space<hbm>>) dst(%arg9 : memref<128x64xf32, #tpu.memory_space<vmem>>)
    %dma_wait3A_48 = arith.constant 0 : i32
    %dma_wait3A_49 = arith.constant 0 : i32
    %dma_wait3A_50 = tpu.memref_slice %arg2[%dma_wait3A_48, %dma_wait3A_49] : memref<10240x128xf32, #tpu.memory_space<hbm>> -> memref<128x64xf32, #tpu.memory_space<hbm>>
    %dma_wait3A_51 = arith.constant 0 : i32
    %dma_wait3A_52 = arith.constant 0 : i32
    %dma_wait3A_53 = tpu.memref_slice %arg2[%dma_wait3A_51, %dma_wait3A_52] : memref<10240x128xf32, #tpu.memory_space<hbm>> -> memref<128x64xf32, #tpu.memory_space<hbm>>
    tpu.wait_dma2 semaphore(%arg22 : memref<!tpu.dma_semaphore, #tpu.memory_space<semaphore_mem>>) src(%dma_wait3A_53 : memref<128x64xf32, #tpu.memory_space<hbm>>) dst(%arg10 : memref<128x64xf32, #tpu.memory_space<vmem>>)
    %dma_wait3A_54 = arith.constant 0 : i32
    %dma_wait3A_55 = arith.constant 0 : i32
    %dma_wait3A_56 = tpu.memref_slice %arg2[%dma_wait3A_54, %dma_wait3A_55] : memref<10240x128xf32, #tpu.memory_space<hbm>> -> memref<128x64xf32, #tpu.memory_space<hbm>>
    %dma_wait3A_57 = arith.constant 0 : i32
    %dma_wait3A_58 = arith.constant 0 : i32
    %dma_wait3A_59 = tpu.memref_slice %arg2[%dma_wait3A_57, %dma_wait3A_58] : memref<10240x128xf32, #tpu.memory_space<hbm>> -> memref<128x64xf32, #tpu.memory_space<hbm>>
    tpu.wait_dma2 semaphore(%arg23 : memref<!tpu.dma_semaphore, #tpu.memory_space<semaphore_mem>>) src(%dma_wait3A_59 : memref<128x64xf32, #tpu.memory_space<hbm>>) dst(%arg11 : memref<128x64xf32, #tpu.memory_space<vmem>>)
    %barrier3A_60 = arith.constant 0 : index
    tpu.barrier barrier_id(%barrier3A_60)
    %eq3A_61 = arith.constant 0 : i32
    %eq3A_62 = arith.cmpi eq, %arg0, %eq3A_61 : i32
    %convert_element_type3A_63 = arith.extui %eq3A_62 : i1 to i32
    %cond3A_64 = arith.constant 0 : i32
    %cond3A_65 = arith.cmpi ne, %convert_element_type3A_63, %cond3A_64 : i32
    scf.if %cond3A_65 {
      "tpu.region"() ({
        %run_scoped3A = tpu.sem_alloc : memref<!tpu.dma_semaphore, #tpu.memory_space<semaphore_mem>>
        %dma_start3A = arith.constant 0 : i32
        %dma_start3A_71 = tpu.memref_slice %arg4[%mul3A_0, %dma_start3A] : memref<10240x128xf32, #tpu.memory_space<hbm>> -> memref<640x64xf32, #tpu.memory_space<hbm>>
        %dma_start3A_72 = arith.constant 0 : i32
        %dma_start3A_73 = tpu.memref_slice %arg13[%mul3A_0, %dma_start3A_72] : memref<10240x64xf32, #tpu.memory_space<vmem_shared>> -> memref<640x64xf32, #tpu.memory_space<vmem_shared>>
        tpu.enqueue_dma source(%dma_start3A_73 : memref<640x64xf32, #tpu.memory_space<vmem_shared>>) target(%dma_start3A_71 : memref<640x64xf32, #tpu.memory_space<hbm>>) target_semaphore(%run_scoped3A : memref<!tpu.dma_semaphore, #tpu.memory_space<semaphore_mem>>)
        %dma_wait3A_74 = arith.constant 0 : i32
        %dma_wait3A_75 = tpu.memref_slice %arg4[%mul3A_0, %dma_wait3A_74] : memref<10240x128xf32, #tpu.memory_space<hbm>> -> memref<640x64xf32, #tpu.memory_space<hbm>>
        %dma_wait3A_76 = arith.constant 0 : i32
        %dma_wait3A_77 = tpu.memref_slice %arg13[%mul3A_0, %dma_wait3A_76] : memref<10240x64xf32, #tpu.memory_space<vmem_shared>> -> memref<640x64xf32, #tpu.memory_space<vmem_shared>>
        tpu.wait_dma2 semaphore(%run_scoped3A : memref<!tpu.dma_semaphore, #tpu.memory_space<semaphore_mem>>) src(%dma_wait3A_77 : memref<640x64xf32, #tpu.memory_space<vmem_shared>>) dst(%dma_wait3A_75 : memref<640x64xf32, #tpu.memory_space<hbm>>)
        tpu.yield
      }) : () -> ()
    } else {
    }
    %eq3A_66 = arith.constant 1 : i32
    %eq3A_67 = arith.cmpi eq, %arg0, %eq3A_66 : i32
    %convert_element_type3A_68 = arith.extui %eq3A_67 : i1 to i32
    %cond3A_69 = arith.constant 0 : i32
    %cond3A_70 = arith.cmpi ne, %convert_element_type3A_68, %cond3A_69 : i32
    scf.if %cond3A_70 {
      "tpu.region"() ({
        %run_scoped3A = tpu.sem_alloc : memref<!tpu.dma_semaphore, #tpu.memory_space<semaphore_mem>>
        %dma_start3A = arith.constant 64 : i32
        %dma_start3A_71 = tpu.memref_slice %arg4[%mul3A_0, %dma_start3A] : memref<10240x128xf32, #tpu.memory_space<hbm>> -> memref<640x64xf32, #tpu.memory_space<hbm>>
        %dma_start3A_72 = arith.constant 0 : i32
        %dma_start3A_73 = tpu.memref_slice %arg13[%mul3A_0, %dma_start3A_72] : memref<10240x64xf32, #tpu.memory_space<vmem_shared>> -> memref<640x64xf32, #tpu.memory_space<vmem_shared>>
        tpu.enqueue_dma source(%dma_start3A_73 : memref<640x64xf32, #tpu.memory_space<vmem_shared>>) target(%dma_start3A_71 : memref<640x64xf32, #tpu.memory_space<hbm>>) target_semaphore(%run_scoped3A : memref<!tpu.dma_semaphore, #tpu.memory_space<semaphore_mem>>)
        %dma_wait3A_74 = arith.constant 64 : i32
        %dma_wait3A_75 = tpu.memref_slice %arg4[%mul3A_0, %dma_wait3A_74] : memref<10240x128xf32, #tpu.memory_space<hbm>> -> memref<640x64xf32, #tpu.memory_space<hbm>>
        %dma_wait3A_76 = arith.constant 0 : i32
        %dma_wait3A_77 = tpu.memref_slice %arg13[%mul3A_0, %dma_wait3A_76] : memref<10240x64xf32, #tpu.memory_space<vmem_shared>> -> memref<640x64xf32, #tpu.memory_space<vmem_shared>>
        tpu.wait_dma2 semaphore(%run_scoped3A : memref<!tpu.dma_semaphore, #tpu.memory_space<semaphore_mem>>) src(%dma_wait3A_77 : memref<640x64xf32, #tpu.memory_space<vmem_shared>>) dst(%dma_wait3A_75 : memref<640x64xf32, #tpu.memory_space<hbm>>)
        tpu.yield
      }) : () -> ()
    } else {
    }
    return
  }
}

#map = affine_map<(d0, d1) -> (0, 0, 0, 0)>
#map1 = affine_map<(d0, d1) -> (0, 0, 0)>
module attributes {stable_mosaic.version = 14 : i64} {
  func.func @_sc_cnt_body(%arg0: i32, %arg1: i32, %arg2: memref<2x32x80x128xi32, #tpu.memory_space<hbm>>, %arg3: memref<2x10240x16xf32, #tpu.memory_space<hbm>>, %arg4: memref<80x128xi32, #tpu.memory_space<vmem>>, %arg5: memref<128x16xf32, #tpu.memory_space<vmem>>, %arg6: memref<128x16xf32, #tpu.memory_space<vmem>>, %arg7: memref<10240x16xf32, #tpu.memory_space<vmem_shared>>) attributes {dimension_semantics = [#tpu.dimension_semantics<core_parallel>, #tpu.dimension_semantics<subcore_parallel>], iteration_bounds = array<i64: 2, 16>, scalar_prefetch = 0 : i64, scratch_operands = 4 : i64, tpu.core_type = #tpu.core_type<sc_vector_subcore>, window_params = [{transform_indices = #map}, {transform_indices = #map1}]} {
    %mul3A = arith.constant 2 : i32
    %mul3A_0 = arith.muli %arg1, %mul3A : i32
    %add3A = arith.addi %mul3A_0, %arg0 : i32
    %run_scoped3A = arith.constant 1 : i32
    "tpu.region"() ({
      %run_scoped3A_42 = tpu.sem_alloc : memref<!tpu.dma_semaphore, #tpu.memory_space<semaphore_mem>>
      %dma_start3A = arith.constant 0 : i32
      %dma_start3A_43 = arith.constant 0 : i32
      %dma_start3A_44 = tpu.memref_slice %arg2[%run_scoped3A, %add3A, %dma_start3A, %dma_start3A_43] : memref<2x32x80x128xi32, #tpu.memory_space<hbm>> -> memref<1x1x80x128xi32, #tpu.memory_space<hbm>>
      %dma_start3A_45 = tpu.memref_squeeze %dma_start3A_44 : memref<1x1x80x128xi32, #tpu.memory_space<hbm>> -> memref<80x128xi32, #tpu.memory_space<hbm>>
      %dma_start3A_46 = arith.constant 0 : i32
      %dma_start3A_47 = arith.constant 0 : i32
      %dma_start3A_48 = tpu.memref_slice %arg2[%run_scoped3A, %add3A, %dma_start3A_46, %dma_start3A_47] : memref<2x32x80x128xi32, #tpu.memory_space<hbm>> -> memref<1x1x80x128xi32, #tpu.memory_space<hbm>>
      %dma_start3A_49 = tpu.memref_squeeze %dma_start3A_48 : memref<1x1x80x128xi32, #tpu.memory_space<hbm>> -> memref<80x128xi32, #tpu.memory_space<hbm>>
      tpu.enqueue_dma source(%dma_start3A_49 : memref<80x128xi32, #tpu.memory_space<hbm>>) target(%arg4 : memref<80x128xi32, #tpu.memory_space<vmem>>) target_semaphore(%run_scoped3A_42 : memref<!tpu.dma_semaphore, #tpu.memory_space<semaphore_mem>>)
      %dma_wait3A = arith.constant 0 : i32
      %dma_wait3A_50 = arith.constant 0 : i32
      %dma_wait3A_51 = tpu.memref_slice %arg2[%run_scoped3A, %add3A, %dma_wait3A, %dma_wait3A_50] : memref<2x32x80x128xi32, #tpu.memory_space<hbm>> -> memref<1x1x80x128xi32, #tpu.memory_space<hbm>>
      %dma_wait3A_52 = tpu.memref_squeeze %dma_wait3A_51 : memref<1x1x80x128xi32, #tpu.memory_space<hbm>> -> memref<80x128xi32, #tpu.memory_space<hbm>>
      %dma_wait3A_53 = arith.constant 0 : i32
      %dma_wait3A_54 = arith.constant 0 : i32
      %dma_wait3A_55 = tpu.memref_slice %arg2[%run_scoped3A, %add3A, %dma_wait3A_53, %dma_wait3A_54] : memref<2x32x80x128xi32, #tpu.memory_space<hbm>> -> memref<1x1x80x128xi32, #tpu.memory_space<hbm>>
      %dma_wait3A_56 = tpu.memref_squeeze %dma_wait3A_55 : memref<1x1x80x128xi32, #tpu.memory_space<hbm>> -> memref<80x128xi32, #tpu.memory_space<hbm>>
      tpu.wait_dma2 semaphore(%run_scoped3A_42 : memref<!tpu.dma_semaphore, #tpu.memory_space<semaphore_mem>>) src(%dma_wait3A_56 : memref<80x128xi32, #tpu.memory_space<hbm>>) dst(%arg4 : memref<80x128xi32, #tpu.memory_space<vmem>>)
      tpu.yield
    }) : () -> ()
    %broadcast_in_dim3A = arith.constant 1.000000e+00 : f32
    %broadcast_in_dim3A_1 = vector.broadcast %broadcast_in_dim3A : f32 to vector<16xf32>
    %broadcast_in_dim3A_2 = arith.constant 0.000000e+00 : f32
    %broadcast_in_dim3A_3 = vector.broadcast %broadcast_in_dim3A_2 : f32 to vector<16xf32>
    %scan3A = arith.constant 0 : i32
    %scan3A_4 = arith.constant 0 : i32
    %scan3A_5 = arith.constant 128 : i32
    %scan3A_6 = arith.addi %scan3A_4, %scan3A_5 : i32
    %scan3A_7 = arith.constant 1 : i32
    %scan3A_8 = scf.for %scan3A_42 = %scan3A_4 to %scan3A_6 step %scan3A_7 iter_args(%scan3A_43 = %scan3A) -> (i32)  : i32 {
      %swap3A = arith.index_cast %scan3A_42 : i32 to index
      %swap3A_44 = arith.constant 0 : index
      %swap3A_45 = tpu.vector_load %arg5[%swap3A, %swap3A_44] {strides = array<i32>} : memref<128x16xf32, #tpu.memory_space<vmem>>, vector<1x16xf32>,
      %swap3A_46 = vector.shape_cast %swap3A_45 : vector<1x16xf32> to vector<16xf32>
      %swap3A_47 = vector.shape_cast %broadcast_in_dim3A_1 : vector<16xf32> to vector<1x16xf32>
      tpu.vector_store %arg5[%swap3A, %swap3A_44], %swap3A_47 {strides = array<i32>} : memref<128x16xf32, #tpu.memory_space<vmem>>, vector<1x16xf32>,
      %swap3A_48 = arith.index_cast %scan3A_42 : i32 to index
      %swap3A_49 = arith.constant 0 : index
      %swap3A_50 = tpu.vector_load %arg6[%swap3A_48, %swap3A_49] {strides = array<i32>} : memref<128x16xf32, #tpu.memory_space<vmem>>, vector<1x16xf32>,
      %swap3A_51 = vector.shape_cast %swap3A_50 : vector<1x16xf32> to vector<16xf32>
      %swap3A_52 = vector.shape_cast %broadcast_in_dim3A_3 : vector<16xf32> to vector<1x16xf32>
      tpu.vector_store %arg6[%swap3A_48, %swap3A_49], %swap3A_52 {strides = array<i32>} : memref<128x16xf32, #tpu.memory_space<vmem>>, vector<1x16xf32>,
      %scan3A_53 = arith.constant 0 : i32
      scf.yield %scan3A_53 : i32
    }
    %scan3A_9 = arith.constant 128 : i32
    %mul3A_10 = arith.constant 640 : i32
    %mul3A_11 = arith.muli %arg1, %mul3A_10 : i32
    %add3A_12 = arith.constant 0 : i32
    %add3A_13 = arith.addi %mul3A_11, %add3A_12 : i32
    "tpu.region"() ({
      %run_scoped3A_42 = tpu.sem_alloc : memref<!tpu.dma_semaphore, #tpu.memory_space<semaphore_mem>>
      %dma_start3A = arith.constant 0 : i32
      %dma_start3A_43 = tpu.memref_slice %arg7[%add3A_13, %dma_start3A] : memref<10240x16xf32, #tpu.memory_space<vmem_shared>> -> memref<128x16xf32, #tpu.memory_space<vmem_shared>>
      %dma_start3A_44 = arith.constant 0 : i32
      %dma_start3A_45 = tpu.memref_slice %arg7[%add3A_13, %dma_start3A_44] : memref<10240x16xf32, #tpu.memory_space<vmem_shared>> -> memref<128x16xf32, #tpu.memory_space<vmem_shared>>
      tpu.enqueue_dma source(%arg6 : memref<128x16xf32, #tpu.memory_space<vmem>>) target(%dma_start3A_45 : memref<128x16xf32, #tpu.memory_space<vmem_shared>>) target_semaphore(%run_scoped3A_42 : memref<!tpu.dma_semaphore, #tpu.memory_space<semaphore_mem>>)
      %dma_wait3A = arith.constant 0 : i32
      %dma_wait3A_46 = tpu.memref_slice %arg7[%add3A_13, %dma_wait3A] : memref<10240x16xf32, #tpu.memory_space<vmem_shared>> -> memref<128x16xf32, #tpu.memory_space<vmem_shared>>
      %dma_wait3A_47 = arith.constant 0 : i32
      %dma_wait3A_48 = tpu.memref_slice %arg7[%add3A_13, %dma_wait3A_47] : memref<10240x16xf32, #tpu.memory_space<vmem_shared>> -> memref<128x16xf32, #tpu.memory_space<vmem_shared>>
      tpu.wait_dma2 semaphore(%run_scoped3A_42 : memref<!tpu.dma_semaphore, #tpu.memory_space<semaphore_mem>>) src(%arg6 : memref<128x16xf32, #tpu.memory_space<vmem>>) dst(%dma_wait3A_48 : memref<128x16xf32, #tpu.memory_space<vmem_shared>>)
      tpu.yield
    }) : () -> ()
    %mul3A_14 = arith.constant 640 : i32
    %mul3A_15 = arith.muli %arg1, %mul3A_14 : i32
    %add3A_16 = arith.constant 128 : i32
    %add3A_17 = arith.addi %mul3A_15, %add3A_16 : i32
    "tpu.region"() ({
      %run_scoped3A_42 = tpu.sem_alloc : memref<!tpu.dma_semaphore, #tpu.memory_space<semaphore_mem>>
      %dma_start3A = arith.constant 0 : i32
      %dma_start3A_43 = tpu.memref_slice %arg7[%add3A_17, %dma_start3A] : memref<10240x16xf32, #tpu.memory_space<vmem_shared>> -> memref<128x16xf32, #tpu.memory_space<vmem_shared>>
      %dma_start3A_44 = arith.constant 0 : i32
      %dma_start3A_45 = tpu.memref_slice %arg7[%add3A_17, %dma_start3A_44] : memref<10240x16xf32, #tpu.memory_space<vmem_shared>> -> memref<128x16xf32, #tpu.memory_space<vmem_shared>>
      tpu.enqueue_dma source(%arg6 : memref<128x16xf32, #tpu.memory_space<vmem>>) target(%dma_start3A_45 : memref<128x16xf32, #tpu.memory_space<vmem_shared>>) target_semaphore(%run_scoped3A_42 : memref<!tpu.dma_semaphore, #tpu.memory_space<semaphore_mem>>)
      %dma_wait3A = arith.constant 0 : i32
      %dma_wait3A_46 = tpu.memref_slice %arg7[%add3A_17, %dma_wait3A] : memref<10240x16xf32, #tpu.memory_space<vmem_shared>> -> memref<128x16xf32, #tpu.memory_space<vmem_shared>>
      %dma_wait3A_47 = arith.constant 0 : i32
      %dma_wait3A_48 = tpu.memref_slice %arg7[%add3A_17, %dma_wait3A_47] : memref<10240x16xf32, #tpu.memory_space<vmem_shared>> -> memref<128x16xf32, #tpu.memory_space<vmem_shared>>
      tpu.wait_dma2 semaphore(%run_scoped3A_42 : memref<!tpu.dma_semaphore, #tpu.memory_space<semaphore_mem>>) src(%arg6 : memref<128x16xf32, #tpu.memory_space<vmem>>) dst(%dma_wait3A_48 : memref<128x16xf32, #tpu.memory_space<vmem_shared>>)
      tpu.yield
    }) : () -> ()
    %mul3A_18 = arith.constant 640 : i32
    %mul3A_19 = arith.muli %arg1, %mul3A_18 : i32
    %add3A_20 = arith.constant 256 : i32
    %add3A_21 = arith.addi %mul3A_19, %add3A_20 : i32
    "tpu.region"() ({
      %run_scoped3A_42 = tpu.sem_alloc : memref<!tpu.dma_semaphore, #tpu.memory_space<semaphore_mem>>
      %dma_start3A = arith.constant 0 : i32
      %dma_start3A_43 = tpu.memref_slice %arg7[%add3A_21, %dma_start3A] : memref<10240x16xf32, #tpu.memory_space<vmem_shared>> -> memref<128x16xf32, #tpu.memory_space<vmem_shared>>
      %dma_start3A_44 = arith.constant 0 : i32
      %dma_start3A_45 = tpu.memref_slice %arg7[%add3A_21, %dma_start3A_44] : memref<10240x16xf32, #tpu.memory_space<vmem_shared>> -> memref<128x16xf32, #tpu.memory_space<vmem_shared>>
      tpu.enqueue_dma source(%arg6 : memref<128x16xf32, #tpu.memory_space<vmem>>) target(%dma_start3A_45 : memref<128x16xf32, #tpu.memory_space<vmem_shared>>) target_semaphore(%run_scoped3A_42 : memref<!tpu.dma_semaphore, #tpu.memory_space<semaphore_mem>>)
      %dma_wait3A = arith.constant 0 : i32
      %dma_wait3A_46 = tpu.memref_slice %arg7[%add3A_21, %dma_wait3A] : memref<10240x16xf32, #tpu.memory_space<vmem_shared>> -> memref<128x16xf32, #tpu.memory_space<vmem_shared>>
      %dma_wait3A_47 = arith.constant 0 : i32
      %dma_wait3A_48 = tpu.memref_slice %arg7[%add3A_21, %dma_wait3A_47] : memref<10240x16xf32, #tpu.memory_space<vmem_shared>> -> memref<128x16xf32, #tpu.memory_space<vmem_shared>>
      tpu.wait_dma2 semaphore(%run_scoped3A_42 : memref<!tpu.dma_semaphore, #tpu.memory_space<semaphore_mem>>) src(%arg6 : memref<128x16xf32, #tpu.memory_space<vmem>>) dst(%dma_wait3A_48 : memref<128x16xf32, #tpu.memory_space<vmem_shared>>)
      tpu.yield
    }) : () -> ()
    %mul3A_22 = arith.constant 640 : i32
    %mul3A_23 = arith.muli %arg1, %mul3A_22 : i32
    %add3A_24 = arith.constant 384 : i32
    %add3A_25 = arith.addi %mul3A_23, %add3A_24 : i32
    "tpu.region"() ({
      %run_scoped3A_42 = tpu.sem_alloc : memref<!tpu.dma_semaphore, #tpu.memory_space<semaphore_mem>>
      %dma_start3A = arith.constant 0 : i32
      %dma_start3A_43 = tpu.memref_slice %arg7[%add3A_25, %dma_start3A] : memref<10240x16xf32, #tpu.memory_space<vmem_shared>> -> memref<128x16xf32, #tpu.memory_space<vmem_shared>>
      %dma_start3A_44 = arith.constant 0 : i32
      %dma_start3A_45 = tpu.memref_slice %arg7[%add3A_25, %dma_start3A_44] : memref<10240x16xf32, #tpu.memory_space<vmem_shared>> -> memref<128x16xf32, #tpu.memory_space<vmem_shared>>
      tpu.enqueue_dma source(%arg6 : memref<128x16xf32, #tpu.memory_space<vmem>>) target(%dma_start3A_45 : memref<128x16xf32, #tpu.memory_space<vmem_shared>>) target_semaphore(%run_scoped3A_42 : memref<!tpu.dma_semaphore, #tpu.memory_space<semaphore_mem>>)
      %dma_wait3A = arith.constant 0 : i32
      %dma_wait3A_46 = tpu.memref_slice %arg7[%add3A_25, %dma_wait3A] : memref<10240x16xf32, #tpu.memory_space<vmem_shared>> -> memref<128x16xf32, #tpu.memory_space<vmem_shared>>
      %dma_wait3A_47 = arith.constant 0 : i32
      %dma_wait3A_48 = tpu.memref_slice %arg7[%add3A_25, %dma_wait3A_47] : memref<10240x16xf32, #tpu.memory_space<vmem_shared>> -> memref<128x16xf32, #tpu.memory_space<vmem_shared>>
      tpu.wait_dma2 semaphore(%run_scoped3A_42 : memref<!tpu.dma_semaphore, #tpu.memory_space<semaphore_mem>>) src(%arg6 : memref<128x16xf32, #tpu.memory_space<vmem>>) dst(%dma_wait3A_48 : memref<128x16xf32, #tpu.memory_space<vmem_shared>>)
      tpu.yield
    }) : () -> ()
    %mul3A_26 = arith.constant 640 : i32
    %mul3A_27 = arith.muli %arg1, %mul3A_26 : i32
    %add3A_28 = arith.constant 512 : i32
    %add3A_29 = arith.addi %mul3A_27, %add3A_28 : i32
    "tpu.region"() ({
      %run_scoped3A_42 = tpu.sem_alloc : memref<!tpu.dma_semaphore, #tpu.memory_space<semaphore_mem>>
      %dma_start3A = arith.constant 0 : i32
      %dma_start3A_43 = tpu.memref_slice %arg7[%add3A_29, %dma_start3A] : memref<10240x16xf32, #tpu.memory_space<vmem_shared>> -> memref<128x16xf32, #tpu.memory_space<vmem_shared>>
      %dma_start3A_44 = arith.constant 0 : i32
      %dma_start3A_45 = tpu.memref_slice %arg7[%add3A_29, %dma_start3A_44] : memref<10240x16xf32, #tpu.memory_space<vmem_shared>> -> memref<128x16xf32, #tpu.memory_space<vmem_shared>>
      tpu.enqueue_dma source(%arg6 : memref<128x16xf32, #tpu.memory_space<vmem>>) target(%dma_start3A_45 : memref<128x16xf32, #tpu.memory_space<vmem_shared>>) target_semaphore(%run_scoped3A_42 : memref<!tpu.dma_semaphore, #tpu.memory_space<semaphore_mem>>)
      %dma_wait3A = arith.constant 0 : i32
      %dma_wait3A_46 = tpu.memref_slice %arg7[%add3A_29, %dma_wait3A] : memref<10240x16xf32, #tpu.memory_space<vmem_shared>> -> memref<128x16xf32, #tpu.memory_space<vmem_shared>>
      %dma_wait3A_47 = arith.constant 0 : i32
      %dma_wait3A_48 = tpu.memref_slice %arg7[%add3A_29, %dma_wait3A_47] : memref<10240x16xf32, #tpu.memory_space<vmem_shared>> -> memref<128x16xf32, #tpu.memory_space<vmem_shared>>
      tpu.wait_dma2 semaphore(%run_scoped3A_42 : memref<!tpu.dma_semaphore, #tpu.memory_space<semaphore_mem>>) src(%arg6 : memref<128x16xf32, #tpu.memory_space<vmem>>) dst(%dma_wait3A_48 : memref<128x16xf32, #tpu.memory_space<vmem_shared>>)
      tpu.yield
    }) : () -> ()
    %barrier3A = arith.constant 0 : index
    tpu.barrier barrier_id(%barrier3A)
    %scan3A_30 = arith.constant 0 : i32
    %scan3A_31 = arith.constant 0 : i32
    %scan3A_32 = arith.constant 80 : i32
    %scan3A_33 = arith.addi %scan3A_31, %scan3A_32 : i32
    %scan3A_34 = arith.constant 1 : i32
    %scan3A_35 = scf.for %scan3A_42 = %scan3A_31 to %scan3A_33 step %scan3A_34 iter_args(%scan3A_43 = %scan3A_30) -> (i32)  : i32 {
      "tpu.region"() ({
        %run_scoped3A_45 = tpu.sem_alloc : memref<!tpu.dma_semaphore, #tpu.memory_space<semaphore_mem>>
        %dma_start3A = arith.constant 0 : i32
        %dma_start3A_46 = tpu.memref_slice %arg4[%scan3A_42, %dma_start3A] : memref<80x128xi32, #tpu.memory_space<vmem>> -> memref<1x128xi32, #tpu.memory_space<vmem>>
        %dma_start3A_47 = tpu.memref_squeeze %dma_start3A_46 : memref<1x128xi32, #tpu.memory_space<vmem>> -> memref<128xi32, #tpu.memory_space<vmem>>
        %dma_start3A_48 = arith.constant 0 : i32
        %dma_start3A_49 = arith.constant 0 : i32
        %dma_start3A_50 = tpu.memref_slice %arg7[%dma_start3A_48, %dma_start3A_49] : memref<10240x16xf32, #tpu.memory_space<vmem_shared>> -> memref<10240x16xf32, #tpu.memory_space<vmem_shared>>
        tpu.enqueue_indirect_dma source(%arg5 : memref<128x16xf32, #tpu.memory_space<vmem>>) target(%dma_start3A_50 : memref<10240x16xf32, #tpu.memory_space<vmem_shared>>) offsets(%dma_start3A_47 : memref<128xi32, #tpu.memory_space<vmem>>) semaphore(%run_scoped3A_45 : memref<!tpu.dma_semaphore, #tpu.memory_space<semaphore_mem>>) {add = true}
        %dma_wait3A = arith.constant 0 : i32
        %dma_wait3A_51 = tpu.memref_slice %arg4[%scan3A_42, %dma_wait3A] : memref<80x128xi32, #tpu.memory_space<vmem>> -> memref<1x128xi32, #tpu.memory_space<vmem>>
        %dma_wait3A_52 = tpu.memref_squeeze %dma_wait3A_51 : memref<1x128xi32, #tpu.memory_space<vmem>> -> memref<128xi32, #tpu.memory_space<vmem>>
        %dma_wait3A_53 = arith.constant 0 : i32
        %dma_wait3A_54 = arith.constant 0 : i32
        %dma_wait3A_55 = tpu.memref_slice %arg7[%dma_wait3A_53, %dma_wait3A_54] : memref<10240x16xf32, #tpu.memory_space<vmem_shared>> -> memref<10240x16xf32, #tpu.memory_space<vmem_shared>>
        tpu.wait_indirect_dma semaphore(%run_scoped3A_45 : memref<!tpu.dma_semaphore, #tpu.memory_space<semaphore_mem>>) src(%arg5 : memref<128x16xf32, #tpu.memory_space<vmem>>) dst(%dma_wait3A_55 : memref<10240x16xf32, #tpu.memory_space<vmem_shared>>)
        tpu.yield
      }) : () -> ()
      %scan3A_44 = arith.constant 0 : i32
      scf.yield %scan3A_44 : i32
    }
    %scan3A_36 = arith.constant 80 : i32
    %barrier3A_37 = arith.constant 0 : index
    tpu.barrier barrier_id(%barrier3A_37)
    %mul3A_38 = arith.constant 640 : i32
    %mul3A_39 = arith.muli %arg1, %mul3A_38 : i32
    %mul3A_40 = arith.constant 640 : i32
    %mul3A_41 = arith.muli %arg1, %mul3A_40 : i32
    "tpu.region"() ({
      %run_scoped3A_42 = tpu.sem_alloc : memref<!tpu.dma_semaphore, #tpu.memory_space<semaphore_mem>>
      %dma_start3A = arith.constant 0 : i32
      %dma_start3A_43 = tpu.memref_slice %arg3[%arg0, %mul3A_41, %dma_start3A] : memref<2x10240x16xf32, #tpu.memory_space<hbm>> -> memref<1x640x16xf32, #tpu.memory_space<hbm>>
      %dma_start3A_44 = tpu.memref_squeeze %dma_start3A_43 : memref<1x640x16xf32, #tpu.memory_space<hbm>> -> memref<640x16xf32, #tpu.memory_space<hbm>>
      %dma_start3A_45 = arith.constant 0 : i32
      %dma_start3A_46 = tpu.memref_slice %arg7[%mul3A_39, %dma_start3A_45] : memref<10240x16xf32, #tpu.memory_space<vmem_shared>> -> memref<640x16xf32, #tpu.memory_space<vmem_shared>>
      tpu.enqueue_dma source(%dma_start3A_46 : memref<640x16xf32, #tpu.memory_space<vmem_shared>>) target(%dma_start3A_44 : memref<640x16xf32, #tpu.memory_space<hbm>>) target_semaphore(%run_scoped3A_42 : memref<!tpu.dma_semaphore, #tpu.memory_space<semaphore_mem>>)
      %dma_wait3A = arith.constant 0 : i32
      %dma_wait3A_47 = tpu.memref_slice %arg3[%arg0, %mul3A_41, %dma_wait3A] : memref<2x10240x16xf32, #tpu.memory_space<hbm>> -> memref<1x640x16xf32, #tpu.memory_space<hbm>>
      %dma_wait3A_48 = tpu.memref_squeeze %dma_wait3A_47 : memref<1x640x16xf32, #tpu.memory_space<hbm>> -> memref<640x16xf32, #tpu.memory_space<hbm>>
      %dma_wait3A_49 = arith.constant 0 : i32
      %dma_wait3A_50 = tpu.memref_slice %arg7[%mul3A_39, %dma_wait3A_49] : memref<10240x16xf32, #tpu.memory_space<vmem_shared>> -> memref<640x16xf32, #tpu.memory_space<vmem_shared>>
      tpu.wait_dma2 semaphore(%run_scoped3A_42 : memref<!tpu.dma_semaphore, #tpu.memory_space<semaphore_mem>>) src(%dma_wait3A_50 : memref<640x16xf32, #tpu.memory_space<vmem_shared>>) dst(%dma_wait3A_48 : memref<640x16xf32, #tpu.memory_space<hbm>>)
      tpu.yield
    }) : () -> ()
    return
  }
}

module attributes {stable_mosaic.version = 14 : i64} {
  func.func @_pre_body(%arg0: i32, %arg1: memref<1024x8xf32, #tpu.memory_space<vmem>>, %arg2: memref<8x128xf32, #tpu.memory_space<vmem>>, %arg3: memref<1x128xf32, #tpu.memory_space<vmem>>, %arg4: memref<1024x128xf32, #tpu.memory_space<vmem>>) attributes {dimension_semantics = [#tpu.dimension_semantics<arbitrary>], iteration_bounds = array<i64: 10>, scalar_prefetch = 0 : i64, scratch_operands = 0 : i64, tpu.core_type = #tpu.core_type<tc>, window_params = [{transform_indices = @transform_0, window_bounds = array<i64: 1024, 8>}, {pipeline_mode = #tpu.pipeline_mode<synchronous>, transform_indices = @transform_1, window_bounds = array<i64: 8, 128>}, {pipeline_mode = #tpu.pipeline_mode<synchronous>, transform_indices = @transform_2, window_bounds = array<i64: 1, 128>}, {transform_indices = @transform_3, window_bounds = array<i64: 1024, 128>}]} {
    %get3A = arith.constant 0 : index
    %get3A_0 = arith.constant 0 : index
    %get3A_1 = vector.load %arg1[%get3A, %get3A_0] : memref<1024x8xf32, #tpu.memory_space<vmem>>, vector<1024x8xf32>
    %get3A_2 = arith.constant 0 : index
    %get3A_3 = arith.constant 0 : index
    %get3A_4 = vector.load %arg2[%get3A_2, %get3A_3] : memref<8x128xf32, #tpu.memory_space<vmem>>, vector<8x128xf32>
    %dot_general3A = arith.constant dense<0.000000e+00> : vector<1024x128xf32>
    %dot_general3A_5 = tpu.matmul %get3A_1, %get3A_4, %dot_general3A {dimension_numbers = #tpu.dot_dimension_numbers<[1], [0], [0], [1], [0, 0, 1, 1], [], []>, transpose_lhs_hint = false} : vector<1024x8xf32>, vector<8x128xf32>, vector<1024x128xf32> -> vector<1024x128xf32>
    %get3A_6 = arith.constant 0 : index
    %get3A_7 = arith.constant 0 : index
    %get3A_8 = vector.load %arg3[%get3A_6, %get3A_7] : memref<1x128xf32, #tpu.memory_space<vmem>>, vector<1x128xf32>
    %add3A = vector.broadcast %get3A_8 : vector<1x128xf32> to vector<1024x128xf32>
    %add3A_9 = arith.addf %dot_general3A_5, %add3A : vector<1024x128xf32>
    %max3A = arith.constant 0.000000e+00 : f32
    %max3A_10 = vector.broadcast %max3A : f32 to vector<1024x128xf32>
    %max3A_11 = arith.maximumf %add3A_9, %max3A_10 : vector<1024x128xf32>
    %swap3A = arith.constant 0 : index
    %swap3A_12 = arith.constant 0 : index
    %swap3A_13 = vector.load %arg4[%swap3A, %swap3A_12] : memref<1024x128xf32, #tpu.memory_space<vmem>>, vector<1024x128xf32>
    tpu.vector_store %arg4[%swap3A, %swap3A_12], %max3A_11 {strides = array<i32>} : memref<1024x128xf32, #tpu.memory_space<vmem>>, vector<1024x128xf32>,
    return
  }
  func.func @transform_0(%arg0: i32) -> (i32, i32) {
    %c0_i32 = arith.constant 0 : i32
    %c0_i32_0 = arith.constant 0 : i32
    return %arg0, %c0_i32 : i32, i32
  }
  func.func @transform_1(%arg0: i32) -> (i32, i32) {
    %c0_i32 = arith.constant 0 : i32
    %c0_i32_0 = arith.constant 0 : i32
    %c0_i32_1 = arith.constant 0 : i32
    return %c0_i32, %c0_i32_0 : i32, i32
  }
  func.func @transform_2(%arg0: i32) -> (i32, i32) {
    %c0_i32 = arith.constant 0 : i32
    %c0_i32_0 = arith.constant 0 : i32
    %c0_i32_1 = arith.constant 0 : i32
    return %c0_i32, %c0_i32_0 : i32, i32
  }
  func.func @transform_3(%arg0: i32) -> (i32, i32) {
    %c0_i32 = arith.constant 0 : i32
    %c0_i32_0 = arith.constant 0 : i32
    return %arg0, %c0_i32 : i32, i32
  }
}

module attributes {stable_mosaic.version = 14 : i64} {
  func.func @_mid_body(%arg0: i32, %arg1: memref<1024x128xf32, #tpu.memory_space<vmem>>, %arg2: memref<2x1024x16xf32, #tpu.memory_space<vmem>>, %arg3: memref<1024x128xf32, #tpu.memory_space<vmem>>, %arg4: memref<128x128xf32, #tpu.memory_space<vmem>>, %arg5: memref<128x128xf32, #tpu.memory_space<vmem>>, %arg6: memref<1x128xf32, #tpu.memory_space<vmem>>, %arg7: memref<1024x128xf32, #tpu.memory_space<vmem>>) attributes {dimension_semantics = [#tpu.dimension_semantics<arbitrary>], iteration_bounds = array<i64: 10>, scalar_prefetch = 0 : i64, scratch_operands = 0 : i64, tpu.core_type = #tpu.core_type<tc>, window_params = [{transform_indices = @transform_0, window_bounds = array<i64: 1024, 128>}, {transform_indices = @transform_1, window_bounds = array<i64: 2, 1024, 16>}, {transform_indices = @transform_2, window_bounds = array<i64: 1024, 128>}, {pipeline_mode = #tpu.pipeline_mode<synchronous>, transform_indices = @transform_3, window_bounds = array<i64: 128, 128>}, {pipeline_mode = #tpu.pipeline_mode<synchronous>, transform_indices = @transform_4, window_bounds = array<i64: 128, 128>}, {pipeline_mode = #tpu.pipeline_mode<synchronous>, transform_indices = @transform_5, window_bounds = array<i64: 1, 128>}, {transform_indices = @transform_6, window_bounds = array<i64: 1024, 128>}]} {
    %get3A = arith.constant 0 : index
    %get3A_0 = arith.constant 0 : index
    %get3A_1 = arith.constant 0 : index
    %get3A_2 = vector.load %arg2[%get3A, %get3A_0, %get3A_1] : memref<2x1024x16xf32, #tpu.memory_space<vmem>>, vector<1x1024x1xf32>
    %get3A_3 = vector.shape_cast %get3A_2 : vector<1x1024x1xf32> to vector<1024x1xf32>
    %get3A_4 = arith.constant 1 : index
    %get3A_5 = arith.constant 0 : index
    %get3A_6 = arith.constant 0 : index
    %get3A_7 = vector.load %arg2[%get3A_4, %get3A_5, %get3A_6] : memref<2x1024x16xf32, #tpu.memory_space<vmem>>, vector<1x1024x1xf32>
    %get3A_8 = vector.shape_cast %get3A_7 : vector<1x1024x1xf32> to vector<1024x1xf32>
    %add3A = arith.addf %get3A_3, %get3A_8 : vector<1024x1xf32>
    %get3A_9 = arith.constant 0 : index
    %get3A_10 = arith.constant 0 : index
    %get3A_11 = vector.load %arg1[%get3A_9, %get3A_10] : memref<1024x128xf32, #tpu.memory_space<vmem>>, vector<1024x128xf32>
    %max3A = arith.constant 1.000000e+00 : f32
    %max3A_12 = vector.broadcast %max3A : f32 to vector<1024x1xf32>
    %max3A_13 = arith.maximumf %add3A, %max3A_12 : vector<1024x1xf32>
    %div3A = vector.broadcast %max3A_13 : vector<1024x1xf32> to vector<1024x128xf32>
    %div3A_14 = arith.divf %get3A_11, %div3A : vector<1024x128xf32>
    %get3A_15 = arith.constant 0 : index
    %get3A_16 = arith.constant 0 : index
    %get3A_17 = vector.load %arg4[%get3A_15, %get3A_16] : memref<128x128xf32, #tpu.memory_space<vmem>>, vector<128x128xf32>
    %dot_general3A = arith.constant dense<0.000000e+00> : vector<1024x128xf32>
    %dot_general3A_18 = tpu.matmul %div3A_14, %get3A_17, %dot_general3A {dimension_numbers = #tpu.dot_dimension_numbers<[1], [0], [0], [1], [0, 0, 1, 1], [], []>, transpose_lhs_hint = false} : vector<1024x128xf32>, vector<128x128xf32>, vector<1024x128xf32> -> vector<1024x128xf32>
    %get3A_19 = arith.constant 0 : index
    %get3A_20 = arith.constant 0 : index
    %get3A_21 = vector.load %arg3[%get3A_19, %get3A_20] : memref<1024x128xf32, #tpu.memory_space<vmem>>, vector<1024x128xf32>
    %get3A_22 = arith.constant 0 : index
    %get3A_23 = arith.constant 0 : index
    %get3A_24 = vector.load %arg5[%get3A_22, %get3A_23] : memref<128x128xf32, #tpu.memory_space<vmem>>, vector<128x128xf32>
    %dot_general3A_25 = arith.constant dense<0.000000e+00> : vector<1024x128xf32>
    %dot_general3A_26 = tpu.matmul %get3A_21, %get3A_24, %dot_general3A_25 {dimension_numbers = #tpu.dot_dimension_numbers<[1], [0], [0], [1], [0, 0, 1, 1], [], []>, transpose_lhs_hint = false} : vector<1024x128xf32>, vector<128x128xf32>, vector<1024x128xf32> -> vector<1024x128xf32>
    %add3A_27 = arith.addf %dot_general3A_18, %dot_general3A_26 : vector<1024x128xf32>
    %get3A_28 = arith.constant 0 : index
    %get3A_29 = arith.constant 0 : index
    %get3A_30 = vector.load %arg6[%get3A_28, %get3A_29] : memref<1x128xf32, #tpu.memory_space<vmem>>, vector<1x128xf32>
    %add3A_31 = vector.broadcast %get3A_30 : vector<1x128xf32> to vector<1024x128xf32>
    %add3A_32 = arith.addf %add3A_27, %add3A_31 : vector<1024x128xf32>
    %max3A_33 = arith.constant 0.000000e+00 : f32
    %max3A_34 = vector.broadcast %max3A_33 : f32 to vector<1024x128xf32>
    %max3A_35 = arith.maximumf %add3A_32, %max3A_34 : vector<1024x128xf32>
    %swap3A = arith.constant 0 : index
    %swap3A_36 = arith.constant 0 : index
    %swap3A_37 = vector.load %arg7[%swap3A, %swap3A_36] : memref<1024x128xf32, #tpu.memory_space<vmem>>, vector<1024x128xf32>
    tpu.vector_store %arg7[%swap3A, %swap3A_36], %max3A_35 {strides = array<i32>} : memref<1024x128xf32, #tpu.memory_space<vmem>>, vector<1024x128xf32>,
    return
  }
  func.func @transform_0(%arg0: i32) -> (i32, i32) {
    %c0_i32 = arith.constant 0 : i32
    %c0_i32_0 = arith.constant 0 : i32
    return %arg0, %c0_i32 : i32, i32
  }
  func.func @transform_1(%arg0: i32) -> (i32, i32, i32) {
    %c0_i32 = arith.constant 0 : i32
    %c0_i32_0 = arith.constant 0 : i32
    %c0_i32_1 = arith.constant 0 : i32
    return %c0_i32, %arg0, %c0_i32_0 : i32, i32, i32
  }
  func.func @transform_2(%arg0: i32) -> (i32, i32) {
    %c0_i32 = arith.constant 0 : i32
    %c0_i32_0 = arith.constant 0 : i32
    return %arg0, %c0_i32 : i32, i32
  }
  func.func @transform_3(%arg0: i32) -> (i32, i32) {
    %c0_i32 = arith.constant 0 : i32
    %c0_i32_0 = arith.constant 0 : i32
    %c0_i32_1 = arith.constant 0 : i32
    return %c0_i32, %c0_i32_0 : i32, i32
  }
  func.func @transform_4(%arg0: i32) -> (i32, i32) {
    %c0_i32 = arith.constant 0 : i32
    %c0_i32_0 = arith.constant 0 : i32
    %c0_i32_1 = arith.constant 0 : i32
    return %c0_i32, %c0_i32_0 : i32, i32
  }
  func.func @transform_5(%arg0: i32) -> (i32, i32) {
    %c0_i32 = arith.constant 0 : i32
    %c0_i32_0 = arith.constant 0 : i32
    %c0_i32_1 = arith.constant 0 : i32
    return %c0_i32, %c0_i32_0 : i32, i32
  }
  func.func @transform_6(%arg0: i32) -> (i32, i32) {
    %c0_i32 = arith.constant 0 : i32
    %c0_i32_0 = arith.constant 0 : i32
    return %arg0, %c0_i32 : i32, i32
  }
}

module attributes {stable_mosaic.version = 14 : i64} {
  func.func @_fin_body(%arg0: i32, %arg1: memref<1000x128xf32, #tpu.memory_space<vmem>>, %arg2: memref<2x1000x16xf32, #tpu.memory_space<vmem>>, %arg3: memref<1000x128xf32, #tpu.memory_space<vmem>>, %arg4: memref<128x128xf32, #tpu.memory_space<vmem>>, %arg5: memref<128x128xf32, #tpu.memory_space<vmem>>, %arg6: memref<1x128xf32, #tpu.memory_space<vmem>>, %arg7: memref<128x128xf32, #tpu.memory_space<vmem>>, %arg8: memref<1x128xf32, #tpu.memory_space<vmem>>, %arg9: memref<1000x128xf32, #tpu.memory_space<vmem>>, %arg10: memref<1x128xf32, #tpu.memory_space<vmem>>) attributes {dimension_semantics = [#tpu.dimension_semantics<arbitrary>], iteration_bounds = array<i64: 10>, scalar_prefetch = 0 : i64, scratch_operands = 0 : i64, tpu.core_type = #tpu.core_type<tc>, window_params = [{transform_indices = @transform_0, window_bounds = array<i64: 1000, 128>}, {transform_indices = @transform_1, window_bounds = array<i64: 2, 1000, 16>}, {transform_indices = @transform_2, window_bounds = array<i64: 1000, 128>}, {pipeline_mode = #tpu.pipeline_mode<synchronous>, transform_indices = @transform_3, window_bounds = array<i64: 128, 128>}, {pipeline_mode = #tpu.pipeline_mode<synchronous>, transform_indices = @transform_4, window_bounds = array<i64: 128, 128>}, {pipeline_mode = #tpu.pipeline_mode<synchronous>, transform_indices = @transform_5, window_bounds = array<i64: 1, 128>}, {pipeline_mode = #tpu.pipeline_mode<synchronous>, transform_indices = @transform_6, window_bounds = array<i64: 128, 128>}, {pipeline_mode = #tpu.pipeline_mode<synchronous>, transform_indices = @transform_7, window_bounds = array<i64: 1, 128>}, {transform_indices = @transform_8, window_bounds = array<i64: 1000, 128>}, {pipeline_mode = #tpu.pipeline_mode<synchronous>, transform_indices = @transform_9, window_bounds = array<i64: 1, 128>}]} {
    %get3A = arith.constant 0 : index
    %get3A_0 = arith.constant 0 : index
    %get3A_1 = arith.constant 0 : index
    %get3A_2 = vector.load %arg2[%get3A, %get3A_0, %get3A_1] : memref<2x1000x16xf32, #tpu.memory_space<vmem>>, vector<1x1000x1xf32>
    %get3A_3 = vector.shape_cast %get3A_2 : vector<1x1000x1xf32> to vector<1000x1xf32>
    %get3A_4 = arith.constant 1 : index
    %get3A_5 = arith.constant 0 : index
    %get3A_6 = arith.constant 0 : index
    %get3A_7 = vector.load %arg2[%get3A_4, %get3A_5, %get3A_6] : memref<2x1000x16xf32, #tpu.memory_space<vmem>>, vector<1x1000x1xf32>
    %get3A_8 = vector.shape_cast %get3A_7 : vector<1x1000x1xf32> to vector<1000x1xf32>
    %add3A = arith.addf %get3A_3, %get3A_8 : vector<1000x1xf32>
    %get3A_9 = arith.constant 0 : index
    %get3A_10 = arith.constant 0 : index
    %get3A_11 = vector.load %arg1[%get3A_9, %get3A_10] : memref<1000x128xf32, #tpu.memory_space<vmem>>, vector<1000x128xf32>
    %max3A = arith.constant 1.000000e+00 : f32
    %max3A_12 = vector.broadcast %max3A : f32 to vector<1000x1xf32>
    %max3A_13 = arith.maximumf %add3A, %max3A_12 : vector<1000x1xf32>
    %div3A = vector.broadcast %max3A_13 : vector<1000x1xf32> to vector<1000x128xf32>
    %div3A_14 = arith.divf %get3A_11, %div3A : vector<1000x128xf32>
    %get3A_15 = arith.constant 0 : index
    %get3A_16 = arith.constant 0 : index
    %get3A_17 = vector.load %arg4[%get3A_15, %get3A_16] : memref<128x128xf32, #tpu.memory_space<vmem>>, vector<128x128xf32>
    %dot_general3A = arith.constant dense<0.000000e+00> : vector<1000x128xf32>
    %dot_general3A_18 = tpu.matmul %div3A_14, %get3A_17, %dot_general3A {dimension_numbers = #tpu.dot_dimension_numbers<[1], [0], [0], [1], [0, 0, 1, 1], [], []>, transpose_lhs_hint = false} : vector<1000x128xf32>, vector<128x128xf32>, vector<1000x128xf32> -> vector<1000x128xf32>
    %get3A_19 = arith.constant 0 : index
    %get3A_20 = arith.constant 0 : index
    %get3A_21 = vector.load %arg3[%get3A_19, %get3A_20] : memref<1000x128xf32, #tpu.memory_space<vmem>>, vector<1000x128xf32>
    %get3A_22 = arith.constant 0 : index
    %get3A_23 = arith.constant 0 : index
    %get3A_24 = vector.load %arg5[%get3A_22, %get3A_23] : memref<128x128xf32, #tpu.memory_space<vmem>>, vector<128x128xf32>
    %dot_general3A_25 = arith.constant dense<0.000000e+00> : vector<1000x128xf32>
    %dot_general3A_26 = tpu.matmul %get3A_21, %get3A_24, %dot_general3A_25 {dimension_numbers = #tpu.dot_dimension_numbers<[1], [0], [0], [1], [0, 0, 1, 1], [], []>, transpose_lhs_hint = false} : vector<1000x128xf32>, vector<128x128xf32>, vector<1000x128xf32> -> vector<1000x128xf32>
    %add3A_27 = arith.addf %dot_general3A_18, %dot_general3A_26 : vector<1000x128xf32>
    %get3A_28 = arith.constant 0 : index
    %get3A_29 = arith.constant 0 : index
    %get3A_30 = vector.load %arg6[%get3A_28, %get3A_29] : memref<1x128xf32, #tpu.memory_space<vmem>>, vector<1x128xf32>
    %add3A_31 = vector.broadcast %get3A_30 : vector<1x128xf32> to vector<1000x128xf32>
    %add3A_32 = arith.addf %add3A_27, %add3A_31 : vector<1000x128xf32>
    %max3A_33 = arith.constant 0.000000e+00 : f32
    %max3A_34 = vector.broadcast %max3A_33 : f32 to vector<1000x128xf32>
    %max3A_35 = arith.maximumf %add3A_32, %max3A_34 : vector<1000x128xf32>
    %get3A_36 = arith.constant 0 : index
    %get3A_37 = arith.constant 0 : index
    %get3A_38 = vector.load %arg7[%get3A_36, %get3A_37] : memref<128x128xf32, #tpu.memory_space<vmem>>, vector<128x128xf32>
    %dot_general3A_39 = arith.constant dense<0.000000e+00> : vector<1000x128xf32>
    %dot_general3A_40 = tpu.matmul %max3A_35, %get3A_38, %dot_general3A_39 {dimension_numbers = #tpu.dot_dimension_numbers<[1], [0], [0], [1], [0, 0, 1, 1], [], []>, transpose_lhs_hint = false} : vector<1000x128xf32>, vector<128x128xf32>, vector<1000x128xf32> -> vector<1000x128xf32>
    %get3A_41 = arith.constant 0 : index
    %get3A_42 = arith.constant 0 : index
    %get3A_43 = vector.load %arg8[%get3A_41, %get3A_42] : memref<1x128xf32, #tpu.memory_space<vmem>>, vector<1x128xf32>
    %add3A_44 = vector.broadcast %get3A_43 : vector<1x128xf32> to vector<1000x128xf32>
    %add3A_45 = arith.addf %dot_general3A_40, %add3A_44 : vector<1000x128xf32>
    %swap3A = arith.constant 0 : index
    %swap3A_46 = arith.constant 0 : index
    %swap3A_47 = vector.load %arg9[%swap3A, %swap3A_46] : memref<1000x128xf32, #tpu.memory_space<vmem>>, vector<1000x128xf32>
    tpu.vector_store %arg9[%swap3A, %swap3A_46], %add3A_45 {strides = array<i32>} : memref<1000x128xf32, #tpu.memory_space<vmem>>, vector<1000x128xf32>,
    %reduce_sum3A = arith.constant dense<0.000000e+00> : vector<128xf32>
    %reduce_sum3A_48 = vector.multi_reduction <add>, %add3A_45, %reduce_sum3A [0] : vector<1000x128xf32> to vector<128xf32>
    %broadcast_in_dim3A = vector.shape_cast %reduce_sum3A_48 : vector<128xf32> to vector<1x128xf32>
    %eq3A = arith.constant 0 : i32
    %eq3A_49 = arith.cmpi eq, %arg0, %eq3A : i32
    %convert_element_type3A = arith.extui %eq3A_49 : i1 to i32
    %cond3A = arith.constant 0 : i32
    %cond3A_50 = arith.cmpi ne, %convert_element_type3A, %cond3A : i32
    scf.if %cond3A_50 {
      %broadcast_in_dim3A_62 = arith.constant 0.000000e+00 : f32
      %broadcast_in_dim3A_63 = vector.broadcast %broadcast_in_dim3A_62 : f32 to vector<1x128xf32>
      %swap3A_64 = arith.constant 0 : index
      %swap3A_65 = arith.constant 0 : index
      %swap3A_66 = vector.load %arg10[%swap3A_64, %swap3A_65] : memref<1x128xf32, #tpu.memory_space<vmem>>, vector<1x128xf32>
      tpu.vector_store %arg10[%swap3A_64, %swap3A_65], %broadcast_in_dim3A_63 {strides = array<i32>} : memref<1x128xf32, #tpu.memory_space<vmem>>, vector<1x128xf32>,
    } else {
    }
    %get3A_51 = arith.constant 0 : index
    %get3A_52 = arith.constant 0 : index
    %get3A_53 = vector.load %arg10[%get3A_51, %get3A_52] : memref<1x128xf32, #tpu.memory_space<vmem>>, vector<1x128xf32>
    %add3A_54 = arith.addf %get3A_53, %broadcast_in_dim3A : vector<1x128xf32>
    %eq3A_55 = arith.constant 9 : i32
    %eq3A_56 = arith.cmpi eq, %arg0, %eq3A_55 : i32
    %mul3A = arith.constant 9.99999974E-5 : f32
    %mul3A_57 = vector.broadcast %mul3A : f32 to vector<1x128xf32>
    %mul3A_58 = arith.mulf %add3A_54, %mul3A_57 : vector<1x128xf32>
    %select_n3A = arith.select %eq3A_56, %mul3A_58, %add3A_54 : vector<1x128xf32>
    %swap3A_59 = arith.constant 0 : index
    %swap3A_60 = arith.constant 0 : index
    %swap3A_61 = vector.load %arg10[%swap3A_59, %swap3A_60] : memref<1x128xf32, #tpu.memory_space<vmem>>, vector<1x128xf32>
    tpu.vector_store %arg10[%swap3A_59, %swap3A_60], %select_n3A {strides = array<i32>} : memref<1x128xf32, #tpu.memory_space<vmem>>, vector<1x128xf32>,
    return
  }
  func.func @transform_0(%arg0: i32) -> (i32, i32) {
    %c0_i32 = arith.constant 0 : i32
    %c0_i32_0 = arith.constant 0 : i32
    return %arg0, %c0_i32 : i32, i32
  }
  func.func @transform_1(%arg0: i32) -> (i32, i32, i32) {
    %c0_i32 = arith.constant 0 : i32
    %c0_i32_0 = arith.constant 0 : i32
    %c0_i32_1 = arith.constant 0 : i32
    return %c0_i32, %arg0, %c0_i32_0 : i32, i32, i32
  }
  func.func @transform_2(%arg0: i32) -> (i32, i32) {
    %c0_i32 = arith.constant 0 : i32
    %c0_i32_0 = arith.constant 0 : i32
    return %arg0, %c0_i32 : i32, i32
  }
  func.func @transform_3(%arg0: i32) -> (i32, i32) {
    %c0_i32 = arith.constant 0 : i32
    %c0_i32_0 = arith.constant 0 : i32
    %c0_i32_1 = arith.constant 0 : i32
    return %c0_i32, %c0_i32_0 : i32, i32
  }
  func.func @transform_4(%arg0: i32) -> (i32, i32) {
    %c0_i32 = arith.constant 0 : i32
    %c0_i32_0 = arith.constant 0 : i32
    %c0_i32_1 = arith.constant 0 : i32
    return %c0_i32, %c0_i32_0 : i32, i32
  }
  func.func @transform_5(%arg0: i32) -> (i32, i32) {
    %c0_i32 = arith.constant 0 : i32
    %c0_i32_0 = arith.constant 0 : i32
    %c0_i32_1 = arith.constant 0 : i32
    return %c0_i32, %c0_i32_0 : i32, i32
  }
  func.func @transform_6(%arg0: i32) -> (i32, i32) {
    %c0_i32 = arith.constant 0 : i32
    %c0_i32_0 = arith.constant 0 : i32
    %c0_i32_1 = arith.constant 0 : i32
    return %c0_i32, %c0_i32_0 : i32, i32
  }
  func.func @transform_7(%arg0: i32) -> (i32, i32) {
    %c0_i32 = arith.constant 0 : i32
    %c0_i32_0 = arith.constant 0 : i32
    %c0_i32_1 = arith.constant 0 : i32
    return %c0_i32, %c0_i32_0 : i32, i32
  }
  func.func @transform_8(%arg0: i32) -> (i32, i32) {
    %c0_i32 = arith.constant 0 : i32
    %c0_i32_0 = arith.constant 0 : i32
    return %arg0, %c0_i32 : i32, i32
  }
  func.func @transform_9(%arg0: i32) -> (i32, i32) {
    %c0_i32 = arith.constant 0 : i32
    %c0_i32_0 = arith.constant 0 : i32
    %c0_i32_1 = arith.constant 0 : i32
    return %c0_i32, %c0_i32_0 : i32, i32
  }
}

</mosaic_0001>

<sc_bundles>
// kernel: kernel.11.cloned.1.call-start
scs
__scs_entry_jumppad:
0x0: {  	(pc) =	sbr.rel $0x88, $3  }
0x1: {  	(tag) =	ssettag $0x0;
	lr =	simm.s32 $0x1  }
0x2: {  	[smem:$0x3F94] =	sst lr;
	_ =	strace $0xD0000000  }
0x3: {  	_ = 	snop  }
0x4: {  	_ = 	snop  }
0x5: {  	_ = 	snop  }
0x6: {  	_ = 	snop  }
0x7: {  	_ = 	snop  }
__scs_overlays_trampoline_lowered:
0x8: {  	[smem:$0x3FA3] =	sst s0  }
0x9: {  	[smem:$0x3FA4] =	sst s1  }
0xa: {  	[smem:$0x3FA5] =	sst s2  }
0xb: {  	[smem:$0x3FA6] =	sst s3  }
0xc: {  	[smem:$0x3FA7] =	sst s4  }
0xd: {  	[smem:$0x3FA8] =	sst s5  }
0xe: {  	[smem:$0x3FA9] =	sst s6  }
0xf: {  	[smem:$0x3FAA] =	sst s7  }
0x10: {  	[smem:$0x3FAB] =	sst s8  }
0x11: {  	[smem:$0x3FAC] =	sst s9;
	s0 =	simm.s32 @!p0 $0x0  }
0x12: {  	s1 =	sld [smem:$0x3F92];
	s0 =	simm.s32 @p0 $0x1  }
0x13: {  	[smem:$0x3FAD] =	sst s0;
	s0 =	simm.s32 @!p1 $0x0  }
0x14: {  	s2 =	sld [smem:$0x3F91];
	s0 =	simm.s32 @p1 $0x1  }
0x15: {  	[smem:$0x3FAE] =	sst s0;
	s0 =	simm.s32 @!p2 $0x0  }
0x16: {  	s3 =	sld [smem:$0x3FDB];
	s0 =	simm.s32 @p2 $0x1  }
0x17: {  	s4 =	simm.s32 $0x1BF5;
	[smem:$0x3FB0] =	sst s0  }
0x18: {  	s0 =	sld [smem:$0x3F93];
	_ =	swait.ge [sflag:s4], $0x0  }
0x19: {  	s7 =	sld [smem:$0x3F94]  }
0x1a: {  	s8 =	sadd.s32 $0xFFFFE003, lr  }
0x1b: {  	s9 =	sadd.s32 $0xFFFFFEF7, lr;
	s5 =	simm.s32 $0xFFFFFFFF;
	p2 =	slt.u32 s8, $0xFFFFF086  }
0x1c: {  	p1 =	slt.u32 s9, $0xF7A;
	s5 =	simm.s32 @!p2 $0x0  }
0x1d: {  	s5 =	simm.s32 @p1 $0x1;
	p0 =	seq.s32 s7, s2  }
0x1e: {  	s7 =	smul.u32 @!p0 $0xF7A, s2;
	p2 =	seq.s32 @!p0 s5, $0x0  }
0x1f: {  	s9 =	smul.u32 $0xF7A, s1;
	s8 =	simm.s32 @!p0 $0x1BF5;
	p2 =	por !p2, p0  }
0x20: {  	[sflag:s8] =	ssyncset.s32 @!p0 $0xFFFFF086;
	s6 =	sadd.s32 @!p0 s3, s7;
	s7 =	simm.s32 @!p0 $0x108  }
0x21: {  	s3 =	sadd.s32 s3, s9;
	s6 =	sadd.s32 @!p0 $0x88, s6;
	s7 =	simm.s32 @p2 $0x1082  }
0x22: {  	[simem:s7], [sflag:s8] =	dma.local @!p0 [hbm:s6], $0xF7A  }
0x23: {  	s9 =	sor.u32 $0xD0000000, s2;
	s6 =	simm.s32 $0x108;
	_ =	swait.ge @!p0 [sflag:s8], $0x0  }
0x24: {  	s3 =	sadd.s32 $0x88, s3;
	s6 =	simm.s32 @!p1 $0x1082;
	[sflag:s4] =	ssyncset.s32 $0xFFFFF086  }
0x25: {  	[simem:s6], [sflag:s4] =	dma.local [hbm:s3], $0xF7A  }
0x26: {  	[smem:$0x3F94] =	sst s1;
	(tag) =	ssettag s2;
	_ =	strace s9  }
0x27: {  	s1 =	sld [smem:$0x3FA4]  }
0x28: {  	s2 =	sld [smem:$0x3FA5]  }
0x29: {  	s4 =	sld [smem:$0x3FA7]  }
0x2a: {  	p0 =	seq.s32 s5, $0x0;
	s5 =	sld [smem:$0x3FA8]  }
0x2b: {  	s6 =	sld [smem:$0x3FA9]  }
0x2c: {  	s7 =	sld [smem:$0x3FAA]  }
0x2d: {  	s3 =	simm.s32 $0x108;
	s8 =	sld [smem:$0x3FAB]  }
0x2e: {  	s3 =	simm.s32 @!p0 $0x1082;
	s9 =	sld [smem:$0x3FAC]  }
0x2f: {  	lr =	sadd.s32 s0, s3;
	s0 =	sld [smem:$0x3FA3]  }
0x30: {  	s3 =	sld [smem:$0x3FA6]  }
0x31: {  	[smem:$0x3FAF] =	sst s10  }
0x32: {  	s10 =	sld [smem:$0x3FAD];
	_ =	sdelay $0x3  }
0x33: {  	p0 =	seq.s32 s10, $0x1;
	s10 =	sld [smem:$0x3FAF];
	_ =	sdelay $0x3  }
0x34: {  	[smem:$0x3FAF] =	sst s10  }
0x35: {  	s10 =	sld [smem:$0x3FAE];
	_ =	sdelay $0x3  }
0x36: {  	p1 =	seq.s32 s10, $0x1;
	s10 =	sld [smem:$0x3FAF];
	_ =	sdelay $0x3  }
0x37: {  	[smem:$0x3FAF] =	sst s10  }
0x38: {  	s10 =	sld [smem:$0x3FB0]  }
0x39: {  	_ = 	snop;
	(pc) =	sbr.ind lr, $3  }
0x3a: {  	_ = 	snop  }
0x3b: {  	_ = 	snop  }
0x3c: {  	p2 =	seq.s32 s10, $0x1;
	s10 =	sld [smem:$0x3FAF]  }
0x3d: {  	_ =	shalt  }
0x3e: {  	_ =	shalt  }
0x3f: {  	_ =	shalt  }
0x40: {  	_ =	shalt  }
0x41: {  	_ =	shalt  }
0x42: {  	_ =	shalt  }
0x43: {  	_ =	shalt  }
0x44: {  	_ =	shalt  }
0x45: {  	_ =	shalt  }
0x46: {  	_ =	shalt  }
0x47: {  	_ =	shalt  }
0x48: {  	_ =	shalt  }
0x49: {  	_ =	shalt  }
0x4a: {  	_ =	shalt  }
0x4b: {  	_ =	shalt  }
0x4c: {  	_ =	shalt  }
0x4d: {  	_ =	shalt  }
0x4e: {  	_ =	shalt  }
0x4f: {  	_ =	shalt  }
0x50: {  	_ =	shalt  }
0x51: {  	_ =	shalt  }
0x52: {  	_ =	shalt  }
0x53: {  	_ =	shalt  }
0x54: {  	_ =	shalt  }
0x55: {  	_ =	shalt  }
0x56: {  	_ =	shalt  }
0x57: {  	_ =	shalt  }
0x58: {  	_ =	shalt  }
0x59: {  	_ =	shalt  }
0x5a: {  	_ =	shalt  }
0x5b: {  	_ =	shalt  }
0x5c: {  	_ =	shalt  }
0x5d: {  	_ =	shalt  }
0x5e: {  	_ =	shalt  }
0x5f: {  	_ =	shalt  }
0x60: {  	_ =	shalt  }
0x61: {  	_ =	shalt  }
0x62: {  	_ =	shalt  }
0x63: {  	_ =	shalt  }
0x64: {  	_ =	shalt  }
0x65: {  	_ =	shalt  }
0x66: {  	_ =	shalt  }
0x67: {  	_ =	shalt  }
0x68: {  	_ =	shalt  }
0x69: {  	_ =	shalt  }
0x6a: {  	_ =	shalt  }
0x6b: {  	_ =	shalt  }
0x6c: {  	_ =	shalt  }
0x6d: {  	_ =	shalt  }
0x6e: {  	_ =	shalt  }
0x6f: {  	_ =	shalt  }
0x70: {  	_ =	shalt  }
0x71: {  	_ =	shalt  }
0x72: {  	_ =	shalt  }
0x73: {  	_ =	shalt  }
0x74: {  	_ =	shalt  }
0x75: {  	_ =	shalt  }
0x76: {  	_ =	shalt  }
0x77: {  	_ =	shalt  }
0x78: {  	_ =	shalt  }
0x79: {  	_ =	shalt  }
0x7a: {  	_ =	shalt  }
0x7b: {  	_ =	shalt  }
0x7c: {  	_ =	shalt  }
0x7d: {  	_ =	shalt  }
0x7e: {  	_ =	shalt  }
0x7f: {  	_ =	shalt  }
0x80: {  	_ =	shalt  }
0x81: {  	_ =	shalt  }
0x82: {  	_ =	shalt  }
0x83: {  	_ =	shalt  }
0x84: {  	_ =	shalt  }
0x85: {  	_ =	shalt  }
0x86: {  	_ =	shalt  }
0x87: {  	_ =	shalt  }
.Lfunc_end0:
.L_simem_size_0:
called_computation.1_lowered:
.L_overlay_start_0:
0x88: {  	s2 =	sld [smem:$0x3FD9]  }
0x89: {  	s3 =	sld [smem:$0x3FFE];
	_ =	sdelay $0x1  }
0x8a: {  	s1 =	srdreg.scid  }
0x8b: {  	s0 =	sand.u32 $0x1, s1  }
0x8c: {  	s15 =	sshll.u32 s0, $0xA;
	s2 =	sadd.s32 s3, s2  }
0x8d: {  	s2 =	sadd.s32 s2, s15  }
0x8e: {  	[smem:$0x3FBB] =	sst s2  }
0x8f: {  	_ = 	snop  }
0x90: {  	s2 =	sld [smem:$0x3FD0];
	_ =	sdelay $0x2  }
0x91: {  	s16 =	simm.s32 $0xB;
	s4 =	simm.s32 $0x10  }
0x92: {  	[smem:s4], [sflag:s16] =	dma.local [hbm:s2], $0x1  }
0x93: {  	_ =	swait.eq [sflag:s16], $0x1  }
0x94: {  	[sflag:s16] =	ssyncset.done $0x0  }
0x95: {  	[sflag:s16] =	ssyncadd.s32 $0xFFFFFFFF  }
0x96: {  	s17 =	sld [smem:$0x11];
	(tm) =	ssettm $0x1  }
0x97: {  	s18 =	sld [smem:$0x3FFB];
	_ =	sdelay $0x3  }
0x98: {  	_ =	strace s18  }
0x99: {  	s2 =	sld [smem:$0x3FFC];
	_ =	sdelay $0x3  }
0x9a: {  	_ =	strace s2  }
0x9b: {  	s2 =	sld [smem:$0x3FFD];
	_ =	sdelay $0x3  }
0x9c: {  	_ =	strace s2  }
0x9d: {  	_ =	strace $0x8FFFFFFF  }
0x9e: {  	s19 =	sld [smem:$0x3FDB];
	_ =	sdelay $0x1  }
0x9f: {  	s20 =	simm.s32 $_scs_section_size  }
0xa0: {  	s5 =	simm.s32 $_size__tile_overlayer_lowered;
	s6 =	simm.s32 $_tile_overlayer_lowered  }
0xa1: {  	s7 =	simm.s32 $0x1BFF;
	s21 =	sshll.u32 s6, $0x1;
	s4 =	sadd.s32 s20, s19  }
0xa2: {  	s22 =	simm.s32 $0x0;
	s5 =	sshll.u32 s5, $0x1;
	s6 =	sadd.s32 s21, s4  }
0xa3: {  	[timem:s22], [sflag:s7] =	dma.local [hbm:s6], s5  }
0xa4: {  	_ =	swait.ge [sflag:s7], s5  }
0xa5: {  	s5 =	ssub.s32 $0x0, s5;
	[sflag:s7] =	ssyncset.done $0x0  }
0xa6: {  	[sflag:s7] =	ssyncadd.s32 s5;
	_ =	sdelay $0x1  }
0xa7: {  	s23 =	simm.s32 $0x1B8B  }
0xa8: {  	_ =	swait.ge [sflag:s23], $0x1  }
0xa9: {  	[sflag:s23] =	ssyncset.done $0x0  }
0xaa: {  	[sflag:s23] =	ssyncadd.s32 $0xFFFFFFFF  }
0xab: {  	s5 =	sld [smem:$0x0]  }
0xac: {  	s6 =	sand.u32 $0xFFFFFFFE, s1  }
0xad: {  	p0 =	sne.s32 s1, s6  }
0xae: {  	s6 =	sshll.u32 @p0 s6, $0xE  }
0xaf: {  	s6 =	sadd.s32 @p0 $0x11B8D, s6;
	s7 =	sshll.u32 @p0 s5, $0x11  }
0xb0: {  	s6 =	sor.u32 @p0 s7, s6  }
0xb1: {  	[sflag:s6] =	ssyncadd.remote.s32 @p0 $0x1;
	_ =	sdelay $0x1  }
0xb2: {  	s6 =	simm.s32 @p0 $0x1B8D  }
0xb3: {  	_ =	swait.eq @p0 [sflag:s6], $0x1  }
0xb4: {  	[sflag:s6] =	ssyncadd.s32 @p0 $0xFFFFFFFF  }
0xb5: {  	s7 =	sshll.u32 @!p0 s1, $0xE  }
0xb6: {  	s7 =	sor.u32 @!p0 $0x4000, s7;
	s6 =	simm.s32 @!p0 $0x1B8D  }
0xb7: {  	s5 =	sshll.u32 @!p0 s5, $0x11;
	s7 =	sadd.s32 @!p0 $0x11B8D, s7;
	_ =	swait.eq @!p0 [sflag:s6], $0x1  }
0xb8: {  	s5 =	sor.u32 @!p0 s5, s7;
	[sflag:s6] =	ssyncadd.s32 @!p0 $0xFFFFFFFF  }
0xb9: {  	s25 =	simm.s32 $0x1B8E;
	s24 =	sld [smem:$0x3FFE];
	[sflag:s5] =	ssyncadd.remote.s32 @!p0 $0x1  }
0xba: {  	s26 =	simm.s32 $execute0_lowered;
	[smem:$0x3FD2] =	sst s25  }
0xbb: {  	s6 =	sshll.u32 s26, $0x1;
	_ =	strace $0x80000049;
	[dreg:$0x1] =	wrdreg $0xFFFFFFFF  }
0xbc: {  	s28 =	simm.s32 $_size_execute0_lowered;
	s4 =	sadd.s32 s4, s6;
	[dreg:$0x0] =	wrdreg $0x0  }
0xbd: {  	s6 =	sshll.u32 s28, $0x1;
	[dreg:$0x2] =	wrdreg s4  }
0xbe: {  	[dreg:$0x3] =	wrdreg s6  }
0xbf: {  	[dreg:$0x4] =	wrdreg $0xC0  }
0xc0: {  	_ =	task [dreg:s22], $0x5FFFF  }
0xc1: {  	[dreg:$0x1] =	wrdreg $0xFFFFFFFF  }
0xc2: {  	[dreg:$0x0] =	wrdreg $0x60  }
0xc3: {  	[dreg:$0x2] =	wrdreg s24  }
0xc4: {  	[dreg:$0x3] =	wrdreg s17  }
0xc5: {  	[dreg:$0x4] =	wrdreg $0xB4000  }
0xc6: {  	[dreg:$0x5] =	wrdreg $0x154000  }
0xc7: {  	[dreg:$0x6] =	wrdreg $0xA  }
0xc8: {  	_ =	task.clear_ibuf [dreg:s22], $0x7FFFF;
	_ =	strace $0x90000049  }
0xc9: {  	s29 =	simm.s32 $0xA;
	_ =	strace $0x8000004B  }
0xca: {  	_ =	swait.ge [sflag:s29], $0x1  }
0xcb: {  	[sflag:s29] =	ssyncadd.s32 $0xFFFFFFFF  }
0xcc: {  	_ =	strace $0x9000004B  }
0xcd: {  	_ =	sfence  }
0xce: {  	s30 =	sld [smem:$0x0];
	_ =	sdelay $0x2  }
0xcf: {  	s31 =	sshll.u32 s1, $0xD;
	s1 =	sshrl.u32 s1, $0x2  }
0xd0: {  	s4 =	sand.u32 $0x4000, s31;
	s1 =	sadd.s32 s1, s30  }
0xd1: {  	s0 =	sor.u32 s4, s0;
	s1 =	sshll.u32 s1, $0x11  }
0xd2: {  	s0 =	sor.u32 s1, s0  }
0xd3: {  	s0 =	sadd.s32 $0x8F2B, s0  }
0xd4: {  	[sflag:s0] =	ssyncadd.remote.s32 $0x1  }
0xd5: {  	_ =	sfence.sel $0xFFFF  }
0xd6: {  	[dreg:$0x0] =	wrdreg $0xFFFFFFFF;
	(pc) =	sbr.abs _section_cstart, $3  }
0xd7: {  	[dreg:$0x1] =	wrdreg $0xFFFFFFFF  }
0xd8: {  	_ =	task.clear_ibuf [dreg:s22], $0x2FFFF;
	_ =	strace $0x9FFFFFFF  }
0xd9: {  	(tm) =	ssettm $0x7FFFFFFF  }
tec
execute0_lowered:
.L_overlay_start_1:
0x0: {  	(tag) =	ssettag $0x1  }
0x1: {  	s0 =	rddreg [dreg:$0x0]  }
0x2: {  	s1 =	rddreg [dreg:$0x1]  }
0x3: {  	s2 =	rddreg [dreg:$0x2]  }
0x4: {  	s3 =	rddreg [dreg:$0x3];
	s4 =	simm.s32 $0x0  }
0x5: {  	s20 =	simm.s32 $0x100;
	[smem:$0x7FF] =	sst s4  }
0x6: {  	s21 =	simm.s32 $0x180;
	_ =	strace $0x8000004A;
	[dreg:$0x6] =	wrdreg s20  }
0x7: {  	s22 =	simm.s32 $0x200;
	[dreg:$0x7] =	wrdreg s21  }
0x8: {  	s23 =	simm.s32 $0xA80;
	[dreg:$0x8] =	wrdreg s22  }
0x9: {  	s25 =	simm.s32 $0xB00;
	[dreg:$0x9] =	wrdreg s23  }
0xa: {  	s26 =	simm.s32 $0xB80;
	[dreg:$0xa] =	wrdreg s25  }
0xb: {  	s7 =	simm.s32 $0xC00;
	[dreg:$0xb] =	wrdreg s26  }
0xc: {  	s8 =	simm.s32 $0x280;
	[dreg:$0xc] =	wrdreg s7  }
0xd: {  	s10 =	simm.s32 $0x300;
	[dreg:$0xd] =	wrdreg s8  }
0xe: {  	s12 =	simm.s32 $0x380;
	[dreg:$0xe] =	wrdreg s10  }
0xf: {  	s13 =	simm.s32 $0x400;
	[dreg:$0xf] =	wrdreg s12  }
0x10: {  	s14 =	simm.s32 $0x480;
	[dreg:$0x10] =	wrdreg s13  }
0x11: {  	s16 =	simm.s32 $0xC80;
	[dreg:$0x11] =	wrdreg s14  }
0x12: {  	s9 =	stileid.u32;
	s17 =	simm.s32 $0xD00;
	[dreg:$0x12] =	wrdreg s16  }
0x13: {  	s24 =	srdreg.scid;
	s18 =	simm.s32 $0xD80;
	[dreg:$0x13] =	wrdreg s17  }
0x14: {  	s19 =	simm.s32 $0xE00;
	s28 =	simm.s32 $0x3;
	[dreg:$0x14] =	wrdreg s18  }
0x15: {  	s29 =	simm.s32 $0x4;
	[dreg:$0x15] =	wrdreg s19;
	s20 =	simm.s32 $0xE80  }
0x16: {  	s30 =	simm.s32 $0x5;
	s22 =	simm.s32 $0x500;
	[dreg:$0x16] =	wrdreg s20  }
0x17: {  	s31 =	simm.s32 $0x6;
	s26 =	simm.s32 $0x600;
	[dreg:$0x17] =	wrdreg s22  }
0x18: {  	s5 =	smul.u32 $0xA00, s9;
	s12 =	simm.s32 $0xF00;
	[dreg:$0x19] =	wrdreg s26  }
0x19: {  	s7 =	smul.u32 $0x28000, s9;
	s14 =	simm.s32 $0xF80;
	[dreg:$0x1c] =	wrdreg s12  }
0x1a: {  	s8 =	smul.u32 $0x2800, s9;
	s16 =	simm.s32 $0x1080;
	[dreg:$0x1d] =	wrdreg s14  }
0x1b: {  	s13 =	sshll.u32 s9, $0x6;
	s18 =	simm.s32 $0x1100;
	[dreg:$0x1f] =	wrdreg s16  }
0x1c: {  	s19 =	simm.s32 $0x780;
	s9 =	simm.s32 $0x0;
	[smem:$0x7F5] =	sst s18  }
0x1d: {  	s1 =	sadd.s32 s5, s1;
	s5 =	sand.u32 $0x1, s24;
	[smem:$0x7F6] =	sst s19  }
0x1e: {  	s24 =	simm.s32 $0x580;
	s12 =	sor.u32 $0x1C0B, s13;
	[dreg:$0x5] =	wrdreg s1  }
0x1f: {  	s20 =	simm.s32 $0x800;
	s22 =	simm.s32 $0x900;
	[dreg:$0x18] =	wrdreg s24  }
0x20: {  	s26 =	simm.s32 $0x1280;
	s6 =	sshll.u32 s5, $0x3;
	[smem:$0x7F7] =	sst s20  }
0x21: {  	s5 =	ssub.s32 $0x2, s5;
	s15 =	sshrl.u32 s7, $0x2;
	[smem:$0x7F9] =	sst s22  }
0x22: {  	s24 =	simm.s32 $0x1180;
	[smem:$0x7FD] =	sst s26;
	s0 =	sadd.s32 s6, s0  }
0x23: {  	s11 =	sshrl.u32 s5, $0x1;
	s7 =	sadd.s32 s15, s2;
	[smem:$0x7FB] =	sst s24  }
0x24: {  	s6 =	ssub.s32 s5, s11;
	s5 =	sadd.s32 s15, s3;
	s15 =	simm.s32 $0x1000  }
0x25: {  	s16 =	simm.s32 $0x8;
	s17 =	sshrl.u32 s7, $0x3;
	[dreg:$0x1e] =	wrdreg s15  }
0x26: {  	s13 =	simm.s32 $0x10;
	s10 =	sadd.s32 $0x2000, s5;
	[smem:$0x7F4] =	sst s17  }
0x27: {  	s18 =	simm.s32 $0xB;
	s21 =	sadd.s32 $0x4000, s5;
	[smem:$0x7ED] =	sst s10  }
0x28: {  	s19 =	simm.s32 $0x1400;
	s23 =	sadd.s32 $0x6000, s5;
	[smem:$0x7EE] =	sst s21  }
0x29: {  	s20 =	simm.s32 $0xA00;
	s25 =	sadd.s32 $0x8000, s5;
	[smem:$0x7EF] =	sst s23  }
0x2a: {  	s0 =	sadd.s32 s8, s0;
	s6 =	smax.u32 s6, $0x1;
	[smem:$0x7F0] =	sst s25  }
0x2b: {  	s22 =	simm.s32 $0x3400;
	s11 =	sadd.s32 $0xDE00, s0;
	[smem:$0x7F1] =	sst s6  }
0x2c: {  	s26 =	simm.s32 $0x2;
	s0 =	sadd.s32 $0x35E00, s0;
	[smem:$0x7F2] =	sst s11  }
0x2d: {  	s1 =	simm.s32 $0x9;
	s6 =	simm.s32 $0x680;
	[smem:$0x7F3] =	sst s0  }
0x2e: {  	s24 =	simm.s32 $0x7400;
	s10 =	simm.s32 $0x700;
	[dreg:$0x1a] =	wrdreg s6  }
0x2f: {  	s7 =	simm.s32 $0x1300;
	s21 =	simm.s32 $0x880;
	[dreg:$0x1b] =	wrdreg s10  }
0x30: {  	s8 =	simm.s32 $0x1380;
	s23 =	simm.s32 $0x980;
	[smem:$0x7F8] =	sst s21  }
0x31: {  	s15 =	simm.s32 $0x1;
	s25 =	simm.s32 $0x1200;
	[smem:$0x7FA] =	sst s23  }
0x32: {  	s0 =	simm.s32 $0x7;
	s21 =	simm.s32 $0x80;
	[smem:$0x7FC] =	sst s25  }
0x33: {  	v0 =	vimm.f32 $0.0e+00;
	s23 =	simm.s32 $0x5400;
	s25 =	simm.s32 $0x9400;
	s6 =	simm.s32 $0xA  }
.LBB2_1:
0x34: {  	s10 =	sld [smem:$0x7F2]  }
0x35: {  	s11 =	sld [smem:$0x7F4];
	_ =	sdelay $0x2  }
0x36: {  	[spmem:s11@s16], [sflag:s12] =	dma.strided [hbm:s10@s13], $0x1400, s15, $0x8   }
0x37: {  	_ =	swait.ge [sflag:s18], $0x1400  }
0x38: {  	[sflag:s18] =	ssyncset.done $0x0  }
0x39: {  	s11 =	simm.s32 $0x100;
	s10 =	simm.s32 $0x0;
	[sflag:s18] =	ssyncadd.s32 $0xFFFFEC00  }
.LBB2_2:
0x3a: {  	p0 =	sne.s32 s11, $0x7F00;
	[tilespmem:s10+$0x1430] =	vst v0;
	s17 =	smov.u32 s11;
	s11 =	sadd.s32 $0x100, s11  }
.Ltmp0:
0x3b: {  	[tilespmem:s10+$0x1420] =	vst v0;
	(pc) =	sbr.rel @p0 .LBB2_2-.Ltmp0, $3  }
0x3c: {  	[tilespmem:s10+$0x1400] =	vst v0  }
0x3d: {  	[tilespmem:s10+$0x1410] =	vst v0;
	_ =	sdelay $0x1  }
0x3e: {  	s10 =	sshra.s32 s17, $0x2  }
0x3f: {  	[tilespmem:s10+$0x1430] =	vst v0  }
0x40: {  	[tilespmem:s10+$0x1420] =	vst v0  }
0x41: {  	[tilespmem:s10+$0x1400] =	vst v0  }
0x42: {  	[tilespmem:s10+$0x1410] =	vst v0  }
0x43: {  	[spmem:s5] =	stream.linear.scatter [tilespmem:s19], [sflag:$0xB], $0x2000, $0x38;
	[tilespmem:$0x1F400] =	vst v63  }
0x44: {  	_ =	swait.ge [sflag:s18], $0x2000  }
0x45: {  	s11 =	sld [smem:$0x7ED]  }
0x46: {  	[sflag:s18] =	ssyncset.done $0x0  }
0x47: {  	[sflag:s18] =	ssyncadd.s32 $0xFFFFE000  }
0x48: {  	[spmem:s11] =	stream.linear.scatter [tilespmem:s19], [sflag:$0xB], $0x2000, $0x38;
	[tilespmem:$0x1F400] =	vst v63  }
0x49: {  	_ =	swait.ge [sflag:s18], $0x2000  }
0x4a: {  	s13 =	sld [smem:$0x7EE]  }
0x4b: {  	[sflag:s18] =	ssyncset.done $0x0  }
0x4c: {  	[sflag:s18] =	ssyncadd.s32 $0xFFFFE000  }
0x4d: {  	[spmem:s13] =	stream.linear.scatter [tilespmem:s19], [sflag:$0xB], $0x2000, $0x38;
	[tilespmem:$0x1F400] =	vst v63  }
0x4e: {  	_ =	swait.ge [sflag:s18], $0x2000  }
0x4f: {  	s14 =	sld [smem:$0x7EF]  }
0x50: {  	[sflag:s18] =	ssyncset.done $0x0  }
0x51: {  	[sflag:s18] =	ssyncadd.s32 $0xFFFFE000  }
0x52: {  	[spmem:s14] =	stream.linear.scatter [tilespmem:s19], [sflag:$0xB], $0x2000, $0x38;
	[tilespmem:$0x1F400] =	vst v63  }
0x53: {  	_ =	swait.ge [sflag:s18], $0x2000  }
0x54: {  	s17 =	sld [smem:$0x7F0]  }
0x55: {  	[sflag:s18] =	ssyncset.done $0x0  }
0x56: {  	[sflag:s18] =	ssyncadd.s32 $0xFFFFE000  }
0x57: {  	[spmem:s17] =	stream.linear.scatter [tilespmem:s19], [sflag:$0xB], $0x2000, $0x38;
	[tilespmem:$0x1F400] =	vst v63  }
0x58: {  	_ =	swait.ge [sflag:s18], $0x2000  }
0x59: {  	[sflag:s18] =	ssyncset.done $0x0  }
0x5a: {  	p0 =	por $0x1, $0x1;
	[sflag:s18] =	ssyncadd.s32 $0xFFFFE000  }
0x5b: {  	s10 =	simm.s32 @!p0 $0x6;
	[bflag:$0x0] =	sbarrier.arrive $0xFFFF  }
0x5c: {  	_ =	swait.ge @!p0 [sflag:s10], $0x2000  }
0x5d: {  	[sflag:s10] =	ssyncset.done @!p0 $0x0  }
0x5e: {  	[sflag:s10] =	ssyncadd.s32 @!p0 $0xFFFFE000;
	s10 =	simm.s32 @!p0 $0x7  }
0x5f: {  	_ =	swait.ge @!p0 [sflag:s10], $0x2000  }
0x60: {  	[sflag:s10] =	ssyncset.done @!p0 $0x0  }
0x61: {  	[sflag:s10] =	ssyncadd.s32 @!p0 $0xFFFFE000;
	s10 =	simm.s32 @!p0 $0x8  }
0x62: {  	_ =	swait.ge @!p0 [sflag:s10], $0x2000  }
0x63: {  	[sflag:s10] =	ssyncset.done @!p0 $0x0  }
0x64: {  	[sflag:s10] =	ssyncadd.s32 @!p0 $0xFFFFE000;
	s10 =	simm.s32 @!p0 $0x9  }
0x65: {  	_ =	swait.ge @!p0 [sflag:s10], $0x2000  }
0x66: {  	[sflag:s10] =	ssyncset.done @!p0 $0x0  }
0x67: {  	[sflag:s10] =	ssyncadd.s32 @!p0 $0xFFFFE000;
	s10 =	simm.s32 @!p0 $0xA  }
0x68: {  	_ =	swait.ge @!p0 [sflag:s10], $0x2000  }
0x69: {  	s11 =	rddreg [dreg:$0x5];
	[sflag:s10] =	ssyncset.done @!p0 $0x0  }
0x6a: {  	[sflag:s10] =	ssyncadd.s32 @!p0 $0xFFFFE000;
	s11 =	sadd.s32 $0x0, s11  }
0x6b: {  	[tilespmem:s4], [sflag:$0xB] =	stream.linear.gather [hbm4b:s11+s4], $0xA00, $0x38;
	[tilespmem:$0x1F400] =	vst v63  }
0x6c: {  	_ =	swait.ge [sflag:s18], $0xA00  }
0x6d: {  	[sflag:s18] =	ssyncset.done $0x0  }
0x6e: {  	s10 =	sadd.s32 $0xA000, s11;
	[sflag:s18] =	ssyncadd.s32 $0xFFFFF600  }
0x6f: {  	[tilespmem:s20], [sflag:$0xB] =	stream.linear.gather [hbm4b:s10+s4], $0xA00, $0x38;
	[tilespmem:$0x1F400] =	vst v63  }
0x70: {  	_ =	swait.ge [sflag:s18], $0xA00  }
0x71: {  	[sflag:s18] =	ssyncset.done $0x0  }
0x72: {  	[sflag:s18] =	ssyncadd.s32 $0xFFFFF600  }
0x73: {  	[tilespmem:s19], [sflag:$0x1] =	stream.indirect.gather [spmem:s2], $0x40, s4, s21, $0xb8;
	[tilespmem:$0x1F400] =	vst v63  }
0x74: {  	_ = 	snop  }
0x75: {  	[tilespmem:s22], [sflag:$0x2] =	stream.indirect.gather [spmem:s2], $0x40, s21, s21, $0xb8;
	[tilespmem:$0x1F400] =	vst v63  }
0x76: {  	s13 =	rddreg [dreg:$0x6]  }
0x77: {  	[tilespmem:s23], [sflag:$0x3] =	stream.indirect.gather [spmem:s2], $0x40, s13, s21, $0xb8;
	[tilespmem:$0x1F400] =	vst v63  }
0x78: {  	s14 =	rddreg [dreg:$0x7]  }
0x79: {  	[tilespmem:s24], [sflag:$0x4] =	stream.indirect.gather [spmem:s2], $0x40, s14, s21, $0xb8;
	[tilespmem:$0x1F400] =	vst v63  }
0x7a: {  	s17 =	rddreg [dreg:$0x8]  }
0x7b: {  	[tilespmem:s25], [sflag:$0x5] =	stream.indirect.gather [spmem:s2], $0x40, s17, s21, $0xb8;
	[tilespmem:$0x1F400] =	vst v63  }
0x7c: {  	_ =	swait.ge [sflag:s15], $0x2000  }
0x7d: {  	[sflag:s15] =	ssyncset.done $0x0  }
0x7e: {  	[sflag:s15] =	ssyncadd.s32 $0xFFFFE000  }
0x7f: {  	[spmem:s3] =	stream.indirect.scatter.add.f32 [tilespmem:s19], [sflag:$0x6], $0x40, s20, s21, $0xb8;
	[tilespmem:$0x1F400] =	vst v63  }
0x80: {  	_ =	swait.ge [sflag:s26], $0x2000  }
0x81: {  	[sflag:s26] =	ssyncset.done $0x0  }
0x82: {  	s11 =	rddreg [dreg:$0x9];
	[sflag:s26] =	ssyncadd.s32 $0xFFFFE000  }
0x83: {  	[spmem:s3] =	stream.indirect.scatter.add.f32 [tilespmem:s22], [sflag:$0x7], $0x40, s11, s21, $0xb8;
	[tilespmem:$0x1F400] =	vst v63  }
0x84: {  	_ =	swait.ge [sflag:s28], $0x2000  }
0x85: {  	[sflag:s28] =	ssyncset.done $0x0  }
0x86: {  	s13 =	rddreg [dreg:$0xa];
	[sflag:s28] =	ssyncadd.s32 $0xFFFFE000  }
0x87: {  	[spmem:s3] =	stream.indirect.scatter.add.f32 [tilespmem:s23], [sflag:$0x8], $0x40, s13, s21, $0xb8;
	[tilespmem:$0x1F400] =	vst v63  }
0x88: {  	_ =	swait.ge [sflag:s29], $0x2000  }
0x89: {  	[sflag:s29] =	ssyncset.done $0x0  }
0x8a: {  	s14 =	rddreg [dreg:$0xb];
	[sflag:s29] =	ssyncadd.s32 $0xFFFFE000  }
0x8b: {  	[spmem:s3] =	stream.indirect.scatter.add.f32 [tilespmem:s24], [sflag:$0x9], $0x40, s14, s21, $0xb8;
	[tilespmem:$0x1F400] =	vst v63  }
0x8c: {  	_ =	swait.ge [sflag:s30], $0x2000  }
0x8d: {  	[sflag:s30] =	ssyncset.done $0x0  }
0x8e: {  	s17 =	rddreg [dreg:$0xc];
	[sflag:s30] =	ssyncadd.s32 $0xFFFFE000  }
0x8f: {  	[spmem:s3] =	stream.indirect.scatter.add.f32 [tilespmem:s25], [sflag:$0xA], $0x40, s17, s21, $0xb8;
	[tilespmem:$0x1F400] =	vst v63  }
0x90: {  	_ =	swait.ge [sflag:s31], $0x2000  }
0x91: {  	[sflag:s31] =	ssyncset.done $0x0  }
0x92: {  	s11 =	rddreg [dreg:$0xd];
	[sflag:s31] =	ssyncadd.s32 $0xFFFFE000  }
0x93: {  	[tilespmem:s19], [sflag:$0x1] =	stream.indirect.gather [spmem:s2], $0x40, s11, s21, $0xb8;
	[tilespmem:$0x1F400] =	vst v63  }
0x94: {  	_ =	swait.ge [sflag:s0], $0x2000  }
0x95: {  	[sflag:s0] =	ssyncset.done $0x0  }
0x96: {  	s13 =	rddreg [dreg:$0xe];
	[sflag:s0] =	ssyncadd.s32 $0xFFFFE000  }
0x97: {  	[tilespmem:s22], [sflag:$0x2] =	stream.indirect.gather [spmem:s2], $0x40, s13, s21, $0xb8;
	[tilespmem:$0x1F400] =	vst v63  }
0x98: {  	_ =	swait.ge [sflag:s16], $0x2000  }
0x99: {  	[sflag:s16] =	ssyncset.done $0x0  }
0x9a: {  	s14 =	rddreg [dreg:$0xf];
	[sflag:s16] =	ssyncadd.s32 $0xFFFFE000  }
0x9b: {  	[tilespmem:s23], [sflag:$0x3] =	stream.indirect.gather [spmem:s2], $0x40, s14, s21, $0xb8;
	[tilespmem:$0x1F400] =	vst v63  }
0x9c: {  	_ =	swait.ge [sflag:s1], $0x2000  }
0x9d: {  	[sflag:s1] =	ssyncset.done $0x0  }
0x9e: {  	s17 =	rddreg [dreg:$0x10];
	[sflag:s1] =	ssyncadd.s32 $0xFFFFE000  }
0x9f: {  	[tilespmem:s24], [sflag:$0x4] =	stream.indirect.gather [spmem:s2], $0x40, s17, s21, $0xb8;
	[tilespmem:$0x1F400] =	vst v63  }
0xa0: {  	_ =	swait.ge [sflag:s6], $0x2000  }
0xa1: {  	[sflag:s6] =	ssyncset.done $0x0  }
0xa2: {  	s11 =	rddreg [dreg:$0x11];
	[sflag:s6] =	ssyncadd.s32 $0xFFFFE000  }
0xa3: {  	[tilespmem:s25], [sflag:$0x5] =	stream.indirect.gather [spmem:s2], $0x40, s11, s21, $0xb8;
	[tilespmem:$0x1F400] =	vst v63  }
0xa4: {  	_ =	swait.ge [sflag:s15], $0x2000  }
0xa5: {  	[sflag:s15] =	ssyncset.done $0x0  }
0xa6: {  	s13 =	rddreg [dreg:$0x12];
	[sflag:s15] =	ssyncadd.s32 $0xFFFFE000  }
0xa7: {  	[spmem:s3] =	stream.indirect.scatter.add.f32 [tilespmem:s19], [sflag:$0x6], $0x40, s13, s21, $0xb8;
	[tilespmem:$0x1F400] =	vst v63  }
0xa8: {  	_ =	swait.ge [sflag:s26], $0x2000  }
0xa9: {  	[sflag:s26] =	ssyncset.done $0x0  }
0xaa: {  	s14 =	rddreg [dreg:$0x13];
	[sflag:s26] =	ssyncadd.s32 $0xFFFFE000  }
0xab: {  	[spmem:s3] =	stream.indirect.scatter.add.f32 [tilespmem:s22], [sflag:$0x7], $0x40, s14, s21, $0xb8;
	[tilespmem:$0x1F400] =	vst v63  }
0xac: {  	_ =	swait.ge [sflag:s28], $0x2000  }
0xad: {  	[sflag:s28] =	ssyncset.done $0x0  }
0xae: {  	s17 =	rddreg [dreg:$0x14];
	[sflag:s28] =	ssyncadd.s32 $0xFFFFE000  }
0xaf: {  	[spmem:s3] =	stream.indirect.scatter.add.f32 [tilespmem:s23], [sflag:$0x8], $0x40, s17, s21, $0xb8;
	[tilespmem:$0x1F400] =	vst v63  }
0xb0: {  	_ =	swait.ge [sflag:s29], $0x2000  }
0xb1: {  	[sflag:s29] =	ssyncset.done $0x0  }
0xb2: {  	s11 =	rddreg [dreg:$0x15];
	[sflag:s29] =	ssyncadd.s32 $0xFFFFE000  }
0xb3: {  	[spmem:s3] =	stream.indirect.scatter.add.f32 [tilespmem:s24], [sflag:$0x9], $0x40, s11, s21, $0xb8;
	[tilespmem:$0x1F400] =	vst v63  }
0xb4: {  	_ =	swait.ge [sflag:s30], $0x2000  }
0xb5: {  	[sflag:s30] =	ssyncset.done $0x0  }
0xb6: {  	s13 =	rddreg [dreg:$0x16];
	[sflag:s30] =	ssyncadd.s32 $0xFFFFE000  }
0xb7: {  	[spmem:s3] =	stream.indirect.scatter.add.f32 [tilespmem:s25], [sflag:$0xA], $0x40, s13, s21, $0xb8;
	[tilespmem:$0x1F400] =	vst v63  }
0xb8: {  	_ =	swait.ge [sflag:s31], $0x2000  }
0xb9: {  	[sflag:s31] =	ssyncset.done $0x0  }
0xba: {  	s14 =	rddreg [dreg:$0x17];
	[sflag:s31] =	ssyncadd.s32 $0xFFFFE000  }
0xbb: {  	[tilespmem:s19], [sflag:$0x1] =	stream.indirect.gather [spmem:s2], $0x40, s14, s21, $0xb8;
	[tilespmem:$0x1F400] =	vst v63  }
0xbc: {  	_ =	swait.ge [sflag:s0], $0x2000  }
0xbd: {  	[sflag:s0] =	ssyncset.done $0x0  }
0xbe: {  	s17 =	rddreg [dreg:$0x18];
	[sflag:s0] =	ssyncadd.s32 $0xFFFFE000  }
0xbf: {  	[tilespmem:s22], [sflag:$0x2] =	stream.indirect.gather [spmem:s2], $0x40, s17, s21, $0xb8;
	[tilespmem:$0x1F400] =	vst v63  }
0xc0: {  	_ =	swait.ge [sflag:s16], $0x2000  }
0xc1: {  	[sflag:s16] =	ssyncset.done $0x0  }
0xc2: {  	s11 =	rddreg [dreg:$0x19];
	[sflag:s16] =	ssyncadd.s32 $0xFFFFE000  }
0xc3: {  	[tilespmem:s23], [sflag:$0x3] =	stream.indirect.gather [spmem:s2], $0x40, s11, s21, $0xb8;
	[tilespmem:$0x1F400] =	vst v63  }
0xc4: {  	_ =	swait.ge [sflag:s1], $0x2000  }
0xc5: {  	[sflag:s1] =	ssyncset.done $0x0  }
0xc6: {  	s13 =	rddreg [dreg:$0x1a];
	[sflag:s1] =	ssyncadd.s32 $0xFFFFE000  }
0xc7: {  	[tilespmem:s24], [sflag:$0x4] =	stream.indirect.gather [spmem:s2], $0x40, s13, s21, $0xb8;
	[tilespmem:$0x1F400] =	vst v63  }
0xc8: {  	_ =	swait.ge [sflag:s6], $0x2000  }
0xc9: {  	[sflag:s6] =	ssyncset.done $0x0  }
0xca: {  	s14 =	rddreg [dreg:$0x1b];
	[sflag:s6] =	ssyncadd.s32 $0xFFFFE000  }
0xcb: {  	[tilespmem:s25], [sflag:$0x5] =	stream.indirect.gather [spmem:s2], $0x40, s14, s21, $0xb8;
	[tilespmem:$0x1F400] =	vst v63  }
0xcc: {  	_ =	swait.ge [sflag:s15], $0x2000  }
0xcd: {  	[sflag:s15] =	ssyncset.done $0x0  }
0xce: {  	s17 =	rddreg [dreg:$0x1c];
	[sflag:s15] =	ssyncadd.s32 $0xFFFFE000  }
0xcf: {  	[spmem:s3] =	stream.indirect.scatter.add.f32 [tilespmem:s19], [sflag:$0x6], $0x40, s17, s21, $0xb8;
	[tilespmem:$0x1F400] =	vst v63  }
0xd0: {  	_ =	swait.ge [sflag:s26], $0x2000  }
0xd1: {  	[sflag:s26] =	ssyncset.done $0x0  }
0xd2: {  	s11 =	rddreg [dreg:$0x1d];
	[sflag:s26] =	ssyncadd.s32 $0xFFFFE000  }
0xd3: {  	[spmem:s3] =	stream.indirect.scatter.add.f32 [tilespmem:s22], [sflag:$0x7], $0x40, s11, s21, $0xb8;
	[tilespmem:$0x1F400] =	vst v63  }
0xd4: {  	_ =	swait.ge [sflag:s28], $0x2000  }
0xd5: {  	[sflag:s28] =	ssyncset.done $0x0  }
0xd6: {  	s13 =	rddreg [dreg:$0x1e];
	[sflag:s28] =	ssyncadd.s32 $0xFFFFE000  }
0xd7: {  	[spmem:s3] =	stream.indirect.scatter.add.f32 [tilespmem:s23], [sflag:$0x8], $0x40, s13, s21, $0xb8;
	[tilespmem:$0x1F400] =	vst v63  }
0xd8: {  	_ =	swait.ge [sflag:s29], $0x2000  }
0xd9: {  	[sflag:s29] =	ssyncset.done $0x0  }
0xda: {  	s14 =	rddreg [dreg:$0x1f];
	[sflag:s29] =	ssyncadd.s32 $0xFFFFE000  }
0xdb: {  	[spmem:s3] =	stream.indirect.scatter.add.f32 [tilespmem:s24], [sflag:$0x9], $0x40, s14, s21, $0xb8;
	[tilespmem:$0x1F400] =	vst v63  }
0xdc: {  	_ =	swait.ge [sflag:s30], $0x2000  }
0xdd: {  	s17 =	sld [smem:$0x7F5]  }
0xde: {  	[sflag:s30] =	ssyncset.done $0x0  }
0xdf: {  	[sflag:s30] =	ssyncadd.s32 $0xFFFFE000  }
0xe0: {  	[spmem:s3] =	stream.indirect.scatter.add.f32 [tilespmem:s25], [sflag:$0xA], $0x40, s17, s21, $0xb8;
	[tilespmem:$0x1F400] =	vst v63  }
0xe1: {  	_ =	swait.ge [sflag:s31], $0x2000  }
0xe2: {  	s11 =	sld [smem:$0x7F6]  }
0xe3: {  	[sflag:s31] =	ssyncset.done $0x0  }
0xe4: {  	[sflag:s31] =	ssyncadd.s32 $0xFFFFE000  }
0xe5: {  	[tilespmem:s19], [sflag:$0x1] =	stream.indirect.gather [spmem:s2], $0x40, s11, s21, $0xb8;
	[tilespmem:$0x1F400] =	vst v63  }
0xe6: {  	_ =	swait.ge [sflag:s0], $0x2000  }
0xe7: {  	s13 =	sld [smem:$0x7F7]  }
0xe8: {  	[sflag:s0] =	ssyncset.done $0x0  }
0xe9: {  	[sflag:s0] =	ssyncadd.s32 $0xFFFFE000  }
0xea: {  	[tilespmem:s22], [sflag:$0x2] =	stream.indirect.gather [spmem:s2], $0x40, s13, s21, $0xb8;
	[tilespmem:$0x1F400] =	vst v63  }
0xeb: {  	_ =	swait.ge [sflag:s16], $0x2000  }
0xec: {  	s14 =	sld [smem:$0x7F8]  }
0xed: {  	[sflag:s16] =	ssyncset.done $0x0  }
0xee: {  	[sflag:s16] =	ssyncadd.s32 $0xFFFFE000  }
0xef: {  	[tilespmem:s23], [sflag:$0x3] =	stream.indirect.gather [spmem:s2], $0x40, s14, s21, $0xb8;
	[tilespmem:$0x1F400] =	vst v63  }
0xf0: {  	_ =	swait.ge [sflag:s1], $0x2000  }
0xf1: {  	s17 =	sld [smem:$0x7F9]  }
0xf2: {  	[sflag:s1] =	ssyncset.done $0x0  }
0xf3: {  	[sflag:s1] =	ssyncadd.s32 $0xFFFFE000  }
0xf4: {  	[tilespmem:s24], [sflag:$0x4] =	stream.indirect.gather [spmem:s2], $0x40, s17, s21, $0xb8;
	[tilespmem:$0x1F400] =	vst v63  }
0xf5: {  	_ =	swait.ge [sflag:s6], $0x2000  }
0xf6: {  	s11 =	sld [smem:$0x7FA]  }
0xf7: {  	[sflag:s6] =	ssyncset.done $0x0  }
0xf8: {  	[sflag:s6] =	ssyncadd.s32 $0xFFFFE000  }
0xf9: {  	[tilespmem:s25], [sflag:$0x5] =	stream.indirect.gather [spmem:s2], $0x40, s11, s21, $0xb8;
	[tilespmem:$0x1F400] =	vst v63  }
0xfa: {  	_ =	swait.ge [sflag:s15], $0x2000  }
0xfb: {  	s13 =	sld [smem:$0x7FB]  }
0xfc: {  	[sflag:s15] =	ssyncset.done $0x0  }
0xfd: {  	[sflag:s15] =	ssyncadd.s32 $0xFFFFE000  }
0xfe: {  	[spmem:s3] =	stream.indirect.scatter.add.f32 [tilespmem:s19], [sflag:$0x6], $0x40, s13, s21, $0xb8;
	[tilespmem:$0x1F400] =	vst v63  }
0xff: {  	_ =	swait.ge [sflag:s26], $0x2000  }
0x100: {  	s14 =	sld [smem:$0x7FC]  }
0x101: {  	[sflag:s26] =	ssyncset.done $0x0  }
0x102: {  	[sflag:s26] =	ssyncadd.s32 $0xFFFFE000  }
0x103: {  	[spmem:s3] =	stream.indirect.scatter.add.f32 [tilespmem:s22], [sflag:$0x7], $0x40, s14, s21, $0xb8;
	[tilespmem:$0x1F400] =	vst v63  }
0x104: {  	_ =	swait.ge [sflag:s28], $0x2000  }
0x105: {  	s17 =	sld [smem:$0x7FD]  }
0x106: {  	[sflag:s28] =	ssyncset.done $0x0  }
0x107: {  	[sflag:s28] =	ssyncadd.s32 $0xFFFFE000  }
0x108: {  	[spmem:s3] =	stream.indirect.scatter.add.f32 [tilespmem:s23], [sflag:$0x8], $0x40, s17, s21, $0xb8;
	[tilespmem:$0x1F400] =	vst v63  }
0x109: {  	_ =	swait.ge [sflag:s29], $0x2000  }
0x10a: {  	[sflag:s29] =	ssyncset.done $0x0  }
0x10b: {  	[sflag:s29] =	ssyncadd.s32 $0xFFFFE000  }
0x10c: {  	[spmem:s3] =	stream.indirect.scatter.add.f32 [tilespmem:s24], [sflag:$0x9], $0x40, s7, s21, $0xb8;
	[tilespmem:$0x1F400] =	vst v63  }
0x10d: {  	p1 =	por $0x0, $0x0;
	_ =	swait.ge [sflag:s30], $0x2000  }
0x10e: {  	s10 =	simm.s32 $0x140;
	s11 =	simm.s32 $0x280;
	[sflag:s30] =	ssyncset.done $0x0  }
.LBB2_4:
0x10f: {  	s17 =	simm.s32 @!p1 $0x6;
	[sflag:s30] =	ssyncadd.s32 $0xFFFFE000  }
0x110: {  	[spmem:s3] =	stream.indirect.scatter.add.f32 [tilespmem:s25], [sflag:$0xA], $0x40, s8, s21, $0xb8;
	[tilespmem:$0x1F400] =	vst v63  }
0x111: {  	_ =	swait.ge @!p1 [sflag:s17], $0x2000  }
0x112: {  	[sflag:s17] =	ssyncset.done @!p1 $0x0  }
0x113: {  	[sflag:s17] =	ssyncadd.s32 @!p1 $0xFFFFE000;
	s17 =	simm.s32 @!p1 $0x7  }
0x114: {  	_ =	swait.ge @!p1 [sflag:s17], $0x2000  }
0x115: {  	[sflag:s17] =	ssyncset.done @!p1 $0x0  }
0x116: {  	[sflag:s17] =	ssyncadd.s32 @!p1 $0xFFFFE000;
	s17 =	simm.s32 @!p1 $0x8  }
0x117: {  	_ =	swait.ge @!p1 [sflag:s17], $0x2000  }
0x118: {  	[sflag:s17] =	ssyncset.done @!p1 $0x0  }
0x119: {  	[sflag:s17] =	ssyncadd.s32 @!p1 $0xFFFFE000;
	s17 =	simm.s32 @!p1 $0x9  }
0x11a: {  	_ =	swait.ge @!p1 [sflag:s17], $0x2000  }
0x11b: {  	[sflag:s17] =	ssyncset.done @!p1 $0x0  }
0x11c: {  	[sflag:s17] =	ssyncadd.s32 @!p1 $0xFFFFE000;
	s17 =	simm.s32 @!p1 $0xA  }
0x11d: {  	_ =	swait.ge @!p1 [sflag:s17], $0x2000  }
0x11e: {  	[sflag:s17] =	ssyncset.done @!p1 $0x0;
	s14 =	rddreg [dreg:$0x5]  }
0x11f: {  	[sflag:s17] =	ssyncadd.s32 @!p1 $0xFFFFE000;
	s14 =	sadd.s32 s10, s14  }
0x120: {  	[tilespmem:s4], [sflag:$0xB] =	stream.linear.gather [hbm4b:s14+s4], $0xA00, $0x38;
	[tilespmem:$0x1F400] =	vst v63  }
0x121: {  	_ =	swait.ge [sflag:s18], $0xA00  }
0x122: {  	[sflag:s18] =	ssyncset.done $0x0  }
0x123: {  	s14 =	sadd.s32 $0xA000, s14;
	[sflag:s18] =	ssyncadd.s32 $0xFFFFF600  }
0x124: {  	[tilespmem:s20], [sflag:$0xB] =	stream.linear.gather [hbm4b:s14+s4], $0xA00, $0x38;
	[tilespmem:$0x1F400] =	vst v63  }
0x125: {  	_ =	swait.ge [sflag:s18], $0xA00  }
0x126: {  	[sflag:s18] =	ssyncset.done $0x0  }
0x127: {  	[sflag:s18] =	ssyncadd.s32 $0xFFFFF600  }
0x128: {  	[tilespmem:s19], [sflag:$0x1] =	stream.indirect.gather [spmem:s2], $0x40, s4, s21, $0xb8;
	[tilespmem:$0x1F400] =	vst v63  }
0x129: {  	_ = 	snop  }
0x12a: {  	[tilespmem:s22], [sflag:$0x2] =	stream.indirect.gather [spmem:s2], $0x40, s21, s21, $0xb8;
	[tilespmem:$0x1F400] =	vst v63  }
0x12b: {  	s17 =	rddreg [dreg:$0x6]  }
0x12c: {  	[tilespmem:s23], [sflag:$0x3] =	stream.indirect.gather [spmem:s2], $0x40, s17, s21, $0xb8;
	[tilespmem:$0x1F400] =	vst v63  }
0x12d: {  	s14 =	rddreg [dreg:$0x7]  }
0x12e: {  	[tilespmem:s24], [sflag:$0x4] =	stream.indirect.gather [spmem:s2], $0x40, s14, s21, $0xb8;
	[tilespmem:$0x1F400] =	vst v63  }
0x12f: {  	s17 =	rddreg [dreg:$0x8]  }
0x130: {  	[tilespmem:s25], [sflag:$0x5] =	stream.indirect.gather [spmem:s2], $0x40, s17, s21, $0xb8;
	[tilespmem:$0x1F400] =	vst v63  }
0x131: {  	_ =	swait.ge [sflag:s15], $0x2000  }
0x132: {  	[sflag:s15] =	ssyncset.done $0x0  }
0x133: {  	[sflag:s15] =	ssyncadd.s32 $0xFFFFE000  }
0x134: {  	[spmem:s3] =	stream.indirect.scatter.add.f32 [tilespmem:s19], [sflag:$0x6], $0x40, s20, s21, $0xb8;
	[tilespmem:$0x1F400] =	vst v63  }
0x135: {  	_ =	swait.ge [sflag:s26], $0x2000  }
0x136: {  	[sflag:s26] =	ssyncset.done $0x0  }
0x137: {  	s14 =	rddreg [dreg:$0x9];
	[sflag:s26] =	ssyncadd.s32 $0xFFFFE000  }
0x138: {  	[spmem:s3] =	stream.indirect.scatter.add.f32 [tilespmem:s22], [sflag:$0x7], $0x40, s14, s21, $0xb8;
	[tilespmem:$0x1F400] =	vst v63  }
0x139: {  	_ =	swait.ge [sflag:s28], $0x2000  }
0x13a: {  	[sflag:s28] =	ssyncset.done $0x0  }
0x13b: {  	s17 =	rddreg [dreg:$0xa];
	[sflag:s28] =	ssyncadd.s32 $0xFFFFE000  }
0x13c: {  	[spmem:s3] =	stream.indirect.scatter.add.f32 [tilespmem:s23], [sflag:$0x8], $0x40, s17, s21, $0xb8;
	[tilespmem:$0x1F400] =	vst v63  }
0x13d: {  	_ =	swait.ge [sflag:s29], $0x2000  }
0x13e: {  	[sflag:s29] =	ssyncset.done $0x0  }
0x13f: {  	s14 =	rddreg [dreg:$0xb];
	[sflag:s29] =	ssyncadd.s32 $0xFFFFE000  }
0x140: {  	[spmem:s3] =	stream.indirect.scatter.add.f32 [tilespmem:s24], [sflag:$0x9], $0x40, s14, s21, $0xb8;
	[tilespmem:$0x1F400] =	vst v63  }
0x141: {  	_ =	swait.ge [sflag:s30], $0x2000  }
0x142: {  	[sflag:s30] =	ssyncset.done $0x0  }
0x143: {  	s17 =	rddreg [dreg:$0xc];
	[sflag:s30] =	ssyncadd.s32 $0xFFFFE000  }
0x144: {  	[spmem:s3] =	stream.indirect.scatter.add.f32 [tilespmem:s25], [sflag:$0xA], $0x40, s17, s21, $0xb8;
	[tilespmem:$0x1F400] =	vst v63  }
0x145: {  	_ =	swait.ge [sflag:s31], $0x2000  }
0x146: {  	[sflag:s31] =	ssyncset.done $0x0  }
0x147: {  	s14 =	rddreg [dreg:$0xd];
	[sflag:s31] =	ssyncadd.s32 $0xFFFFE000  }
0x148: {  	[tilespmem:s19], [sflag:$0x1] =	stream.indirect.gather [spmem:s2], $0x40, s14, s21, $0xb8;
	[tilespmem:$0x1F400] =	vst v63  }
0x149: {  	_ =	swait.ge [sflag:s0], $0x2000  }
0x14a: {  	[sflag:s0] =	ssyncset.done $0x0  }
0x14b: {  	s17 =	rddreg [dreg:$0xe];
	[sflag:s0] =	ssyncadd.s32 $0xFFFFE000  }
0x14c: {  	[tilespmem:s22], [sflag:$0x2] =	stream.indirect.gather [spmem:s2], $0x40, s17, s21, $0xb8;
	[tilespmem:$0x1F400] =	vst v63  }
0x14d: {  	_ =	swait.ge [sflag:s16], $0x2000  }
0x14e: {  	[sflag:s16] =	ssyncset.done $0x0  }
0x14f: {  	s14 =	rddreg [dreg:$0xf];
	[sflag:s16] =	ssyncadd.s32 $0xFFFFE000  }
0x150: {  	[tilespmem:s23], [sflag:$0x3] =	stream.indirect.gather [spmem:s2], $0x40, s14, s21, $0xb8;
	[tilespmem:$0x1F400] =	vst v63  }
0x151: {  	_ =	swait.ge [sflag:s1], $0x2000  }
0x152: {  	[sflag:s1] =	ssyncset.done $0x0  }
0x153: {  	s17 =	rddreg [dreg:$0x10];
	[sflag:s1] =	ssyncadd.s32 $0xFFFFE000  }
0x154: {  	[tilespmem:s24], [sflag:$0x4] =	stream.indirect.gather [spmem:s2], $0x40, s17, s21, $0xb8;
	[tilespmem:$0x1F400] =	vst v63  }
0x155: {  	_ =	swait.ge [sflag:s6], $0x2000  }
0x156: {  	[sflag:s6] =	ssyncset.done $0x0  }
0x157: {  	s14 =	rddreg [dreg:$0x11];
	[sflag:s6] =	ssyncadd.s32 $0xFFFFE000  }
0x158: {  	[tilespmem:s25], [sflag:$0x5] =	stream.indirect.gather [spmem:s2], $0x40, s14, s21, $0xb8;
	[tilespmem:$0x1F400] =	vst v63  }
0x159: {  	_ =	swait.ge [sflag:s15], $0x2000  }
0x15a: {  	[sflag:s15] =	ssyncset.done $0x0  }
0x15b: {  	s17 =	rddreg [dreg:$0x12];
	[sflag:s15] =	ssyncadd.s32 $0xFFFFE000  }
0x15c: {  	[spmem:s3] =	stream.indirect.scatter.add.f32 [tilespmem:s19], [sflag:$0x6], $0x40, s17, s21, $0xb8;
	[tilespmem:$0x1F400] =	vst v63  }
0x15d: {  	_ =	swait.ge [sflag:s26], $0x2000  }
0x15e: {  	[sflag:s26] =	ssyncset.done $0x0  }
0x15f: {  	s14 =	rddreg [dreg:$0x13];
	[sflag:s26] =	ssyncadd.s32 $0xFFFFE000  }
0x160: {  	[spmem:s3] =	stream.indirect.scatter.add.f32 [tilespmem:s22], [sflag:$0x7], $0x40, s14, s21, $0xb8;
	[tilespmem:$0x1F400] =	vst v63  }
0x161: {  	_ =	swait.ge [sflag:s28], $0x2000  }
0x162: {  	[sflag:s28] =	ssyncset.done $0x0  }
0x163: {  	s17 =	rddreg [dreg:$0x14];
	[sflag:s28] =	ssyncadd.s32 $0xFFFFE000  }
0x164: {  	[spmem:s3] =	stream.indirect.scatter.add.f32 [tilespmem:s23], [sflag:$0x8], $0x40, s17, s21, $0xb8;
	[tilespmem:$0x1F400] =	vst v63  }
0x165: {  	_ =	swait.ge [sflag:s29], $0x2000  }
0x166: {  	[sflag:s29] =	ssyncset.done $0x0  }
0x167: {  	s14 =	rddreg [dreg:$0x15];
	[sflag:s29] =	ssyncadd.s32 $0xFFFFE000  }
0x168: {  	[spmem:s3] =	stream.indirect.scatter.add.f32 [tilespmem:s24], [sflag:$0x9], $0x40, s14, s21, $0xb8;
	[tilespmem:$0x1F400] =	vst v63  }
0x169: {  	_ =	swait.ge [sflag:s30], $0x2000  }
0x16a: {  	[sflag:s30] =	ssyncset.done $0x0  }
0x16b: {  	s17 =	rddreg [dreg:$0x16];
	[sflag:s30] =	ssyncadd.s32 $0xFFFFE000  }
0x16c: {  	[spmem:s3] =	stream.indirect.scatter.add.f32 [tilespmem:s25], [sflag:$0xA], $0x40, s17, s21, $0xb8;
	[tilespmem:$0x1F400] =	vst v63  }
0x16d: {  	_ =	swait.ge [sflag:s31], $0x2000  }
0x16e: {  	[sflag:s31] =	ssyncset.done $0x0  }
0x16f: {  	s14 =	rddreg [dreg:$0x17];
	[sflag:s31] =	ssyncadd.s32 $0xFFFFE000  }
0x170: {  	[tilespmem:s19], [sflag:$0x1] =	stream.indirect.gather [spmem:s2], $0x40, s14, s21, $0xb8;
	[tilespmem:$0x1F400] =	vst v63  }
0x171: {  	_ =	swait.ge [sflag:s0], $0x2000  }
0x172: {  	[sflag:s0] =	ssyncset.done $0x0  }
0x173: {  	s17 =	rddreg [dreg:$0x18];
	[sflag:s0] =	ssyncadd.s32 $0xFFFFE000  }
0x174: {  	[tilespmem:s22], [sflag:$0x2] =	stream.indirect.gather [spmem:s2], $0x40, s17, s21, $0xb8;
	[tilespmem:$0x1F400] =	vst v63  }
0x175: {  	_ =	swait.ge [sflag:s16], $0x2000  }
0x176: {  	[sflag:s16] =	ssyncset.done $0x0  }
0x177: {  	s14 =	rddreg [dreg:$0x19];
	[sflag:s16] =	ssyncadd.s32 $0xFFFFE000  }
0x178: {  	[tilespmem:s23], [sflag:$0x3] =	stream.indirect.gather [spmem:s2], $0x40, s14, s21, $0xb8;
	[tilespmem:$0x1F400] =	vst v63  }
0x179: {  	_ =	swait.ge [sflag:s1], $0x2000  }
0x17a: {  	[sflag:s1] =	ssyncset.done $0x0  }
0x17b: {  	s17 =	rddreg [dreg:$0x1a];
	[sflag:s1] =	ssyncadd.s32 $0xFFFFE000  }
0x17c: {  	[tilespmem:s24], [sflag:$0x4] =	stream.indirect.gather [spmem:s2], $0x40, s17, s21, $0xb8;
	[tilespmem:$0x1F400] =	vst v63  }
0x17d: {  	_ =	swait.ge [sflag:s6], $0x2000  }
0x17e: {  	[sflag:s6] =	ssyncset.done $0x0  }
0x17f: {  	s14 =	rddreg [dreg:$0x1b];
	[sflag:s6] =	ssyncadd.s32 $0xFFFFE000  }
0x180: {  	[tilespmem:s25], [sflag:$0x5] =	stream.indirect.gather [spmem:s2], $0x40, s14, s21, $0xb8;
	[tilespmem:$0x1F400] =	vst v63  }
0x181: {  	_ =	swait.ge [sflag:s15], $0x2000  }
0x182: {  	[sflag:s15] =	ssyncset.done $0x0  }
0x183: {  	s17 =	rddreg [dreg:$0x1c];
	[sflag:s15] =	ssyncadd.s32 $0xFFFFE000  }
0x184: {  	[spmem:s3] =	stream.indirect.scatter.add.f32 [tilespmem:s19], [sflag:$0x6], $0x40, s17, s21, $0xb8;
	[tilespmem:$0x1F400] =	vst v63  }
0x185: {  	_ =	swait.ge [sflag:s26], $0x2000  }
0x186: {  	[sflag:s26] =	ssyncset.done $0x0  }
0x187: {  	s14 =	rddreg [dreg:$0x1d];
	[sflag:s26] =	ssyncadd.s32 $0xFFFFE000  }
0x188: {  	[spmem:s3] =	stream.indirect.scatter.add.f32 [tilespmem:s22], [sflag:$0x7], $0x40, s14, s21, $0xb8;
	[tilespmem:$0x1F400] =	vst v63  }
0x189: {  	_ =	swait.ge [sflag:s28], $0x2000  }
0x18a: {  	[sflag:s28] =	ssyncset.done $0x0  }
0x18b: {  	s17 =	rddreg [dreg:$0x1e];
	[sflag:s28] =	ssyncadd.s32 $0xFFFFE000  }
0x18c: {  	[spmem:s3] =	stream.indirect.scatter.add.f32 [tilespmem:s23], [sflag:$0x8], $0x40, s17, s21, $0xb8;
	[tilespmem:$0x1F400] =	vst v63  }
0x18d: {  	_ =	swait.ge [sflag:s29], $0x2000  }
0x18e: {  	[sflag:s29] =	ssyncset.done $0x0  }
0x18f: {  	s14 =	rddreg [dreg:$0x1f];
	[sflag:s29] =	ssyncadd.s32 $0xFFFFE000  }
0x190: {  	[spmem:s3] =	stream.indirect.scatter.add.f32 [tilespmem:s24], [sflag:$0x9], $0x40, s14, s21, $0xb8;
	[tilespmem:$0x1F400] =	vst v63  }
0x191: {  	_ =	swait.ge [sflag:s30], $0x2000  }
0x192: {  	s17 =	sld [smem:$0x7F5]  }
0x193: {  	[sflag:s30] =	ssyncset.done $0x0  }
0x194: {  	[sflag:s30] =	ssyncadd.s32 $0xFFFFE000  }
0x195: {  	[spmem:s3] =	stream.indirect.scatter.add.f32 [tilespmem:s25], [sflag:$0xA], $0x40, s17, s21, $0xb8;
	[tilespmem:$0x1F400] =	vst v63  }
0x196: {  	_ =	swait.ge [sflag:s31], $0x2000  }
0x197: {  	s14 =	sld [smem:$0x7F6]  }
0x198: {  	[sflag:s31] =	ssyncset.done $0x0  }
0x199: {  	[sflag:s31] =	ssyncadd.s32 $0xFFFFE000  }
0x19a: {  	[tilespmem:s19], [sflag:$0x1] =	stream.indirect.gather [spmem:s2], $0x40, s14, s21, $0xb8;
	[tilespmem:$0x1F400] =	vst v63  }
0x19b: {  	_ =	swait.ge [sflag:s0], $0x2000  }
0x19c: {  	s17 =	sld [smem:$0x7F7]  }
0x19d: {  	[sflag:s0] =	ssyncset.done $0x0  }
0x19e: {  	[sflag:s0] =	ssyncadd.s32 $0xFFFFE000  }
0x19f: {  	[tilespmem:s22], [sflag:$0x2] =	stream.indirect.gather [spmem:s2], $0x40, s17, s21, $0xb8;
	[tilespmem:$0x1F400] =	vst v63  }
0x1a0: {  	_ =	swait.ge [sflag:s16], $0x2000  }
0x1a1: {  	s14 =	sld [smem:$0x7F8]  }
0x1a2: {  	[sflag:s16] =	ssyncset.done $0x0  }
0x1a3: {  	[sflag:s16] =	ssyncadd.s32 $0xFFFFE000  }
0x1a4: {  	[tilespmem:s23], [sflag:$0x3] =	stream.indirect.gather [spmem:s2], $0x40, s14, s21, $0xb8;
	[tilespmem:$0x1F400] =	vst v63  }
0x1a5: {  	_ =	swait.ge [sflag:s1], $0x2000  }
0x1a6: {  	s17 =	sld [smem:$0x7F9]  }
0x1a7: {  	[sflag:s1] =	ssyncset.done $0x0  }
0x1a8: {  	[sflag:s1] =	ssyncadd.s32 $0xFFFFE000  }
0x1a9: {  	[tilespmem:s24], [sflag:$0x4] =	stream.indirect.gather [spmem:s2], $0x40, s17, s21, $0xb8;
	[tilespmem:$0x1F400] =	vst v63  }
0x1aa: {  	_ =	swait.ge [sflag:s6], $0x2000  }
0x1ab: {  	s14 =	sld [smem:$0x7FA]  }
0x1ac: {  	[sflag:s6] =	ssyncset.done $0x0  }
0x1ad: {  	[sflag:s6] =	ssyncadd.s32 $0xFFFFE000  }
0x1ae: {  	[tilespmem:s25], [sflag:$0x5] =	stream.indirect.gather [spmem:s2], $0x40, s14, s21, $0xb8;
	[tilespmem:$0x1F400] =	vst v63  }
0x1af: {  	_ =	swait.ge [sflag:s15], $0x2000  }
0x1b0: {  	s17 =	sld [smem:$0x7FB]  }
0x1b1: {  	[sflag:s15] =	ssyncset.done $0x0  }
0x1b2: {  	[sflag:s15] =	ssyncadd.s32 $0xFFFFE000  }
0x1b3: {  	[spmem:s3] =	stream.indirect.scatter.add.f32 [tilespmem:s19], [sflag:$0x6], $0x40, s17, s21, $0xb8;
	[tilespmem:$0x1F400] =	vst v63  }
0x1b4: {  	_ =	swait.ge [sflag:s26], $0x2000  }
0x1b5: {  	s14 =	sld [smem:$0x7FC]  }
0x1b6: {  	[sflag:s26] =	ssyncset.done $0x0  }
0x1b7: {  	[sflag:s26] =	ssyncadd.s32 $0xFFFFE000  }
0x1b8: {  	[spmem:s3] =	stream.indirect.scatter.add.f32 [tilespmem:s22], [sflag:$0x7], $0x40, s14, s21, $0xb8;
	[tilespmem:$0x1F400] =	vst v63  }
0x1b9: {  	_ =	swait.ge [sflag:s28], $0x2000  }
0x1ba: {  	s17 =	sld [smem:$0x7FD]  }
0x1bb: {  	[sflag:s28] =	ssyncset.done $0x0  }
0x1bc: {  	s13 =	smov.u32 s11;
	s11 =	sadd.s32 $0x140, s11;
	[sflag:s28] =	ssyncadd.s32 $0xFFFFE000  }
0x1bd: {  	[spmem:s3] =	stream.indirect.scatter.add.f32 [tilespmem:s23], [sflag:$0x8], $0x40, s17, s21, $0xb8;
	[tilespmem:$0x1F400] =	vst v63  }
0x1be: {  	p0 =	sne.s32 s11, $0xA00;
	_ =	swait.ge [sflag:s29], $0x2000  }
.Ltmp1:
0x1bf: {  	[sflag:s29] =	ssyncset.done $0x0;
	(pc) =	sbr.rel @p0 .LBB2_4-.Ltmp1, $4  }
0x1c0: {  	[sflag:s29] =	ssyncadd.s32 $0xFFFFE000  }
0x1c1: {  	[spmem:s3] =	stream.indirect.scatter.add.f32 [tilespmem:s24], [sflag:$0x9], $0x40, s7, s21, $0xb8;
	[tilespmem:$0x1F400] =	vst v63  }
0x1c2: {  	s10 =	smov.u32 s13;
	_ =	swait.ge [sflag:s30], $0x2000  }
0x1c3: {  	p1 =	seq.s32 s10, $0x0;
	[sflag:s30] =	ssyncset.done $0x0  }
0x1c4: {  	s11 =	simm.s32 @!p1 $0x6;
	[sflag:s30] =	ssyncadd.s32 $0xFFFFE000  }
0x1c5: {  	[spmem:s3] =	stream.indirect.scatter.add.f32 [tilespmem:s25], [sflag:$0xA], $0x40, s8, s21, $0xb8;
	[tilespmem:$0x1F400] =	vst v63  }
0x1c6: {  	_ =	swait.ge @!p1 [sflag:s11], $0x2000  }
0x1c7: {  	[sflag:s11] =	ssyncset.done @!p1 $0x0  }
0x1c8: {  	[sflag:s11] =	ssyncadd.s32 @!p1 $0xFFFFE000;
	s11 =	simm.s32 @!p1 $0x7  }
0x1c9: {  	_ =	swait.ge @!p1 [sflag:s11], $0x2000  }
0x1ca: {  	[sflag:s11] =	ssyncset.done @!p1 $0x0  }
0x1cb: {  	[sflag:s11] =	ssyncadd.s32 @!p1 $0xFFFFE000;
	s11 =	simm.s32 @!p1 $0x8  }
0x1cc: {  	_ =	swait.ge @!p1 [sflag:s11], $0x2000  }
0x1cd: {  	[sflag:s11] =	ssyncset.done @!p1 $0x0  }
0x1ce: {  	[sflag:s11] =	ssyncadd.s32 @!p1 $0xFFFFE000;
	s11 =	simm.s32 @!p1 $0x9  }
0x1cf: {  	_ =	swait.ge @!p1 [sflag:s11], $0x2000  }
0x1d0: {  	[sflag:s11] =	ssyncset.done @!p1 $0x0  }
0x1d1: {  	[sflag:s11] =	ssyncadd.s32 @!p1 $0xFFFFE000;
	s11 =	simm.s32 @!p1 $0xA  }
0x1d2: {  	_ =	swait.ge @!p1 [sflag:s11], $0x2000  }
0x1d3: {  	s13 =	rddreg [dreg:$0x5];
	[sflag:s11] =	ssyncset.done @!p1 $0x0  }
0x1d4: {  	[sflag:s11] =	ssyncadd.s32 @!p1 $0xFFFFE000;
	s10 =	sadd.s32 s10, s13  }
0x1d5: {  	[tilespmem:s4], [sflag:$0xB] =	stream.linear.gather [hbm4b:s10+s4], $0xA00, $0x38;
	[tilespmem:$0x1F400] =	vst v63  }
0x1d6: {  	_ =	swait.ge [sflag:s18], $0xA00  }
0x1d7: {  	[sflag:s18] =	ssyncset.done $0x0  }
0x1d8: {  	s10 =	sadd.s32 $0xA000, s10;
	[sflag:s18] =	ssyncadd.s32 $0xFFFFF600  }
0x1d9: {  	[tilespmem:s20], [sflag:$0xB] =	stream.linear.gather [hbm4b:s10+s4], $0xA00, $0x38;
	[tilespmem:$0x1F400] =	vst v63  }
0x1da: {  	_ =	swait.ge [sflag:s18], $0xA00  }
0x1db: {  	[sflag:s18] =	ssyncset.done $0x0  }
0x1dc: {  	[sflag:s18] =	ssyncadd.s32 $0xFFFFF600  }
0x1dd: {  	[tilespmem:s19], [sflag:$0x1] =	stream.indirect.gather [spmem:s2], $0x40, s4, s21, $0xb8;
	[tilespmem:$0x1F400] =	vst v63  }
0x1de: {  	_ = 	snop  }
0x1df: {  	[tilespmem:s22], [sflag:$0x2] =	stream.indirect.gather [spmem:s2], $0x40, s21, s21, $0xb8;
	[tilespmem:$0x1F400] =	vst v63  }
0x1e0: {  	s13 =	rddreg [dreg:$0x6]  }
0x1e1: {  	[tilespmem:s23], [sflag:$0x3] =	stream.indirect.gather [spmem:s2], $0x40, s13, s21, $0xb8;
	[tilespmem:$0x1F400] =	vst v63  }
0x1e2: {  	s14 =	rddreg [dreg:$0x7]  }
0x1e3: {  	[tilespmem:s24], [sflag:$0x4] =	stream.indirect.gather [spmem:s2], $0x40, s14, s21, $0xb8;
	[tilespmem:$0x1F400] =	vst v63  }
0x1e4: {  	s17 =	rddreg [dreg:$0x8]  }
0x1e5: {  	[tilespmem:s25], [sflag:$0x5] =	stream.indirect.gather [spmem:s2], $0x40, s17, s21, $0xb8;
	[tilespmem:$0x1F400] =	vst v63  }
0x1e6: {  	_ =	swait.ge [sflag:s15], $0x2000  }
0x1e7: {  	[sflag:s15] =	ssyncset.done $0x0  }
0x1e8: {  	[sflag:s15] =	ssyncadd.s32 $0xFFFFE000  }
0x1e9: {  	[spmem:s3] =	stream.indirect.scatter.add.f32 [tilespmem:s19], [sflag:$0x6], $0x40, s20, s21, $0xb8;
	[tilespmem:$0x1F400] =	vst v63  }
0x1ea: {  	_ =	swait.ge [sflag:s26], $0x2000  }
0x1eb: {  	[sflag:s26] =	ssyncset.done $0x0  }
0x1ec: {  	s11 =	rddreg [dreg:$0x9];
	[sflag:s26] =	ssyncadd.s32 $0xFFFFE000  }
0x1ed: {  	[spmem:s3] =	stream.indirect.scatter.add.f32 [tilespmem:s22], [sflag:$0x7], $0x40, s11, s21, $0xb8;
	[tilespmem:$0x1F400] =	vst v63  }
0x1ee: {  	_ =	swait.ge [sflag:s28], $0x2000  }
0x1ef: {  	[sflag:s28] =	ssyncset.done $0x0  }
0x1f0: {  	s13 =	rddreg [dreg:$0xa];
	[sflag:s28] =	ssyncadd.s32 $0xFFFFE000  }
0x1f1: {  	[spmem:s3] =	stream.indirect.scatter.add.f32 [tilespmem:s23], [sflag:$0x8], $0x40, s13, s21, $0xb8;
	[tilespmem:$0x1F400] =	vst v63  }
0x1f2: {  	_ =	swait.ge [sflag:s29], $0x2000  }
0x1f3: {  	[sflag:s29] =	ssyncset.done $0x0  }
0x1f4: {  	s14 =	rddreg [dreg:$0xb];
	[sflag:s29] =	ssyncadd.s32 $0xFFFFE000  }
0x1f5: {  	[spmem:s3] =	stream.indirect.scatter.add.f32 [tilespmem:s24], [sflag:$0x9], $0x40, s14, s21, $0xb8;
	[tilespmem:$0x1F400] =	vst v63  }
0x1f6: {  	_ =	swait.ge [sflag:s30], $0x2000  }
0x1f7: {  	[sflag:s30] =	ssyncset.done $0x0  }
0x1f8: {  	s17 =	rddreg [dreg:$0xc];
	[sflag:s30] =	ssyncadd.s32 $0xFFFFE000  }
0x1f9: {  	[spmem:s3] =	stream.indirect.scatter.add.f32 [tilespmem:s25], [sflag:$0xA], $0x40, s17, s21, $0xb8;
	[tilespmem:$0x1F400] =	vst v63  }
0x1fa: {  	_ =	swait.ge [sflag:s31], $0x2000  }
0x1fb: {  	[sflag:s31] =	ssyncset.done $0x0  }
0x1fc: {  	s11 =	rddreg [dreg:$0xd];
	[sflag:s31] =	ssyncadd.s32 $0xFFFFE000  }
0x1fd: {  	[tilespmem:s19], [sflag:$0x1] =	stream.indirect.gather [spmem:s2], $0x40, s11, s21, $0xb8;
	[tilespmem:$0x1F400] =	vst v63  }
0x1fe: {  	_ =	swait.ge [sflag:s0], $0x2000  }
0x1ff: {  	[sflag:s0] =	ssyncset.done $0x0  }
0x200: {  	s13 =	rddreg [dreg:$0xe];
	[sflag:s0] =	ssyncadd.s32 $0xFFFFE000  }
0x201: {  	[tilespmem:s22], [sflag:$0x2] =	stream.indirect.gather [spmem:s2], $0x40, s13, s21, $0xb8;
	[tilespmem:$0x1F400] =	vst v63  }
0x202: {  	_ =	swait.ge [sflag:s16], $0x2000  }
0x203: {  	[sflag:s16] =	ssyncset.done $0x0  }
0x204: {  	s14 =	rddreg [dreg:$0xf];
	[sflag:s16] =	ssyncadd.s32 $0xFFFFE000  }
0x205: {  	[tilespmem:s23], [sflag:$0x3] =	stream.indirect.gather [spmem:s2], $0x40, s14, s21, $0xb8;
	[tilespmem:$0x1F400] =	vst v63  }
0x206: {  	_ =	swait.ge [sflag:s1], $0x2000  }
0x207: {  	[sflag:s1] =	ssyncset.done $0x0  }
0x208: {  	s17 =	rddreg [dreg:$0x10];
	[sflag:s1] =	ssyncadd.s32 $0xFFFFE000  }
0x209: {  	[tilespmem:s24], [sflag:$0x4] =	stream.indirect.gather [spmem:s2], $0x40, s17, s21, $0xb8;
	[tilespmem:$0x1F400] =	vst v63  }
0x20a: {  	_ =	swait.ge [sflag:s6], $0x2000  }
0x20b: {  	[sflag:s6] =	ssyncset.done $0x0  }
0x20c: {  	s11 =	rddreg [dreg:$0x11];
	[sflag:s6] =	ssyncadd.s32 $0xFFFFE000  }
0x20d: {  	[tilespmem:s25], [sflag:$0x5] =	stream.indirect.gather [spmem:s2], $0x40, s11, s21, $0xb8;
	[tilespmem:$0x1F400] =	vst v63  }
0x20e: {  	_ =	swait.ge [sflag:s15], $0x2000  }
0x20f: {  	[sflag:s15] =	ssyncset.done $0x0  }
0x210: {  	s13 =	rddreg [dreg:$0x12];
	[sflag:s15] =	ssyncadd.s32 $0xFFFFE000  }
0x211: {  	[spmem:s3] =	stream.indirect.scatter.add.f32 [tilespmem:s19], [sflag:$0x6], $0x40, s13, s21, $0xb8;
	[tilespmem:$0x1F400] =	vst v63  }
0x212: {  	_ =	swait.ge [sflag:s26], $0x2000  }
0x213: {  	[sflag:s26] =	ssyncset.done $0x0  }
0x214: {  	s14 =	rddreg [dreg:$0x13];
	[sflag:s26] =	ssyncadd.s32 $0xFFFFE000  }
0x215: {  	[spmem:s3] =	stream.indirect.scatter.add.f32 [tilespmem:s22], [sflag:$0x7], $0x40, s14, s21, $0xb8;
	[tilespmem:$0x1F400] =	vst v63  }
0x216: {  	_ =	swait.ge [sflag:s28], $0x2000  }
0x217: {  	[sflag:s28] =	ssyncset.done $0x0  }
0x218: {  	s17 =	rddreg [dreg:$0x14];
	[sflag:s28] =	ssyncadd.s32 $0xFFFFE000  }
0x219: {  	[spmem:s3] =	stream.indirect.scatter.add.f32 [tilespmem:s23], [sflag:$0x8], $0x40, s17, s21, $0xb8;
	[tilespmem:$0x1F400] =	vst v63  }
0x21a: {  	_ =	swait.ge [sflag:s29], $0x2000  }
0x21b: {  	[sflag:s29] =	ssyncset.done $0x0  }
0x21c: {  	s11 =	rddreg [dreg:$0x15];
	[sflag:s29] =	ssyncadd.s32 $0xFFFFE000  }
0x21d: {  	[spmem:s3] =	stream.indirect.scatter.add.f32 [tilespmem:s24], [sflag:$0x9], $0x40, s11, s21, $0xb8;
	[tilespmem:$0x1F400] =	vst v63  }
0x21e: {  	_ =	swait.ge [sflag:s30], $0x2000  }
0x21f: {  	[sflag:s30] =	ssyncset.done $0x0  }
0x220: {  	s13 =	rddreg [dreg:$0x16];
	[sflag:s30] =	ssyncadd.s32 $0xFFFFE000  }
0x221: {  	[spmem:s3] =	stream.indirect.scatter.add.f32 [tilespmem:s25], [sflag:$0xA], $0x40, s13, s21, $0xb8;
	[tilespmem:$0x1F400] =	vst v63  }
0x222: {  	_ =	swait.ge [sflag:s31], $0x2000  }
0x223: {  	[sflag:s31] =	ssyncset.done $0x0  }
0x224: {  	s14 =	rddreg [dreg:$0x17];
	[sflag:s31] =	ssyncadd.s32 $0xFFFFE000  }
0x225: {  	[tilespmem:s19], [sflag:$0x1] =	stream.indirect.gather [spmem:s2], $0x40, s14, s21, $0xb8;
	[tilespmem:$0x1F400] =	vst v63  }
0x226: {  	_ =	swait.ge [sflag:s0], $0x2000  }
0x227: {  	[sflag:s0] =	ssyncset.done $0x0  }
0x228: {  	s17 =	rddreg [dreg:$0x18];
	[sflag:s0] =	ssyncadd.s32 $0xFFFFE000  }
0x229: {  	[tilespmem:s22], [sflag:$0x2] =	stream.indirect.gather [spmem:s2], $0x40, s17, s21, $0xb8;
	[tilespmem:$0x1F400] =	vst v63  }
0x22a: {  	_ =	swait.ge [sflag:s16], $0x2000  }
0x22b: {  	[sflag:s16] =	ssyncset.done $0x0  }
0x22c: {  	s11 =	rddreg [dreg:$0x19];
	[sflag:s16] =	ssyncadd.s32 $0xFFFFE000  }
0x22d: {  	[tilespmem:s23], [sflag:$0x3] =	stream.indirect.gather [spmem:s2], $0x40, s11, s21, $0xb8;
	[tilespmem:$0x1F400] =	vst v63  }
0x22e: {  	_ =	swait.ge [sflag:s1], $0x2000  }
0x22f: {  	[sflag:s1] =	ssyncset.done $0x0  }
0x230: {  	s13 =	rddreg [dreg:$0x1a];
	[sflag:s1] =	ssyncadd.s32 $0xFFFFE000  }
0x231: {  	[tilespmem:s24], [sflag:$0x4] =	stream.indirect.gather [spmem:s2], $0x40, s13, s21, $0xb8;
	[tilespmem:$0x1F400] =	vst v63  }
0x232: {  	_ =	swait.ge [sflag:s6], $0x2000  }
0x233: {  	[sflag:s6] =	ssyncset.done $0x0  }
0x234: {  	s14 =	rddreg [dreg:$0x1b];
	[sflag:s6] =	ssyncadd.s32 $0xFFFFE000  }
0x235: {  	[tilespmem:s25], [sflag:$0x5] =	stream.indirect.gather [spmem:s2], $0x40, s14, s21, $0xb8;
	[tilespmem:$0x1F400] =	vst v63  }
0x236: {  	_ =	swait.ge [sflag:s15], $0x2000  }
0x237: {  	[sflag:s15] =	ssyncset.done $0x0  }
0x238: {  	s17 =	rddreg [dreg:$0x1c];
	[sflag:s15] =	ssyncadd.s32 $0xFFFFE000  }
0x239: {  	[spmem:s3] =	stream.indirect.scatter.add.f32 [tilespmem:s19], [sflag:$0x6], $0x40, s17, s21, $0xb8;
	[tilespmem:$0x1F400] =	vst v63  }
0x23a: {  	_ =	swait.ge [sflag:s26], $0x2000  }
0x23b: {  	[sflag:s26] =	ssyncset.done $0x0  }
0x23c: {  	s11 =	rddreg [dreg:$0x1d];
	[sflag:s26] =	ssyncadd.s32 $0xFFFFE000  }
0x23d: {  	[spmem:s3] =	stream.indirect.scatter.add.f32 [tilespmem:s22], [sflag:$0x7], $0x40, s11, s21, $0xb8;
	[tilespmem:$0x1F400] =	vst v63  }
0x23e: {  	_ =	swait.ge [sflag:s28], $0x2000  }
0x23f: {  	[sflag:s28] =	ssyncset.done $0x0  }
0x240: {  	s13 =	rddreg [dreg:$0x1e];
	[sflag:s28] =	ssyncadd.s32 $0xFFFFE000  }
0x241: {  	[spmem:s3] =	stream.indirect.scatter.add.f32 [tilespmem:s23], [sflag:$0x8], $0x40, s13, s21, $0xb8;
	[tilespmem:$0x1F400] =	vst v63  }
0x242: {  	_ =	swait.ge [sflag:s29], $0x2000  }
0x243: {  	[sflag:s29] =	ssyncset.done $0x0  }
0x244: {  	s14 =	rddreg [dreg:$0x1f];
	[sflag:s29] =	ssyncadd.s32 $0xFFFFE000  }
0x245: {  	[spmem:s3] =	stream.indirect.scatter.add.f32 [tilespmem:s24], [sflag:$0x9], $0x40, s14, s21, $0xb8;
	[tilespmem:$0x1F400] =	vst v63  }
0x246: {  	_ =	swait.ge [sflag:s30], $0x2000  }
0x247: {  	s17 =	sld [smem:$0x7F5]  }
0x248: {  	[sflag:s30] =	ssyncset.done $0x0  }
0x249: {  	[sflag:s30] =	ssyncadd.s32 $0xFFFFE000  }
0x24a: {  	[spmem:s3] =	stream.indirect.scatter.add.f32 [tilespmem:s25], [sflag:$0xA], $0x40, s17, s21, $0xb8;
	[tilespmem:$0x1F400] =	vst v63  }
0x24b: {  	_ =	swait.ge [sflag:s31], $0x2000  }
0x24c: {  	s11 =	sld [smem:$0x7F6]  }
0x24d: {  	[sflag:s31] =	ssyncset.done $0x0  }
0x24e: {  	[sflag:s31] =	ssyncadd.s32 $0xFFFFE000  }
0x24f: {  	[tilespmem:s19], [sflag:$0x1] =	stream.indirect.gather [spmem:s2], $0x40, s11, s21, $0xb8;
	[tilespmem:$0x1F400] =	vst v63  }
0x250: {  	_ =	swait.ge [sflag:s0], $0x2000  }
0x251: {  	s13 =	sld [smem:$0x7F7]  }
0x252: {  	[sflag:s0] =	ssyncset.done $0x0  }
0x253: {  	[sflag:s0] =	ssyncadd.s32 $0xFFFFE000  }
0x254: {  	[tilespmem:s22], [sflag:$0x2] =	stream.indirect.gather [spmem:s2], $0x40, s13, s21, $0xb8;
	[tilespmem:$0x1F400] =	vst v63  }
0x255: {  	_ =	swait.ge [sflag:s16], $0x2000  }
0x256: {  	s14 =	sld [smem:$0x7F8]  }
0x257: {  	[sflag:s16] =	ssyncset.done $0x0  }
0x258: {  	[sflag:s16] =	ssyncadd.s32 $0xFFFFE000  }
0x259: {  	[tilespmem:s23], [sflag:$0x3] =	stream.indirect.gather [spmem:s2], $0x40, s14, s21, $0xb8;
	[tilespmem:$0x1F400] =	vst v63  }
0x25a: {  	_ =	swait.ge [sflag:s1], $0x2000  }
0x25b: {  	s17 =	sld [smem:$0x7F9]  }
0x25c: {  	[sflag:s1] =	ssyncset.done $0x0  }
0x25d: {  	[sflag:s1] =	ssyncadd.s32 $0xFFFFE000  }
0x25e: {  	[tilespmem:s24], [sflag:$0x4] =	stream.indirect.gather [spmem:s2], $0x40, s17, s21, $0xb8;
	[tilespmem:$0x1F400] =	vst v63  }
0x25f: {  	_ =	swait.ge [sflag:s6], $0x2000  }
0x260: {  	s11 =	sld [smem:$0x7FA]  }
0x261: {  	[sflag:s6] =	ssyncset.done $0x0  }
0x262: {  	[sflag:s6] =	ssyncadd.s32 $0xFFFFE000  }
0x263: {  	[tilespmem:s25], [sflag:$0x5] =	stream.indirect.gather [spmem:s2], $0x40, s11, s21, $0xb8;
	[tilespmem:$0x1F400] =	vst v63  }
0x264: {  	_ =	swait.ge [sflag:s15], $0x2000  }
0x265: {  	s13 =	sld [smem:$0x7FB]  }
0x266: {  	[sflag:s15] =	ssyncset.done $0x0  }
0x267: {  	[sflag:s15] =	ssyncadd.s32 $0xFFFFE000  }
0x268: {  	[spmem:s3] =	stream.indirect.scatter.add.f32 [tilespmem:s19], [sflag:$0x6], $0x40, s13, s21, $0xb8;
	[tilespmem:$0x1F400] =	vst v63  }
0x269: {  	_ =	swait.ge [sflag:s26], $0x2000  }
0x26a: {  	s14 =	sld [smem:$0x7FC]  }
0x26b: {  	[sflag:s26] =	ssyncset.done $0x0  }
0x26c: {  	[sflag:s26] =	ssyncadd.s32 $0xFFFFE000  }
0x26d: {  	[spmem:s3] =	stream.indirect.scatter.add.f32 [tilespmem:s22], [sflag:$0x7], $0x40, s14, s21, $0xb8;
	[tilespmem:$0x1F400] =	vst v63  }
0x26e: {  	_ =	swait.ge [sflag:s28], $0x2000  }
0x26f: {  	s17 =	sld [smem:$0x7FD]  }
0x270: {  	[sflag:s28] =	ssyncset.done $0x0  }
0x271: {  	[sflag:s28] =	ssyncadd.s32 $0xFFFFE000  }
0x272: {  	[spmem:s3] =	stream.indirect.scatter.add.f32 [tilespmem:s23], [sflag:$0x8], $0x40, s17, s21, $0xb8;
	[tilespmem:$0x1F400] =	vst v63  }
0x273: {  	_ =	swait.ge [sflag:s29], $0x2000  }
0x274: {  	[sflag:s29] =	ssyncset.done $0x0  }
0x275: {  	[sflag:s29] =	ssyncadd.s32 $0xFFFFE000  }
0x276: {  	[spmem:s3] =	stream.indirect.scatter.add.f32 [tilespmem:s24], [sflag:$0x9], $0x40, s7, s21, $0xb8;
	[tilespmem:$0x1F400] =	vst v63  }
0x277: {  	_ =	swait.ge [sflag:s30], $0x2000  }
0x278: {  	[sflag:s30] =	ssyncset.done $0x0  }
0x279: {  	[sflag:s30] =	ssyncadd.s32 $0xFFFFE000  }
0x27a: {  	[spmem:s3] =	stream.indirect.scatter.add.f32 [tilespmem:s25], [sflag:$0xA], $0x40, s8, s21, $0xb8;
	[tilespmem:$0x1F400] =	vst v63  }
0x27b: {  	_ =	swait.ge [sflag:s31], $0x2000  }
0x27c: {  	[sflag:s31] =	ssyncset.done $0x0  }
0x27d: {  	[sflag:s31] =	ssyncadd.s32 $0xFFFFE000  }
0x27e: {  	_ =	swait.ge [sflag:s0], $0x2000  }
0x27f: {  	[sflag:s0] =	ssyncset.done $0x0  }
0x280: {  	[sflag:s0] =	ssyncadd.s32 $0xFFFFE000  }
0x281: {  	_ =	swait.ge [sflag:s16], $0x2000  }
0x282: {  	[sflag:s16] =	ssyncset.done $0x0  }
0x283: {  	[sflag:s16] =	ssyncadd.s32 $0xFFFFE000  }
0x284: {  	_ =	swait.ge [sflag:s1], $0x2000  }
0x285: {  	[sflag:s1] =	ssyncset.done $0x0  }
0x286: {  	[sflag:s1] =	ssyncadd.s32 $0xFFFFE000  }
0x287: {  	_ =	swait.ge [sflag:s6], $0x2000  }
0x288: {  	[sflag:s6] =	ssyncset.done $0x0  }
0x289: {  	[sflag:s6] =	ssyncadd.s32 $0xFFFFE000  }
0x28a: {  	[bflag:$0x0] =	sbarrier.arrive $0xFFFF  }
0x28b: {  	s14 =	sld [smem:$0x7F3];
	_ =	sdelay $0x1  }
0x28c: {  	s11 =	sshrl.u32 s5, $0x3;
	s13 =	simm.s32 $0x10  }
0x28d: {  	[hbm:s14@s13], [sflag:s12] =	dma.strided [spmem:s11@s16], $0x1400, s15, $0x8   }
0x28e: {  	_ =	swait.ge [sflag:s18], $0x1400  }
0x28f: {  	s17 =	sld [smem:$0x7F1];
	_ =	sdelay $0x1  }
0x290: {  	s9 =	sadd.s32 $0x1, s9  }
0x291: {  	p0 =	sne.s32 s9, s17  }
.Ltmp2:
0x292: {  	_ = 	snop;
	(pc) =	sbr.rel @p0 .LBB2_1-.Ltmp2, $3  }
0x293: {  	_ =	sdelay $0x1  }
0x294: {  	[sflag:s18] =	ssyncset.done $0x0  }
0x295: {  	[sflag:s18] =	ssyncadd.s32 $0xFFFFEC00  }
0x296: {  	_ =	sfence.sel $0x180000  }
0x297: {  	[bflag:$0x0] =	sbarrier.arrive $0xFFFF  }
0x298: {  	_ =	strace $0x9000004A  }
0x299: {  	s0 =	stileid.u32;
	[bflag:$0x2] =	sbarrier.arrive $0xFFFF  }
0x29a: {  	p0 =	sne.s32 s0, $0x0;
	s0 =	rddreg [dreg:$0x4]  }
0x29b: {  	s0 =	sadd.s32 @!p0 $0x100000, s0  }
0x29c: {  	[sflag:s0] =	ssyncadd.tile.s32 @!p0 $0x1;
	_ =	shalt  }
.Lfunc_end2:
_tile_overlayer_lowered:
.L_overlay_start_2:
0x29d: {  	(tag) =	ssettag $0x2  }
0x29e: {  	s0 =	rddreg [dreg:$0x0];
	s2 =	stileid.u32  }
0x29f: {  	s1 =	rddreg [dreg:$0x1];
	p0 =	sne.s32 s2, $0x0  }
0x2a0: {  	s3 =	rddreg [dreg:$0x2];
	[bflag:$0x3] =	sbarrier.arrive $0xFFFF;
	s2 =	simm.s32 @!p0 $0x1C0B  }
0x2a1: {  	[timem:s3], [sflag:s2] =	dma.local @!p0 [hbm:s0], s1  }
0x2a2: {  	s0 =	simm.s32 @!p0 $0xB  }
0x2a3: {  	_ =	swait.ge @!p0 [sflag:s0], s1  }
0x2a4: {  	s1 =	ssub.s32 @!p0 $0x0, s1;
	[sflag:s0] =	ssyncset.done @!p0 $0x0  }
0x2a5: {  	[sflag:s0] =	ssyncadd.s32 @!p0 s1  }
0x2a6: {  	[bflag:$0x3] =	sbarrier.arrive $0xFFFF  }
0x2a7: {  	_ =	shalt  }

// kernel: kernel.14.cloned.1.call-start
scs
__scs_entry_jumppad:
0x0: {  	(pc) =	sbr.rel $0x88, $3  }
0x1: {  	(tag) =	ssettag $0x0;
	lr =	simm.s32 $0x1  }
0x2: {  	[smem:$0x3F94] =	sst lr;
	_ =	strace $0xD0000000  }
0x3: {  	_ = 	snop  }
0x4: {  	_ = 	snop  }
0x5: {  	_ = 	snop  }
0x6: {  	_ = 	snop  }
0x7: {  	_ = 	snop  }
__scs_overlays_trampoline_lowered:
0x8: {  	[smem:$0x3FA3] =	sst s0  }
0x9: {  	[smem:$0x3FA4] =	sst s1  }
0xa: {  	[smem:$0x3FA5] =	sst s2  }
0xb: {  	[smem:$0x3FA6] =	sst s3  }
0xc: {  	[smem:$0x3FA7] =	sst s4  }
0xd: {  	[smem:$0x3FA8] =	sst s5  }
0xe: {  	[smem:$0x3FA9] =	sst s6  }
0xf: {  	[smem:$0x3FAA] =	sst s7  }
0x10: {  	[smem:$0x3FAB] =	sst s8  }
0x11: {  	[smem:$0x3FAC] =	sst s9;
	s0 =	simm.s32 @!p0 $0x0  }
0x12: {  	s1 =	sld [smem:$0x3F92];
	s0 =	simm.s32 @p0 $0x1  }
0x13: {  	[smem:$0x3FAD] =	sst s0;
	s0 =	simm.s32 @!p1 $0x0  }
0x14: {  	s2 =	sld [smem:$0x3F91];
	s0 =	simm.s32 @p1 $0x1  }
0x15: {  	[smem:$0x3FAE] =	sst s0;
	s0 =	simm.s32 @!p2 $0x0  }
0x16: {  	s3 =	sld [smem:$0x3FDB];
	s0 =	simm.s32 @p2 $0x1  }
0x17: {  	s4 =	simm.s32 $0x1BF5;
	[smem:$0x3FB0] =	sst s0  }
0x18: {  	s0 =	sld [smem:$0x3F93];
	_ =	swait.ge [sflag:s4], $0x0  }
0x19: {  	s7 =	sld [smem:$0x3F94]  }
0x1a: {  	s8 =	sadd.s32 $0xFFFFE003, lr  }
0x1b: {  	s9 =	sadd.s32 $0xFFFFFEF7, lr;
	s5 =	simm.s32 $0xFFFFFFFF;
	p2 =	slt.u32 s8, $0xFFFFF086  }
0x1c: {  	p1 =	slt.u32 s9, $0xF7A;
	s5 =	simm.s32 @!p2 $0x0  }
0x1d: {  	s5 =	simm.s32 @p1 $0x1;
	p0 =	seq.s32 s7, s2  }
0x1e: {  	s7 =	smul.u32 @!p0 $0xF7A, s2;
	p2 =	seq.s32 @!p0 s5, $0x0  }
0x1f: {  	s9 =	smul.u32 $0xF7A, s1;
	s8 =	simm.s32 @!p0 $0x1BF5;
	p2 =	por !p2, p0  }
0x20: {  	[sflag:s8] =	ssyncset.s32 @!p0 $0xFFFFF086;
	s6 =	sadd.s32 @!p0 s3, s7;
	s7 =	simm.s32 @!p0 $0x108  }
0x21: {  	s3 =	sadd.s32 s3, s9;
	s6 =	sadd.s32 @!p0 $0x88, s6;
	s7 =	simm.s32 @p2 $0x1082  }
0x22: {  	[simem:s7], [sflag:s8] =	dma.local @!p0 [hbm:s6], $0xF7A  }
0x23: {  	s9 =	sor.u32 $0xD0000000, s2;
	s6 =	simm.s32 $0x108;
	_ =	swait.ge @!p0 [sflag:s8], $0x0  }
0x24: {  	s3 =	sadd.s32 $0x88, s3;
	s6 =	simm.s32 @!p1 $0x1082;
	[sflag:s4] =	ssyncset.s32 $0xFFFFF086  }
0x25: {  	[simem:s6], [sflag:s4] =	dma.local [hbm:s3], $0xF7A  }
0x26: {  	[smem:$0x3F94] =	sst s1;
	(tag) =	ssettag s2;
	_ =	strace s9  }
0x27: {  	s1 =	sld [smem:$0x3FA4]  }
0x28: {  	s2 =	sld [smem:$0x3FA5]  }
0x29: {  	s4 =	sld [smem:$0x3FA7]  }
0x2a: {  	p0 =	seq.s32 s5, $0x0;
	s5 =	sld [smem:$0x3FA8]  }
0x2b: {  	s6 =	sld [smem:$0x3FA9]  }
0x2c: {  	s7 =	sld [smem:$0x3FAA]  }
0x2d: {  	s3 =	simm.s32 $0x108;
	s8 =	sld [smem:$0x3FAB]  }
0x2e: {  	s3 =	simm.s32 @!p0 $0x1082;
	s9 =	sld [smem:$0x3FAC]  }
0x2f: {  	lr =	sadd.s32 s0, s3;
	s0 =	sld [smem:$0x3FA3]  }
0x30: {  	s3 =	sld [smem:$0x3FA6]  }
0x31: {  	[smem:$0x3FAF] =	sst s10  }
0x32: {  	s10 =	sld [smem:$0x3FAD];
	_ =	sdelay $0x3  }
0x33: {  	p0 =	seq.s32 s10, $0x1;
	s10 =	sld [smem:$0x3FAF];
	_ =	sdelay $0x3  }
0x34: {  	[smem:$0x3FAF] =	sst s10  }
0x35: {  	s10 =	sld [smem:$0x3FAE];
	_ =	sdelay $0x3  }
0x36: {  	p1 =	seq.s32 s10, $0x1;
	s10 =	sld [smem:$0x3FAF];
	_ =	sdelay $0x3  }
0x37: {  	[smem:$0x3FAF] =	sst s10  }
0x38: {  	s10 =	sld [smem:$0x3FB0]  }
0x39: {  	_ = 	snop;
	(pc) =	sbr.ind lr, $3  }
0x3a: {  	_ = 	snop  }
0x3b: {  	_ = 	snop  }
0x3c: {  	p2 =	seq.s32 s10, $0x1;
	s10 =	sld [smem:$0x3FAF]  }
0x3d: {  	_ =	shalt  }
0x3e: {  	_ =	shalt  }
0x3f: {  	_ =	shalt  }
0x40: {  	_ =	shalt  }
0x41: {  	_ =	shalt  }
0x42: {  	_ =	shalt  }
0x43: {  	_ =	shalt  }
0x44: {  	_ =	shalt  }
0x45: {  	_ =	shalt  }
0x46: {  	_ =	shalt  }
0x47: {  	_ =	shalt  }
0x48: {  	_ =	shalt  }
0x49: {  	_ =	shalt  }
0x4a: {  	_ =	shalt  }
0x4b: {  	_ =	shalt  }
0x4c: {  	_ =	shalt  }
0x4d: {  	_ =	shalt  }
0x4e: {  	_ =	shalt  }
0x4f: {  	_ =	shalt  }
0x50: {  	_ =	shalt  }
0x51: {  	_ =	shalt  }
0x52: {  	_ =	shalt  }
0x53: {  	_ =	shalt  }
0x54: {  	_ =	shalt  }
0x55: {  	_ =	shalt  }
0x56: {  	_ =	shalt  }
0x57: {  	_ =	shalt  }
0x58: {  	_ =	shalt  }
0x59: {  	_ =	shalt  }
0x5a: {  	_ =	shalt  }
0x5b: {  	_ =	shalt  }
0x5c: {  	_ =	shalt  }
0x5d: {  	_ =	shalt  }
0x5e: {  	_ =	shalt  }
0x5f: {  	_ =	shalt  }
0x60: {  	_ =	shalt  }
0x61: {  	_ =	shalt  }
0x62: {  	_ =	shalt  }
0x63: {  	_ =	shalt  }
0x64: {  	_ =	shalt  }
0x65: {  	_ =	shalt  }
0x66: {  	_ =	shalt  }
0x67: {  	_ =	shalt  }
0x68: {  	_ =	shalt  }
0x69: {  	_ =	shalt  }
0x6a: {  	_ =	shalt  }
0x6b: {  	_ =	shalt  }
0x6c: {  	_ =	shalt  }
0x6d: {  	_ =	shalt  }
0x6e: {  	_ =	shalt  }
0x6f: {  	_ =	shalt  }
0x70: {  	_ =	shalt  }
0x71: {  	_ =	shalt  }
0x72: {  	_ =	shalt  }
0x73: {  	_ =	shalt  }
0x74: {  	_ =	shalt  }
0x75: {  	_ =	shalt  }
0x76: {  	_ =	shalt  }
0x77: {  	_ =	shalt  }
0x78: {  	_ =	shalt  }
0x79: {  	_ =	shalt  }
0x7a: {  	_ =	shalt  }
0x7b: {  	_ =	shalt  }
0x7c: {  	_ =	shalt  }
0x7d: {  	_ =	shalt  }
0x7e: {  	_ =	shalt  }
0x7f: {  	_ =	shalt  }
0x80: {  	_ =	shalt  }
0x81: {  	_ =	shalt  }
0x82: {  	_ =	shalt  }
0x83: {  	_ =	shalt  }
0x84: {  	_ =	shalt  }
0x85: {  	_ =	shalt  }
0x86: {  	_ =	shalt  }
0x87: {  	_ =	shalt  }
.Lfunc_end0:
.L_simem_size_0:
called_computation.2_lowered:
.L_overlay_start_0:
0x88: {  	s2 =	sld [smem:$0x3FD9]  }
0x89: {  	s3 =	sld [smem:$0x3FFE];
	_ =	sdelay $0x1  }
0x8a: {  	s1 =	srdreg.scid  }
0x8b: {  	s0 =	sand.u32 $0x1, s1  }
0x8c: {  	s14 =	sshll.u32 s0, $0xA;
	s2 =	sadd.s32 s3, s2  }
0x8d: {  	s2 =	sadd.s32 s2, s14  }
0x8e: {  	[smem:$0x3FBB] =	sst s2  }
0x8f: {  	_ = 	snop  }
0x90: {  	s2 =	sld [smem:$0x3FD0];
	_ =	sdelay $0x2  }
0x91: {  	s15 =	simm.s32 $0xB;
	s4 =	simm.s32 $0x10  }
0x92: {  	[smem:s4], [sflag:s15] =	dma.local [hbm:s2], $0x1  }
0x93: {  	_ =	swait.eq [sflag:s15], $0x1  }
0x94: {  	[sflag:s15] =	ssyncset.done $0x0  }
0x95: {  	[sflag:s15] =	ssyncadd.s32 $0xFFFFFFFF  }
0x96: {  	s16 =	sld [smem:$0x11];
	(tm) =	ssettm $0x1  }
0x97: {  	s17 =	sld [smem:$0x3FFB];
	_ =	sdelay $0x3  }
0x98: {  	_ =	strace s17  }
0x99: {  	s3 =	sld [smem:$0x3FFC];
	_ =	sdelay $0x3  }
0x9a: {  	_ =	strace s3  }
0x9b: {  	s3 =	sld [smem:$0x3FFD];
	_ =	sdelay $0x3  }
0x9c: {  	_ =	strace s3  }
0x9d: {  	_ =	strace $0x8FFFFFFF  }
0x9e: {  	s18 =	sld [smem:$0x3FDB];
	_ =	sdelay $0x1  }
0x9f: {  	s19 =	simm.s32 $_scs_section_size  }
0xa0: {  	s5 =	simm.s32 $_size__tile_overlayer_lowered;
	s6 =	simm.s32 $_tile_overlayer_lowered  }
0xa1: {  	s22 =	simm.s32 $0x1BFF;
	s21 =	sshll.u32 s6, $0x1;
	s3 =	sadd.s32 s19, s18  }
0xa2: {  	s7 =	simm.s32 $0x0;
	s20 =	sshll.u32 s5, $0x1;
	s5 =	sadd.s32 s21, s3  }
0xa3: {  	[timem:s7], [sflag:s22] =	dma.local [hbm:s5], s20  }
0xa4: {  	_ =	swait.ge [sflag:s22], s20  }
0xa5: {  	s4 =	ssub.s32 $0x0, s20;
	[sflag:s22] =	ssyncset.done $0x0  }
0xa6: {  	[sflag:s22] =	ssyncadd.s32 s4;
	_ =	sdelay $0x1  }
0xa7: {  	s23 =	simm.s32 $0x1B8B  }
0xa8: {  	_ =	swait.ge [sflag:s23], $0x1  }
0xa9: {  	[sflag:s23] =	ssyncset.done $0x0  }
0xaa: {  	s25 =	simm.s32 $0x1B8E;
	s24 =	sld [smem:$0x3FFE];
	[sflag:s23] =	ssyncadd.s32 $0xFFFFFFFF  }
0xab: {  	s26 =	simm.s32 $execute0_lowered;
	[smem:$0x3FD2] =	sst s25  }
0xac: {  	s5 =	sshll.u32 s26, $0x1;
	_ =	strace $0x8000004C;
	[dreg:$0x1] =	wrdreg $0xFFFFFFFF  }
0xad: {  	s28 =	simm.s32 $_size_execute0_lowered;
	s3 =	sadd.s32 s3, s5;
	[dreg:$0x0] =	wrdreg $0x0  }
0xae: {  	s5 =	sshll.u32 s28, $0x1;
	[dreg:$0x2] =	wrdreg s3  }
0xaf: {  	[dreg:$0x3] =	wrdreg s5  }
0xb0: {  	[dreg:$0x4] =	wrdreg $0xC0  }
0xb1: {  	_ =	task [dreg:s7], $0x5FFFF  }
0xb2: {  	[dreg:$0x1] =	wrdreg $0xFFFFFFFF  }
0xb3: {  	[dreg:$0x0] =	wrdreg $0x60  }
0xb4: {  	[dreg:$0x2] =	wrdreg s24  }
0xb5: {  	[dreg:$0x3] =	wrdreg s16  }
0xb6: {  	[dreg:$0x4] =	wrdreg $0xB4000  }
0xb7: {  	[dreg:$0x5] =	wrdreg $0x154000  }
0xb8: {  	[dreg:$0x6] =	wrdreg $0x9  }
0xb9: {  	_ =	task.clear_ibuf [dreg:s7], $0x7FFFF;
	_ =	strace $0x9000004C  }
0xba: {  	s29 =	simm.s32 $0x9;
	_ =	strace $0x8000004E  }
0xbb: {  	_ =	swait.ge [sflag:s29], $0x1  }
0xbc: {  	[sflag:s29] =	ssyncadd.s32 $0xFFFFFFFF  }
0xbd: {  	_ =	strace $0x9000004E  }
0xbe: {  	_ =	sfence  }
0xbf: {  	s30 =	sld [smem:$0x0];
	_ =	sdelay $0x2  }
0xc0: {  	s31 =	sshll.u32 s1, $0xD;
	s1 =	sshrl.u32 s1, $0x2  }
0xc1: {  	s3 =	sand.u32 $0x4000, s31;
	s1 =	sadd.s32 s1, s30  }
0xc2: {  	s0 =	sor.u32 s3, s0;
	s1 =	sshll.u32 s1, $0x11  }
0xc3: {  	s0 =	sor.u32 s1, s0  }
0xc4: {  	s0 =	sadd.s32 $0x8F2B, s0  }
0xc5: {  	[sflag:s0] =	ssyncadd.remote.s32 $0x1  }
0xc6: {  	_ =	sfence.sel $0xFFFF  }
0xc7: {  	[dreg:$0x0] =	wrdreg $0xFFFFFFFF;
	(pc) =	sbr.abs _section_cstart, $3  }
0xc8: {  	[dreg:$0x1] =	wrdreg $0xFFFFFFFF  }
0xc9: {  	_ =	task.clear_ibuf [dreg:s7], $0x2FFFF;
	_ =	strace $0x9FFFFFFF  }
0xca: {  	(tm) =	ssettm $0x7FFFFFFF  }
0xcb: {  	_ =	shalt  }
tec
execute0_lowered:
.L_overlay_start_1:
0x0: {  	(tag) =	ssettag $0x1  }
0x1: {  	s0 =	rddreg [dreg:$0x0]  }
0x2: {  	s1 =	rddreg [dreg:$0x1]  }
0x3: {  	s2 =	rddreg [dreg:$0x2]  }
0x4: {  	s3 =	rddreg [dreg:$0x3];
	s4 =	simm.s32 $0x0  }
0x5: {  	s20 =	simm.s32 $0x100;
	[smem:$0x7FF] =	sst s4  }
0x6: {  	s21 =	simm.s32 $0x180;
	_ =	strace $0x8000004D;
	[dreg:$0x6] =	wrdreg s20  }
0x7: {  	s22 =	simm.s32 $0x200;
	[dreg:$0x7] =	wrdreg s21  }
0x8: {  	s23 =	simm.s32 $0xA80;
	[dreg:$0x8] =	wrdreg s22  }
0x9: {  	s25 =	simm.s32 $0xB00;
	[dreg:$0x9] =	wrdreg s23  }
0xa: {  	s26 =	simm.s32 $0xB80;
	[dreg:$0xa] =	wrdreg s25  }
0xb: {  	s7 =	simm.s32 $0xC00;
	[dreg:$0xb] =	wrdreg s26  }
0xc: {  	s8 =	simm.s32 $0x280;
	[dreg:$0xc] =	wrdreg s7  }
0xd: {  	s10 =	simm.s32 $0x300;
	[dreg:$0xd] =	wrdreg s8  }
0xe: {  	s12 =	simm.s32 $0x380;
	[dreg:$0xe] =	wrdreg s10  }
0xf: {  	s13 =	simm.s32 $0x400;
	[dreg:$0xf] =	wrdreg s12  }
0x10: {  	s14 =	simm.s32 $0x480;
	[dreg:$0x10] =	wrdreg s13  }
0x11: {  	s16 =	simm.s32 $0xC80;
	[dreg:$0x11] =	wrdreg s14  }
0x12: {  	s9 =	stileid.u32;
	s17 =	simm.s32 $0xD00;
	[dreg:$0x12] =	wrdreg s16  }
0x13: {  	s24 =	srdreg.scid;
	s18 =	simm.s32 $0xD80;
	[dreg:$0x13] =	wrdreg s17  }
0x14: {  	s19 =	simm.s32 $0xE00;
	s28 =	simm.s32 $0x3;
	[dreg:$0x14] =	wrdreg s18  }
0x15: {  	s29 =	simm.s32 $0x4;
	[dreg:$0x15] =	wrdreg s19;
	s20 =	simm.s32 $0xE80  }
0x16: {  	s30 =	simm.s32 $0x5;
	s22 =	simm.s32 $0x500;
	[dreg:$0x16] =	wrdreg s20  }
0x17: {  	s31 =	simm.s32 $0x6;
	s26 =	simm.s32 $0x600;
	[dreg:$0x17] =	wrdreg s22  }
0x18: {  	s5 =	smul.u32 $0xA00, s9;
	s12 =	simm.s32 $0xF00;
	[dreg:$0x19] =	wrdreg s26  }
0x19: {  	s7 =	smul.u32 $0x28000, s9;
	s14 =	simm.s32 $0xF80;
	[dreg:$0x1c] =	wrdreg s12  }
0x1a: {  	s8 =	smul.u32 $0x2800, s9;
	s16 =	simm.s32 $0x1080;
	[dreg:$0x1d] =	wrdreg s14  }
0x1b: {  	s13 =	sshll.u32 s9, $0x6;
	s18 =	simm.s32 $0x1100;
	[dreg:$0x1f] =	wrdreg s16  }
0x1c: {  	s19 =	simm.s32 $0x780;
	s9 =	simm.s32 $0x0;
	[smem:$0x7F5] =	sst s18  }
0x1d: {  	s1 =	sadd.s32 s5, s1;
	s5 =	sand.u32 $0x1, s24;
	[smem:$0x7F6] =	sst s19  }
0x1e: {  	s24 =	simm.s32 $0x580;
	s12 =	sor.u32 $0x1C0B, s13;
	[dreg:$0x5] =	wrdreg s1  }
0x1f: {  	s20 =	simm.s32 $0x800;
	s22 =	simm.s32 $0x900;
	[dreg:$0x18] =	wrdreg s24  }
0x20: {  	s26 =	simm.s32 $0x1280;
	s6 =	sshll.u32 s5, $0x3;
	[smem:$0x7F7] =	sst s20  }
0x21: {  	s5 =	ssub.s32 $0x2, s5;
	s15 =	sshrl.u32 s7, $0x2;
	[smem:$0x7F9] =	sst s22  }
0x22: {  	s24 =	simm.s32 $0x1180;
	[smem:$0x7FD] =	sst s26;
	s0 =	sadd.s32 s6, s0  }
0x23: {  	s11 =	sshrl.u32 s5, $0x1;
	s7 =	sadd.s32 s15, s2;
	[smem:$0x7FB] =	sst s24  }
0x24: {  	s6 =	ssub.s32 s5, s11;
	s5 =	sadd.s32 s15, s3;
	s15 =	simm.s32 $0x1000  }
0x25: {  	s16 =	simm.s32 $0x8;
	s17 =	sshrl.u32 s7, $0x3;
	[dreg:$0x1e] =	wrdreg s15  }
0x26: {  	s13 =	simm.s32 $0x10;
	s10 =	sadd.s32 $0x2000, s5;
	[smem:$0x7F4] =	sst s17  }
0x27: {  	s18 =	simm.s32 $0xB;
	s21 =	sadd.s32 $0x4000, s5;
	[smem:$0x7ED] =	sst s10  }
0x28: {  	s19 =	simm.s32 $0x1400;
	s23 =	sadd.s32 $0x6000, s5;
	[smem:$0x7EE] =	sst s21  }
0x29: {  	s20 =	simm.s32 $0xA00;
	s25 =	sadd.s32 $0x8000, s5;
	[smem:$0x7EF] =	sst s23  }
0x2a: {  	s0 =	sadd.s32 s8, s0;
	s6 =	smax.u32 s6, $0x1;
	[smem:$0x7F0] =	sst s25  }
0x2b: {  	s22 =	simm.s32 $0x3400;
	s11 =	sadd.s32 $0x3E00, s0;
	[smem:$0x7F1] =	sst s6  }
0x2c: {  	s26 =	simm.s32 $0x2;
	s0 =	sadd.s32 $0x2BE00, s0;
	[smem:$0x7F2] =	sst s11  }
0x2d: {  	s1 =	simm.s32 $0x9;
	s6 =	simm.s32 $0x680;
	[smem:$0x7F3] =	sst s0  }
0x2e: {  	s24 =	simm.s32 $0x7400;
	s10 =	simm.s32 $0x700;
	[dreg:$0x1a] =	wrdreg s6  }
0x2f: {  	s7 =	simm.s32 $0x1300;
	s21 =	simm.s32 $0x880;
	[dreg:$0x1b] =	wrdreg s10  }
0x30: {  	s8 =	simm.s32 $0x1380;
	s23 =	simm.s32 $0x980;
	[smem:$0x7F8] =	sst s21  }
0x31: {  	s15 =	simm.s32 $0x1;
	s25 =	simm.s32 $0x1200;
	[smem:$0x7FA] =	sst s23  }
0x32: {  	s0 =	simm.s32 $0x7;
	s21 =	simm.s32 $0x80;
	[smem:$0x7FC] =	sst s25  }
0x33: {  	v0 =	vimm.f32 $0.0e+00;
	s23 =	simm.s32 $0x5400;
	s25 =	simm.s32 $0x9400;
	s6 =	simm.s32 $0xA  }
.LBB2_1:
0x34: {  	s10 =	sld [smem:$0x7F2]  }
0x35: {  	s11 =	sld [smem:$0x7F4];
	_ =	sdelay $0x2  }
0x36: {  	[spmem:s11@s16], [sflag:s12] =	dma.strided [hbm:s10@s13], $0x1400, s15, $0x8   }
0x37: {  	_ =	swait.ge [sflag:s18], $0x1400  }
0x38: {  	[sflag:s18] =	ssyncset.done $0x0  }
0x39: {  	s11 =	simm.s32 $0x100;
	s10 =	simm.s32 $0x0;
	[sflag:s18] =	ssyncadd.s32 $0xFFFFEC00  }
.LBB2_2:
0x3a: {  	p0 =	sne.s32 s11, $0x7F00;
	[tilespmem:s10+$0x1430] =	vst v0;
	s17 =	smov.u32 s11;
	s11 =	sadd.s32 $0x100, s11  }
.Ltmp0:
0x3b: {  	[tilespmem:s10+$0x1420] =	vst v0;
	(pc) =	sbr.rel @p0 .LBB2_2-.Ltmp0, $3  }
0x3c: {  	[tilespmem:s10+$0x1400] =	vst v0  }
0x3d: {  	[tilespmem:s10+$0x1410] =	vst v0;
	_ =	sdelay $0x1  }
0x3e: {  	s10 =	sshra.s32 s17, $0x2  }
0x3f: {  	[tilespmem:s10+$0x1430] =	vst v0  }
0x40: {  	[tilespmem:s10+$0x1420] =	vst v0  }
0x41: {  	[tilespmem:s10+$0x1400] =	vst v0  }
0x42: {  	[tilespmem:s10+$0x1410] =	vst v0  }
0x43: {  	[spmem:s5] =	stream.linear.scatter [tilespmem:s19], [sflag:$0xB], $0x2000, $0x38;
	[tilespmem:$0x1F400] =	vst v63  }
0x44: {  	_ =	swait.ge [sflag:s18], $0x2000  }
0x45: {  	s11 =	sld [smem:$0x7ED]  }
0x46: {  	[sflag:s18] =	ssyncset.done $0x0  }
0x47: {  	[sflag:s18] =	ssyncadd.s32 $0xFFFFE000  }
0x48: {  	[spmem:s11] =	stream.linear.scatter [tilespmem:s19], [sflag:$0xB], $0x2000, $0x38;
	[tilespmem:$0x1F400] =	vst v63  }
0x49: {  	_ =	swait.ge [sflag:s18], $0x2000  }
0x4a: {  	s13 =	sld [smem:$0x7EE]  }
0x4b: {  	[sflag:s18] =	ssyncset.done $0x0  }
0x4c: {  	[sflag:s18] =	ssyncadd.s32 $0xFFFFE000  }
0x4d: {  	[spmem:s13] =	stream.linear.scatter [tilespmem:s19], [sflag:$0xB], $0x2000, $0x38;
	[tilespmem:$0x1F400] =	vst v63  }
0x4e: {  	_ =	swait.ge [sflag:s18], $0x2000  }
0x4f: {  	s14 =	sld [smem:$0x7EF]  }
0x50: {  	[sflag:s18] =	ssyncset.done $0x0  }
0x51: {  	[sflag:s18] =	ssyncadd.s32 $0xFFFFE000  }
0x52: {  	[spmem:s14] =	stream.linear.scatter [tilespmem:s19], [sflag:$0xB], $0x2000, $0x38;
	[tilespmem:$0x1F400] =	vst v63  }
0x53: {  	_ =	swait.ge [sflag:s18], $0x2000  }
0x54: {  	s17 =	sld [smem:$0x7F0]  }
0x55: {  	[sflag:s18] =	ssyncset.done $0x0  }
0x56: {  	[sflag:s18] =	ssyncadd.s32 $0xFFFFE000  }
0x57: {  	[spmem:s17] =	stream.linear.scatter [tilespmem:s19], [sflag:$0xB], $0x2000, $0x38;
	[tilespmem:$0x1F400] =	vst v63  }
0x58: {  	_ =	swait.ge [sflag:s18], $0x2000  }
0x59: {  	[sflag:s18] =	ssyncset.done $0x0  }
0x5a: {  	p0 =	por $0x1, $0x1;
	[sflag:s18] =	ssyncadd.s32 $0xFFFFE000  }
0x5b: {  	s10 =	simm.s32 @!p0 $0x6;
	[bflag:$0x0] =	sbarrier.arrive $0xFFFF  }
0x5c: {  	_ =	swait.ge @!p0 [sflag:s10], $0x2000  }
0x5d: {  	[sflag:s10] =	ssyncset.done @!p0 $0x0  }
0x5e: {  	[sflag:s10] =	ssyncadd.s32 @!p0 $0xFFFFE000;
	s10 =	simm.s32 @!p0 $0x7  }
0x5f: {  	_ =	swait.ge @!p0 [sflag:s10], $0x2000  }
0x60: {  	[sflag:s10] =	ssyncset.done @!p0 $0x0  }
0x61: {  	[sflag:s10] =	ssyncadd.s32 @!p0 $0xFFFFE000;
	s10 =	simm.s32 @!p0 $0x8  }
0x62: {  	_ =	swait.ge @!p0 [sflag:s10], $0x2000  }
0x63: {  	[sflag:s10] =	ssyncset.done @!p0 $0x0  }
0x64: {  	[sflag:s10] =	ssyncadd.s32 @!p0 $0xFFFFE000;
	s10 =	simm.s32 @!p0 $0x9  }
0x65: {  	_ =	swait.ge @!p0 [sflag:s10], $0x2000  }
0x66: {  	[sflag:s10] =	ssyncset.done @!p0 $0x0  }
0x67: {  	[sflag:s10] =	ssyncadd.s32 @!p0 $0xFFFFE000;
	s10 =	simm.s32 @!p0 $0xA  }
0x68: {  	_ =	swait.ge @!p0 [sflag:s10], $0x2000  }
0x69: {  	s11 =	rddreg [dreg:$0x5];
	[sflag:s10] =	ssyncset.done @!p0 $0x0  }
0x6a: {  	[sflag:s10] =	ssyncadd.s32 @!p0 $0xFFFFE000;
	s11 =	sadd.s32 $0x0, s11  }
0x6b: {  	[tilespmem:s4], [sflag:$0xB] =	stream.linear.gather [hbm4b:s11+s4], $0xA00, $0x38;
	[tilespmem:$0x1F400] =	vst v63  }
0x6c: {  	_ =	swait.ge [sflag:s18], $0xA00  }
0x6d: {  	[sflag:s18] =	ssyncset.done $0x0  }
0x6e: {  	s10 =	sadd.s32 $0xA000, s11;
	[sflag:s18] =	ssyncadd.s32 $0xFFFFF600  }
0x6f: {  	[tilespmem:s20], [sflag:$0xB] =	stream.linear.gather [hbm4b:s10+s4], $0xA00, $0x38;
	[tilespmem:$0x1F400] =	vst v63  }
0x70: {  	_ =	swait.ge [sflag:s18], $0xA00  }
0x71: {  	[sflag:s18] =	ssyncset.done $0x0  }
0x72: {  	[sflag:s18] =	ssyncadd.s32 $0xFFFFF600  }
0x73: {  	[tilespmem:s19], [sflag:$0x1] =	stream.indirect.gather [spmem:s2], $0x40, s4, s21, $0xb8;
	[tilespmem:$0x1F400] =	vst v63  }
0x74: {  	_ = 	snop  }
0x75: {  	[tilespmem:s22], [sflag:$0x2] =	stream.indirect.gather [spmem:s2], $0x40, s21, s21, $0xb8;
	[tilespmem:$0x1F400] =	vst v63  }
0x76: {  	s13 =	rddreg [dreg:$0x6]  }
0x77: {  	[tilespmem:s23], [sflag:$0x3] =	stream.indirect.gather [spmem:s2], $0x40, s13, s21, $0xb8;
	[tilespmem:$0x1F400] =	vst v63  }
0x78: {  	s14 =	rddreg [dreg:$0x7]  }
0x79: {  	[tilespmem:s24], [sflag:$0x4] =	stream.indirect.gather [spmem:s2], $0x40, s14, s21, $0xb8;
	[tilespmem:$0x1F400] =	vst v63  }
0x7a: {  	s17 =	rddreg [dreg:$0x8]  }
0x7b: {  	[tilespmem:s25], [sflag:$0x5] =	stream.indirect.gather [spmem:s2], $0x40, s17, s21, $0xb8;
	[tilespmem:$0x1F400] =	vst v63  }
0x7c: {  	_ =	swait.ge [sflag:s15], $0x2000  }
0x7d: {  	[sflag:s15] =	ssyncset.done $0x0  }
0x7e: {  	[sflag:s15] =	ssyncadd.s32 $0xFFFFE000  }
0x7f: {  	[spmem:s3] =	stream.indirect.scatter.add.f32 [tilespmem:s19], [sflag:$0x6], $0x40, s20, s21, $0xb8;
	[tilespmem:$0x1F400] =	vst v63  }
0x80: {  	_ =	swait.ge [sflag:s26], $0x2000  }
0x81: {  	[sflag:s26] =	ssyncset.done $0x0  }
0x82: {  	s11 =	rddreg [dreg:$0x9];
	[sflag:s26] =	ssyncadd.s32 $0xFFFFE000  }
0x83: {  	[spmem:s3] =	stream.indirect.scatter.add.f32 [tilespmem:s22], [sflag:$0x7], $0x40, s11, s21, $0xb8;
	[tilespmem:$0x1F400] =	vst v63  }
0x84: {  	_ =	swait.ge [sflag:s28], $0x2000  }
0x85: {  	[sflag:s28] =	ssyncset.done $0x0  }
0x86: {  	s13 =	rddreg [dreg:$0xa];
	[sflag:s28] =	ssyncadd.s32 $0xFFFFE000  }
0x87: {  	[spmem:s3] =	stream.indirect.scatter.add.f32 [tilespmem:s23], [sflag:$0x8], $0x40, s13, s21, $0xb8;
	[tilespmem:$0x1F400] =	vst v63  }
0x88: {  	_ =	swait.ge [sflag:s29], $0x2000  }
0x89: {  	[sflag:s29] =	ssyncset.done $0x0  }
0x8a: {  	s14 =	rddreg [dreg:$0xb];
	[sflag:s29] =	ssyncadd.s32 $0xFFFFE000  }
0x8b: {  	[spmem:s3] =	stream.indirect.scatter.add.f32 [tilespmem:s24], [sflag:$0x9], $0x40, s14, s21, $0xb8;
	[tilespmem:$0x1F400] =	vst v63  }
0x8c: {  	_ =	swait.ge [sflag:s30], $0x2000  }
0x8d: {  	[sflag:s30] =	ssyncset.done $0x0  }
0x8e: {  	s17 =	rddreg [dreg:$0xc];
	[sflag:s30] =	ssyncadd.s32 $0xFFFFE000  }
0x8f: {  	[spmem:s3] =	stream.indirect.scatter.add.f32 [tilespmem:s25], [sflag:$0xA], $0x40, s17, s21, $0xb8;
	[tilespmem:$0x1F400] =	vst v63  }
0x90: {  	_ =	swait.ge [sflag:s31], $0x2000  }
0x91: {  	[sflag:s31] =	ssyncset.done $0x0  }
0x92: {  	s11 =	rddreg [dreg:$0xd];
	[sflag:s31] =	ssyncadd.s32 $0xFFFFE000  }
0x93: {  	[tilespmem:s19], [sflag:$0x1] =	stream.indirect.gather [spmem:s2], $0x40, s11, s21, $0xb8;
	[tilespmem:$0x1F400] =	vst v63  }
0x94: {  	_ =	swait.ge [sflag:s0], $0x2000  }
0x95: {  	[sflag:s0] =	ssyncset.done $0x0  }
0x96: {  	s13 =	rddreg [dreg:$0xe];
	[sflag:s0] =	ssyncadd.s32 $0xFFFFE000  }
0x97: {  	[tilespmem:s22], [sflag:$0x2] =	stream.indirect.gather [spmem:s2], $0x40, s13, s21, $0xb8;
	[tilespmem:$0x1F400] =	vst v63  }
0x98: {  	_ =	swait.ge [sflag:s16], $0x2000  }
0x99: {  	[sflag:s16] =	ssyncset.done $0x0  }
0x9a: {  	s14 =	rddreg [dreg:$0xf];
	[sflag:s16] =	ssyncadd.s32 $0xFFFFE000  }
0x9b: {  	[tilespmem:s23], [sflag:$0x3] =	stream.indirect.gather [spmem:s2], $0x40, s14, s21, $0xb8;
	[tilespmem:$0x1F400] =	vst v63  }
0x9c: {  	_ =	swait.ge [sflag:s1], $0x2000  }
0x9d: {  	[sflag:s1] =	ssyncset.done $0x0  }
0x9e: {  	s17 =	rddreg [dreg:$0x10];
	[sflag:s1] =	ssyncadd.s32 $0xFFFFE000  }
0x9f: {  	[tilespmem:s24], [sflag:$0x4] =	stream.indirect.gather [spmem:s2], $0x40, s17, s21, $0xb8;
	[tilespmem:$0x1F400] =	vst v63  }
0xa0: {  	_ =	swait.ge [sflag:s6], $0x2000  }
0xa1: {  	[sflag:s6] =	ssyncset.done $0x0  }
0xa2: {  	s11 =	rddreg [dreg:$0x11];
	[sflag:s6] =	ssyncadd.s32 $0xFFFFE000  }
0xa3: {  	[tilespmem:s25], [sflag:$0x5] =	stream.indirect.gather [spmem:s2], $0x40, s11, s21, $0xb8;
	[tilespmem:$0x1F400] =	vst v63  }
0xa4: {  	_ =	swait.ge [sflag:s15], $0x2000  }
0xa5: {  	[sflag:s15] =	ssyncset.done $0x0  }
0xa6: {  	s13 =	rddreg [dreg:$0x12];
	[sflag:s15] =	ssyncadd.s32 $0xFFFFE000  }
0xa7: {  	[spmem:s3] =	stream.indirect.scatter.add.f32 [tilespmem:s19], [sflag:$0x6], $0x40, s13, s21, $0xb8;
	[tilespmem:$0x1F400] =	vst v63  }
0xa8: {  	_ =	swait.ge [sflag:s26], $0x2000  }
0xa9: {  	[sflag:s26] =	ssyncset.done $0x0  }
0xaa: {  	s14 =	rddreg [dreg:$0x13];
	[sflag:s26] =	ssyncadd.s32 $0xFFFFE000  }
0xab: {  	[spmem:s3] =	stream.indirect.scatter.add.f32 [tilespmem:s22], [sflag:$0x7], $0x40, s14, s21, $0xb8;
	[tilespmem:$0x1F400] =	vst v63  }
0xac: {  	_ =	swait.ge [sflag:s28], $0x2000  }
0xad: {  	[sflag:s28] =	ssyncset.done $0x0  }
0xae: {  	s17 =	rddreg [dreg:$0x14];
	[sflag:s28] =	ssyncadd.s32 $0xFFFFE000  }
0xaf: {  	[spmem:s3] =	stream.indirect.scatter.add.f32 [tilespmem:s23], [sflag:$0x8], $0x40, s17, s21, $0xb8;
	[tilespmem:$0x1F400] =	vst v63  }
0xb0: {  	_ =	swait.ge [sflag:s29], $0x2000  }
0xb1: {  	[sflag:s29] =	ssyncset.done $0x0  }
0xb2: {  	s11 =	rddreg [dreg:$0x15];
	[sflag:s29] =	ssyncadd.s32 $0xFFFFE000  }
0xb3: {  	[spmem:s3] =	stream.indirect.scatter.add.f32 [tilespmem:s24], [sflag:$0x9], $0x40, s11, s21, $0xb8;
	[tilespmem:$0x1F400] =	vst v63  }
0xb4: {  	_ =	swait.ge [sflag:s30], $0x2000  }
0xb5: {  	[sflag:s30] =	ssyncset.done $0x0  }
0xb6: {  	s13 =	rddreg [dreg:$0x16];
	[sflag:s30] =	ssyncadd.s32 $0xFFFFE000  }
0xb7: {  	[spmem:s3] =	stream.indirect.scatter.add.f32 [tilespmem:s25], [sflag:$0xA], $0x40, s13, s21, $0xb8;
	[tilespmem:$0x1F400] =	vst v63  }
0xb8: {  	_ =	swait.ge [sflag:s31], $0x2000  }
0xb9: {  	[sflag:s31] =	ssyncset.done $0x0  }
0xba: {  	s14 =	rddreg [dreg:$0x17];
	[sflag:s31] =	ssyncadd.s32 $0xFFFFE000  }
0xbb: {  	[tilespmem:s19], [sflag:$0x1] =	stream.indirect.gather [spmem:s2], $0x40, s14, s21, $0xb8;
	[tilespmem:$0x1F400] =	vst v63  }
0xbc: {  	_ =	swait.ge [sflag:s0], $0x2000  }
0xbd: {  	[sflag:s0] =	ssyncset.done $0x0  }
0xbe: {  	s17 =	rddreg [dreg:$0x18];
	[sflag:s0] =	ssyncadd.s32 $0xFFFFE000  }
0xbf: {  	[tilespmem:s22], [sflag:$0x2] =	stream.indirect.gather [spmem:s2], $0x40, s17, s21, $0xb8;
	[tilespmem:$0x1F400] =	vst v63  }
0xc0: {  	_ =	swait.ge [sflag:s16], $0x2000  }
0xc1: {  	[sflag:s16] =	ssyncset.done $0x0  }
0xc2: {  	s11 =	rddreg [dreg:$0x19];
	[sflag:s16] =	ssyncadd.s32 $0xFFFFE000  }
0xc3: {  	[tilespmem:s23], [sflag:$0x3] =	stream.indirect.gather [spmem:s2], $0x40, s11, s21, $0xb8;
	[tilespmem:$0x1F400] =	vst v63  }
0xc4: {  	_ =	swait.ge [sflag:s1], $0x2000  }
0xc5: {  	[sflag:s1] =	ssyncset.done $0x0  }
0xc6: {  	s13 =	rddreg [dreg:$0x1a];
	[sflag:s1] =	ssyncadd.s32 $0xFFFFE000  }
0xc7: {  	[tilespmem:s24], [sflag:$0x4] =	stream.indirect.gather [spmem:s2], $0x40, s13, s21, $0xb8;
	[tilespmem:$0x1F400] =	vst v63  }
0xc8: {  	_ =	swait.ge [sflag:s6], $0x2000  }
0xc9: {  	[sflag:s6] =	ssyncset.done $0x0  }
0xca: {  	s14 =	rddreg [dreg:$0x1b];
	[sflag:s6] =	ssyncadd.s32 $0xFFFFE000  }
0xcb: {  	[tilespmem:s25], [sflag:$0x5] =	stream.indirect.gather [spmem:s2], $0x40, s14, s21, $0xb8;
	[tilespmem:$0x1F400] =	vst v63  }
0xcc: {  	_ =	swait.ge [sflag:s15], $0x2000  }
0xcd: {  	[sflag:s15] =	ssyncset.done $0x0  }
0xce: {  	s17 =	rddreg [dreg:$0x1c];
	[sflag:s15] =	ssyncadd.s32 $0xFFFFE000  }
0xcf: {  	[spmem:s3] =	stream.indirect.scatter.add.f32 [tilespmem:s19], [sflag:$0x6], $0x40, s17, s21, $0xb8;
	[tilespmem:$0x1F400] =	vst v63  }
0xd0: {  	_ =	swait.ge [sflag:s26], $0x2000  }
0xd1: {  	[sflag:s26] =	ssyncset.done $0x0  }
0xd2: {  	s11 =	rddreg [dreg:$0x1d];
	[sflag:s26] =	ssyncadd.s32 $0xFFFFE000  }
0xd3: {  	[spmem:s3] =	stream.indirect.scatter.add.f32 [tilespmem:s22], [sflag:$0x7], $0x40, s11, s21, $0xb8;
	[tilespmem:$0x1F400] =	vst v63  }
0xd4: {  	_ =	swait.ge [sflag:s28], $0x2000  }
0xd5: {  	[sflag:s28] =	ssyncset.done $0x0  }
0xd6: {  	s13 =	rddreg [dreg:$0x1e];
	[sflag:s28] =	ssyncadd.s32 $0xFFFFE000  }
0xd7: {  	[spmem:s3] =	stream.indirect.scatter.add.f32 [tilespmem:s23], [sflag:$0x8], $0x40, s13, s21, $0xb8;
	[tilespmem:$0x1F400] =	vst v63  }
0xd8: {  	_ =	swait.ge [sflag:s29], $0x2000  }
0xd9: {  	[sflag:s29] =	ssyncset.done $0x0  }
0xda: {  	s14 =	rddreg [dreg:$0x1f];
	[sflag:s29] =	ssyncadd.s32 $0xFFFFE000  }
0xdb: {  	[spmem:s3] =	stream.indirect.scatter.add.f32 [tilespmem:s24], [sflag:$0x9], $0x40, s14, s21, $0xb8;
	[tilespmem:$0x1F400] =	vst v63  }
0xdc: {  	_ =	swait.ge [sflag:s30], $0x2000  }
0xdd: {  	s17 =	sld [smem:$0x7F5]  }
0xde: {  	[sflag:s30] =	ssyncset.done $0x0  }
0xdf: {  	[sflag:s30] =	ssyncadd.s32 $0xFFFFE000  }
0xe0: {  	[spmem:s3] =	stream.indirect.scatter.add.f32 [tilespmem:s25], [sflag:$0xA], $0x40, s17, s21, $0xb8;
	[tilespmem:$0x1F400] =	vst v63  }
0xe1: {  	_ =	swait.ge [sflag:s31], $0x2000  }
0xe2: {  	s11 =	sld [smem:$0x7F6]  }
0xe3: {  	[sflag:s31] =	ssyncset.done $0x0  }
0xe4: {  	[sflag:s31] =	ssyncadd.s32 $0xFFFFE000  }
0xe5: {  	[tilespmem:s19], [sflag:$0x1] =	stream.indirect.gather [spmem:s2], $0x40, s11, s21, $0xb8;
	[tilespmem:$0x1F400] =	vst v63  }
0xe6: {  	_ =	swait.ge [sflag:s0], $0x2000  }
0xe7: {  	s13 =	sld [smem:$0x7F7]  }
0xe8: {  	[sflag:s0] =	ssyncset.done $0x0  }
0xe9: {  	[sflag:s0] =	ssyncadd.s32 $0xFFFFE000  }
0xea: {  	[tilespmem:s22], [sflag:$0x2] =	stream.indirect.gather [spmem:s2], $0x40, s13, s21, $0xb8;
	[tilespmem:$0x1F400] =	vst v63  }
0xeb: {  	_ =	swait.ge [sflag:s16], $0x2000  }
0xec: {  	s14 =	sld [smem:$0x7F8]  }
0xed: {  	[sflag:s16] =	ssyncset.done $0x0  }
0xee: {  	[sflag:s16] =	ssyncadd.s32 $0xFFFFE000  }
0xef: {  	[tilespmem:s23], [sflag:$0x3] =	stream.indirect.gather [spmem:s2], $0x40, s14, s21, $0xb8;
	[tilespmem:$0x1F400] =	vst v63  }
0xf0: {  	_ =	swait.ge [sflag:s1], $0x2000  }
0xf1: {  	s17 =	sld [smem:$0x7F9]  }
0xf2: {  	[sflag:s1] =	ssyncset.done $0x0  }
0xf3: {  	[sflag:s1] =	ssyncadd.s32 $0xFFFFE000  }
0xf4: {  	[tilespmem:s24], [sflag:$0x4] =	stream.indirect.gather [spmem:s2], $0x40, s17, s21, $0xb8;
	[tilespmem:$0x1F400] =	vst v63  }
0xf5: {  	_ =	swait.ge [sflag:s6], $0x2000  }
0xf6: {  	s11 =	sld [smem:$0x7FA]  }
0xf7: {  	[sflag:s6] =	ssyncset.done $0x0  }
0xf8: {  	[sflag:s6] =	ssyncadd.s32 $0xFFFFE000  }
0xf9: {  	[tilespmem:s25], [sflag:$0x5] =	stream.indirect.gather [spmem:s2], $0x40, s11, s21, $0xb8;
	[tilespmem:$0x1F400] =	vst v63  }
0xfa: {  	_ =	swait.ge [sflag:s15], $0x2000  }
0xfb: {  	s13 =	sld [smem:$0x7FB]  }
0xfc: {  	[sflag:s15] =	ssyncset.done $0x0  }
0xfd: {  	[sflag:s15] =	ssyncadd.s32 $0xFFFFE000  }
0xfe: {  	[spmem:s3] =	stream.indirect.scatter.add.f32 [tilespmem:s19], [sflag:$0x6], $0x40, s13, s21, $0xb8;
	[tilespmem:$0x1F400] =	vst v63  }
0xff: {  	_ =	swait.ge [sflag:s26], $0x2000  }
0x100: {  	s14 =	sld [smem:$0x7FC]  }
0x101: {  	[sflag:s26] =	ssyncset.done $0x0  }
0x102: {  	[sflag:s26] =	ssyncadd.s32 $0xFFFFE000  }
0x103: {  	[spmem:s3] =	stream.indirect.scatter.add.f32 [tilespmem:s22], [sflag:$0x7], $0x40, s14, s21, $0xb8;
	[tilespmem:$0x1F400] =	vst v63  }
0x104: {  	_ =	swait.ge [sflag:s28], $0x2000  }
0x105: {  	s17 =	sld [smem:$0x7FD]  }
0x106: {  	[sflag:s28] =	ssyncset.done $0x0  }
0x107: {  	[sflag:s28] =	ssyncadd.s32 $0xFFFFE000  }
0x108: {  	[spmem:s3] =	stream.indirect.scatter.add.f32 [tilespmem:s23], [sflag:$0x8], $0x40, s17, s21, $0xb8;
	[tilespmem:$0x1F400] =	vst v63  }
0x109: {  	_ =	swait.ge [sflag:s29], $0x2000  }
0x10a: {  	[sflag:s29] =	ssyncset.done $0x0  }
0x10b: {  	[sflag:s29] =	ssyncadd.s32 $0xFFFFE000  }
0x10c: {  	[spmem:s3] =	stream.indirect.scatter.add.f32 [tilespmem:s24], [sflag:$0x9], $0x40, s7, s21, $0xb8;
	[tilespmem:$0x1F400] =	vst v63  }
0x10d: {  	p1 =	por $0x0, $0x0;
	_ =	swait.ge [sflag:s30], $0x2000  }
0x10e: {  	s10 =	simm.s32 $0x140;
	s11 =	simm.s32 $0x280;
	[sflag:s30] =	ssyncset.done $0x0  }
.LBB2_4:
0x10f: {  	s17 =	simm.s32 @!p1 $0x6;
	[sflag:s30] =	ssyncadd.s32 $0xFFFFE000  }
0x110: {  	[spmem:s3] =	stream.indirect.scatter.add.f32 [tilespmem:s25], [sflag:$0xA], $0x40, s8, s21, $0xb8;
	[tilespmem:$0x1F400] =	vst v63  }
0x111: {  	_ =	swait.ge @!p1 [sflag:s17], $0x2000  }
0x112: {  	[sflag:s17] =	ssyncset.done @!p1 $0x0  }
0x113: {  	[sflag:s17] =	ssyncadd.s32 @!p1 $0xFFFFE000;
	s17 =	simm.s32 @!p1 $0x7  }
0x114: {  	_ =	swait.ge @!p1 [sflag:s17], $0x2000  }
0x115: {  	[sflag:s17] =	ssyncset.done @!p1 $0x0  }
0x116: {  	[sflag:s17] =	ssyncadd.s32 @!p1 $0xFFFFE000;
	s17 =	simm.s32 @!p1 $0x8  }
0x117: {  	_ =	swait.ge @!p1 [sflag:s17], $0x2000  }
0x118: {  	[sflag:s17] =	ssyncset.done @!p1 $0x0  }
0x119: {  	[sflag:s17] =	ssyncadd.s32 @!p1 $0xFFFFE000;
	s17 =	simm.s32 @!p1 $0x9  }
0x11a: {  	_ =	swait.ge @!p1 [sflag:s17], $0x2000  }
0x11b: {  	[sflag:s17] =	ssyncset.done @!p1 $0x0  }
0x11c: {  	[sflag:s17] =	ssyncadd.s32 @!p1 $0xFFFFE000;
	s17 =	simm.s32 @!p1 $0xA  }
0x11d: {  	_ =	swait.ge @!p1 [sflag:s17], $0x2000  }
0x11e: {  	[sflag:s17] =	ssyncset.done @!p1 $0x0;
	s14 =	rddreg [dreg:$0x5]  }
0x11f: {  	[sflag:s17] =	ssyncadd.s32 @!p1 $0xFFFFE000;
	s14 =	sadd.s32 s10, s14  }
0x120: {  	[tilespmem:s4], [sflag:$0xB] =	stream.linear.gather [hbm4b:s14+s4], $0xA00, $0x38;
	[tilespmem:$0x1F400] =	vst v63  }
0x121: {  	_ =	swait.ge [sflag:s18], $0xA00  }
0x122: {  	[sflag:s18] =	ssyncset.done $0x0  }
0x123: {  	s14 =	sadd.s32 $0xA000, s14;
	[sflag:s18] =	ssyncadd.s32 $0xFFFFF600  }
0x124: {  	[tilespmem:s20], [sflag:$0xB] =	stream.linear.gather [hbm4b:s14+s4], $0xA00, $0x38;
	[tilespmem:$0x1F400] =	vst v63  }
0x125: {  	_ =	swait.ge [sflag:s18], $0xA00  }
0x126: {  	[sflag:s18] =	ssyncset.done $0x0  }
0x127: {  	[sflag:s18] =	ssyncadd.s32 $0xFFFFF600  }
0x128: {  	[tilespmem:s19], [sflag:$0x1] =	stream.indirect.gather [spmem:s2], $0x40, s4, s21, $0xb8;
	[tilespmem:$0x1F400] =	vst v63  }
0x129: {  	_ = 	snop  }
0x12a: {  	[tilespmem:s22], [sflag:$0x2] =	stream.indirect.gather [spmem:s2], $0x40, s21, s21, $0xb8;
	[tilespmem:$0x1F400] =	vst v63  }
0x12b: {  	s17 =	rddreg [dreg:$0x6]  }
0x12c: {  	[tilespmem:s23], [sflag:$0x3] =	stream.indirect.gather [spmem:s2], $0x40, s17, s21, $0xb8;
	[tilespmem:$0x1F400] =	vst v63  }
0x12d: {  	s14 =	rddreg [dreg:$0x7]  }
0x12e: {  	[tilespmem:s24], [sflag:$0x4] =	stream.indirect.gather [spmem:s2], $0x40, s14, s21, $0xb8;
	[tilespmem:$0x1F400] =	vst v63  }
0x12f: {  	s17 =	rddreg [dreg:$0x8]  }
0x130: {  	[tilespmem:s25], [sflag:$0x5] =	stream.indirect.gather [spmem:s2], $0x40, s17, s21, $0xb8;
	[tilespmem:$0x1F400] =	vst v63  }
0x131: {  	_ =	swait.ge [sflag:s15], $0x2000  }
0x132: {  	[sflag:s15] =	ssyncset.done $0x0  }
0x133: {  	[sflag:s15] =	ssyncadd.s32 $0xFFFFE000  }
0x134: {  	[spmem:s3] =	stream.indirect.scatter.add.f32 [tilespmem:s19], [sflag:$0x6], $0x40, s20, s21, $0xb8;
	[tilespmem:$0x1F400] =	vst v63  }
0x135: {  	_ =	swait.ge [sflag:s26], $0x2000  }
0x136: {  	[sflag:s26] =	ssyncset.done $0x0  }
0x137: {  	s14 =	rddreg [dreg:$0x9];
	[sflag:s26] =	ssyncadd.s32 $0xFFFFE000  }
0x138: {  	[spmem:s3] =	stream.indirect.scatter.add.f32 [tilespmem:s22], [sflag:$0x7], $0x40, s14, s21, $0xb8;
	[tilespmem:$0x1F400] =	vst v63  }
0x139: {  	_ =	swait.ge [sflag:s28], $0x2000  }
0x13a: {  	[sflag:s28] =	ssyncset.done $0x0  }
0x13b: {  	s17 =	rddreg [dreg:$0xa];
	[sflag:s28] =	ssyncadd.s32 $0xFFFFE000  }
0x13c: {  	[spmem:s3] =	stream.indirect.scatter.add.f32 [tilespmem:s23], [sflag:$0x8], $0x40, s17, s21, $0xb8;
	[tilespmem:$0x1F400] =	vst v63  }
0x13d: {  	_ =	swait.ge [sflag:s29], $0x2000  }
0x13e: {  	[sflag:s29] =	ssyncset.done $0x0  }
0x13f: {  	s14 =	rddreg [dreg:$0xb];
	[sflag:s29] =	ssyncadd.s32 $0xFFFFE000  }
0x140: {  	[spmem:s3] =	stream.indirect.scatter.add.f32 [tilespmem:s24], [sflag:$0x9], $0x40, s14, s21, $0xb8;
	[tilespmem:$0x1F400] =	vst v63  }
0x141: {  	_ =	swait.ge [sflag:s30], $0x2000  }
0x142: {  	[sflag:s30] =	ssyncset.done $0x0  }
0x143: {  	s17 =	rddreg [dreg:$0xc];
	[sflag:s30] =	ssyncadd.s32 $0xFFFFE000  }
0x144: {  	[spmem:s3] =	stream.indirect.scatter.add.f32 [tilespmem:s25], [sflag:$0xA], $0x40, s17, s21, $0xb8;
	[tilespmem:$0x1F400] =	vst v63  }
0x145: {  	_ =	swait.ge [sflag:s31], $0x2000  }
0x146: {  	[sflag:s31] =	ssyncset.done $0x0  }
0x147: {  	s14 =	rddreg [dreg:$0xd];
	[sflag:s31] =	ssyncadd.s32 $0xFFFFE000  }
0x148: {  	[tilespmem:s19], [sflag:$0x1] =	stream.indirect.gather [spmem:s2], $0x40, s14, s21, $0xb8;
	[tilespmem:$0x1F400] =	vst v63  }
0x149: {  	_ =	swait.ge [sflag:s0], $0x2000  }
0x14a: {  	[sflag:s0] =	ssyncset.done $0x0  }
0x14b: {  	s17 =	rddreg [dreg:$0xe];
	[sflag:s0] =	ssyncadd.s32 $0xFFFFE000  }
0x14c: {  	[tilespmem:s22], [sflag:$0x2] =	stream.indirect.gather [spmem:s2], $0x40, s17, s21, $0xb8;
	[tilespmem:$0x1F400] =	vst v63  }
0x14d: {  	_ =	swait.ge [sflag:s16], $0x2000  }
0x14e: {  	[sflag:s16] =	ssyncset.done $0x0  }
0x14f: {  	s14 =	rddreg [dreg:$0xf];
	[sflag:s16] =	ssyncadd.s32 $0xFFFFE000  }
0x150: {  	[tilespmem:s23], [sflag:$0x3] =	stream.indirect.gather [spmem:s2], $0x40, s14, s21, $0xb8;
	[tilespmem:$0x1F400] =	vst v63  }
0x151: {  	_ =	swait.ge [sflag:s1], $0x2000  }
0x152: {  	[sflag:s1] =	ssyncset.done $0x0  }
0x153: {  	s17 =	rddreg [dreg:$0x10];
	[sflag:s1] =	ssyncadd.s32 $0xFFFFE000  }
0x154: {  	[tilespmem:s24], [sflag:$0x4] =	stream.indirect.gather [spmem:s2], $0x40, s17, s21, $0xb8;
	[tilespmem:$0x1F400] =	vst v63  }
0x155: {  	_ =	swait.ge [sflag:s6], $0x2000  }
0x156: {  	[sflag:s6] =	ssyncset.done $0x0  }
0x157: {  	s14 =	rddreg [dreg:$0x11];
	[sflag:s6] =	ssyncadd.s32 $0xFFFFE000  }
0x158: {  	[tilespmem:s25], [sflag:$0x5] =	stream.indirect.gather [spmem:s2], $0x40, s14, s21, $0xb8;
	[tilespmem:$0x1F400] =	vst v63  }
0x159: {  	_ =	swait.ge [sflag:s15], $0x2000  }
0x15a: {  	[sflag:s15] =	ssyncset.done $0x0  }
0x15b: {  	s17 =	rddreg [dreg:$0x12];
	[sflag:s15] =	ssyncadd.s32 $0xFFFFE000  }
0x15c: {  	[spmem:s3] =	stream.indirect.scatter.add.f32 [tilespmem:s19], [sflag:$0x6], $0x40, s17, s21, $0xb8;
	[tilespmem:$0x1F400] =	vst v63  }
0x15d: {  	_ =	swait.ge [sflag:s26], $0x2000  }
0x15e: {  	[sflag:s26] =	ssyncset.done $0x0  }
0x15f: {  	s14 =	rddreg [dreg:$0x13];
	[sflag:s26] =	ssyncadd.s32 $0xFFFFE000  }
0x160: {  	[spmem:s3] =	stream.indirect.scatter.add.f32 [tilespmem:s22], [sflag:$0x7], $0x40, s14, s21, $0xb8;
	[tilespmem:$0x1F400] =	vst v63  }
0x161: {  	_ =	swait.ge [sflag:s28], $0x2000  }
0x162: {  	[sflag:s28] =	ssyncset.done $0x0  }
0x163: {  	s17 =	rddreg [dreg:$0x14];
	[sflag:s28] =	ssyncadd.s32 $0xFFFFE000  }
0x164: {  	[spmem:s3] =	stream.indirect.scatter.add.f32 [tilespmem:s23], [sflag:$0x8], $0x40, s17, s21, $0xb8;
	[tilespmem:$0x1F400] =	vst v63  }
0x165: {  	_ =	swait.ge [sflag:s29], $0x2000  }
0x166: {  	[sflag:s29] =	ssyncset.done $0x0  }
0x167: {  	s14 =	rddreg [dreg:$0x15];
	[sflag:s29] =	ssyncadd.s32 $0xFFFFE000  }
0x168: {  	[spmem:s3] =	stream.indirect.scatter.add.f32 [tilespmem:s24], [sflag:$0x9], $0x40, s14, s21, $0xb8;
	[tilespmem:$0x1F400] =	vst v63  }
0x169: {  	_ =	swait.ge [sflag:s30], $0x2000  }
0x16a: {  	[sflag:s30] =	ssyncset.done $0x0  }
0x16b: {  	s17 =	rddreg [dreg:$0x16];
	[sflag:s30] =	ssyncadd.s32 $0xFFFFE000  }
0x16c: {  	[spmem:s3] =	stream.indirect.scatter.add.f32 [tilespmem:s25], [sflag:$0xA], $0x40, s17, s21, $0xb8;
	[tilespmem:$0x1F400] =	vst v63  }
0x16d: {  	_ =	swait.ge [sflag:s31], $0x2000  }
0x16e: {  	[sflag:s31] =	ssyncset.done $0x0  }
0x16f: {  	s14 =	rddreg [dreg:$0x17];
	[sflag:s31] =	ssyncadd.s32 $0xFFFFE000  }
0x170: {  	[tilespmem:s19], [sflag:$0x1] =	stream.indirect.gather [spmem:s2], $0x40, s14, s21, $0xb8;
	[tilespmem:$0x1F400] =	vst v63  }
0x171: {  	_ =	swait.ge [sflag:s0], $0x2000  }
0x172: {  	[sflag:s0] =	ssyncset.done $0x0  }
0x173: {  	s17 =	rddreg [dreg:$0x18];
	[sflag:s0] =	ssyncadd.s32 $0xFFFFE000  }
0x174: {  	[tilespmem:s22], [sflag:$0x2] =	stream.indirect.gather [spmem:s2], $0x40, s17, s21, $0xb8;
	[tilespmem:$0x1F400] =	vst v63  }
0x175: {  	_ =	swait.ge [sflag:s16], $0x2000  }
0x176: {  	[sflag:s16] =	ssyncset.done $0x0  }
0x177: {  	s14 =	rddreg [dreg:$0x19];
	[sflag:s16] =	ssyncadd.s32 $0xFFFFE000  }
0x178: {  	[tilespmem:s23], [sflag:$0x3] =	stream.indirect.gather [spmem:s2], $0x40, s14, s21, $0xb8;
	[tilespmem:$0x1F400] =	vst v63  }
0x179: {  	_ =	swait.ge [sflag:s1], $0x2000  }
0x17a: {  	[sflag:s1] =	ssyncset.done $0x0  }
0x17b: {  	s17 =	rddreg [dreg:$0x1a];
	[sflag:s1] =	ssyncadd.s32 $0xFFFFE000  }
0x17c: {  	[tilespmem:s24], [sflag:$0x4] =	stream.indirect.gather [spmem:s2], $0x40, s17, s21, $0xb8;
	[tilespmem:$0x1F400] =	vst v63  }
0x17d: {  	_ =	swait.ge [sflag:s6], $0x2000  }
0x17e: {  	[sflag:s6] =	ssyncset.done $0x0  }
0x17f: {  	s14 =	rddreg [dreg:$0x1b];
	[sflag:s6] =	ssyncadd.s32 $0xFFFFE000  }
0x180: {  	[tilespmem:s25], [sflag:$0x5] =	stream.indirect.gather [spmem:s2], $0x40, s14, s21, $0xb8;
	[tilespmem:$0x1F400] =	vst v63  }
0x181: {  	_ =	swait.ge [sflag:s15], $0x2000  }
0x182: {  	[sflag:s15] =	ssyncset.done $0x0  }
0x183: {  	s17 =	rddreg [dreg:$0x1c];
	[sflag:s15] =	ssyncadd.s32 $0xFFFFE000  }
0x184: {  	[spmem:s3] =	stream.indirect.scatter.add.f32 [tilespmem:s19], [sflag:$0x6], $0x40, s17, s21, $0xb8;
	[tilespmem:$0x1F400] =	vst v63  }
0x185: {  	_ =	swait.ge [sflag:s26], $0x2000  }
0x186: {  	[sflag:s26] =	ssyncset.done $0x0  }
0x187: {  	s14 =	rddreg [dreg:$0x1d];
	[sflag:s26] =	ssyncadd.s32 $0xFFFFE000  }
0x188: {  	[spmem:s3] =	stream.indirect.scatter.add.f32 [tilespmem:s22], [sflag:$0x7], $0x40, s14, s21, $0xb8;
	[tilespmem:$0x1F400] =	vst v63  }
0x189: {  	_ =	swait.ge [sflag:s28], $0x2000  }
0x18a: {  	[sflag:s28] =	ssyncset.done $0x0  }
0x18b: {  	s17 =	rddreg [dreg:$0x1e];
	[sflag:s28] =	ssyncadd.s32 $0xFFFFE000  }
0x18c: {  	[spmem:s3] =	stream.indirect.scatter.add.f32 [tilespmem:s23], [sflag:$0x8], $0x40, s17, s21, $0xb8;
	[tilespmem:$0x1F400] =	vst v63  }
0x18d: {  	_ =	swait.ge [sflag:s29], $0x2000  }
0x18e: {  	[sflag:s29] =	ssyncset.done $0x0  }
0x18f: {  	s14 =	rddreg [dreg:$0x1f];
	[sflag:s29] =	ssyncadd.s32 $0xFFFFE000  }
0x190: {  	[spmem:s3] =	stream.indirect.scatter.add.f32 [tilespmem:s24], [sflag:$0x9], $0x40, s14, s21, $0xb8;
	[tilespmem:$0x1F400] =	vst v63  }
0x191: {  	_ =	swait.ge [sflag:s30], $0x2000  }
0x192: {  	s17 =	sld [smem:$0x7F5]  }
0x193: {  	[sflag:s30] =	ssyncset.done $0x0  }
0x194: {  	[sflag:s30] =	ssyncadd.s32 $0xFFFFE000  }
0x195: {  	[spmem:s3] =	stream.indirect.scatter.add.f32 [tilespmem:s25], [sflag:$0xA], $0x40, s17, s21, $0xb8;
	[tilespmem:$0x1F400] =	vst v63  }
0x196: {  	_ =	swait.ge [sflag:s31], $0x2000  }
0x197: {  	s14 =	sld [smem:$0x7F6]  }
0x198: {  	[sflag:s31] =	ssyncset.done $0x0  }
0x199: {  	[sflag:s31] =	ssyncadd.s32 $0xFFFFE000  }
0x19a: {  	[tilespmem:s19], [sflag:$0x1] =	stream.indirect.gather [spmem:s2], $0x40, s14, s21, $0xb8;
	[tilespmem:$0x1F400] =	vst v63  }
0x19b: {  	_ =	swait.ge [sflag:s0], $0x2000  }
0x19c: {  	s17 =	sld [smem:$0x7F7]  }
0x19d: {  	[sflag:s0] =	ssyncset.done $0x0  }
0x19e: {  	[sflag:s0] =	ssyncadd.s32 $0xFFFFE000  }
0x19f: {  	[tilespmem:s22], [sflag:$0x2] =	stream.indirect.gather [spmem:s2], $0x40, s17, s21, $0xb8;
	[tilespmem:$0x1F400] =	vst v63  }
0x1a0: {  	_ =	swait.ge [sflag:s16], $0x2000  }
0x1a1: {  	s14 =	sld [smem:$0x7F8]  }
0x1a2: {  	[sflag:s16] =	ssyncset.done $0x0  }
0x1a3: {  	[sflag:s16] =	ssyncadd.s32 $0xFFFFE000  }
0x1a4: {  	[tilespmem:s23], [sflag:$0x3] =	stream.indirect.gather [spmem:s2], $0x40, s14, s21, $0xb8;
	[tilespmem:$0x1F400] =	vst v63  }
0x1a5: {  	_ =	swait.ge [sflag:s1], $0x2000  }
0x1a6: {  	s17 =	sld [smem:$0x7F9]  }
0x1a7: {  	[sflag:s1] =	ssyncset.done $0x0  }
0x1a8: {  	[sflag:s1] =	ssyncadd.s32 $0xFFFFE000  }
0x1a9: {  	[tilespmem:s24], [sflag:$0x4] =	stream.indirect.gather [spmem:s2], $0x40, s17, s21, $0xb8;
	[tilespmem:$0x1F400] =	vst v63  }
0x1aa: {  	_ =	swait.ge [sflag:s6], $0x2000  }
0x1ab: {  	s14 =	sld [smem:$0x7FA]  }
0x1ac: {  	[sflag:s6] =	ssyncset.done $0x0  }
0x1ad: {  	[sflag:s6] =	ssyncadd.s32 $0xFFFFE000  }
0x1ae: {  	[tilespmem:s25], [sflag:$0x5] =	stream.indirect.gather [spmem:s2], $0x40, s14, s21, $0xb8;
	[tilespmem:$0x1F400] =	vst v63  }
0x1af: {  	_ =	swait.ge [sflag:s15], $0x2000  }
0x1b0: {  	s17 =	sld [smem:$0x7FB]  }
0x1b1: {  	[sflag:s15] =	ssyncset.done $0x0  }
0x1b2: {  	[sflag:s15] =	ssyncadd.s32 $0xFFFFE000  }
0x1b3: {  	[spmem:s3] =	stream.indirect.scatter.add.f32 [tilespmem:s19], [sflag:$0x6], $0x40, s17, s21, $0xb8;
	[tilespmem:$0x1F400] =	vst v63  }
0x1b4: {  	_ =	swait.ge [sflag:s26], $0x2000  }
0x1b5: {  	s14 =	sld [smem:$0x7FC]  }
0x1b6: {  	[sflag:s26] =	ssyncset.done $0x0  }
0x1b7: {  	[sflag:s26] =	ssyncadd.s32 $0xFFFFE000  }
0x1b8: {  	[spmem:s3] =	stream.indirect.scatter.add.f32 [tilespmem:s22], [sflag:$0x7], $0x40, s14, s21, $0xb8;
	[tilespmem:$0x1F400] =	vst v63  }
0x1b9: {  	_ =	swait.ge [sflag:s28], $0x2000  }
0x1ba: {  	s17 =	sld [smem:$0x7FD]  }
0x1bb: {  	[sflag:s28] =	ssyncset.done $0x0  }
0x1bc: {  	s13 =	smov.u32 s11;
	s11 =	sadd.s32 $0x140, s11;
	[sflag:s28] =	ssyncadd.s32 $0xFFFFE000  }
0x1bd: {  	[spmem:s3] =	stream.indirect.scatter.add.f32 [tilespmem:s23], [sflag:$0x8], $0x40, s17, s21, $0xb8;
	[tilespmem:$0x1F400] =	vst v63  }
0x1be: {  	p0 =	sne.s32 s11, $0xA00;
	_ =	swait.ge [sflag:s29], $0x2000  }
.Ltmp1:
0x1bf: {  	[sflag:s29] =	ssyncset.done $0x0;
	(pc) =	sbr.rel @p0 .LBB2_4-.Ltmp1, $4  }
0x1c0: {  	[sflag:s29] =	ssyncadd.s32 $0xFFFFE000  }
0x1c1: {  	[spmem:s3] =	stream.indirect.scatter.add.f32 [tilespmem:s24], [sflag:$0x9], $0x40, s7, s21, $0xb8;
	[tilespmem:$0x1F400] =	vst v63  }
0x1c2: {  	s10 =	smov.u32 s13;
	_ =	swait.ge [sflag:s30], $0x2000  }
0x1c3: {  	p1 =	seq.s32 s10, $0x0;
	[sflag:s30] =	ssyncset.done $0x0  }
0x1c4: {  	s11 =	simm.s32 @!p1 $0x6;
	[sflag:s30] =	ssyncadd.s32 $0xFFFFE000  }
0x1c5: {  	[spmem:s3] =	stream.indirect.scatter.add.f32 [tilespmem:s25], [sflag:$0xA], $0x40, s8, s21, $0xb8;
	[tilespmem:$0x1F400] =	vst v63  }
0x1c6: {  	_ =	swait.ge @!p1 [sflag:s11], $0x2000  }
0x1c7: {  	[sflag:s11] =	ssyncset.done @!p1 $0x0  }
0x1c8: {  	[sflag:s11] =	ssyncadd.s32 @!p1 $0xFFFFE000;
	s11 =	simm.s32 @!p1 $0x7  }
0x1c9: {  	_ =	swait.ge @!p1 [sflag:s11], $0x2000  }
0x1ca: {  	[sflag:s11] =	ssyncset.done @!p1 $0x0  }
0x1cb: {  	[sflag:s11] =	ssyncadd.s32 @!p1 $0xFFFFE000;
	s11 =	simm.s32 @!p1 $0x8  }
0x1cc: {  	_ =	swait.ge @!p1 [sflag:s11], $0x2000  }
0x1cd: {  	[sflag:s11] =	ssyncset.done @!p1 $0x0  }
0x1ce: {  	[sflag:s11] =	ssyncadd.s32 @!p1 $0xFFFFE000;
	s11 =	simm.s32 @!p1 $0x9  }
0x1cf: {  	_ =	swait.ge @!p1 [sflag:s11], $0x2000  }
0x1d0: {  	[sflag:s11] =	ssyncset.done @!p1 $0x0  }
0x1d1: {  	[sflag:s11] =	ssyncadd.s32 @!p1 $0xFFFFE000;
	s11 =	simm.s32 @!p1 $0xA  }
0x1d2: {  	_ =	swait.ge @!p1 [sflag:s11], $0x2000  }
0x1d3: {  	s13 =	rddreg [dreg:$0x5];
	[sflag:s11] =	ssyncset.done @!p1 $0x0  }
0x1d4: {  	[sflag:s11] =	ssyncadd.s32 @!p1 $0xFFFFE000;
	s10 =	sadd.s32 s10, s13  }
0x1d5: {  	[tilespmem:s4], [sflag:$0xB] =	stream.linear.gather [hbm4b:s10+s4], $0xA00, $0x38;
	[tilespmem:$0x1F400] =	vst v63  }
0x1d6: {  	_ =	swait.ge [sflag:s18], $0xA00  }
0x1d7: {  	[sflag:s18] =	ssyncset.done $0x0  }
0x1d8: {  	s10 =	sadd.s32 $0xA000, s10;
	[sflag:s18] =	ssyncadd.s32 $0xFFFFF600  }
0x1d9: {  	[tilespmem:s20], [sflag:$0xB] =	stream.linear.gather [hbm4b:s10+s4], $0xA00, $0x38;
	[tilespmem:$0x1F400] =	vst v63  }
0x1da: {  	_ =	swait.ge [sflag:s18], $0xA00  }
0x1db: {  	[sflag:s18] =	ssyncset.done $0x0  }
0x1dc: {  	[sflag:s18] =	ssyncadd.s32 $0xFFFFF600  }
0x1dd: {  	[tilespmem:s19], [sflag:$0x1] =	stream.indirect.gather [spmem:s2], $0x40, s4, s21, $0xb8;
	[tilespmem:$0x1F400] =	vst v63  }
0x1de: {  	_ = 	snop  }
0x1df: {  	[tilespmem:s22], [sflag:$0x2] =	stream.indirect.gather [spmem:s2], $0x40, s21, s21, $0xb8;
	[tilespmem:$0x1F400] =	vst v63  }
0x1e0: {  	s13 =	rddreg [dreg:$0x6]  }
0x1e1: {  	[tilespmem:s23], [sflag:$0x3] =	stream.indirect.gather [spmem:s2], $0x40, s13, s21, $0xb8;
	[tilespmem:$0x1F400] =	vst v63  }
0x1e2: {  	s14 =	rddreg [dreg:$0x7]  }
0x1e3: {  	[tilespmem:s24], [sflag:$0x4] =	stream.indirect.gather [spmem:s2], $0x40, s14, s21, $0xb8;
	[tilespmem:$0x1F400] =	vst v63  }
0x1e4: {  	s17 =	rddreg [dreg:$0x8]  }
0x1e5: {  	[tilespmem:s25], [sflag:$0x5] =	stream.indirect.gather [spmem:s2], $0x40, s17, s21, $0xb8;
	[tilespmem:$0x1F400] =	vst v63  }
0x1e6: {  	_ =	swait.ge [sflag:s15], $0x2000  }
0x1e7: {  	[sflag:s15] =	ssyncset.done $0x0  }
0x1e8: {  	[sflag:s15] =	ssyncadd.s32 $0xFFFFE000  }
0x1e9: {  	[spmem:s3] =	stream.indirect.scatter.add.f32 [tilespmem:s19], [sflag:$0x6], $0x40, s20, s21, $0xb8;
	[tilespmem:$0x1F400] =	vst v63  }
0x1ea: {  	_ =	swait.ge [sflag:s26], $0x2000  }
0x1eb: {  	[sflag:s26] =	ssyncset.done $0x0  }
0x1ec: {  	s11 =	rddreg [dreg:$0x9];
	[sflag:s26] =	ssyncadd.s32 $0xFFFFE000  }
0x1ed: {  	[spmem:s3] =	stream.indirect.scatter.add.f32 [tilespmem:s22], [sflag:$0x7], $0x40, s11, s21, $0xb8;
	[tilespmem:$0x1F400] =	vst v63  }
0x1ee: {  	_ =	swait.ge [sflag:s28], $0x2000  }
0x1ef: {  	[sflag:s28] =	ssyncset.done $0x0  }
0x1f0: {  	s13 =	rddreg [dreg:$0xa];
	[sflag:s28] =	ssyncadd.s32 $0xFFFFE000  }
0x1f1: {  	[spmem:s3] =	stream.indirect.scatter.add.f32 [tilespmem:s23], [sflag:$0x8], $0x40, s13, s21, $0xb8;
	[tilespmem:$0x1F400] =	vst v63  }
0x1f2: {  	_ =	swait.ge [sflag:s29], $0x2000  }
0x1f3: {  	[sflag:s29] =	ssyncset.done $0x0  }
0x1f4: {  	s14 =	rddreg [dreg:$0xb];
	[sflag:s29] =	ssyncadd.s32 $0xFFFFE000  }
0x1f5: {  	[spmem:s3] =	stream.indirect.scatter.add.f32 [tilespmem:s24], [sflag:$0x9], $0x40, s14, s21, $0xb8;
	[tilespmem:$0x1F400] =	vst v63  }
0x1f6: {  	_ =	swait.ge [sflag:s30], $0x2000  }
0x1f7: {  	[sflag:s30] =	ssyncset.done $0x0  }
0x1f8: {  	s17 =	rddreg [dreg:$0xc];
	[sflag:s30] =	ssyncadd.s32 $0xFFFFE000  }
0x1f9: {  	[spmem:s3] =	stream.indirect.scatter.add.f32 [tilespmem:s25], [sflag:$0xA], $0x40, s17, s21, $0xb8;
	[tilespmem:$0x1F400] =	vst v63  }
0x1fa: {  	_ =	swait.ge [sflag:s31], $0x2000  }
0x1fb: {  	[sflag:s31] =	ssyncset.done $0x0  }
0x1fc: {  	s11 =	rddreg [dreg:$0xd];
	[sflag:s31] =	ssyncadd.s32 $0xFFFFE000  }
0x1fd: {  	[tilespmem:s19], [sflag:$0x1] =	stream.indirect.gather [spmem:s2], $0x40, s11, s21, $0xb8;
	[tilespmem:$0x1F400] =	vst v63  }
0x1fe: {  	_ =	swait.ge [sflag:s0], $0x2000  }
0x1ff: {  	[sflag:s0] =	ssyncset.done $0x0  }
0x200: {  	s13 =	rddreg [dreg:$0xe];
	[sflag:s0] =	ssyncadd.s32 $0xFFFFE000  }
0x201: {  	[tilespmem:s22], [sflag:$0x2] =	stream.indirect.gather [spmem:s2], $0x40, s13, s21, $0xb8;
	[tilespmem:$0x1F400] =	vst v63  }
0x202: {  	_ =	swait.ge [sflag:s16], $0x2000  }
0x203: {  	[sflag:s16] =	ssyncset.done $0x0  }
0x204: {  	s14 =	rddreg [dreg:$0xf];
	[sflag:s16] =	ssyncadd.s32 $0xFFFFE000  }
0x205: {  	[tilespmem:s23], [sflag:$0x3] =	stream.indirect.gather [spmem:s2], $0x40, s14, s21, $0xb8;
	[tilespmem:$0x1F400] =	vst v63  }
0x206: {  	_ =	swait.ge [sflag:s1], $0x2000  }
0x207: {  	[sflag:s1] =	ssyncset.done $0x0  }
0x208: {  	s17 =	rddreg [dreg:$0x10];
	[sflag:s1] =	ssyncadd.s32 $0xFFFFE000  }
0x209: {  	[tilespmem:s24], [sflag:$0x4] =	stream.indirect.gather [spmem:s2], $0x40, s17, s21, $0xb8;
	[tilespmem:$0x1F400] =	vst v63  }
0x20a: {  	_ =	swait.ge [sflag:s6], $0x2000  }
0x20b: {  	[sflag:s6] =	ssyncset.done $0x0  }
0x20c: {  	s11 =	rddreg [dreg:$0x11];
	[sflag:s6] =	ssyncadd.s32 $0xFFFFE000  }
0x20d: {  	[tilespmem:s25], [sflag:$0x5] =	stream.indirect.gather [spmem:s2], $0x40, s11, s21, $0xb8;
	[tilespmem:$0x1F400] =	vst v63  }
0x20e: {  	_ =	swait.ge [sflag:s15], $0x2000  }
0x20f: {  	[sflag:s15] =	ssyncset.done $0x0  }
0x210: {  	s13 =	rddreg [dreg:$0x12];
	[sflag:s15] =	ssyncadd.s32 $0xFFFFE000  }
0x211: {  	[spmem:s3] =	stream.indirect.scatter.add.f32 [tilespmem:s19], [sflag:$0x6], $0x40, s13, s21, $0xb8;
	[tilespmem:$0x1F400] =	vst v63  }
0x212: {  	_ =	swait.ge [sflag:s26], $0x2000  }
0x213: {  	[sflag:s26] =	ssyncset.done $0x0  }
0x214: {  	s14 =	rddreg [dreg:$0x13];
	[sflag:s26] =	ssyncadd.s32 $0xFFFFE000  }
0x215: {  	[spmem:s3] =	stream.indirect.scatter.add.f32 [tilespmem:s22], [sflag:$0x7], $0x40, s14, s21, $0xb8;
	[tilespmem:$0x1F400] =	vst v63  }
0x216: {  	_ =	swait.ge [sflag:s28], $0x2000  }
0x217: {  	[sflag:s28] =	ssyncset.done $0x0  }
0x218: {  	s17 =	rddreg [dreg:$0x14];
	[sflag:s28] =	ssyncadd.s32 $0xFFFFE000  }
0x219: {  	[spmem:s3] =	stream.indirect.scatter.add.f32 [tilespmem:s23], [sflag:$0x8], $0x40, s17, s21, $0xb8;
	[tilespmem:$0x1F400] =	vst v63  }
0x21a: {  	_ =	swait.ge [sflag:s29], $0x2000  }
0x21b: {  	[sflag:s29] =	ssyncset.done $0x0  }
0x21c: {  	s11 =	rddreg [dreg:$0x15];
	[sflag:s29] =	ssyncadd.s32 $0xFFFFE000  }
0x21d: {  	[spmem:s3] =	stream.indirect.scatter.add.f32 [tilespmem:s24], [sflag:$0x9], $0x40, s11, s21, $0xb8;
	[tilespmem:$0x1F400] =	vst v63  }
0x21e: {  	_ =	swait.ge [sflag:s30], $0x2000  }
0x21f: {  	[sflag:s30] =	ssyncset.done $0x0  }
0x220: {  	s13 =	rddreg [dreg:$0x16];
	[sflag:s30] =	ssyncadd.s32 $0xFFFFE000  }
0x221: {  	[spmem:s3] =	stream.indirect.scatter.add.f32 [tilespmem:s25], [sflag:$0xA], $0x40, s13, s21, $0xb8;
	[tilespmem:$0x1F400] =	vst v63  }
0x222: {  	_ =	swait.ge [sflag:s31], $0x2000  }
0x223: {  	[sflag:s31] =	ssyncset.done $0x0  }
0x224: {  	s14 =	rddreg [dreg:$0x17];
	[sflag:s31] =	ssyncadd.s32 $0xFFFFE000  }
0x225: {  	[tilespmem:s19], [sflag:$0x1] =	stream.indirect.gather [spmem:s2], $0x40, s14, s21, $0xb8;
	[tilespmem:$0x1F400] =	vst v63  }
0x226: {  	_ =	swait.ge [sflag:s0], $0x2000  }
0x227: {  	[sflag:s0] =	ssyncset.done $0x0  }
0x228: {  	s17 =	rddreg [dreg:$0x18];
	[sflag:s0] =	ssyncadd.s32 $0xFFFFE000  }
0x229: {  	[tilespmem:s22], [sflag:$0x2] =	stream.indirect.gather [spmem:s2], $0x40, s17, s21, $0xb8;
	[tilespmem:$0x1F400] =	vst v63  }
0x22a: {  	_ =	swait.ge [sflag:s16], $0x2000  }
0x22b: {  	[sflag:s16] =	ssyncset.done $0x0  }
0x22c: {  	s11 =	rddreg [dreg:$0x19];
	[sflag:s16] =	ssyncadd.s32 $0xFFFFE000  }
0x22d: {  	[tilespmem:s23], [sflag:$0x3] =	stream.indirect.gather [spmem:s2], $0x40, s11, s21, $0xb8;
	[tilespmem:$0x1F400] =	vst v63  }
0x22e: {  	_ =	swait.ge [sflag:s1], $0x2000  }
0x22f: {  	[sflag:s1] =	ssyncset.done $0x0  }
0x230: {  	s13 =	rddreg [dreg:$0x1a];
	[sflag:s1] =	ssyncadd.s32 $0xFFFFE000  }
0x231: {  	[tilespmem:s24], [sflag:$0x4] =	stream.indirect.gather [spmem:s2], $0x40, s13, s21, $0xb8;
	[tilespmem:$0x1F400] =	vst v63  }
0x232: {  	_ =	swait.ge [sflag:s6], $0x2000  }
0x233: {  	[sflag:s6] =	ssyncset.done $0x0  }
0x234: {  	s14 =	rddreg [dreg:$0x1b];
	[sflag:s6] =	ssyncadd.s32 $0xFFFFE000  }
0x235: {  	[tilespmem:s25], [sflag:$0x5] =	stream.indirect.gather [spmem:s2], $0x40, s14, s21, $0xb8;
	[tilespmem:$0x1F400] =	vst v63  }
0x236: {  	_ =	swait.ge [sflag:s15], $0x2000  }
0x237: {  	[sflag:s15] =	ssyncset.done $0x0  }
0x238: {  	s17 =	rddreg [dreg:$0x1c];
	[sflag:s15] =	ssyncadd.s32 $0xFFFFE000  }
0x239: {  	[spmem:s3] =	stream.indirect.scatter.add.f32 [tilespmem:s19], [sflag:$0x6], $0x40, s17, s21, $0xb8;
	[tilespmem:$0x1F400] =	vst v63  }
0x23a: {  	_ =	swait.ge [sflag:s26], $0x2000  }
0x23b: {  	[sflag:s26] =	ssyncset.done $0x0  }
0x23c: {  	s11 =	rddreg [dreg:$0x1d];
	[sflag:s26] =	ssyncadd.s32 $0xFFFFE000  }
0x23d: {  	[spmem:s3] =	stream.indirect.scatter.add.f32 [tilespmem:s22], [sflag:$0x7], $0x40, s11, s21, $0xb8;
	[tilespmem:$0x1F400] =	vst v63  }
0x23e: {  	_ =	swait.ge [sflag:s28], $0x2000  }
0x23f: {  	[sflag:s28] =	ssyncset.done $0x0  }
0x240: {  	s13 =	rddreg [dreg:$0x1e];
	[sflag:s28] =	ssyncadd.s32 $0xFFFFE000  }
0x241: {  	[spmem:s3] =	stream.indirect.scatter.add.f32 [tilespmem:s23], [sflag:$0x8], $0x40, s13, s21, $0xb8;
	[tilespmem:$0x1F400] =	vst v63  }
0x242: {  	_ =	swait.ge [sflag:s29], $0x2000  }
0x243: {  	[sflag:s29] =	ssyncset.done $0x0  }
0x244: {  	s14 =	rddreg [dreg:$0x1f];
	[sflag:s29] =	ssyncadd.s32 $0xFFFFE000  }
0x245: {  	[spmem:s3] =	stream.indirect.scatter.add.f32 [tilespmem:s24], [sflag:$0x9], $0x40, s14, s21, $0xb8;
	[tilespmem:$0x1F400] =	vst v63  }
0x246: {  	_ =	swait.ge [sflag:s30], $0x2000  }
0x247: {  	s17 =	sld [smem:$0x7F5]  }
0x248: {  	[sflag:s30] =	ssyncset.done $0x0  }
0x249: {  	[sflag:s30] =	ssyncadd.s32 $0xFFFFE000  }
0x24a: {  	[spmem:s3] =	stream.indirect.scatter.add.f32 [tilespmem:s25], [sflag:$0xA], $0x40, s17, s21, $0xb8;
	[tilespmem:$0x1F400] =	vst v63  }
0x24b: {  	_ =	swait.ge [sflag:s31], $0x2000  }
0x24c: {  	s11 =	sld [smem:$0x7F6]  }
0x24d: {  	[sflag:s31] =	ssyncset.done $0x0  }
0x24e: {  	[sflag:s31] =	ssyncadd.s32 $0xFFFFE000  }
0x24f: {  	[tilespmem:s19], [sflag:$0x1] =	stream.indirect.gather [spmem:s2], $0x40, s11, s21, $0xb8;
	[tilespmem:$0x1F400] =	vst v63  }
0x250: {  	_ =	swait.ge [sflag:s0], $0x2000  }
0x251: {  	s13 =	sld [smem:$0x7F7]  }
0x252: {  	[sflag:s0] =	ssyncset.done $0x0  }
0x253: {  	[sflag:s0] =	ssyncadd.s32 $0xFFFFE000  }
0x254: {  	[tilespmem:s22], [sflag:$0x2] =	stream.indirect.gather [spmem:s2], $0x40, s13, s21, $0xb8;
	[tilespmem:$0x1F400] =	vst v63  }
0x255: {  	_ =	swait.ge [sflag:s16], $0x2000  }
0x256: {  	s14 =	sld [smem:$0x7F8]  }
0x257: {  	[sflag:s16] =	ssyncset.done $0x0  }
0x258: {  	[sflag:s16] =	ssyncadd.s32 $0xFFFFE000  }
0x259: {  	[tilespmem:s23], [sflag:$0x3] =	stream.indirect.gather [spmem:s2], $0x40, s14, s21, $0xb8;
	[tilespmem:$0x1F400] =	vst v63  }
0x25a: {  	_ =	swait.ge [sflag:s1], $0x2000  }
0x25b: {  	s17 =	sld [smem:$0x7F9]  }
0x25c: {  	[sflag:s1] =	ssyncset.done $0x0  }
0x25d: {  	[sflag:s1] =	ssyncadd.s32 $0xFFFFE000  }
0x25e: {  	[tilespmem:s24], [sflag:$0x4] =	stream.indirect.gather [spmem:s2], $0x40, s17, s21, $0xb8;
	[tilespmem:$0x1F400] =	vst v63  }
0x25f: {  	_ =	swait.ge [sflag:s6], $0x2000  }
0x260: {  	s11 =	sld [smem:$0x7FA]  }
0x261: {  	[sflag:s6] =	ssyncset.done $0x0  }
0x262: {  	[sflag:s6] =	ssyncadd.s32 $0xFFFFE000  }
0x263: {  	[tilespmem:s25], [sflag:$0x5] =	stream.indirect.gather [spmem:s2], $0x40, s11, s21, $0xb8;
	[tilespmem:$0x1F400] =	vst v63  }
0x264: {  	_ =	swait.ge [sflag:s15], $0x2000  }
0x265: {  	s13 =	sld [smem:$0x7FB]  }
0x266: {  	[sflag:s15] =	ssyncset.done $0x0  }
0x267: {  	[sflag:s15] =	ssyncadd.s32 $0xFFFFE000  }
0x268: {  	[spmem:s3] =	stream.indirect.scatter.add.f32 [tilespmem:s19], [sflag:$0x6], $0x40, s13, s21, $0xb8;
	[tilespmem:$0x1F400] =	vst v63  }
0x269: {  	_ =	swait.ge [sflag:s26], $0x2000  }
0x26a: {  	s14 =	sld [smem:$0x7FC]  }
0x26b: {  	[sflag:s26] =	ssyncset.done $0x0  }
0x26c: {  	[sflag:s26] =	ssyncadd.s32 $0xFFFFE000  }
0x26d: {  	[spmem:s3] =	stream.indirect.scatter.add.f32 [tilespmem:s22], [sflag:$0x7], $0x40, s14, s21, $0xb8;
	[tilespmem:$0x1F400] =	vst v63  }
0x26e: {  	_ =	swait.ge [sflag:s28], $0x2000  }
0x26f: {  	s17 =	sld [smem:$0x7FD]  }
0x270: {  	[sflag:s28] =	ssyncset.done $0x0  }
0x271: {  	[sflag:s28] =	ssyncadd.s32 $0xFFFFE000  }
0x272: {  	[spmem:s3] =	stream.indirect.scatter.add.f32 [tilespmem:s23], [sflag:$0x8], $0x40, s17, s21, $0xb8;
	[tilespmem:$0x1F400] =	vst v63  }
0x273: {  	_ =	swait.ge [sflag:s29], $0x2000  }
0x274: {  	[sflag:s29] =	ssyncset.done $0x0  }
0x275: {  	[sflag:s29] =	ssyncadd.s32 $0xFFFFE000  }
0x276: {  	[spmem:s3] =	stream.indirect.scatter.add.f32 [tilespmem:s24], [sflag:$0x9], $0x40, s7, s21, $0xb8;
	[tilespmem:$0x1F400] =	vst v63  }
0x277: {  	_ =	swait.ge [sflag:s30], $0x2000  }
0x278: {  	[sflag:s30] =	ssyncset.done $0x0  }
0x279: {  	[sflag:s30] =	ssyncadd.s32 $0xFFFFE000  }
0x27a: {  	[spmem:s3] =	stream.indirect.scatter.add.f32 [tilespmem:s25], [sflag:$0xA], $0x40, s8, s21, $0xb8;
	[tilespmem:$0x1F400] =	vst v63  }
0x27b: {  	_ =	swait.ge [sflag:s31], $0x2000  }
0x27c: {  	[sflag:s31] =	ssyncset.done $0x0  }
0x27d: {  	[sflag:s31] =	ssyncadd.s32 $0xFFFFE000  }
0x27e: {  	_ =	swait.ge [sflag:s0], $0x2000  }
0x27f: {  	[sflag:s0] =	ssyncset.done $0x0  }
0x280: {  	[sflag:s0] =	ssyncadd.s32 $0xFFFFE000  }
0x281: {  	_ =	swait.ge [sflag:s16], $0x2000  }
0x282: {  	[sflag:s16] =	ssyncset.done $0x0  }
0x283: {  	[sflag:s16] =	ssyncadd.s32 $0xFFFFE000  }
0x284: {  	_ =	swait.ge [sflag:s1], $0x2000  }
0x285: {  	[sflag:s1] =	ssyncset.done $0x0  }
0x286: {  	[sflag:s1] =	ssyncadd.s32 $0xFFFFE000  }
0x287: {  	_ =	swait.ge [sflag:s6], $0x2000  }
0x288: {  	[sflag:s6] =	ssyncset.done $0x0  }
0x289: {  	[sflag:s6] =	ssyncadd.s32 $0xFFFFE000  }
0x28a: {  	[bflag:$0x0] =	sbarrier.arrive $0xFFFF  }
0x28b: {  	s14 =	sld [smem:$0x7F3];
	_ =	sdelay $0x1  }
0x28c: {  	s11 =	sshrl.u32 s5, $0x3;
	s13 =	simm.s32 $0x10  }
0x28d: {  	[hbm:s14@s13], [sflag:s12] =	dma.strided [spmem:s11@s16], $0x1400, s15, $0x8   }
0x28e: {  	_ =	swait.ge [sflag:s18], $0x1400  }
0x28f: {  	s17 =	sld [smem:$0x7F1];
	_ =	sdelay $0x1  }
0x290: {  	s9 =	sadd.s32 $0x1, s9  }
0x291: {  	p0 =	sne.s32 s9, s17  }
.Ltmp2:
0x292: {  	_ = 	snop;
	(pc) =	sbr.rel @p0 .LBB2_1-.Ltmp2, $3  }
0x293: {  	_ =	sdelay $0x1  }
0x294: {  	[sflag:s18] =	ssyncset.done $0x0  }
0x295: {  	[sflag:s18] =	ssyncadd.s32 $0xFFFFEC00  }
0x296: {  	_ =	sfence.sel $0x180000  }
0x297: {  	[bflag:$0x0] =	sbarrier.arrive $0xFFFF  }
0x298: {  	_ =	strace $0x9000004D  }
0x299: {  	s0 =	stileid.u32;
	[bflag:$0x2] =	sbarrier.arrive $0xFFFF  }
0x29a: {  	p0 =	sne.s32 s0, $0x0;
	s0 =	rddreg [dreg:$0x4]  }
0x29b: {  	s0 =	sadd.s32 @!p0 $0x100000, s0  }
0x29c: {  	[sflag:s0] =	ssyncadd.tile.s32 @!p0 $0x1;
	_ =	shalt  }
.Lfunc_end2:
_tile_overlayer_lowered:
.L_overlay_start_2:
0x29d: {  	(tag) =	ssettag $0x2  }
0x29e: {  	s0 =	rddreg [dreg:$0x0];
	s2 =	stileid.u32  }
0x29f: {  	s1 =	rddreg [dreg:$0x1];
	p0 =	sne.s32 s2, $0x0  }
0x2a0: {  	s3 =	rddreg [dreg:$0x2];
	[bflag:$0x3] =	sbarrier.arrive $0xFFFF;
	s2 =	simm.s32 @!p0 $0x1C0B  }
0x2a1: {  	[timem:s3], [sflag:s2] =	dma.local @!p0 [hbm:s0], s1  }
0x2a2: {  	s0 =	simm.s32 @!p0 $0xB  }
0x2a3: {  	_ =	swait.ge @!p0 [sflag:s0], s1  }
0x2a4: {  	s1 =	ssub.s32 @!p0 $0x0, s1;
	[sflag:s0] =	ssyncset.done @!p0 $0x0  }
0x2a5: {  	[sflag:s0] =	ssyncadd.s32 @!p0 s1  }
0x2a6: {  	[bflag:$0x3] =	sbarrier.arrive $0xFFFF  }
0x2a7: {  	_ =	shalt  }

// kernel: kernel.8.cloned.1.call-start
scs
__scs_entry_jumppad:
0x0: {  	(pc) =	sbr.rel $0x88, $3  }
0x1: {  	(tag) =	ssettag $0x0;
	lr =	simm.s32 $0x1  }
0x2: {  	[smem:$0x3F94] =	sst lr;
	_ =	strace $0xD0000000  }
0x3: {  	_ = 	snop  }
0x4: {  	_ = 	snop  }
0x5: {  	_ = 	snop  }
0x6: {  	_ = 	snop  }
0x7: {  	_ = 	snop  }
__scs_overlays_trampoline_lowered:
0x8: {  	[smem:$0x3FA3] =	sst s0  }
0x9: {  	[smem:$0x3FA4] =	sst s1  }
0xa: {  	[smem:$0x3FA5] =	sst s2  }
0xb: {  	[smem:$0x3FA6] =	sst s3  }
0xc: {  	[smem:$0x3FA7] =	sst s4  }
0xd: {  	[smem:$0x3FA8] =	sst s5  }
0xe: {  	[smem:$0x3FA9] =	sst s6  }
0xf: {  	[smem:$0x3FAA] =	sst s7  }
0x10: {  	[smem:$0x3FAB] =	sst s8  }
0x11: {  	[smem:$0x3FAC] =	sst s9;
	s0 =	simm.s32 @!p0 $0x0  }
0x12: {  	s1 =	sld [smem:$0x3F92];
	s0 =	simm.s32 @p0 $0x1  }
0x13: {  	[smem:$0x3FAD] =	sst s0;
	s0 =	simm.s32 @!p1 $0x0  }
0x14: {  	s2 =	sld [smem:$0x3F91];
	s0 =	simm.s32 @p1 $0x1  }
0x15: {  	[smem:$0x3FAE] =	sst s0;
	s0 =	simm.s32 @!p2 $0x0  }
0x16: {  	s3 =	sld [smem:$0x3FDB];
	s0 =	simm.s32 @p2 $0x1  }
0x17: {  	s4 =	simm.s32 $0x1BF5;
	[smem:$0x3FB0] =	sst s0  }
0x18: {  	s0 =	sld [smem:$0x3F93];
	_ =	swait.ge [sflag:s4], $0x0  }
0x19: {  	s7 =	sld [smem:$0x3F94]  }
0x1a: {  	s8 =	sadd.s32 $0xFFFFE003, lr  }
0x1b: {  	s9 =	sadd.s32 $0xFFFFFEF7, lr;
	s5 =	simm.s32 $0xFFFFFFFF;
	p2 =	slt.u32 s8, $0xFFFFF086  }
0x1c: {  	p1 =	slt.u32 s9, $0xF7A;
	s5 =	simm.s32 @!p2 $0x0  }
0x1d: {  	s5 =	simm.s32 @p1 $0x1;
	p0 =	seq.s32 s7, s2  }
0x1e: {  	s7 =	smul.u32 @!p0 $0xF7A, s2;
	p2 =	seq.s32 @!p0 s5, $0x0  }
0x1f: {  	s9 =	smul.u32 $0xF7A, s1;
	s8 =	simm.s32 @!p0 $0x1BF5;
	p2 =	por !p2, p0  }
0x20: {  	[sflag:s8] =	ssyncset.s32 @!p0 $0xFFFFF086;
	s6 =	sadd.s32 @!p0 s3, s7;
	s7 =	simm.s32 @!p0 $0x108  }
0x21: {  	s3 =	sadd.s32 s3, s9;
	s6 =	sadd.s32 @!p0 $0x88, s6;
	s7 =	simm.s32 @p2 $0x1082  }
0x22: {  	[simem:s7], [sflag:s8] =	dma.local @!p0 [hbm:s6], $0xF7A  }
0x23: {  	s9 =	sor.u32 $0xD0000000, s2;
	s6 =	simm.s32 $0x108;
	_ =	swait.ge @!p0 [sflag:s8], $0x0  }
0x24: {  	s3 =	sadd.s32 $0x88, s3;
	s6 =	simm.s32 @!p1 $0x1082;
	[sflag:s4] =	ssyncset.s32 $0xFFFFF086  }
0x25: {  	[simem:s6], [sflag:s4] =	dma.local [hbm:s3], $0xF7A  }
0x26: {  	[smem:$0x3F94] =	sst s1;
	(tag) =	ssettag s2;
	_ =	strace s9  }
0x27: {  	s1 =	sld [smem:$0x3FA4]  }
0x28: {  	s2 =	sld [smem:$0x3FA5]  }
0x29: {  	s4 =	sld [smem:$0x3FA7]  }
0x2a: {  	p0 =	seq.s32 s5, $0x0;
	s5 =	sld [smem:$0x3FA8]  }
0x2b: {  	s6 =	sld [smem:$0x3FA9]  }
0x2c: {  	s7 =	sld [smem:$0x3FAA]  }
0x2d: {  	s3 =	simm.s32 $0x108;
	s8 =	sld [smem:$0x3FAB]  }
0x2e: {  	s3 =	simm.s32 @!p0 $0x1082;
	s9 =	sld [smem:$0x3FAC]  }
0x2f: {  	lr =	sadd.s32 s0, s3;
	s0 =	sld [smem:$0x3FA3]  }
0x30: {  	s3 =	sld [smem:$0x3FA6]  }
0x31: {  	[smem:$0x3FAF] =	sst s10  }
0x32: {  	s10 =	sld [smem:$0x3FAD];
	_ =	sdelay $0x3  }
0x33: {  	p0 =	seq.s32 s10, $0x1;
	s10 =	sld [smem:$0x3FAF];
	_ =	sdelay $0x3  }
0x34: {  	[smem:$0x3FAF] =	sst s10  }
0x35: {  	s10 =	sld [smem:$0x3FAE];
	_ =	sdelay $0x3  }
0x36: {  	p1 =	seq.s32 s10, $0x1;
	s10 =	sld [smem:$0x3FAF];
	_ =	sdelay $0x3  }
0x37: {  	[smem:$0x3FAF] =	sst s10  }
0x38: {  	s10 =	sld [smem:$0x3FB0]  }
0x39: {  	_ = 	snop;
	(pc) =	sbr.ind lr, $3  }
0x3a: {  	_ = 	snop  }
0x3b: {  	_ = 	snop  }
0x3c: {  	p2 =	seq.s32 s10, $0x1;
	s10 =	sld [smem:$0x3FAF]  }
0x3d: {  	_ =	shalt  }
0x3e: {  	_ =	shalt  }
0x3f: {  	_ =	shalt  }
0x40: {  	_ =	shalt  }
0x41: {  	_ =	shalt  }
0x42: {  	_ =	shalt  }
0x43: {  	_ =	shalt  }
0x44: {  	_ =	shalt  }
0x45: {  	_ =	shalt  }
0x46: {  	_ =	shalt  }
0x47: {  	_ =	shalt  }
0x48: {  	_ =	shalt  }
0x49: {  	_ =	shalt  }
0x4a: {  	_ =	shalt  }
0x4b: {  	_ =	shalt  }
0x4c: {  	_ =	shalt  }
0x4d: {  	_ =	shalt  }
0x4e: {  	_ =	shalt  }
0x4f: {  	_ =	shalt  }
0x50: {  	_ =	shalt  }
0x51: {  	_ =	shalt  }
0x52: {  	_ =	shalt  }
0x53: {  	_ =	shalt  }
0x54: {  	_ =	shalt  }
0x55: {  	_ =	shalt  }
0x56: {  	_ =	shalt  }
0x57: {  	_ =	shalt  }
0x58: {  	_ =	shalt  }
0x59: {  	_ =	shalt  }
0x5a: {  	_ =	shalt  }
0x5b: {  	_ =	shalt  }
0x5c: {  	_ =	shalt  }
0x5d: {  	_ =	shalt  }
0x5e: {  	_ =	shalt  }
0x5f: {  	_ =	shalt  }
0x60: {  	_ =	shalt  }
0x61: {  	_ =	shalt  }
0x62: {  	_ =	shalt  }
0x63: {  	_ =	shalt  }
0x64: {  	_ =	shalt  }
0x65: {  	_ =	shalt  }
0x66: {  	_ =	shalt  }
0x67: {  	_ =	shalt  }
0x68: {  	_ =	shalt  }
0x69: {  	_ =	shalt  }
0x6a: {  	_ =	shalt  }
0x6b: {  	_ =	shalt  }
0x6c: {  	_ =	shalt  }
0x6d: {  	_ =	shalt  }
0x6e: {  	_ =	shalt  }
0x6f: {  	_ =	shalt  }
0x70: {  	_ =	shalt  }
0x71: {  	_ =	shalt  }
0x72: {  	_ =	shalt  }
0x73: {  	_ =	shalt  }
0x74: {  	_ =	shalt  }
0x75: {  	_ =	shalt  }
0x76: {  	_ =	shalt  }
0x77: {  	_ =	shalt  }
0x78: {  	_ =	shalt  }
0x79: {  	_ =	shalt  }
0x7a: {  	_ =	shalt  }
0x7b: {  	_ =	shalt  }
0x7c: {  	_ =	shalt  }
0x7d: {  	_ =	shalt  }
0x7e: {  	_ =	shalt  }
0x7f: {  	_ =	shalt  }
0x80: {  	_ =	shalt  }
0x81: {  	_ =	shalt  }
0x82: {  	_ =	shalt  }
0x83: {  	_ =	shalt  }
0x84: {  	_ =	shalt  }
0x85: {  	_ =	shalt  }
0x86: {  	_ =	shalt  }
0x87: {  	_ =	shalt  }
.Lfunc_end0:
.L_simem_size_0:
called_computation_lowered:
.L_overlay_start_0:
0x88: {  	s2 =	sld [smem:$0x3FD9]  }
0x89: {  	s3 =	sld [smem:$0x3FFE];
	_ =	sdelay $0x1  }
0x8a: {  	s1 =	srdreg.scid  }
0x8b: {  	s0 =	sand.u32 $0x1, s1  }
0x8c: {  	s14 =	sshll.u32 s0, $0xA;
	s2 =	sadd.s32 s3, s2  }
0x8d: {  	s2 =	sadd.s32 s2, s14  }
0x8e: {  	[smem:$0x3FBB] =	sst s2  }
0x8f: {  	_ = 	snop  }
0x90: {  	s2 =	sld [smem:$0x3FD0];
	_ =	sdelay $0x2  }
0x91: {  	s15 =	simm.s32 $0xB;
	s4 =	simm.s32 $0x10  }
0x92: {  	[smem:s4], [sflag:s15] =	dma.local [hbm:s2], $0x1  }
0x93: {  	_ =	swait.eq [sflag:s15], $0x1  }
0x94: {  	[sflag:s15] =	ssyncset.done $0x0  }
0x95: {  	[sflag:s15] =	ssyncadd.s32 $0xFFFFFFFF  }
0x96: {  	s16 =	sld [smem:$0x11];
	(tm) =	ssettm $0x1  }
0x97: {  	s17 =	sld [smem:$0x3FFB];
	_ =	sdelay $0x3  }
0x98: {  	_ =	strace s17  }
0x99: {  	s3 =	sld [smem:$0x3FFC];
	_ =	sdelay $0x3  }
0x9a: {  	_ =	strace s3  }
0x9b: {  	s3 =	sld [smem:$0x3FFD];
	_ =	sdelay $0x3  }
0x9c: {  	_ =	strace s3  }
0x9d: {  	_ =	strace $0x8FFFFFFF  }
0x9e: {  	s18 =	sld [smem:$0x3FDB];
	_ =	sdelay $0x1  }
0x9f: {  	s19 =	simm.s32 $_scs_section_size  }
0xa0: {  	s5 =	simm.s32 $_size__tile_overlayer_lowered;
	s6 =	simm.s32 $_tile_overlayer_lowered  }
0xa1: {  	s22 =	simm.s32 $0x1BFF;
	s21 =	sshll.u32 s6, $0x1;
	s3 =	sadd.s32 s19, s18  }
0xa2: {  	s7 =	simm.s32 $0x0;
	s20 =	sshll.u32 s5, $0x1;
	s5 =	sadd.s32 s21, s3  }
0xa3: {  	[timem:s7], [sflag:s22] =	dma.local [hbm:s5], s20  }
0xa4: {  	_ =	swait.ge [sflag:s22], s20  }
0xa5: {  	s4 =	ssub.s32 $0x0, s20;
	[sflag:s22] =	ssyncset.done $0x0  }
0xa6: {  	[sflag:s22] =	ssyncadd.s32 s4;
	_ =	sdelay $0x1  }
0xa7: {  	s23 =	simm.s32 $0x1B8B  }
0xa8: {  	_ =	swait.ge [sflag:s23], $0x1  }
0xa9: {  	[sflag:s23] =	ssyncset.done $0x0  }
0xaa: {  	s25 =	simm.s32 $0x1B8E;
	s24 =	sld [smem:$0x3FFE];
	[sflag:s23] =	ssyncadd.s32 $0xFFFFFFFF  }
0xab: {  	s26 =	simm.s32 $execute0_lowered;
	[smem:$0x3FD2] =	sst s25  }
0xac: {  	s5 =	sshll.u32 s26, $0x1;
	_ =	strace $0x80000046;
	[dreg:$0x1] =	wrdreg $0xFFFFFFFF  }
0xad: {  	s28 =	simm.s32 $_size_execute0_lowered;
	s3 =	sadd.s32 s3, s5;
	[dreg:$0x0] =	wrdreg $0x0  }
0xae: {  	s5 =	sshll.u32 s28, $0x1;
	[dreg:$0x2] =	wrdreg s3  }
0xaf: {  	[dreg:$0x3] =	wrdreg s5  }
0xb0: {  	[dreg:$0x4] =	wrdreg $0xC0  }
0xb1: {  	_ =	task [dreg:s7], $0x5FFFF  }
0xb2: {  	[dreg:$0x1] =	wrdreg $0xFFFFFFFF  }
0xb3: {  	[dreg:$0x0] =	wrdreg $0x60  }
0xb4: {  	[dreg:$0x2] =	wrdreg s16  }
0xb5: {  	[dreg:$0x3] =	wrdreg s24  }
0xb6: {  	[dreg:$0x4] =	wrdreg $0x38000  }
0xb7: {  	[dreg:$0x5] =	wrdreg $0x9  }
0xb8: {  	_ =	task.clear_ibuf [dreg:s7], $0x6FFFF;
	_ =	strace $0x90000046  }
0xb9: {  	s29 =	simm.s32 $0x9;
	_ =	strace $0x80000048  }
0xba: {  	_ =	swait.ge [sflag:s29], $0x1  }
0xbb: {  	[sflag:s29] =	ssyncadd.s32 $0xFFFFFFFF  }
0xbc: {  	_ =	strace $0x90000048  }
0xbd: {  	_ =	sfence  }
0xbe: {  	s30 =	sld [smem:$0x0];
	_ =	sdelay $0x2  }
0xbf: {  	s31 =	sshll.u32 s1, $0xD;
	s1 =	sshrl.u32 s1, $0x2  }
0xc0: {  	s3 =	sand.u32 $0x4000, s31;
	s1 =	sadd.s32 s1, s30  }
0xc1: {  	s0 =	sor.u32 s3, s0;
	s1 =	sshll.u32 s1, $0x11  }
0xc2: {  	s0 =	sor.u32 s1, s0  }
0xc3: {  	s0 =	sadd.s32 $0x8F2B, s0  }
0xc4: {  	[sflag:s0] =	ssyncadd.remote.s32 $0x1  }
0xc5: {  	_ =	sfence.sel $0xFFFF  }
0xc6: {  	[dreg:$0x0] =	wrdreg $0xFFFFFFFF;
	(pc) =	sbr.abs _section_cstart, $3  }
0xc7: {  	[dreg:$0x1] =	wrdreg $0xFFFFFFFF  }
0xc8: {  	_ =	task.clear_ibuf [dreg:s7], $0x2FFFF;
	_ =	strace $0x9FFFFFFF  }
0xc9: {  	(tm) =	ssettm $0x7FFFFFFF  }
tec
execute0_lowered:
.L_overlay_start_1:
0x0: {  	(tag) =	ssettag $0x1  }
0x1: {  	s4 =	rddreg [dreg:$0x0]  }
0x2: {  	s1 =	srdreg.scid;
	s5 =	rddreg [dreg:$0x1]  }
0x3: {  	s0 =	stileid.u32;
	s2 =	rddreg [dreg:$0x2];
	s3 =	simm.s32 $0x0  }
0x4: {  	s13 =	simm.s32 $0x3000;
	s14 =	simm.s32 $0x80;
	s15 =	simm.s32 $0x2800  }
0x5: {  	s18 =	simm.s32 $0x0;
	s6 =	sand.u32 $0x1, s1;
	s7 =	smul.u32 $0x2800, s0  }
0x6: {  	s9 =	sshll.u32 s0, $0x1;
	s1 =	rddreg [dreg:$0x3];
	s10 =	smul.u32 $0xA000, s0  }
0x7: {  	[smem:$0x7FF] =	sst s3;
	s16 =	sshll.u32 s0, $0x6;
	s8 =	smul.u32 $0x28000, s6  }
0x8: {  	s9 =	sor.u32 s6, s9;
	_ =	strace $0x80000047;
	s26 =	ssub.s32 $0x2, s6  }
0x9: {  	s16 =	sor.u32 $0x1C01, s16;
	s9 =	smul.u32 $0x2800, s9;
	s29 =	sshrl.u32 s26, $0x1  }
0xa: {  	s30 =	sshrl.u32 s10, $0x2;
	s8 =	sadd.s32 s7, s8;
	s12 =	ssub.s32 s26, s29  }
0xb: {  	s31 =	sadd.s32 s30, s2;
	s8 =	sshrl.u32 s8, $0x3;
	s28 =	sshrl.u32 s9, $0x3  }
0xc: {  	s6 =	sadd.s32 $0x800, s31;
	s9 =	sadd.s32 $0x2000, s31;
	s11 =	sadd.s32 s8, s5  }
0xd: {  	s4 =	sadd.s32 s4, s28;
	s5 =	sadd.s32 s7, s2;
	s7 =	sadd.s32 $0x1000, s31  }
0xe: {  	s8 =	sadd.s32 $0x1800, s31;
	s4 =	sadd.s32 $0xA000, s4;
	s10 =	sadd.s32 $0x3E00, s11  }
0xf: {  	v0 =	vimm.f32 $1.000000000e+00;
	v1 =	vimm.f32 $0.0e+00;
	s11 =	smax.u32 s12, $0x1;
	s12 =	simm.s32 $0x1;
	s17 =	sshrl.u32 s5, $0x3  }
.LBB2_1:
0x10: {  	[tilespmem:s3], [sflag:$0x1] =	stream.linear.gather [hbm4b:s4+s3], $0x2800, $0x38;
	[tilespmem:$0x6000] =	vst v63  }
0x11: {  	_ =	swait.ge [sflag:s12], $0x2800  }
0x12: {  	[sflag:s12] =	ssyncset.done $0x0  }
0x13: {  	s19 =	simm.s32 $0x40;
	s20 =	simm.s32 $0x0;
	[sflag:s12] =	ssyncadd.s32 $0xFFFFD800  }
.LBB2_2:
0x14: {  	p0 =	sne.s32 s19, $0x1FC0;
	[tilespmem:s20+$0x2800] =	vst v0;
	s21 =	smov.u32 s19;
	s19 =	sadd.s32 $0x40, s19  }
.Ltmp0:
0x15: {  	[tilespmem:s20+$0x3000] =	vst v1;
	(pc) =	sbr.rel @p0 .LBB2_2-.Ltmp0, $2  }
0x16: {  	_ =	sdelay $0x2  }
0x17: {  	s20 =	sshra.s32 s21, $0x2  }
0x18: {  	[tilespmem:s20+$0x2800] =	vst v0  }
0x19: {  	[tilespmem:s20+$0x3000] =	vst v1  }
0x1a: {  	[spmem:s5] =	stream.linear.scatter [tilespmem:s13], [sflag:$0x1], $0x800, $0x38;
	[tilespmem:$0x6000] =	vst v63  }
0x1b: {  	_ =	swait.ge [sflag:s12], $0x800  }
0x1c: {  	[sflag:s12] =	ssyncset.done $0x0  }
0x1d: {  	[sflag:s12] =	ssyncadd.s32 $0xFFFFF800  }
0x1e: {  	[spmem:s6] =	stream.linear.scatter [tilespmem:s13], [sflag:$0x1], $0x800, $0x38;
	[tilespmem:$0x6000] =	vst v63  }
0x1f: {  	_ =	swait.ge [sflag:s12], $0x800  }
0x20: {  	[sflag:s12] =	ssyncset.done $0x0  }
0x21: {  	[sflag:s12] =	ssyncadd.s32 $0xFFFFF800  }
0x22: {  	[spmem:s7] =	stream.linear.scatter [tilespmem:s13], [sflag:$0x1], $0x800, $0x38;
	[tilespmem:$0x6000] =	vst v63  }
0x23: {  	_ =	swait.ge [sflag:s12], $0x800  }
0x24: {  	[sflag:s12] =	ssyncset.done $0x0  }
0x25: {  	[sflag:s12] =	ssyncadd.s32 $0xFFFFF800  }
0x26: {  	[spmem:s8] =	stream.linear.scatter [tilespmem:s13], [sflag:$0x1], $0x800, $0x38;
	[tilespmem:$0x6000] =	vst v63  }
0x27: {  	_ =	swait.ge [sflag:s12], $0x800  }
0x28: {  	[sflag:s12] =	ssyncset.done $0x0  }
0x29: {  	[sflag:s12] =	ssyncadd.s32 $0xFFFFF800  }
0x2a: {  	[spmem:s9] =	stream.linear.scatter [tilespmem:s13], [sflag:$0x1], $0x800, $0x38;
	[tilespmem:$0x6000] =	vst v63  }
0x2b: {  	_ =	swait.ge [sflag:s12], $0x800  }
0x2c: {  	[sflag:s12] =	ssyncset.done $0x0  }
0x2d: {  	[sflag:s12] =	ssyncadd.s32 $0xFFFFF800  }
0x2e: {  	s19 =	simm.s32 $0x0;
	[bflag:$0x0] =	sbarrier.arrive $0xFFFF  }
0x2f: {  	[spmem:s2] =	stream.indirect.scatter.add.f32 [tilespmem:s15], [sflag:$0x1], $0x10, s19, s14, $0xb8;
	[tilespmem:$0x6000] =	vst v63  }
0x30: {  	_ =	swait.ge [sflag:s12], $0x800  }
0x31: {  	s19 =	simm.s32 $0x200;
	[sflag:s12] =	ssyncset.done $0x0  }
.LBB2_4:
0x32: {  	s20 =	sshra.s32 s19, $0x2;
	[sflag:s12] =	ssyncadd.s32 $0xFFFFF800;
	p0 =	sne.s32 s19, $0x9E00  }
0x33: {  	[spmem:s2] =	stream.indirect.scatter.add.f32 [tilespmem:s15], [sflag:$0x1], $0x10, s20, s14, $0xb8;
	[tilespmem:$0x6000] =	vst v63  }
.Ltmp1:
0x34: {  	_ = 	snop;
	(pc) =	sbr.rel @p0 .LBB2_4-.Ltmp1, $4  }
0x35: {  	_ = 	snop  }
0x36: {  	s19 =	sadd.s32 $0x200, s19  }
0x37: {  	_ =	swait.ge [sflag:s12], $0x800  }
0x38: {  	[sflag:s12] =	ssyncset.done $0x0  }
0x39: {  	s18 =	sadd.s32 $0x1, s18  }
0x3a: {  	[sflag:s12] =	ssyncadd.s32 $0xFFFFF800;
	p0 =	sne.s32 s18, s11  }
.Ltmp2:
0x3b: {  	[bflag:$0x0] =	sbarrier.arrive $0xFFFF;
	(pc) =	sbr.rel @p0 .LBB2_1-.Ltmp2, $4  }
0x3c: {  	[hbm:s10], [sflag:s16] =	dma.local [spmem:s17], $0x500  }
0x3d: {  	_ =	swait.ge [sflag:s12], $0x500  }
0x3e: {  	[sflag:s12] =	ssyncset.done $0x0  }
0x3f: {  	[sflag:s12] =	ssyncadd.s32 $0xFFFFFB00  }
0x40: {  	_ =	sfence.sel $0x180000  }
0x41: {  	[bflag:$0x0] =	sbarrier.arrive $0xFFFF  }
0x42: {  	p0 =	sne.s32 s0, $0x0;
	_ =	strace $0x90000047  }
0x43: {  	s0 =	sadd.s32 @!p0 $0x100000, s1;
	[bflag:$0x2] =	sbarrier.arrive $0xFFFF  }
0x44: {  	[sflag:s0] =	ssyncadd.tile.s32 @!p0 $0x1;
	_ =	shalt  }
.Lfunc_end2:
_tile_overlayer_lowered:
.L_overlay_start_2:
0x45: {  	(tag) =	ssettag $0x2  }
0x46: {  	s0 =	rddreg [dreg:$0x0];
	s2 =	stileid.u32  }
0x47: {  	s1 =	rddreg [dreg:$0x1];
	p0 =	sne.s32 s2, $0x0  }
0x48: {  	s3 =	rddreg [dreg:$0x2];
	[bflag:$0x3] =	sbarrier.arrive $0xFFFF;
	s2 =	simm.s32 @!p0 $0x1C01  }
0x49: {  	[timem:s3], [sflag:s2] =	dma.local @!p0 [hbm:s0], s1  }
0x4a: {  	s0 =	simm.s32 @!p0 $0x1  }
0x4b: {  	_ =	swait.ge @!p0 [sflag:s0], s1  }
0x4c: {  	s1 =	ssub.s32 @!p0 $0x0, s1;
	[sflag:s0] =	ssyncset.done @!p0 $0x0  }
0x4d: {  	[sflag:s0] =	ssyncadd.s32 @!p0 s1  }
0x4e: {  	[bflag:$0x3] =	sbarrier.arrive $0xFFFF  }
0x4f: {  	_ =	shalt  }

</sc_bundles>
